<compile_context>
chip_gen: v7x
topology: tpu7x:2x2x1
jax: 0.10.2.dev20260603
libtpu: 0.0.44.dev20260713+nightly
codegen_flags: <defaults>
</compile_context>

<pallas_src>
import functools

import jax
import jax.numpy as jnp
from jax import lax
from jax.experimental import pallas as pl
from jax.experimental.pallas import tpu as pltpu
from jax.experimental.pallas import tpu_sc as plsc

KK = 8
RROWS = 8192
CCOLS = 8192
NC, NS, L = 2, 16, 16
NW = NC * NS
RPW = RROWS // NW
NCHUNK = CCOLS // L
CAP = NCHUNK
PADC = 1 << 14
PADB = 1 << 15
NEG = float("-inf")

_mesh = plsc.VectorSubcoreMesh(
    core_axis_name="c", subcore_axis_name="s", num_cores=NC, num_subcores=NS
)


@functools.partial(
    pl.kernel,
    out_type=jax.ShapeDtypeStruct((RROWS * KK,), jnp.float32),
    mesh=_mesh,
    compiler_params=pltpu.CompilerParams(needs_layout_passes=False,
                                         use_tc_tiling_on_sc=True),
    scratch_types=[
        pltpu.VMEM((CCOLS,), jnp.float32),
        pltpu.VMEM((CCOLS,), jnp.float32),
        pltpu.VMEM((CCOLS,), jnp.float32),
        pltpu.VMEM((CCOLS,), jnp.float32),
        pltpu.VMEM((L * CAP,), jnp.int32),
        pltpu.VMEM((L,), jnp.int32),
        pltpu.VMEM((2 * L,), jnp.float32),
        pltpu.VMEM((2 * L,), jnp.int32),
        pltpu.VMEM((RPW * KK + L,), jnp.float32),
        pltpu.SemaphoreType.DMA,
        pltpu.SemaphoreType.DMA,
        pltpu.SemaphoreType.DMA,
        pltpu.SemaphoreType.DMA,
    ],
)
def _kmax_sc(x_hbm, out_hbm, buf0, buf1, buf2, buf3, colbuf, plbuf, mbv, mbi,
             outbuf, sem0, sem1, sem2, sem3):
    bufs = (buf0, buf1, buf2, buf3)
    sems = (sem0, sem1, sem2, sem3)
    wid = lax.axis_index("s") * NC + lax.axis_index("c")
    row0 = wid * RPW
    lane = lax.iota(jnp.int32, L)

    def process(rowbuf, rr):
        @plsc.parallel_loop(0, NCHUNK, unroll=16,
                            carry=jnp.full((L,), NEG, jnp.float32))
        def acc(i, a):
            return jnp.maximum(a, rowbuf[pl.ds(i * L, L)])
        sk, _ = plsc.sort_key_val(acc, acc)
        t = jnp.max(jnp.where(lane == (L - 1 - KK), sk, NEG))

        @plsc.parallel_loop(0, NCHUNK, unroll=16,
                            carry=(jnp.zeros((L,), jnp.int32), lane))
        def p2res(i, carry):
            plcnt, col = carry
            v = rowbuf[pl.ds(i * L, L)]
            m = v >= t
            plsc.store_scatter(colbuf, [lane + (plcnt << 4)], col, mask=m)
            return plcnt + jnp.where(m, 1, 0).astype(jnp.int32), col + L

        (plcnt, _) = p2res
        plbuf[pl.ds(0, L)] = plcnt
        maxc = jnp.max(plcnt)

        mbv[pl.ds(0, L)] = jnp.full((L,), NEG, jnp.float32)
        mbi[pl.ds(0, L)] = PADB + lane

        def pc(u, carry2):
            j = lax.shift_right_logical(u, 1)
            half = jnp.bitwise_and(u, 1)
            src_lane = jnp.bitwise_and(lane, KK - 1) + half * KK
            plc_g = plsc.load_gather(plbuf, [src_lane])
            valid = (lane >= KK) & (j < plc_g)
            bidx = src_lane + lax.shift_left(j, 4)
            cols_raw = plsc.load_gather(colbuf, [bidx])
            gidx = jnp.where(valid, cols_raw, 0)
            gv = plsc.load_gather(rowbuf, [gidx])
            mbv[pl.ds(KK, L)] = jnp.full((L,), NEG, jnp.float32)
            mbi[pl.ds(KK, L)] = PADC + lane
            plsc.store_compressed(mbv.at[pl.ds(KK, L)], gv, mask=valid)
            plsc.store_compressed(mbi.at[pl.ds(KK, L)], gidx, mask=valid)
            comb_v = mbv[pl.ds(0, L)]
            comb_i = mbi[pl.ds(0, L)]
            rank = jnp.zeros((L,), jnp.int32)
            for r in range(1, L):
                perm = (lane + r) & (L - 1)
                rv = plsc.load_gather(mbv, [perm])
                ri = plsc.load_gather(mbi, [perm])
                gt = (rv > comb_v) | ((rv == comb_v) & (ri < comb_i))
                rank = rank + jnp.where(gt, 1, 0).astype(jnp.int32)
            keep = rank < KK
            plsc.store_compressed(mbv.at[pl.ds(0, L)], comb_v, mask=keep)
            plsc.store_compressed(mbi.at[pl.ds(0, L)], comb_i, mask=keep)
            return carry2

        lax.fori_loop(0, 2 * maxc, pc, 0)

        mbv[pl.ds(KK, L)] = jnp.full((L,), NEG, jnp.float32)
        mbi[pl.ds(KK, L)] = PADB + lane
        bi = mbi[pl.ds(0, L)]
        bv = mbv[pl.ds(0, L)]
        posn = jnp.zeros((L,), jnp.int32)
        for r in range(1, L):
            perm = (lane + r) & (L - 1)
            ri = plsc.load_gather(mbi, [perm])
            posn = posn + jnp.where(ri < bi, 1, 0).astype(jnp.int32)
        plsc.store_scatter(outbuf, [rr * KK + posn], bv, mask=lane < KK)

    bpage = wid // 4
    d0 = (wid % 4) * RPW

    for u in range(4):
        pltpu.async_copy(x_hbm.at[bpage, d0 + u], bufs[u], sems[u])

    def blk(j, carry):
        for u in range(4):
            rr = j * 4 + u
            pltpu.make_async_copy(x_hbm.at[bpage, d0 + rr],
                                  bufs[u], sems[u]).wait()
            process(bufs[u], rr)
            nxt = jnp.where(rr + 4 < RPW, d0 + rr + 4, d0)
            pltpu.async_copy(x_hbm.at[bpage, nxt], bufs[u], sems[u])
        return carry

    lax.fori_loop(0, RPW // 4, blk, 0)
    for u in range(4):
        pltpu.make_async_copy(x_hbm.at[bpage, d0], bufs[u], sems[u]).wait()

    pltpu.sync_copy(outbuf.at[pl.ds(0, RPW * KK)],
                    out_hbm.at[pl.ds(row0 * KK, RPW * KK)])


def kernel(x):
    out = _kmax_sc(x)
    return out.reshape(8, 1024, KK)

# --- scband reference (transcript-rebuilt; emitter-appended) ---
"""Pipeline reference for scband-kmax-pool-28870770163873 (READ-ONLY COPY).

The authoritative reference and input builder live on the scoring server;
editing this copy changes nothing except your own understanding.
"""

import jax, jax.numpy as jnp
import numpy as np

K = 8

def setup_inputs(seed: int = 0) -> dict:
    key = jax.random.key(seed)
    x = jax.random.normal(key, (8, 1024, 8192), dtype=jnp.float32)
    return {"x": x}

def reference(x):
    # k-max pooling along last axis, keeping original relative ordering.
    # torch: top, ind = x.topk(k, dim=-1, sorted=False); then values are
    # rearranged by ascending original index via argsort(ind).
    top, ind = jax.lax.top_k(x, K)          # [b, d, K]
    order = jnp.argsort(ind, axis=-1)       # positions sorted by original index
    out = jnp.take_along_axis(top, order, axis=-1)
    return out

if __name__ == "__main__":
    import jax
    _d = setup_inputs()
    print(jax.jit(kernel)(*tuple(_d.values())))

</pallas_src>

<mosaic_0001>
#map = affine_map<(d0, d1) -> (0, 0, 0)>
#map1 = affine_map<(d0, d1) -> (0)>
module attributes {stable_mosaic.version = 14 : i64} {
  func.func @_kmax_sc(%arg0: i32, %arg1: i32, %arg2: memref<8x1024x8192xf32, #tpu.memory_space<hbm>>, %arg3: memref<65536xf32, #tpu.memory_space<hbm>>, %arg4: memref<8192xf32, #tpu.memory_space<vmem>>, %arg5: memref<8192xf32, #tpu.memory_space<vmem>>, %arg6: memref<8192xf32, #tpu.memory_space<vmem>>, %arg7: memref<8192xf32, #tpu.memory_space<vmem>>, %arg8: memref<8192xi32, #tpu.memory_space<vmem>>, %arg9: memref<16xi32, #tpu.memory_space<vmem>>, %arg10: memref<32xf32, #tpu.memory_space<vmem>>, %arg11: memref<32xi32, #tpu.memory_space<vmem>>, %arg12: memref<2064xf32, #tpu.memory_space<vmem>>, %arg13: memref<!tpu.dma_semaphore, #tpu.memory_space<semaphore_mem>>, %arg14: memref<!tpu.dma_semaphore, #tpu.memory_space<semaphore_mem>>, %arg15: memref<!tpu.dma_semaphore, #tpu.memory_space<semaphore_mem>>, %arg16: memref<!tpu.dma_semaphore, #tpu.memory_space<semaphore_mem>>) attributes {dimension_semantics = [#tpu.dimension_semantics<core_parallel>, #tpu.dimension_semantics<subcore_parallel>], iteration_bounds = array<i64: 2, 16>, scalar_prefetch = 0 : i64, scratch_operands = 13 : i64, tpu.core_type = #tpu.core_type<sc_vector_subcore>, window_params = [{transform_indices = #map}, {transform_indices = #map1}]} {
    %mul3A = arith.constant 2 : i32
    %mul3A_0 = arith.muli %arg1, %mul3A : i32
    %add3A = arith.addi %mul3A_0, %arg0 : i32
    %mul3A_1 = arith.constant 256 : i32
    %mul3A_2 = arith.muli %add3A, %mul3A_1 : i32
    %iota3A = tpu.iota {dimensions = array<i32: 0>} : vector<16xi32>
    %jit3A = arith.constant 4 : i32
    %div3A = arith.divsi %add3A, %jit3A : i32
    %sign3A = arith.constant 0 : i32
    %sign3A_3 = arith.cmpi sgt, %add3A, %sign3A : i32
    %sign3A_4 = arith.extui %sign3A_3 : i1 to i32
    %sign3A_5 = arith.constant 0 : i32
    %sign3A_6 = arith.cmpi slt, %add3A, %sign3A_5 : i32
    %sign3A_7 = arith.extui %sign3A_6 : i1 to i32
    %sign3A_8 = arith.subi %sign3A_4, %sign3A_7 : i32
    %sign3A_9 = arith.constant 0 : i32
    %sign3A_10 = arith.cmpi sgt, %jit3A, %sign3A_9 : i32
    %sign3A_11 = arith.extui %sign3A_10 : i1 to i32
    %sign3A_12 = arith.constant 0 : i32
    %sign3A_13 = arith.cmpi slt, %jit3A, %sign3A_12 : i32
    %sign3A_14 = arith.extui %sign3A_13 : i1 to i32
    %sign3A_15 = arith.subi %sign3A_11, %sign3A_14 : i32
    %ne3A = arith.cmpi ne, %sign3A_8, %sign3A_15 : i32
    %rem3A = arith.remsi %add3A, %jit3A : i32
    %ne3A_16 = arith.constant 0 : i32
    %ne3A_17 = arith.cmpi ne, %rem3A, %ne3A_16 : i32
    %and3A = arith.andi %ne3A, %ne3A_17 : i1
    %sub3A = arith.constant 1 : i32
    %sub3A_18 = arith.subi %div3A, %sub3A : i32
    %select_n3A = arith.select %and3A, %sub3A_18, %div3A : i32
    %jit3A_19 = arith.constant 4 : i32
    %eq3A = arith.constant 0 : i32
    %eq3A_20 = arith.cmpi eq, %jit3A_19, %eq3A : i32
    %jit3A_21 = arith.constant 1 : i32
    %select_n3A_22 = arith.select %eq3A_20, %jit3A_21, %jit3A_19 : i32
    %rem3A_23 = arith.remsi %add3A, %select_n3A_22 : i32
    %ne3A_24 = arith.constant 0 : i32
    %ne3A_25 = arith.cmpi ne, %rem3A_23, %ne3A_24 : i32
    %lt3A = arith.constant 0 : i32
    %lt3A_26 = arith.cmpi slt, %rem3A_23, %lt3A : i32
    %lt3A_27 = arith.constant 0 : i32
    %lt3A_28 = arith.cmpi slt, %select_n3A_22, %lt3A_27 : i32
    %ne3A_29 = arith.xori %lt3A_26, %lt3A_28 : i1
    %and3A_30 = arith.andi %ne3A_29, %ne3A_25 : i1
    %add3A_31 = arith.addi %rem3A_23, %select_n3A_22 : i32
    %select_n3A_32 = arith.select %and3A_30, %add3A_31, %rem3A_23 : i32
    %mul3A_33 = arith.constant 256 : i32
    %mul3A_34 = arith.muli %select_n3A_32, %mul3A_33 : i32
    %add3A_35 = arith.constant 0 : i32
    %add3A_36 = arith.addi %mul3A_34, %add3A_35 : i32
    %dma_start3A = arith.constant 0 : i32
    %dma_start3A_37 = tpu.memref_slice %arg2[%select_n3A, %add3A_36, %dma_start3A] : memref<8x1024x8192xf32, #tpu.memory_space<hbm>> -> memref<1x1x8192xf32, #tpu.memory_space<hbm>>
    %dma_start3A_38 = tpu.memref_squeeze %dma_start3A_37 : memref<1x1x8192xf32, #tpu.memory_space<hbm>> -> memref<8192xf32, #tpu.memory_space<hbm>>
    %dma_start3A_39 = arith.constant 0 : i32
    %dma_start3A_40 = tpu.memref_slice %arg2[%select_n3A, %add3A_36, %dma_start3A_39] : memref<8x1024x8192xf32, #tpu.memory_space<hbm>> -> memref<1x1x8192xf32, #tpu.memory_space<hbm>>
    %dma_start3A_41 = tpu.memref_squeeze %dma_start3A_40 : memref<1x1x8192xf32, #tpu.memory_space<hbm>> -> memref<8192xf32, #tpu.memory_space<hbm>>
    tpu.enqueue_dma source(%dma_start3A_41 : memref<8192xf32, #tpu.memory_space<hbm>>) target(%arg4 : memref<8192xf32, #tpu.memory_space<vmem>>) target_semaphore(%arg13 : memref<!tpu.dma_semaphore, #tpu.memory_space<semaphore_mem>>)
    %add3A_42 = arith.constant 1 : i32
    %add3A_43 = arith.addi %mul3A_34, %add3A_42 : i32
    %dma_start3A_44 = arith.constant 0 : i32
    %dma_start3A_45 = tpu.memref_slice %arg2[%select_n3A, %add3A_43, %dma_start3A_44] : memref<8x1024x8192xf32, #tpu.memory_space<hbm>> -> memref<1x1x8192xf32, #tpu.memory_space<hbm>>
    %dma_start3A_46 = tpu.memref_squeeze %dma_start3A_45 : memref<1x1x8192xf32, #tpu.memory_space<hbm>> -> memref<8192xf32, #tpu.memory_space<hbm>>
    %dma_start3A_47 = arith.constant 0 : i32
    %dma_start3A_48 = tpu.memref_slice %arg2[%select_n3A, %add3A_43, %dma_start3A_47] : memref<8x1024x8192xf32, #tpu.memory_space<hbm>> -> memref<1x1x8192xf32, #tpu.memory_space<hbm>>
    %dma_start3A_49 = tpu.memref_squeeze %dma_start3A_48 : memref<1x1x8192xf32, #tpu.memory_space<hbm>> -> memref<8192xf32, #tpu.memory_space<hbm>>
    tpu.enqueue_dma source(%dma_start3A_49 : memref<8192xf32, #tpu.memory_space<hbm>>) target(%arg5 : memref<8192xf32, #tpu.memory_space<vmem>>) target_semaphore(%arg14 : memref<!tpu.dma_semaphore, #tpu.memory_space<semaphore_mem>>)
    %add3A_50 = arith.constant 2 : i32
    %add3A_51 = arith.addi %mul3A_34, %add3A_50 : i32
    %dma_start3A_52 = arith.constant 0 : i32
    %dma_start3A_53 = tpu.memref_slice %arg2[%select_n3A, %add3A_51, %dma_start3A_52] : memref<8x1024x8192xf32, #tpu.memory_space<hbm>> -> memref<1x1x8192xf32, #tpu.memory_space<hbm>>
    %dma_start3A_54 = tpu.memref_squeeze %dma_start3A_53 : memref<1x1x8192xf32, #tpu.memory_space<hbm>> -> memref<8192xf32, #tpu.memory_space<hbm>>
    %dma_start3A_55 = arith.constant 0 : i32
    %dma_start3A_56 = tpu.memref_slice %arg2[%select_n3A, %add3A_51, %dma_start3A_55] : memref<8x1024x8192xf32, #tpu.memory_space<hbm>> -> memref<1x1x8192xf32, #tpu.memory_space<hbm>>
    %dma_start3A_57 = tpu.memref_squeeze %dma_start3A_56 : memref<1x1x8192xf32, #tpu.memory_space<hbm>> -> memref<8192xf32, #tpu.memory_space<hbm>>
    tpu.enqueue_dma source(%dma_start3A_57 : memref<8192xf32, #tpu.memory_space<hbm>>) target(%arg6 : memref<8192xf32, #tpu.memory_space<vmem>>) target_semaphore(%arg15 : memref<!tpu.dma_semaphore, #tpu.memory_space<semaphore_mem>>)
    %add3A_58 = arith.constant 3 : i32
    %add3A_59 = arith.addi %mul3A_34, %add3A_58 : i32
    %dma_start3A_60 = arith.constant 0 : i32
    %dma_start3A_61 = tpu.memref_slice %arg2[%select_n3A, %add3A_59, %dma_start3A_60] : memref<8x1024x8192xf32, #tpu.memory_space<hbm>> -> memref<1x1x8192xf32, #tpu.memory_space<hbm>>
    %dma_start3A_62 = tpu.memref_squeeze %dma_start3A_61 : memref<1x1x8192xf32, #tpu.memory_space<hbm>> -> memref<8192xf32, #tpu.memory_space<hbm>>
    %dma_start3A_63 = arith.constant 0 : i32
    %dma_start3A_64 = tpu.memref_slice %arg2[%select_n3A, %add3A_59, %dma_start3A_63] : memref<8x1024x8192xf32, #tpu.memory_space<hbm>> -> memref<1x1x8192xf32, #tpu.memory_space<hbm>>
    %dma_start3A_65 = tpu.memref_squeeze %dma_start3A_64 : memref<1x1x8192xf32, #tpu.memory_space<hbm>> -> memref<8192xf32, #tpu.memory_space<hbm>>
    tpu.enqueue_dma source(%dma_start3A_65 : memref<8192xf32, #tpu.memory_space<hbm>>) target(%arg7 : memref<8192xf32, #tpu.memory_space<vmem>>) target_semaphore(%arg16 : memref<!tpu.dma_semaphore, #tpu.memory_space<semaphore_mem>>)
    %scan3A = arith.constant 0 : i32
    %scan3A_66 = arith.constant 0 : i32
    %scan3A_67 = arith.constant 64 : i32
    %scan3A_68 = arith.addi %scan3A_66, %scan3A_67 : i32
    %scan3A_69 = arith.constant 1 : i32
    scf.for %scan3A_96 = %scan3A_66 to %scan3A_68 step %scan3A_69  : i32 {
      %mul3A_97 = arith.constant 4 : i32
      %mul3A_98 = arith.muli %scan3A_96, %mul3A_97 : i32
      %add3A_99 = arith.constant 0 : i32
      %add3A_100 = arith.addi %mul3A_98, %add3A_99 : i32
      %add3A_101 = arith.addi %mul3A_34, %add3A_100 : i32
      %dma_wait3A_102 = arith.constant 0 : i32
      %dma_wait3A_103 = tpu.memref_slice %arg2[%select_n3A, %add3A_101, %dma_wait3A_102] : memref<8x1024x8192xf32, #tpu.memory_space<hbm>> -> memref<1x1x8192xf32, #tpu.memory_space<hbm>>
      %dma_wait3A_104 = tpu.memref_squeeze %dma_wait3A_103 : memref<1x1x8192xf32, #tpu.memory_space<hbm>> -> memref<8192xf32, #tpu.memory_space<hbm>>
      %dma_wait3A_105 = arith.constant 0 : i32
      %dma_wait3A_106 = tpu.memref_slice %arg2[%select_n3A, %add3A_101, %dma_wait3A_105] : memref<8x1024x8192xf32, #tpu.memory_space<hbm>> -> memref<1x1x8192xf32, #tpu.memory_space<hbm>>
      %dma_wait3A_107 = tpu.memref_squeeze %dma_wait3A_106 : memref<1x1x8192xf32, #tpu.memory_space<hbm>> -> memref<8192xf32, #tpu.memory_space<hbm>>
      tpu.wait_dma2 semaphore(%arg13 : memref<!tpu.dma_semaphore, #tpu.memory_space<semaphore_mem>>) src(%dma_wait3A_107 : memref<8192xf32, #tpu.memory_space<hbm>>) dst(%arg4 : memref<8192xf32, #tpu.memory_space<vmem>>)
      %broadcast_in_dim3A = arith.constant 0xFF800000 : f32
      %broadcast_in_dim3A_108 = vector.broadcast %broadcast_in_dim3A : f32 to vector<16xf32>
      %parallel_loop3A = arith.constant 0 : i32
      %parallel_loop3A_109 = arith.constant 512 : i32
      %parallel_loop3A_110 = arith.constant 1 : i32
      %parallel_loop3A_111 = scf.for %parallel_loop3A_1345 = %parallel_loop3A to %parallel_loop3A_109 step %parallel_loop3A_110 iter_args(%parallel_loop3A_1346 = %broadcast_in_dim3A_108) -> (vector<16xf32>)  : i32 {
        %parallel_loop3A_1347 = arith.constant 16 : i32
        %parallel_loop3A_1348 = arith.muli %parallel_loop3A_1345, %parallel_loop3A_1347 : i32
        %parallel_loop3A_1349 = arith.index_cast %parallel_loop3A_1348 : i32 to index
        %parallel_loop3A_1350 = tpu.vector_load %arg4[%parallel_loop3A_1349] {strides = array<i32>} : memref<8192xf32, #tpu.memory_space<vmem>>, vector<16xf32>,
        %parallel_loop3A_1351 = arith.maximumf %parallel_loop3A_1346, %parallel_loop3A_1350 : vector<16xf32>
        scf.yield %parallel_loop3A_1351 : vector<16xf32>
      } {sc.loop_unroll_factor = 16 : i64, sc.parallel_access}
      %masked_sort3A = arith.constant dense<true> : vector<16xi1>
      %masked_sort3A_112, %masked_sort3A_113, %masked_sort3A_114 = tpu.sort %parallel_loop3A_111, %parallel_loop3A_111 masked %masked_sort3A : (vector<16xf32>, vector<16xf32>, vector<16xi1>) -> (vector<16xi1>, vector<16xf32>, vector<16xf32>)
      %eq3A_115 = arith.constant 7 : i32
      %eq3A_116 = vector.broadcast %eq3A_115 : i32 to vector<16xi32>
      %eq3A_117 = arith.cmpi eq, %iota3A, %eq3A_116 : vector<16xi32>
      %jit3A_118 = arith.constant 0xFF800000 : f32
      %broadcast_in_dim3A_119 = vector.broadcast %jit3A_118 : f32 to vector<16xf32>
      %select_n3A_120 = arith.select %eq3A_117, %masked_sort3A_113, %broadcast_in_dim3A_119 : vector<16xi1>, vector<16xf32>
      %reduce_max3A = arith.constant true
      %reduce_max3A_121 = vector.broadcast %reduce_max3A : i1 to vector<16xi1>
      %reduce_max3A_122 = tpu.scan <max>, %select_n3A_120 masked %reduce_max3A_121 : vector<16xf32>, vector<16xi1> -> vector<16xf32>
      %reduce_max3A_123 = vector.extract %reduce_max3A_122[15] : f32 from vector<16xf32>
      %broadcast_in_dim3A_124 = arith.constant 0 : i32
      %broadcast_in_dim3A_125 = vector.broadcast %broadcast_in_dim3A_124 : i32 to vector<16xi32>
      %parallel_loop3A_126 = arith.constant 0 : i32
      %parallel_loop3A_127 = arith.constant 512 : i32
      %parallel_loop3A_128 = arith.constant 1 : i32
      %parallel_loop3A_129:2 = scf.for %parallel_loop3A_1345 = %parallel_loop3A_126 to %parallel_loop3A_127 step %parallel_loop3A_128 iter_args(%parallel_loop3A_1346 = %broadcast_in_dim3A_125, %parallel_loop3A_1347 = %iota3A) -> (vector<16xi32>, vector<16xi32>)  : i32 {
        %parallel_loop3A_1348 = arith.constant 16 : i32
        %parallel_loop3A_1349 = arith.muli %parallel_loop3A_1345, %parallel_loop3A_1348 : i32
        %parallel_loop3A_1350 = arith.index_cast %parallel_loop3A_1349 : i32 to index
        %parallel_loop3A_1351 = tpu.vector_load %arg4[%parallel_loop3A_1350] {strides = array<i32>} : memref<8192xf32, #tpu.memory_space<vmem>>, vector<16xf32>,
        %parallel_loop3A_1352 = vector.broadcast %reduce_max3A_123 : f32 to vector<16xf32>
        %parallel_loop3A_1353 = arith.cmpf oge, %parallel_loop3A_1351, %parallel_loop3A_1352 : vector<16xf32>
        %parallel_loop3A_1354 = arith.constant 4 : i32
        %parallel_loop3A_1355 = vector.broadcast %parallel_loop3A_1354 : i32 to vector<16xi32>
        %parallel_loop3A_1356 = arith.shli %parallel_loop3A_1346, %parallel_loop3A_1355 : vector<16xi32>
        %parallel_loop3A_1357 = arith.addi %iota3A, %parallel_loop3A_1356 : vector<16xi32>
        tpu.vector_store_idx %arg8[%parallel_loop3A_1357], %parallel_loop3A_1347 masked %parallel_loop3A_1353 : memref<8192xi32, #tpu.memory_space<vmem>>[vector<16xi32>], vector<16xi32>, vector<16xi1>
        %parallel_loop3A_1358 = arith.constant 1 : i32
        %parallel_loop3A_1359 = arith.constant 0 : i32
        %parallel_loop3A_1360 = vector.broadcast %parallel_loop3A_1358 : i32 to vector<16xi32>
        %parallel_loop3A_1361 = vector.broadcast %parallel_loop3A_1359 : i32 to vector<16xi32>
        %parallel_loop3A_1362 = arith.select %parallel_loop3A_1353, %parallel_loop3A_1360, %parallel_loop3A_1361 : vector<16xi1>, vector<16xi32>
        %parallel_loop3A_1363 = arith.addi %parallel_loop3A_1346, %parallel_loop3A_1362 : vector<16xi32>
        %parallel_loop3A_1364 = arith.constant 16 : i32
        %parallel_loop3A_1365 = vector.broadcast %parallel_loop3A_1364 : i32 to vector<16xi32>
        %parallel_loop3A_1366 = arith.addi %parallel_loop3A_1347, %parallel_loop3A_1365 : vector<16xi32>
        scf.yield %parallel_loop3A_1363, %parallel_loop3A_1366 : vector<16xi32>, vector<16xi32>
      } {sc.loop_unroll_factor = 16 : i64, sc.parallel_access}
      %swap3A = arith.constant 0 : index
      %swap3A_130 = tpu.vector_load %arg9[%swap3A] {strides = array<i32>} : memref<16xi32, #tpu.memory_space<vmem>>, vector<16xi32>,
      tpu.vector_store %arg9[%swap3A], %parallel_loop3A_129#0 {strides = array<i32>} : memref<16xi32, #tpu.memory_space<vmem>>, vector<16xi32>,
      %reduce_max3A_131 = arith.constant true
      %reduce_max3A_132 = vector.broadcast %reduce_max3A_131 : i1 to vector<16xi1>
      %reduce_max3A_133 = arith.constant -2147483648 : i32
      %reduce_max3A_134 = vector.broadcast %reduce_max3A_133 : i32 to vector<16xi32>
      %reduce_max3A_135 = arith.xori %parallel_loop3A_129#0, %reduce_max3A_134 : vector<16xi32>
      %reduce_max3A_136 = tpu.scan <max>, %reduce_max3A_135 masked %reduce_max3A_132 : vector<16xi32>, vector<16xi1> -> vector<16xi32>
      %reduce_max3A_137 = arith.xori %reduce_max3A_136, %reduce_max3A_134 : vector<16xi32>
      %reduce_max3A_138 = vector.extract %reduce_max3A_137[15] : i32 from vector<16xi32>
      %broadcast_in_dim3A_139 = arith.constant 0xFF800000 : f32
      %broadcast_in_dim3A_140 = vector.broadcast %broadcast_in_dim3A_139 : f32 to vector<16xf32>
      %swap3A_141 = arith.constant 0 : index
      %swap3A_142 = tpu.vector_load %arg10[%swap3A_141] {strides = array<i32>} : memref<32xf32, #tpu.memory_space<vmem>>, vector<16xf32>,
      tpu.vector_store %arg10[%swap3A_141], %broadcast_in_dim3A_140 {strides = array<i32>} : memref<32xf32, #tpu.memory_space<vmem>>, vector<16xf32>,
      %add3A_143 = arith.constant 32768 : i32
      %add3A_144 = vector.broadcast %add3A_143 : i32 to vector<16xi32>
      %add3A_145 = arith.addi %add3A_144, %iota3A : vector<16xi32>
      %swap3A_146 = arith.constant 0 : index
      %swap3A_147 = tpu.vector_load %arg11[%swap3A_146] {strides = array<i32>} : memref<32xi32, #tpu.memory_space<vmem>>, vector<16xi32>,
      tpu.vector_store %arg11[%swap3A_146], %add3A_145 {strides = array<i32>} : memref<32xi32, #tpu.memory_space<vmem>>, vector<16xi32>,
      %mul3A_148 = arith.constant 2 : i32
      %mul3A_149 = arith.muli %mul3A_148, %reduce_max3A_138 : i32
      %while3A = arith.constant 0 : i32
      %while3A_150 = arith.constant 0 : i32
      %while3A_151 = arith.subi %mul3A_149, %while3A_150 : i32
      %while3A_152 = arith.addi %while3A_150, %while3A_151 : i32
      %while3A_153 = arith.constant 1 : i32
      %while3A_154 = arith.divsi %while3A_151, %while3A_153 : i32
      %while3A_155 = arith.muli %while3A_154, %while3A_153 : i32
      %while3A_156 = arith.addi %while3A_150, %while3A_155 : i32
      %while3A_157 = arith.constant 1 : i32
      scf.for %while3A_1345 = %while3A_150 to %while3A_156 step %while3A_157  : i32 {
        %shift_right_logical3A = arith.constant 1 : i32
        %shift_right_logical3A_1346 = arith.shrui %while3A_1345, %shift_right_logical3A : i32
        %and3A_1347 = arith.constant 1 : i32
        %and3A_1348 = arith.andi %while3A_1345, %and3A_1347 : i32
        %and3A_1349 = arith.constant 7 : i32
        %and3A_1350 = vector.broadcast %and3A_1349 : i32 to vector<16xi32>
        %and3A_1351 = arith.andi %iota3A, %and3A_1350 : vector<16xi32>
        %mul3A_1352 = arith.constant 8 : i32
        %mul3A_1353 = arith.muli %and3A_1348, %mul3A_1352 : i32
        %add3A_1354 = vector.broadcast %mul3A_1353 : i32 to vector<16xi32>
        %add3A_1355 = arith.addi %and3A_1351, %add3A_1354 : vector<16xi32>
        %gather3A_1356 = tpu.vector_load_idx %arg9[%add3A_1355] : memref<16xi32, #tpu.memory_space<vmem>>[vector<16xi32>], vector<16xi32>,
        %ge3A = arith.constant 8 : i32
        %ge3A_1357 = vector.broadcast %ge3A : i32 to vector<16xi32>
        %ge3A_1358 = arith.cmpi sge, %iota3A, %ge3A_1357 : vector<16xi32>
        %lt3A_1359 = vector.broadcast %shift_right_logical3A_1346 : i32 to vector<16xi32>
        %lt3A_1360 = arith.cmpi slt, %lt3A_1359, %gather3A_1356 : vector<16xi32>
        %and3A_1361 = arith.andi %ge3A_1358, %lt3A_1360 : vector<16xi1>
        %shift_left3A = arith.constant 4 : i32
        %shift_left3A_1362 = arith.shli %shift_right_logical3A_1346, %shift_left3A : i32
        %add3A_1363 = vector.broadcast %shift_left3A_1362 : i32 to vector<16xi32>
        %add3A_1364 = arith.addi %add3A_1355, %add3A_1363 : vector<16xi32>
        %gather3A_1365 = tpu.vector_load_idx %arg8[%add3A_1364] : memref<8192xi32, #tpu.memory_space<vmem>>[vector<16xi32>], vector<16xi32>,
        %jit3A_1366 = arith.constant 0 : i32
        %broadcast_in_dim3A_1367 = vector.broadcast %jit3A_1366 : i32 to vector<16xi32>
        %select_n3A_1368 = arith.select %and3A_1361, %gather3A_1365, %broadcast_in_dim3A_1367 : vector<16xi1>, vector<16xi32>
        %gather3A_1369 = tpu.vector_load_idx %arg4[%select_n3A_1368] : memref<8192xf32, #tpu.memory_space<vmem>>[vector<16xi32>], vector<16xf32>,
        %broadcast_in_dim3A_1370 = arith.constant 0xFF800000 : f32
        %broadcast_in_dim3A_1371 = vector.broadcast %broadcast_in_dim3A_1370 : f32 to vector<16xf32>
        %swap3A_1372 = arith.constant 8 : index
        %swap3A_1373 = tpu.vector_load %arg10[%swap3A_1372] {strides = array<i32>} : memref<32xf32, #tpu.memory_space<vmem>>, vector<16xf32>,
        tpu.vector_store %arg10[%swap3A_1372], %broadcast_in_dim3A_1371 {strides = array<i32>} : memref<32xf32, #tpu.memory_space<vmem>>, vector<16xf32>,
        %add3A_1374 = arith.constant 16384 : i32
        %add3A_1375 = vector.broadcast %add3A_1374 : i32 to vector<16xi32>
        %add3A_1376 = arith.addi %add3A_1375, %iota3A : vector<16xi32>
        %swap3A_1377 = arith.constant 8 : index
        %swap3A_1378 = tpu.vector_load %arg11[%swap3A_1377] {strides = array<i32>} : memref<32xi32, #tpu.memory_space<vmem>>, vector<16xi32>,
        tpu.vector_store %arg11[%swap3A_1377], %add3A_1376 {strides = array<i32>} : memref<32xi32, #tpu.memory_space<vmem>>, vector<16xi32>,
        %swap3A_1379 = arith.constant 8 : index
        %swap3A_1380 = tpu.vector_load %arg10[%swap3A_1379] masked %and3A_1361 {strides = array<i32>} : memref<32xf32, #tpu.memory_space<vmem>>, vector<16xf32>, vector<16xi1>
        tpu.vector_store %arg10[%swap3A_1379], %gather3A_1369 masked %and3A_1361 {strides = array<i32>} : memref<32xf32, #tpu.memory_space<vmem>>, vector<16xf32>, vector<16xi1>
        %swap3A_1381 = arith.constant 8 : index
        %swap3A_1382 = tpu.vector_load %arg11[%swap3A_1381] masked %and3A_1361 {strides = array<i32>} : memref<32xi32, #tpu.memory_space<vmem>>, vector<16xi32>, vector<16xi1>
        tpu.vector_store %arg11[%swap3A_1381], %select_n3A_1368 masked %and3A_1361 {strides = array<i32>} : memref<32xi32, #tpu.memory_space<vmem>>, vector<16xi32>, vector<16xi1>
        %get3A_1383 = arith.constant 0 : index
        %get3A_1384 = tpu.vector_load %arg10[%get3A_1383] {strides = array<i32>} : memref<32xf32, #tpu.memory_space<vmem>>, vector<16xf32>,
        %get3A_1385 = arith.constant 0 : index
        %get3A_1386 = tpu.vector_load %arg11[%get3A_1385] {strides = array<i32>} : memref<32xi32, #tpu.memory_space<vmem>>, vector<16xi32>,
        %broadcast_in_dim3A_1387 = arith.constant 0 : i32
        %broadcast_in_dim3A_1388 = vector.broadcast %broadcast_in_dim3A_1387 : i32 to vector<16xi32>
        %add3A_1389 = arith.constant 1 : i32
        %add3A_1390 = vector.broadcast %add3A_1389 : i32 to vector<16xi32>
        %add3A_1391 = arith.addi %iota3A, %add3A_1390 : vector<16xi32>
        %and3A_1392 = arith.constant 15 : i32
        %and3A_1393 = vector.broadcast %and3A_1392 : i32 to vector<16xi32>
        %and3A_1394 = arith.andi %add3A_1391, %and3A_1393 : vector<16xi32>
        %gather3A_1395 = tpu.vector_load_idx %arg10[%and3A_1394] : memref<32xf32, #tpu.memory_space<vmem>>[vector<16xi32>], vector<16xf32>,
        %gather3A_1396 = tpu.vector_load_idx %arg11[%and3A_1394] : memref<32xi32, #tpu.memory_space<vmem>>[vector<16xi32>], vector<16xi32>,
        %gt3A = arith.cmpf ogt, %gather3A_1395, %get3A_1384 : vector<16xf32>
        %eq3A_1397 = arith.cmpf oeq, %gather3A_1395, %get3A_1384 : vector<16xf32>
        %lt3A_1398 = arith.cmpi slt, %gather3A_1396, %get3A_1386 : vector<16xi32>
        %and3A_1399 = arith.andi %eq3A_1397, %lt3A_1398 : vector<16xi1>
        %or3A = arith.ori %gt3A, %and3A_1399 : vector<16xi1>
        %jit3A_1400 = arith.constant 1 : i32
        %jit3A_1401 = arith.constant 0 : i32
        %broadcast_in_dim3A_1402 = vector.broadcast %jit3A_1400 : i32 to vector<16xi32>
        %broadcast_in_dim3A_1403 = vector.broadcast %jit3A_1401 : i32 to vector<16xi32>
        %select_n3A_1404 = arith.select %or3A, %broadcast_in_dim3A_1402, %broadcast_in_dim3A_1403 : vector<16xi1>, vector<16xi32>
        %add3A_1405 = arith.addi %broadcast_in_dim3A_1388, %select_n3A_1404 : vector<16xi32>
        %add3A_1406 = arith.constant 2 : i32
        %add3A_1407 = vector.broadcast %add3A_1406 : i32 to vector<16xi32>
        %add3A_1408 = arith.addi %iota3A, %add3A_1407 : vector<16xi32>
        %and3A_1409 = arith.constant 15 : i32
        %and3A_1410 = vector.broadcast %and3A_1409 : i32 to vector<16xi32>
        %and3A_1411 = arith.andi %add3A_1408, %and3A_1410 : vector<16xi32>
        %gather3A_1412 = tpu.vector_load_idx %arg10[%and3A_1411] : memref<32xf32, #tpu.memory_space<vmem>>[vector<16xi32>], vector<16xf32>,
        %gather3A_1413 = tpu.vector_load_idx %arg11[%and3A_1411] : memref<32xi32, #tpu.memory_space<vmem>>[vector<16xi32>], vector<16xi32>,
        %gt3A_1414 = arith.cmpf ogt, %gather3A_1412, %get3A_1384 : vector<16xf32>
        %eq3A_1415 = arith.cmpf oeq, %gather3A_1412, %get3A_1384 : vector<16xf32>
        %lt3A_1416 = arith.cmpi slt, %gather3A_1413, %get3A_1386 : vector<16xi32>
        %and3A_1417 = arith.andi %eq3A_1415, %lt3A_1416 : vector<16xi1>
        %or3A_1418 = arith.ori %gt3A_1414, %and3A_1417 : vector<16xi1>
        %jit3A_1419 = arith.constant 1 : i32
        %jit3A_1420 = arith.constant 0 : i32
        %broadcast_in_dim3A_1421 = vector.broadcast %jit3A_1419 : i32 to vector<16xi32>
        %broadcast_in_dim3A_1422 = vector.broadcast %jit3A_1420 : i32 to vector<16xi32>
        %select_n3A_1423 = arith.select %or3A_1418, %broadcast_in_dim3A_1421, %broadcast_in_dim3A_1422 : vector<16xi1>, vector<16xi32>
        %add3A_1424 = arith.addi %add3A_1405, %select_n3A_1423 : vector<16xi32>
        %add3A_1425 = arith.constant 3 : i32
        %add3A_1426 = vector.broadcast %add3A_1425 : i32 to vector<16xi32>
        %add3A_1427 = arith.addi %iota3A, %add3A_1426 : vector<16xi32>
        %and3A_1428 = arith.constant 15 : i32
        %and3A_1429 = vector.broadcast %and3A_1428 : i32 to vector<16xi32>
        %and3A_1430 = arith.andi %add3A_1427, %and3A_1429 : vector<16xi32>
        %gather3A_1431 = tpu.vector_load_idx %arg10[%and3A_1430] : memref<32xf32, #tpu.memory_space<vmem>>[vector<16xi32>], vector<16xf32>,
        %gather3A_1432 = tpu.vector_load_idx %arg11[%and3A_1430] : memref<32xi32, #tpu.memory_space<vmem>>[vector<16xi32>], vector<16xi32>,
        %gt3A_1433 = arith.cmpf ogt, %gather3A_1431, %get3A_1384 : vector<16xf32>
        %eq3A_1434 = arith.cmpf oeq, %gather3A_1431, %get3A_1384 : vector<16xf32>
        %lt3A_1435 = arith.cmpi slt, %gather3A_1432, %get3A_1386 : vector<16xi32>
        %and3A_1436 = arith.andi %eq3A_1434, %lt3A_1435 : vector<16xi1>
        %or3A_1437 = arith.ori %gt3A_1433, %and3A_1436 : vector<16xi1>
        %jit3A_1438 = arith.constant 1 : i32
        %jit3A_1439 = arith.constant 0 : i32
        %broadcast_in_dim3A_1440 = vector.broadcast %jit3A_1438 : i32 to vector<16xi32>
        %broadcast_in_dim3A_1441 = vector.broadcast %jit3A_1439 : i32 to vector<16xi32>
        %select_n3A_1442 = arith.select %or3A_1437, %broadcast_in_dim3A_1440, %broadcast_in_dim3A_1441 : vector<16xi1>, vector<16xi32>
        %add3A_1443 = arith.addi %add3A_1424, %select_n3A_1442 : vector<16xi32>
        %add3A_1444 = arith.constant 4 : i32
        %add3A_1445 = vector.broadcast %add3A_1444 : i32 to vector<16xi32>
        %add3A_1446 = arith.addi %iota3A, %add3A_1445 : vector<16xi32>
        %and3A_1447 = arith.constant 15 : i32
        %and3A_1448 = vector.broadcast %and3A_1447 : i32 to vector<16xi32>
        %and3A_1449 = arith.andi %add3A_1446, %and3A_1448 : vector<16xi32>
        %gather3A_1450 = tpu.vector_load_idx %arg10[%and3A_1449] : memref<32xf32, #tpu.memory_space<vmem>>[vector<16xi32>], vector<16xf32>,
        %gather3A_1451 = tpu.vector_load_idx %arg11[%and3A_1449] : memref<32xi32, #tpu.memory_space<vmem>>[vector<16xi32>], vector<16xi32>,
        %gt3A_1452 = arith.cmpf ogt, %gather3A_1450, %get3A_1384 : vector<16xf32>
        %eq3A_1453 = arith.cmpf oeq, %gather3A_1450, %get3A_1384 : vector<16xf32>
        %lt3A_1454 = arith.cmpi slt, %gather3A_1451, %get3A_1386 : vector<16xi32>
        %and3A_1455 = arith.andi %eq3A_1453, %lt3A_1454 : vector<16xi1>
        %or3A_1456 = arith.ori %gt3A_1452, %and3A_1455 : vector<16xi1>
        %jit3A_1457 = arith.constant 1 : i32
        %jit3A_1458 = arith.constant 0 : i32
        %broadcast_in_dim3A_1459 = vector.broadcast %jit3A_1457 : i32 to vector<16xi32>
        %broadcast_in_dim3A_1460 = vector.broadcast %jit3A_1458 : i32 to vector<16xi32>
        %select_n3A_1461 = arith.select %or3A_1456, %broadcast_in_dim3A_1459, %broadcast_in_dim3A_1460 : vector<16xi1>, vector<16xi32>
        %add3A_1462 = arith.addi %add3A_1443, %select_n3A_1461 : vector<16xi32>
        %add3A_1463 = arith.constant 5 : i32
        %add3A_1464 = vector.broadcast %add3A_1463 : i32 to vector<16xi32>
        %add3A_1465 = arith.addi %iota3A, %add3A_1464 : vector<16xi32>
        %and3A_1466 = arith.constant 15 : i32
        %and3A_1467 = vector.broadcast %and3A_1466 : i32 to vector<16xi32>
        %and3A_1468 = arith.andi %add3A_1465, %and3A_1467 : vector<16xi32>
        %gather3A_1469 = tpu.vector_load_idx %arg10[%and3A_1468] : memref<32xf32, #tpu.memory_space<vmem>>[vector<16xi32>], vector<16xf32>,
        %gather3A_1470 = tpu.vector_load_idx %arg11[%and3A_1468] : memref<32xi32, #tpu.memory_space<vmem>>[vector<16xi32>], vector<16xi32>,
        %gt3A_1471 = arith.cmpf ogt, %gather3A_1469, %get3A_1384 : vector<16xf32>
        %eq3A_1472 = arith.cmpf oeq, %gather3A_1469, %get3A_1384 : vector<16xf32>
        %lt3A_1473 = arith.cmpi slt, %gather3A_1470, %get3A_1386 : vector<16xi32>
        %and3A_1474 = arith.andi %eq3A_1472, %lt3A_1473 : vector<16xi1>
        %or3A_1475 = arith.ori %gt3A_1471, %and3A_1474 : vector<16xi1>
        %jit3A_1476 = arith.constant 1 : i32
        %jit3A_1477 = arith.constant 0 : i32
        %broadcast_in_dim3A_1478 = vector.broadcast %jit3A_1476 : i32 to vector<16xi32>
        %broadcast_in_dim3A_1479 = vector.broadcast %jit3A_1477 : i32 to vector<16xi32>
        %select_n3A_1480 = arith.select %or3A_1475, %broadcast_in_dim3A_1478, %broadcast_in_dim3A_1479 : vector<16xi1>, vector<16xi32>
        %add3A_1481 = arith.addi %add3A_1462, %select_n3A_1480 : vector<16xi32>
        %add3A_1482 = arith.constant 6 : i32
        %add3A_1483 = vector.broadcast %add3A_1482 : i32 to vector<16xi32>
        %add3A_1484 = arith.addi %iota3A, %add3A_1483 : vector<16xi32>
        %and3A_1485 = arith.constant 15 : i32
        %and3A_1486 = vector.broadcast %and3A_1485 : i32 to vector<16xi32>
        %and3A_1487 = arith.andi %add3A_1484, %and3A_1486 : vector<16xi32>
        %gather3A_1488 = tpu.vector_load_idx %arg10[%and3A_1487] : memref<32xf32, #tpu.memory_space<vmem>>[vector<16xi32>], vector<16xf32>,
        %gather3A_1489 = tpu.vector_load_idx %arg11[%and3A_1487] : memref<32xi32, #tpu.memory_space<vmem>>[vector<16xi32>], vector<16xi32>,
        %gt3A_1490 = arith.cmpf ogt, %gather3A_1488, %get3A_1384 : vector<16xf32>
        %eq3A_1491 = arith.cmpf oeq, %gather3A_1488, %get3A_1384 : vector<16xf32>
        %lt3A_1492 = arith.cmpi slt, %gather3A_1489, %get3A_1386 : vector<16xi32>
        %and3A_1493 = arith.andi %eq3A_1491, %lt3A_1492 : vector<16xi1>
        %or3A_1494 = arith.ori %gt3A_1490, %and3A_1493 : vector<16xi1>
        %jit3A_1495 = arith.constant 1 : i32
        %jit3A_1496 = arith.constant 0 : i32
        %broadcast_in_dim3A_1497 = vector.broadcast %jit3A_1495 : i32 to vector<16xi32>
        %broadcast_in_dim3A_1498 = vector.broadcast %jit3A_1496 : i32 to vector<16xi32>
        %select_n3A_1499 = arith.select %or3A_1494, %broadcast_in_dim3A_1497, %broadcast_in_dim3A_1498 : vector<16xi1>, vector<16xi32>
        %add3A_1500 = arith.addi %add3A_1481, %select_n3A_1499 : vector<16xi32>
        %add3A_1501 = arith.constant 7 : i32
        %add3A_1502 = vector.broadcast %add3A_1501 : i32 to vector<16xi32>
        %add3A_1503 = arith.addi %iota3A, %add3A_1502 : vector<16xi32>
        %and3A_1504 = arith.constant 15 : i32
        %and3A_1505 = vector.broadcast %and3A_1504 : i32 to vector<16xi32>
        %and3A_1506 = arith.andi %add3A_1503, %and3A_1505 : vector<16xi32>
        %gather3A_1507 = tpu.vector_load_idx %arg10[%and3A_1506] : memref<32xf32, #tpu.memory_space<vmem>>[vector<16xi32>], vector<16xf32>,
        %gather3A_1508 = tpu.vector_load_idx %arg11[%and3A_1506] : memref<32xi32, #tpu.memory_space<vmem>>[vector<16xi32>], vector<16xi32>,
        %gt3A_1509 = arith.cmpf ogt, %gather3A_1507, %get3A_1384 : vector<16xf32>
        %eq3A_1510 = arith.cmpf oeq, %gather3A_1507, %get3A_1384 : vector<16xf32>
        %lt3A_1511 = arith.cmpi slt, %gather3A_1508, %get3A_1386 : vector<16xi32>
        %and3A_1512 = arith.andi %eq3A_1510, %lt3A_1511 : vector<16xi1>
        %or3A_1513 = arith.ori %gt3A_1509, %and3A_1512 : vector<16xi1>
        %jit3A_1514 = arith.constant 1 : i32
        %jit3A_1515 = arith.constant 0 : i32
        %broadcast_in_dim3A_1516 = vector.broadcast %jit3A_1514 : i32 to vector<16xi32>
        %broadcast_in_dim3A_1517 = vector.broadcast %jit3A_1515 : i32 to vector<16xi32>
        %select_n3A_1518 = arith.select %or3A_1513, %broadcast_in_dim3A_1516, %broadcast_in_dim3A_1517 : vector<16xi1>, vector<16xi32>
        %add3A_1519 = arith.addi %add3A_1500, %select_n3A_1518 : vector<16xi32>
        %add3A_1520 = arith.constant 8 : i32
        %add3A_1521 = vector.broadcast %add3A_1520 : i32 to vector<16xi32>
        %add3A_1522 = arith.addi %iota3A, %add3A_1521 : vector<16xi32>
        %and3A_1523 = arith.constant 15 : i32
        %and3A_1524 = vector.broadcast %and3A_1523 : i32 to vector<16xi32>
        %and3A_1525 = arith.andi %add3A_1522, %and3A_1524 : vector<16xi32>
        %gather3A_1526 = tpu.vector_load_idx %arg10[%and3A_1525] : memref<32xf32, #tpu.memory_space<vmem>>[vector<16xi32>], vector<16xf32>,
        %gather3A_1527 = tpu.vector_load_idx %arg11[%and3A_1525] : memref<32xi32, #tpu.memory_space<vmem>>[vector<16xi32>], vector<16xi32>,
        %gt3A_1528 = arith.cmpf ogt, %gather3A_1526, %get3A_1384 : vector<16xf32>
        %eq3A_1529 = arith.cmpf oeq, %gather3A_1526, %get3A_1384 : vector<16xf32>
        %lt3A_1530 = arith.cmpi slt, %gather3A_1527, %get3A_1386 : vector<16xi32>
        %and3A_1531 = arith.andi %eq3A_1529, %lt3A_1530 : vector<16xi1>
        %or3A_1532 = arith.ori %gt3A_1528, %and3A_1531 : vector<16xi1>
        %jit3A_1533 = arith.constant 1 : i32
        %jit3A_1534 = arith.constant 0 : i32
        %broadcast_in_dim3A_1535 = vector.broadcast %jit3A_1533 : i32 to vector<16xi32>
        %broadcast_in_dim3A_1536 = vector.broadcast %jit3A_1534 : i32 to vector<16xi32>
        %select_n3A_1537 = arith.select %or3A_1532, %broadcast_in_dim3A_1535, %broadcast_in_dim3A_1536 : vector<16xi1>, vector<16xi32>
        %add3A_1538 = arith.addi %add3A_1519, %select_n3A_1537 : vector<16xi32>
        %add3A_1539 = arith.constant 9 : i32
        %add3A_1540 = vector.broadcast %add3A_1539 : i32 to vector<16xi32>
        %add3A_1541 = arith.addi %iota3A, %add3A_1540 : vector<16xi32>
        %and3A_1542 = arith.constant 15 : i32
        %and3A_1543 = vector.broadcast %and3A_1542 : i32 to vector<16xi32>
        %and3A_1544 = arith.andi %add3A_1541, %and3A_1543 : vector<16xi32>
        %gather3A_1545 = tpu.vector_load_idx %arg10[%and3A_1544] : memref<32xf32, #tpu.memory_space<vmem>>[vector<16xi32>], vector<16xf32>,
        %gather3A_1546 = tpu.vector_load_idx %arg11[%and3A_1544] : memref<32xi32, #tpu.memory_space<vmem>>[vector<16xi32>], vector<16xi32>,
        %gt3A_1547 = arith.cmpf ogt, %gather3A_1545, %get3A_1384 : vector<16xf32>
        %eq3A_1548 = arith.cmpf oeq, %gather3A_1545, %get3A_1384 : vector<16xf32>
        %lt3A_1549 = arith.cmpi slt, %gather3A_1546, %get3A_1386 : vector<16xi32>
        %and3A_1550 = arith.andi %eq3A_1548, %lt3A_1549 : vector<16xi1>
        %or3A_1551 = arith.ori %gt3A_1547, %and3A_1550 : vector<16xi1>
        %jit3A_1552 = arith.constant 1 : i32
        %jit3A_1553 = arith.constant 0 : i32
        %broadcast_in_dim3A_1554 = vector.broadcast %jit3A_1552 : i32 to vector<16xi32>
        %broadcast_in_dim3A_1555 = vector.broadcast %jit3A_1553 : i32 to vector<16xi32>
        %select_n3A_1556 = arith.select %or3A_1551, %broadcast_in_dim3A_1554, %broadcast_in_dim3A_1555 : vector<16xi1>, vector<16xi32>
        %add3A_1557 = arith.addi %add3A_1538, %select_n3A_1556 : vector<16xi32>
        %add3A_1558 = arith.constant 10 : i32
        %add3A_1559 = vector.broadcast %add3A_1558 : i32 to vector<16xi32>
        %add3A_1560 = arith.addi %iota3A, %add3A_1559 : vector<16xi32>
        %and3A_1561 = arith.constant 15 : i32
        %and3A_1562 = vector.broadcast %and3A_1561 : i32 to vector<16xi32>
        %and3A_1563 = arith.andi %add3A_1560, %and3A_1562 : vector<16xi32>
        %gather3A_1564 = tpu.vector_load_idx %arg10[%and3A_1563] : memref<32xf32, #tpu.memory_space<vmem>>[vector<16xi32>], vector<16xf32>,
        %gather3A_1565 = tpu.vector_load_idx %arg11[%and3A_1563] : memref<32xi32, #tpu.memory_space<vmem>>[vector<16xi32>], vector<16xi32>,
        %gt3A_1566 = arith.cmpf ogt, %gather3A_1564, %get3A_1384 : vector<16xf32>
        %eq3A_1567 = arith.cmpf oeq, %gather3A_1564, %get3A_1384 : vector<16xf32>
        %lt3A_1568 = arith.cmpi slt, %gather3A_1565, %get3A_1386 : vector<16xi32>
        %and3A_1569 = arith.andi %eq3A_1567, %lt3A_1568 : vector<16xi1>
        %or3A_1570 = arith.ori %gt3A_1566, %and3A_1569 : vector<16xi1>
        %jit3A_1571 = arith.constant 1 : i32
        %jit3A_1572 = arith.constant 0 : i32
        %broadcast_in_dim3A_1573 = vector.broadcast %jit3A_1571 : i32 to vector<16xi32>
        %broadcast_in_dim3A_1574 = vector.broadcast %jit3A_1572 : i32 to vector<16xi32>
        %select_n3A_1575 = arith.select %or3A_1570, %broadcast_in_dim3A_1573, %broadcast_in_dim3A_1574 : vector<16xi1>, vector<16xi32>
        %add3A_1576 = arith.addi %add3A_1557, %select_n3A_1575 : vector<16xi32>
        %add3A_1577 = arith.constant 11 : i32
        %add3A_1578 = vector.broadcast %add3A_1577 : i32 to vector<16xi32>
        %add3A_1579 = arith.addi %iota3A, %add3A_1578 : vector<16xi32>
        %and3A_1580 = arith.constant 15 : i32
        %and3A_1581 = vector.broadcast %and3A_1580 : i32 to vector<16xi32>
        %and3A_1582 = arith.andi %add3A_1579, %and3A_1581 : vector<16xi32>
        %gather3A_1583 = tpu.vector_load_idx %arg10[%and3A_1582] : memref<32xf32, #tpu.memory_space<vmem>>[vector<16xi32>], vector<16xf32>,
        %gather3A_1584 = tpu.vector_load_idx %arg11[%and3A_1582] : memref<32xi32, #tpu.memory_space<vmem>>[vector<16xi32>], vector<16xi32>,
        %gt3A_1585 = arith.cmpf ogt, %gather3A_1583, %get3A_1384 : vector<16xf32>
        %eq3A_1586 = arith.cmpf oeq, %gather3A_1583, %get3A_1384 : vector<16xf32>
        %lt3A_1587 = arith.cmpi slt, %gather3A_1584, %get3A_1386 : vector<16xi32>
        %and3A_1588 = arith.andi %eq3A_1586, %lt3A_1587 : vector<16xi1>
        %or3A_1589 = arith.ori %gt3A_1585, %and3A_1588 : vector<16xi1>
        %jit3A_1590 = arith.constant 1 : i32
        %jit3A_1591 = arith.constant 0 : i32
        %broadcast_in_dim3A_1592 = vector.broadcast %jit3A_1590 : i32 to vector<16xi32>
        %broadcast_in_dim3A_1593 = vector.broadcast %jit3A_1591 : i32 to vector<16xi32>
        %select_n3A_1594 = arith.select %or3A_1589, %broadcast_in_dim3A_1592, %broadcast_in_dim3A_1593 : vector<16xi1>, vector<16xi32>
        %add3A_1595 = arith.addi %add3A_1576, %select_n3A_1594 : vector<16xi32>
        %add3A_1596 = arith.constant 12 : i32
        %add3A_1597 = vector.broadcast %add3A_1596 : i32 to vector<16xi32>
        %add3A_1598 = arith.addi %iota3A, %add3A_1597 : vector<16xi32>
        %and3A_1599 = arith.constant 15 : i32
        %and3A_1600 = vector.broadcast %and3A_1599 : i32 to vector<16xi32>
        %and3A_1601 = arith.andi %add3A_1598, %and3A_1600 : vector<16xi32>
        %gather3A_1602 = tpu.vector_load_idx %arg10[%and3A_1601] : memref<32xf32, #tpu.memory_space<vmem>>[vector<16xi32>], vector<16xf32>,
        %gather3A_1603 = tpu.vector_load_idx %arg11[%and3A_1601] : memref<32xi32, #tpu.memory_space<vmem>>[vector<16xi32>], vector<16xi32>,
        %gt3A_1604 = arith.cmpf ogt, %gather3A_1602, %get3A_1384 : vector<16xf32>
        %eq3A_1605 = arith.cmpf oeq, %gather3A_1602, %get3A_1384 : vector<16xf32>
        %lt3A_1606 = arith.cmpi slt, %gather3A_1603, %get3A_1386 : vector<16xi32>
        %and3A_1607 = arith.andi %eq3A_1605, %lt3A_1606 : vector<16xi1>
        %or3A_1608 = arith.ori %gt3A_1604, %and3A_1607 : vector<16xi1>
        %jit3A_1609 = arith.constant 1 : i32
        %jit3A_1610 = arith.constant 0 : i32
        %broadcast_in_dim3A_1611 = vector.broadcast %jit3A_1609 : i32 to vector<16xi32>
        %broadcast_in_dim3A_1612 = vector.broadcast %jit3A_1610 : i32 to vector<16xi32>
        %select_n3A_1613 = arith.select %or3A_1608, %broadcast_in_dim3A_1611, %broadcast_in_dim3A_1612 : vector<16xi1>, vector<16xi32>
        %add3A_1614 = arith.addi %add3A_1595, %select_n3A_1613 : vector<16xi32>
        %add3A_1615 = arith.constant 13 : i32
        %add3A_1616 = vector.broadcast %add3A_1615 : i32 to vector<16xi32>
        %add3A_1617 = arith.addi %iota3A, %add3A_1616 : vector<16xi32>
        %and3A_1618 = arith.constant 15 : i32
        %and3A_1619 = vector.broadcast %and3A_1618 : i32 to vector<16xi32>
        %and3A_1620 = arith.andi %add3A_1617, %and3A_1619 : vector<16xi32>
        %gather3A_1621 = tpu.vector_load_idx %arg10[%and3A_1620] : memref<32xf32, #tpu.memory_space<vmem>>[vector<16xi32>], vector<16xf32>,
        %gather3A_1622 = tpu.vector_load_idx %arg11[%and3A_1620] : memref<32xi32, #tpu.memory_space<vmem>>[vector<16xi32>], vector<16xi32>,
        %gt3A_1623 = arith.cmpf ogt, %gather3A_1621, %get3A_1384 : vector<16xf32>
        %eq3A_1624 = arith.cmpf oeq, %gather3A_1621, %get3A_1384 : vector<16xf32>
        %lt3A_1625 = arith.cmpi slt, %gather3A_1622, %get3A_1386 : vector<16xi32>
        %and3A_1626 = arith.andi %eq3A_1624, %lt3A_1625 : vector<16xi1>
        %or3A_1627 = arith.ori %gt3A_1623, %and3A_1626 : vector<16xi1>
        %jit3A_1628 = arith.constant 1 : i32
        %jit3A_1629 = arith.constant 0 : i32
        %broadcast_in_dim3A_1630 = vector.broadcast %jit3A_1628 : i32 to vector<16xi32>
        %broadcast_in_dim3A_1631 = vector.broadcast %jit3A_1629 : i32 to vector<16xi32>
        %select_n3A_1632 = arith.select %or3A_1627, %broadcast_in_dim3A_1630, %broadcast_in_dim3A_1631 : vector<16xi1>, vector<16xi32>
        %add3A_1633 = arith.addi %add3A_1614, %select_n3A_1632 : vector<16xi32>
        %add3A_1634 = arith.constant 14 : i32
        %add3A_1635 = vector.broadcast %add3A_1634 : i32 to vector<16xi32>
        %add3A_1636 = arith.addi %iota3A, %add3A_1635 : vector<16xi32>
        %and3A_1637 = arith.constant 15 : i32
        %and3A_1638 = vector.broadcast %and3A_1637 : i32 to vector<16xi32>
        %and3A_1639 = arith.andi %add3A_1636, %and3A_1638 : vector<16xi32>
        %gather3A_1640 = tpu.vector_load_idx %arg10[%and3A_1639] : memref<32xf32, #tpu.memory_space<vmem>>[vector<16xi32>], vector<16xf32>,
        %gather3A_1641 = tpu.vector_load_idx %arg11[%and3A_1639] : memref<32xi32, #tpu.memory_space<vmem>>[vector<16xi32>], vector<16xi32>,
        %gt3A_1642 = arith.cmpf ogt, %gather3A_1640, %get3A_1384 : vector<16xf32>
        %eq3A_1643 = arith.cmpf oeq, %gather3A_1640, %get3A_1384 : vector<16xf32>
        %lt3A_1644 = arith.cmpi slt, %gather3A_1641, %get3A_1386 : vector<16xi32>
        %and3A_1645 = arith.andi %eq3A_1643, %lt3A_1644 : vector<16xi1>
        %or3A_1646 = arith.ori %gt3A_1642, %and3A_1645 : vector<16xi1>
        %jit3A_1647 = arith.constant 1 : i32
        %jit3A_1648 = arith.constant 0 : i32
        %broadcast_in_dim3A_1649 = vector.broadcast %jit3A_1647 : i32 to vector<16xi32>
        %broadcast_in_dim3A_1650 = vector.broadcast %jit3A_1648 : i32 to vector<16xi32>
        %select_n3A_1651 = arith.select %or3A_1646, %broadcast_in_dim3A_1649, %broadcast_in_dim3A_1650 : vector<16xi1>, vector<16xi32>
        %add3A_1652 = arith.addi %add3A_1633, %select_n3A_1651 : vector<16xi32>
        %add3A_1653 = arith.constant 15 : i32
        %add3A_1654 = vector.broadcast %add3A_1653 : i32 to vector<16xi32>
        %add3A_1655 = arith.addi %iota3A, %add3A_1654 : vector<16xi32>
        %and3A_1656 = arith.constant 15 : i32
        %and3A_1657 = vector.broadcast %and3A_1656 : i32 to vector<16xi32>
        %and3A_1658 = arith.andi %add3A_1655, %and3A_1657 : vector<16xi32>
        %gather3A_1659 = tpu.vector_load_idx %arg10[%and3A_1658] : memref<32xf32, #tpu.memory_space<vmem>>[vector<16xi32>], vector<16xf32>,
        %gather3A_1660 = tpu.vector_load_idx %arg11[%and3A_1658] : memref<32xi32, #tpu.memory_space<vmem>>[vector<16xi32>], vector<16xi32>,
        %gt3A_1661 = arith.cmpf ogt, %gather3A_1659, %get3A_1384 : vector<16xf32>
        %eq3A_1662 = arith.cmpf oeq, %gather3A_1659, %get3A_1384 : vector<16xf32>
        %lt3A_1663 = arith.cmpi slt, %gather3A_1660, %get3A_1386 : vector<16xi32>
        %and3A_1664 = arith.andi %eq3A_1662, %lt3A_1663 : vector<16xi1>
        %or3A_1665 = arith.ori %gt3A_1661, %and3A_1664 : vector<16xi1>
        %jit3A_1666 = arith.constant 1 : i32
        %jit3A_1667 = arith.constant 0 : i32
        %broadcast_in_dim3A_1668 = vector.broadcast %jit3A_1666 : i32 to vector<16xi32>
        %broadcast_in_dim3A_1669 = vector.broadcast %jit3A_1667 : i32 to vector<16xi32>
        %select_n3A_1670 = arith.select %or3A_1665, %broadcast_in_dim3A_1668, %broadcast_in_dim3A_1669 : vector<16xi1>, vector<16xi32>
        %add3A_1671 = arith.addi %add3A_1652, %select_n3A_1670 : vector<16xi32>
        %lt3A_1672 = arith.constant 8 : i32
        %lt3A_1673 = vector.broadcast %lt3A_1672 : i32 to vector<16xi32>
        %lt3A_1674 = arith.cmpi slt, %add3A_1671, %lt3A_1673 : vector<16xi32>
        %swap3A_1675 = arith.constant 0 : index
        %swap3A_1676 = tpu.vector_load %arg10[%swap3A_1675] masked %lt3A_1674 {strides = array<i32>} : memref<32xf32, #tpu.memory_space<vmem>>, vector<16xf32>, vector<16xi1>
        tpu.vector_store %arg10[%swap3A_1675], %get3A_1384 masked %lt3A_1674 {strides = array<i32>} : memref<32xf32, #tpu.memory_space<vmem>>, vector<16xf32>, vector<16xi1>
        %swap3A_1677 = arith.constant 0 : index
        %swap3A_1678 = tpu.vector_load %arg11[%swap3A_1677] masked %lt3A_1674 {strides = array<i32>} : memref<32xi32, #tpu.memory_space<vmem>>, vector<16xi32>, vector<16xi1>
        tpu.vector_store %arg11[%swap3A_1677], %get3A_1386 masked %lt3A_1674 {strides = array<i32>} : memref<32xi32, #tpu.memory_space<vmem>>, vector<16xi32>, vector<16xi1>
      }
      %while3A_158 = arith.constant 1 : i32
      scf.for %while3A_1345 = %while3A_156 to %while3A_152 step %while3A_158  : i32 {
        %shift_right_logical3A = arith.constant 1 : i32
        %shift_right_logical3A_1346 = arith.shrui %while3A_1345, %shift_right_logical3A : i32
        %and3A_1347 = arith.constant 1 : i32
        %and3A_1348 = arith.andi %while3A_1345, %and3A_1347 : i32
        %and3A_1349 = arith.constant 7 : i32
        %and3A_1350 = vector.broadcast %and3A_1349 : i32 to vector<16xi32>
        %and3A_1351 = arith.andi %iota3A, %and3A_1350 : vector<16xi32>
        %mul3A_1352 = arith.constant 8 : i32
        %mul3A_1353 = arith.muli %and3A_1348, %mul3A_1352 : i32
        %add3A_1354 = vector.broadcast %mul3A_1353 : i32 to vector<16xi32>
        %add3A_1355 = arith.addi %and3A_1351, %add3A_1354 : vector<16xi32>
        %gather3A_1356 = tpu.vector_load_idx %arg9[%add3A_1355] : memref<16xi32, #tpu.memory_space<vmem>>[vector<16xi32>], vector<16xi32>,
        %ge3A = arith.constant 8 : i32
        %ge3A_1357 = vector.broadcast %ge3A : i32 to vector<16xi32>
        %ge3A_1358 = arith.cmpi sge, %iota3A, %ge3A_1357 : vector<16xi32>
        %lt3A_1359 = vector.broadcast %shift_right_logical3A_1346 : i32 to vector<16xi32>
        %lt3A_1360 = arith.cmpi slt, %lt3A_1359, %gather3A_1356 : vector<16xi32>
        %and3A_1361 = arith.andi %ge3A_1358, %lt3A_1360 : vector<16xi1>
        %shift_left3A = arith.constant 4 : i32
        %shift_left3A_1362 = arith.shli %shift_right_logical3A_1346, %shift_left3A : i32
        %add3A_1363 = vector.broadcast %shift_left3A_1362 : i32 to vector<16xi32>
        %add3A_1364 = arith.addi %add3A_1355, %add3A_1363 : vector<16xi32>
        %gather3A_1365 = tpu.vector_load_idx %arg8[%add3A_1364] : memref<8192xi32, #tpu.memory_space<vmem>>[vector<16xi32>], vector<16xi32>,
        %jit3A_1366 = arith.constant 0 : i32
        %broadcast_in_dim3A_1367 = vector.broadcast %jit3A_1366 : i32 to vector<16xi32>
        %select_n3A_1368 = arith.select %and3A_1361, %gather3A_1365, %broadcast_in_dim3A_1367 : vector<16xi1>, vector<16xi32>
        %gather3A_1369 = tpu.vector_load_idx %arg4[%select_n3A_1368] : memref<8192xf32, #tpu.memory_space<vmem>>[vector<16xi32>], vector<16xf32>,
        %broadcast_in_dim3A_1370 = arith.constant 0xFF800000 : f32
        %broadcast_in_dim3A_1371 = vector.broadcast %broadcast_in_dim3A_1370 : f32 to vector<16xf32>
        %swap3A_1372 = arith.constant 8 : index
        %swap3A_1373 = tpu.vector_load %arg10[%swap3A_1372] {strides = array<i32>} : memref<32xf32, #tpu.memory_space<vmem>>, vector<16xf32>,
        tpu.vector_store %arg10[%swap3A_1372], %broadcast_in_dim3A_1371 {strides = array<i32>} : memref<32xf32, #tpu.memory_space<vmem>>, vector<16xf32>,
        %add3A_1374 = arith.constant 16384 : i32
        %add3A_1375 = vector.broadcast %add3A_1374 : i32 to vector<16xi32>
        %add3A_1376 = arith.addi %add3A_1375, %iota3A : vector<16xi32>
        %swap3A_1377 = arith.constant 8 : index
        %swap3A_1378 = tpu.vector_load %arg11[%swap3A_1377] {strides = array<i32>} : memref<32xi32, #tpu.memory_space<vmem>>, vector<16xi32>,
        tpu.vector_store %arg11[%swap3A_1377], %add3A_1376 {strides = array<i32>} : memref<32xi32, #tpu.memory_space<vmem>>, vector<16xi32>,
        %swap3A_1379 = arith.constant 8 : index
        %swap3A_1380 = tpu.vector_load %arg10[%swap3A_1379] masked %and3A_1361 {strides = array<i32>} : memref<32xf32, #tpu.memory_space<vmem>>, vector<16xf32>, vector<16xi1>
        tpu.vector_store %arg10[%swap3A_1379], %gather3A_1369 masked %and3A_1361 {strides = array<i32>} : memref<32xf32, #tpu.memory_space<vmem>>, vector<16xf32>, vector<16xi1>
        %swap3A_1381 = arith.constant 8 : index
        %swap3A_1382 = tpu.vector_load %arg11[%swap3A_1381] masked %and3A_1361 {strides = array<i32>} : memref<32xi32, #tpu.memory_space<vmem>>, vector<16xi32>, vector<16xi1>
        tpu.vector_store %arg11[%swap3A_1381], %select_n3A_1368 masked %and3A_1361 {strides = array<i32>} : memref<32xi32, #tpu.memory_space<vmem>>, vector<16xi32>, vector<16xi1>
        %get3A_1383 = arith.constant 0 : index
        %get3A_1384 = tpu.vector_load %arg10[%get3A_1383] {strides = array<i32>} : memref<32xf32, #tpu.memory_space<vmem>>, vector<16xf32>,
        %get3A_1385 = arith.constant 0 : index
        %get3A_1386 = tpu.vector_load %arg11[%get3A_1385] {strides = array<i32>} : memref<32xi32, #tpu.memory_space<vmem>>, vector<16xi32>,
        %broadcast_in_dim3A_1387 = arith.constant 0 : i32
        %broadcast_in_dim3A_1388 = vector.broadcast %broadcast_in_dim3A_1387 : i32 to vector<16xi32>
        %add3A_1389 = arith.constant 1 : i32
        %add3A_1390 = vector.broadcast %add3A_1389 : i32 to vector<16xi32>
        %add3A_1391 = arith.addi %iota3A, %add3A_1390 : vector<16xi32>
        %and3A_1392 = arith.constant 15 : i32
        %and3A_1393 = vector.broadcast %and3A_1392 : i32 to vector<16xi32>
        %and3A_1394 = arith.andi %add3A_1391, %and3A_1393 : vector<16xi32>
        %gather3A_1395 = tpu.vector_load_idx %arg10[%and3A_1394] : memref<32xf32, #tpu.memory_space<vmem>>[vector<16xi32>], vector<16xf32>,
        %gather3A_1396 = tpu.vector_load_idx %arg11[%and3A_1394] : memref<32xi32, #tpu.memory_space<vmem>>[vector<16xi32>], vector<16xi32>,
        %gt3A = arith.cmpf ogt, %gather3A_1395, %get3A_1384 : vector<16xf32>
        %eq3A_1397 = arith.cmpf oeq, %gather3A_1395, %get3A_1384 : vector<16xf32>
        %lt3A_1398 = arith.cmpi slt, %gather3A_1396, %get3A_1386 : vector<16xi32>
        %and3A_1399 = arith.andi %eq3A_1397, %lt3A_1398 : vector<16xi1>
        %or3A = arith.ori %gt3A, %and3A_1399 : vector<16xi1>
        %jit3A_1400 = arith.constant 1 : i32
        %jit3A_1401 = arith.constant 0 : i32
        %broadcast_in_dim3A_1402 = vector.broadcast %jit3A_1400 : i32 to vector<16xi32>
        %broadcast_in_dim3A_1403 = vector.broadcast %jit3A_1401 : i32 to vector<16xi32>
        %select_n3A_1404 = arith.select %or3A, %broadcast_in_dim3A_1402, %broadcast_in_dim3A_1403 : vector<16xi1>, vector<16xi32>
        %add3A_1405 = arith.addi %broadcast_in_dim3A_1388, %select_n3A_1404 : vector<16xi32>
        %add3A_1406 = arith.constant 2 : i32
        %add3A_1407 = vector.broadcast %add3A_1406 : i32 to vector<16xi32>
        %add3A_1408 = arith.addi %iota3A, %add3A_1407 : vector<16xi32>
        %and3A_1409 = arith.constant 15 : i32
        %and3A_1410 = vector.broadcast %and3A_1409 : i32 to vector<16xi32>
        %and3A_1411 = arith.andi %add3A_1408, %and3A_1410 : vector<16xi32>
        %gather3A_1412 = tpu.vector_load_idx %arg10[%and3A_1411] : memref<32xf32, #tpu.memory_space<vmem>>[vector<16xi32>], vector<16xf32>,
        %gather3A_1413 = tpu.vector_load_idx %arg11[%and3A_1411] : memref<32xi32, #tpu.memory_space<vmem>>[vector<16xi32>], vector<16xi32>,
        %gt3A_1414 = arith.cmpf ogt, %gather3A_1412, %get3A_1384 : vector<16xf32>
        %eq3A_1415 = arith.cmpf oeq, %gather3A_1412, %get3A_1384 : vector<16xf32>
        %lt3A_1416 = arith.cmpi slt, %gather3A_1413, %get3A_1386 : vector<16xi32>
        %and3A_1417 = arith.andi %eq3A_1415, %lt3A_1416 : vector<16xi1>
        %or3A_1418 = arith.ori %gt3A_1414, %and3A_1417 : vector<16xi1>
        %jit3A_1419 = arith.constant 1 : i32
        %jit3A_1420 = arith.constant 0 : i32
        %broadcast_in_dim3A_1421 = vector.broadcast %jit3A_1419 : i32 to vector<16xi32>
        %broadcast_in_dim3A_1422 = vector.broadcast %jit3A_1420 : i32 to vector<16xi32>
        %select_n3A_1423 = arith.select %or3A_1418, %broadcast_in_dim3A_1421, %broadcast_in_dim3A_1422 : vector<16xi1>, vector<16xi32>
        %add3A_1424 = arith.addi %add3A_1405, %select_n3A_1423 : vector<16xi32>
        %add3A_1425 = arith.constant 3 : i32
        %add3A_1426 = vector.broadcast %add3A_1425 : i32 to vector<16xi32>
        %add3A_1427 = arith.addi %iota3A, %add3A_1426 : vector<16xi32>
        %and3A_1428 = arith.constant 15 : i32
        %and3A_1429 = vector.broadcast %and3A_1428 : i32 to vector<16xi32>
        %and3A_1430 = arith.andi %add3A_1427, %and3A_1429 : vector<16xi32>
        %gather3A_1431 = tpu.vector_load_idx %arg10[%and3A_1430] : memref<32xf32, #tpu.memory_space<vmem>>[vector<16xi32>], vector<16xf32>,
        %gather3A_1432 = tpu.vector_load_idx %arg11[%and3A_1430] : memref<32xi32, #tpu.memory_space<vmem>>[vector<16xi32>], vector<16xi32>,
        %gt3A_1433 = arith.cmpf ogt, %gather3A_1431, %get3A_1384 : vector<16xf32>
        %eq3A_1434 = arith.cmpf oeq, %gather3A_1431, %get3A_1384 : vector<16xf32>
        %lt3A_1435 = arith.cmpi slt, %gather3A_1432, %get3A_1386 : vector<16xi32>
        %and3A_1436 = arith.andi %eq3A_1434, %lt3A_1435 : vector<16xi1>
        %or3A_1437 = arith.ori %gt3A_1433, %and3A_1436 : vector<16xi1>
        %jit3A_1438 = arith.constant 1 : i32
        %jit3A_1439 = arith.constant 0 : i32
        %broadcast_in_dim3A_1440 = vector.broadcast %jit3A_1438 : i32 to vector<16xi32>
        %broadcast_in_dim3A_1441 = vector.broadcast %jit3A_1439 : i32 to vector<16xi32>
        %select_n3A_1442 = arith.select %or3A_1437, %broadcast_in_dim3A_1440, %broadcast_in_dim3A_1441 : vector<16xi1>, vector<16xi32>
        %add3A_1443 = arith.addi %add3A_1424, %select_n3A_1442 : vector<16xi32>
        %add3A_1444 = arith.constant 4 : i32
        %add3A_1445 = vector.broadcast %add3A_1444 : i32 to vector<16xi32>
        %add3A_1446 = arith.addi %iota3A, %add3A_1445 : vector<16xi32>
        %and3A_1447 = arith.constant 15 : i32
        %and3A_1448 = vector.broadcast %and3A_1447 : i32 to vector<16xi32>
        %and3A_1449 = arith.andi %add3A_1446, %and3A_1448 : vector<16xi32>
        %gather3A_1450 = tpu.vector_load_idx %arg10[%and3A_1449] : memref<32xf32, #tpu.memory_space<vmem>>[vector<16xi32>], vector<16xf32>,
        %gather3A_1451 = tpu.vector_load_idx %arg11[%and3A_1449] : memref<32xi32, #tpu.memory_space<vmem>>[vector<16xi32>], vector<16xi32>,
        %gt3A_1452 = arith.cmpf ogt, %gather3A_1450, %get3A_1384 : vector<16xf32>
        %eq3A_1453 = arith.cmpf oeq, %gather3A_1450, %get3A_1384 : vector<16xf32>
        %lt3A_1454 = arith.cmpi slt, %gather3A_1451, %get3A_1386 : vector<16xi32>
        %and3A_1455 = arith.andi %eq3A_1453, %lt3A_1454 : vector<16xi1>
        %or3A_1456 = arith.ori %gt3A_1452, %and3A_1455 : vector<16xi1>
        %jit3A_1457 = arith.constant 1 : i32
        %jit3A_1458 = arith.constant 0 : i32
        %broadcast_in_dim3A_1459 = vector.broadcast %jit3A_1457 : i32 to vector<16xi32>
        %broadcast_in_dim3A_1460 = vector.broadcast %jit3A_1458 : i32 to vector<16xi32>
        %select_n3A_1461 = arith.select %or3A_1456, %broadcast_in_dim3A_1459, %broadcast_in_dim3A_1460 : vector<16xi1>, vector<16xi32>
        %add3A_1462 = arith.addi %add3A_1443, %select_n3A_1461 : vector<16xi32>
        %add3A_1463 = arith.constant 5 : i32
        %add3A_1464 = vector.broadcast %add3A_1463 : i32 to vector<16xi32>
        %add3A_1465 = arith.addi %iota3A, %add3A_1464 : vector<16xi32>
        %and3A_1466 = arith.constant 15 : i32
        %and3A_1467 = vector.broadcast %and3A_1466 : i32 to vector<16xi32>
        %and3A_1468 = arith.andi %add3A_1465, %and3A_1467 : vector<16xi32>
        %gather3A_1469 = tpu.vector_load_idx %arg10[%and3A_1468] : memref<32xf32, #tpu.memory_space<vmem>>[vector<16xi32>], vector<16xf32>,
        %gather3A_1470 = tpu.vector_load_idx %arg11[%and3A_1468] : memref<32xi32, #tpu.memory_space<vmem>>[vector<16xi32>], vector<16xi32>,
        %gt3A_1471 = arith.cmpf ogt, %gather3A_1469, %get3A_1384 : vector<16xf32>
        %eq3A_1472 = arith.cmpf oeq, %gather3A_1469, %get3A_1384 : vector<16xf32>
        %lt3A_1473 = arith.cmpi slt, %gather3A_1470, %get3A_1386 : vector<16xi32>
        %and3A_1474 = arith.andi %eq3A_1472, %lt3A_1473 : vector<16xi1>
        %or3A_1475 = arith.ori %gt3A_1471, %and3A_1474 : vector<16xi1>
        %jit3A_1476 = arith.constant 1 : i32
        %jit3A_1477 = arith.constant 0 : i32
        %broadcast_in_dim3A_1478 = vector.broadcast %jit3A_1476 : i32 to vector<16xi32>
        %broadcast_in_dim3A_1479 = vector.broadcast %jit3A_1477 : i32 to vector<16xi32>
        %select_n3A_1480 = arith.select %or3A_1475, %broadcast_in_dim3A_1478, %broadcast_in_dim3A_1479 : vector<16xi1>, vector<16xi32>
        %add3A_1481 = arith.addi %add3A_1462, %select_n3A_1480 : vector<16xi32>
        %add3A_1482 = arith.constant 6 : i32
        %add3A_1483 = vector.broadcast %add3A_1482 : i32 to vector<16xi32>
        %add3A_1484 = arith.addi %iota3A, %add3A_1483 : vector<16xi32>
        %and3A_1485 = arith.constant 15 : i32
        %and3A_1486 = vector.broadcast %and3A_1485 : i32 to vector<16xi32>
        %and3A_1487 = arith.andi %add3A_1484, %and3A_1486 : vector<16xi32>
        %gather3A_1488 = tpu.vector_load_idx %arg10[%and3A_1487] : memref<32xf32, #tpu.memory_space<vmem>>[vector<16xi32>], vector<16xf32>,
        %gather3A_1489 = tpu.vector_load_idx %arg11[%and3A_1487] : memref<32xi32, #tpu.memory_space<vmem>>[vector<16xi32>], vector<16xi32>,
        %gt3A_1490 = arith.cmpf ogt, %gather3A_1488, %get3A_1384 : vector<16xf32>
        %eq3A_1491 = arith.cmpf oeq, %gather3A_1488, %get3A_1384 : vector<16xf32>
        %lt3A_1492 = arith.cmpi slt, %gather3A_1489, %get3A_1386 : vector<16xi32>
        %and3A_1493 = arith.andi %eq3A_1491, %lt3A_1492 : vector<16xi1>
        %or3A_1494 = arith.ori %gt3A_1490, %and3A_1493 : vector<16xi1>
        %jit3A_1495 = arith.constant 1 : i32
        %jit3A_1496 = arith.constant 0 : i32
        %broadcast_in_dim3A_1497 = vector.broadcast %jit3A_1495 : i32 to vector<16xi32>
        %broadcast_in_dim3A_1498 = vector.broadcast %jit3A_1496 : i32 to vector<16xi32>
        %select_n3A_1499 = arith.select %or3A_1494, %broadcast_in_dim3A_1497, %broadcast_in_dim3A_1498 : vector<16xi1>, vector<16xi32>
        %add3A_1500 = arith.addi %add3A_1481, %select_n3A_1499 : vector<16xi32>
        %add3A_1501 = arith.constant 7 : i32
        %add3A_1502 = vector.broadcast %add3A_1501 : i32 to vector<16xi32>
        %add3A_1503 = arith.addi %iota3A, %add3A_1502 : vector<16xi32>
        %and3A_1504 = arith.constant 15 : i32
        %and3A_1505 = vector.broadcast %and3A_1504 : i32 to vector<16xi32>
        %and3A_1506 = arith.andi %add3A_1503, %and3A_1505 : vector<16xi32>
        %gather3A_1507 = tpu.vector_load_idx %arg10[%and3A_1506] : memref<32xf32, #tpu.memory_space<vmem>>[vector<16xi32>], vector<16xf32>,
        %gather3A_1508 = tpu.vector_load_idx %arg11[%and3A_1506] : memref<32xi32, #tpu.memory_space<vmem>>[vector<16xi32>], vector<16xi32>,
        %gt3A_1509 = arith.cmpf ogt, %gather3A_1507, %get3A_1384 : vector<16xf32>
        %eq3A_1510 = arith.cmpf oeq, %gather3A_1507, %get3A_1384 : vector<16xf32>
        %lt3A_1511 = arith.cmpi slt, %gather3A_1508, %get3A_1386 : vector<16xi32>
        %and3A_1512 = arith.andi %eq3A_1510, %lt3A_1511 : vector<16xi1>
        %or3A_1513 = arith.ori %gt3A_1509, %and3A_1512 : vector<16xi1>
        %jit3A_1514 = arith.constant 1 : i32
        %jit3A_1515 = arith.constant 0 : i32
        %broadcast_in_dim3A_1516 = vector.broadcast %jit3A_1514 : i32 to vector<16xi32>
        %broadcast_in_dim3A_1517 = vector.broadcast %jit3A_1515 : i32 to vector<16xi32>
        %select_n3A_1518 = arith.select %or3A_1513, %broadcast_in_dim3A_1516, %broadcast_in_dim3A_1517 : vector<16xi1>, vector<16xi32>
        %add3A_1519 = arith.addi %add3A_1500, %select_n3A_1518 : vector<16xi32>
        %add3A_1520 = arith.constant 8 : i32
        %add3A_1521 = vector.broadcast %add3A_1520 : i32 to vector<16xi32>
        %add3A_1522 = arith.addi %iota3A, %add3A_1521 : vector<16xi32>
        %and3A_1523 = arith.constant 15 : i32
        %and3A_1524 = vector.broadcast %and3A_1523 : i32 to vector<16xi32>
        %and3A_1525 = arith.andi %add3A_1522, %and3A_1524 : vector<16xi32>
        %gather3A_1526 = tpu.vector_load_idx %arg10[%and3A_1525] : memref<32xf32, #tpu.memory_space<vmem>>[vector<16xi32>], vector<16xf32>,
        %gather3A_1527 = tpu.vector_load_idx %arg11[%and3A_1525] : memref<32xi32, #tpu.memory_space<vmem>>[vector<16xi32>], vector<16xi32>,
        %gt3A_1528 = arith.cmpf ogt, %gather3A_1526, %get3A_1384 : vector<16xf32>
        %eq3A_1529 = arith.cmpf oeq, %gather3A_1526, %get3A_1384 : vector<16xf32>
        %lt3A_1530 = arith.cmpi slt, %gather3A_1527, %get3A_1386 : vector<16xi32>
        %and3A_1531 = arith.andi %eq3A_1529, %lt3A_1530 : vector<16xi1>
        %or3A_1532 = arith.ori %gt3A_1528, %and3A_1531 : vector<16xi1>
        %jit3A_1533 = arith.constant 1 : i32
        %jit3A_1534 = arith.constant 0 : i32
        %broadcast_in_dim3A_1535 = vector.broadcast %jit3A_1533 : i32 to vector<16xi32>
        %broadcast_in_dim3A_1536 = vector.broadcast %jit3A_1534 : i32 to vector<16xi32>
        %select_n3A_1537 = arith.select %or3A_1532, %broadcast_in_dim3A_1535, %broadcast_in_dim3A_1536 : vector<16xi1>, vector<16xi32>
        %add3A_1538 = arith.addi %add3A_1519, %select_n3A_1537 : vector<16xi32>
        %add3A_1539 = arith.constant 9 : i32
        %add3A_1540 = vector.broadcast %add3A_1539 : i32 to vector<16xi32>
        %add3A_1541 = arith.addi %iota3A, %add3A_1540 : vector<16xi32>
        %and3A_1542 = arith.constant 15 : i32
        %and3A_1543 = vector.broadcast %and3A_1542 : i32 to vector<16xi32>
        %and3A_1544 = arith.andi %add3A_1541, %and3A_1543 : vector<16xi32>
        %gather3A_1545 = tpu.vector_load_idx %arg10[%and3A_1544] : memref<32xf32, #tpu.memory_space<vmem>>[vector<16xi32>], vector<16xf32>,
        %gather3A_1546 = tpu.vector_load_idx %arg11[%and3A_1544] : memref<32xi32, #tpu.memory_space<vmem>>[vector<16xi32>], vector<16xi32>,
        %gt3A_1547 = arith.cmpf ogt, %gather3A_1545, %get3A_1384 : vector<16xf32>
        %eq3A_1548 = arith.cmpf oeq, %gather3A_1545, %get3A_1384 : vector<16xf32>
        %lt3A_1549 = arith.cmpi slt, %gather3A_1546, %get3A_1386 : vector<16xi32>
        %and3A_1550 = arith.andi %eq3A_1548, %lt3A_1549 : vector<16xi1>
        %or3A_1551 = arith.ori %gt3A_1547, %and3A_1550 : vector<16xi1>
        %jit3A_1552 = arith.constant 1 : i32
        %jit3A_1553 = arith.constant 0 : i32
        %broadcast_in_dim3A_1554 = vector.broadcast %jit3A_1552 : i32 to vector<16xi32>
        %broadcast_in_dim3A_1555 = vector.broadcast %jit3A_1553 : i32 to vector<16xi32>
        %select_n3A_1556 = arith.select %or3A_1551, %broadcast_in_dim3A_1554, %broadcast_in_dim3A_1555 : vector<16xi1>, vector<16xi32>
        %add3A_1557 = arith.addi %add3A_1538, %select_n3A_1556 : vector<16xi32>
        %add3A_1558 = arith.constant 10 : i32
        %add3A_1559 = vector.broadcast %add3A_1558 : i32 to vector<16xi32>
        %add3A_1560 = arith.addi %iota3A, %add3A_1559 : vector<16xi32>
        %and3A_1561 = arith.constant 15 : i32
        %and3A_1562 = vector.broadcast %and3A_1561 : i32 to vector<16xi32>
        %and3A_1563 = arith.andi %add3A_1560, %and3A_1562 : vector<16xi32>
        %gather3A_1564 = tpu.vector_load_idx %arg10[%and3A_1563] : memref<32xf32, #tpu.memory_space<vmem>>[vector<16xi32>], vector<16xf32>,
        %gather3A_1565 = tpu.vector_load_idx %arg11[%and3A_1563] : memref<32xi32, #tpu.memory_space<vmem>>[vector<16xi32>], vector<16xi32>,
        %gt3A_1566 = arith.cmpf ogt, %gather3A_1564, %get3A_1384 : vector<16xf32>
        %eq3A_1567 = arith.cmpf oeq, %gather3A_1564, %get3A_1384 : vector<16xf32>
        %lt3A_1568 = arith.cmpi slt, %gather3A_1565, %get3A_1386 : vector<16xi32>
        %and3A_1569 = arith.andi %eq3A_1567, %lt3A_1568 : vector<16xi1>
        %or3A_1570 = arith.ori %gt3A_1566, %and3A_1569 : vector<16xi1>
        %jit3A_1571 = arith.constant 1 : i32
        %jit3A_1572 = arith.constant 0 : i32
        %broadcast_in_dim3A_1573 = vector.broadcast %jit3A_1571 : i32 to vector<16xi32>
        %broadcast_in_dim3A_1574 = vector.broadcast %jit3A_1572 : i32 to vector<16xi32>
        %select_n3A_1575 = arith.select %or3A_1570, %broadcast_in_dim3A_1573, %broadcast_in_dim3A_1574 : vector<16xi1>, vector<16xi32>
        %add3A_1576 = arith.addi %add3A_1557, %select_n3A_1575 : vector<16xi32>
        %add3A_1577 = arith.constant 11 : i32
        %add3A_1578 = vector.broadcast %add3A_1577 : i32 to vector<16xi32>
        %add3A_1579 = arith.addi %iota3A, %add3A_1578 : vector<16xi32>
        %and3A_1580 = arith.constant 15 : i32
        %and3A_1581 = vector.broadcast %and3A_1580 : i32 to vector<16xi32>
        %and3A_1582 = arith.andi %add3A_1579, %and3A_1581 : vector<16xi32>
        %gather3A_1583 = tpu.vector_load_idx %arg10[%and3A_1582] : memref<32xf32, #tpu.memory_space<vmem>>[vector<16xi32>], vector<16xf32>,
        %gather3A_1584 = tpu.vector_load_idx %arg11[%and3A_1582] : memref<32xi32, #tpu.memory_space<vmem>>[vector<16xi32>], vector<16xi32>,
        %gt3A_1585 = arith.cmpf ogt, %gather3A_1583, %get3A_1384 : vector<16xf32>
        %eq3A_1586 = arith.cmpf oeq, %gather3A_1583, %get3A_1384 : vector<16xf32>
        %lt3A_1587 = arith.cmpi slt, %gather3A_1584, %get3A_1386 : vector<16xi32>
        %and3A_1588 = arith.andi %eq3A_1586, %lt3A_1587 : vector<16xi1>
        %or3A_1589 = arith.ori %gt3A_1585, %and3A_1588 : vector<16xi1>
        %jit3A_1590 = arith.constant 1 : i32
        %jit3A_1591 = arith.constant 0 : i32
        %broadcast_in_dim3A_1592 = vector.broadcast %jit3A_1590 : i32 to vector<16xi32>
        %broadcast_in_dim3A_1593 = vector.broadcast %jit3A_1591 : i32 to vector<16xi32>
        %select_n3A_1594 = arith.select %or3A_1589, %broadcast_in_dim3A_1592, %broadcast_in_dim3A_1593 : vector<16xi1>, vector<16xi32>
        %add3A_1595 = arith.addi %add3A_1576, %select_n3A_1594 : vector<16xi32>
        %add3A_1596 = arith.constant 12 : i32
        %add3A_1597 = vector.broadcast %add3A_1596 : i32 to vector<16xi32>
        %add3A_1598 = arith.addi %iota3A, %add3A_1597 : vector<16xi32>
        %and3A_1599 = arith.constant 15 : i32
        %and3A_1600 = vector.broadcast %and3A_1599 : i32 to vector<16xi32>
        %and3A_1601 = arith.andi %add3A_1598, %and3A_1600 : vector<16xi32>
        %gather3A_1602 = tpu.vector_load_idx %arg10[%and3A_1601] : memref<32xf32, #tpu.memory_space<vmem>>[vector<16xi32>], vector<16xf32>,
        %gather3A_1603 = tpu.vector_load_idx %arg11[%and3A_1601] : memref<32xi32, #tpu.memory_space<vmem>>[vector<16xi32>], vector<16xi32>,
        %gt3A_1604 = arith.cmpf ogt, %gather3A_1602, %get3A_1384 : vector<16xf32>
        %eq3A_1605 = arith.cmpf oeq, %gather3A_1602, %get3A_1384 : vector<16xf32>
        %lt3A_1606 = arith.cmpi slt, %gather3A_1603, %get3A_1386 : vector<16xi32>
        %and3A_1607 = arith.andi %eq3A_1605, %lt3A_1606 : vector<16xi1>
        %or3A_1608 = arith.ori %gt3A_1604, %and3A_1607 : vector<16xi1>
        %jit3A_1609 = arith.constant 1 : i32
        %jit3A_1610 = arith.constant 0 : i32
        %broadcast_in_dim3A_1611 = vector.broadcast %jit3A_1609 : i32 to vector<16xi32>
        %broadcast_in_dim3A_1612 = vector.broadcast %jit3A_1610 : i32 to vector<16xi32>
        %select_n3A_1613 = arith.select %or3A_1608, %broadcast_in_dim3A_1611, %broadcast_in_dim3A_1612 : vector<16xi1>, vector<16xi32>
        %add3A_1614 = arith.addi %add3A_1595, %select_n3A_1613 : vector<16xi32>
        %add3A_1615 = arith.constant 13 : i32
        %add3A_1616 = vector.broadcast %add3A_1615 : i32 to vector<16xi32>
        %add3A_1617 = arith.addi %iota3A, %add3A_1616 : vector<16xi32>
        %and3A_1618 = arith.constant 15 : i32
        %and3A_1619 = vector.broadcast %and3A_1618 : i32 to vector<16xi32>
        %and3A_1620 = arith.andi %add3A_1617, %and3A_1619 : vector<16xi32>
        %gather3A_1621 = tpu.vector_load_idx %arg10[%and3A_1620] : memref<32xf32, #tpu.memory_space<vmem>>[vector<16xi32>], vector<16xf32>,
        %gather3A_1622 = tpu.vector_load_idx %arg11[%and3A_1620] : memref<32xi32, #tpu.memory_space<vmem>>[vector<16xi32>], vector<16xi32>,
        %gt3A_1623 = arith.cmpf ogt, %gather3A_1621, %get3A_1384 : vector<16xf32>
        %eq3A_1624 = arith.cmpf oeq, %gather3A_1621, %get3A_1384 : vector<16xf32>
        %lt3A_1625 = arith.cmpi slt, %gather3A_1622, %get3A_1386 : vector<16xi32>
        %and3A_1626 = arith.andi %eq3A_1624, %lt3A_1625 : vector<16xi1>
        %or3A_1627 = arith.ori %gt3A_1623, %and3A_1626 : vector<16xi1>
        %jit3A_1628 = arith.constant 1 : i32
        %jit3A_1629 = arith.constant 0 : i32
        %broadcast_in_dim3A_1630 = vector.broadcast %jit3A_1628 : i32 to vector<16xi32>
        %broadcast_in_dim3A_1631 = vector.broadcast %jit3A_1629 : i32 to vector<16xi32>
        %select_n3A_1632 = arith.select %or3A_1627, %broadcast_in_dim3A_1630, %broadcast_in_dim3A_1631 : vector<16xi1>, vector<16xi32>
        %add3A_1633 = arith.addi %add3A_1614, %select_n3A_1632 : vector<16xi32>
        %add3A_1634 = arith.constant 14 : i32
        %add3A_1635 = vector.broadcast %add3A_1634 : i32 to vector<16xi32>
        %add3A_1636 = arith.addi %iota3A, %add3A_1635 : vector<16xi32>
        %and3A_1637 = arith.constant 15 : i32
        %and3A_1638 = vector.broadcast %and3A_1637 : i32 to vector<16xi32>
        %and3A_1639 = arith.andi %add3A_1636, %and3A_1638 : vector<16xi32>
        %gather3A_1640 = tpu.vector_load_idx %arg10[%and3A_1639] : memref<32xf32, #tpu.memory_space<vmem>>[vector<16xi32>], vector<16xf32>,
        %gather3A_1641 = tpu.vector_load_idx %arg11[%and3A_1639] : memref<32xi32, #tpu.memory_space<vmem>>[vector<16xi32>], vector<16xi32>,
        %gt3A_1642 = arith.cmpf ogt, %gather3A_1640, %get3A_1384 : vector<16xf32>
        %eq3A_1643 = arith.cmpf oeq, %gather3A_1640, %get3A_1384 : vector<16xf32>
        %lt3A_1644 = arith.cmpi slt, %gather3A_1641, %get3A_1386 : vector<16xi32>
        %and3A_1645 = arith.andi %eq3A_1643, %lt3A_1644 : vector<16xi1>
        %or3A_1646 = arith.ori %gt3A_1642, %and3A_1645 : vector<16xi1>
        %jit3A_1647 = arith.constant 1 : i32
        %jit3A_1648 = arith.constant 0 : i32
        %broadcast_in_dim3A_1649 = vector.broadcast %jit3A_1647 : i32 to vector<16xi32>
        %broadcast_in_dim3A_1650 = vector.broadcast %jit3A_1648 : i32 to vector<16xi32>
        %select_n3A_1651 = arith.select %or3A_1646, %broadcast_in_dim3A_1649, %broadcast_in_dim3A_1650 : vector<16xi1>, vector<16xi32>
        %add3A_1652 = arith.addi %add3A_1633, %select_n3A_1651 : vector<16xi32>
        %add3A_1653 = arith.constant 15 : i32
        %add3A_1654 = vector.broadcast %add3A_1653 : i32 to vector<16xi32>
        %add3A_1655 = arith.addi %iota3A, %add3A_1654 : vector<16xi32>
        %and3A_1656 = arith.constant 15 : i32
        %and3A_1657 = vector.broadcast %and3A_1656 : i32 to vector<16xi32>
        %and3A_1658 = arith.andi %add3A_1655, %and3A_1657 : vector<16xi32>
        %gather3A_1659 = tpu.vector_load_idx %arg10[%and3A_1658] : memref<32xf32, #tpu.memory_space<vmem>>[vector<16xi32>], vector<16xf32>,
        %gather3A_1660 = tpu.vector_load_idx %arg11[%and3A_1658] : memref<32xi32, #tpu.memory_space<vmem>>[vector<16xi32>], vector<16xi32>,
        %gt3A_1661 = arith.cmpf ogt, %gather3A_1659, %get3A_1384 : vector<16xf32>
        %eq3A_1662 = arith.cmpf oeq, %gather3A_1659, %get3A_1384 : vector<16xf32>
        %lt3A_1663 = arith.cmpi slt, %gather3A_1660, %get3A_1386 : vector<16xi32>
        %and3A_1664 = arith.andi %eq3A_1662, %lt3A_1663 : vector<16xi1>
        %or3A_1665 = arith.ori %gt3A_1661, %and3A_1664 : vector<16xi1>
        %jit3A_1666 = arith.constant 1 : i32
        %jit3A_1667 = arith.constant 0 : i32
        %broadcast_in_dim3A_1668 = vector.broadcast %jit3A_1666 : i32 to vector<16xi32>
        %broadcast_in_dim3A_1669 = vector.broadcast %jit3A_1667 : i32 to vector<16xi32>
        %select_n3A_1670 = arith.select %or3A_1665, %broadcast_in_dim3A_1668, %broadcast_in_dim3A_1669 : vector<16xi1>, vector<16xi32>
        %add3A_1671 = arith.addi %add3A_1652, %select_n3A_1670 : vector<16xi32>
        %lt3A_1672 = arith.constant 8 : i32
        %lt3A_1673 = vector.broadcast %lt3A_1672 : i32 to vector<16xi32>
        %lt3A_1674 = arith.cmpi slt, %add3A_1671, %lt3A_1673 : vector<16xi32>
        %swap3A_1675 = arith.constant 0 : index
        %swap3A_1676 = tpu.vector_load %arg10[%swap3A_1675] masked %lt3A_1674 {strides = array<i32>} : memref<32xf32, #tpu.memory_space<vmem>>, vector<16xf32>, vector<16xi1>
        tpu.vector_store %arg10[%swap3A_1675], %get3A_1384 masked %lt3A_1674 {strides = array<i32>} : memref<32xf32, #tpu.memory_space<vmem>>, vector<16xf32>, vector<16xi1>
        %swap3A_1677 = arith.constant 0 : index
        %swap3A_1678 = tpu.vector_load %arg11[%swap3A_1677] masked %lt3A_1674 {strides = array<i32>} : memref<32xi32, #tpu.memory_space<vmem>>, vector<16xi32>, vector<16xi1>
        tpu.vector_store %arg11[%swap3A_1677], %get3A_1386 masked %lt3A_1674 {strides = array<i32>} : memref<32xi32, #tpu.memory_space<vmem>>, vector<16xi32>, vector<16xi1>
      }
      %broadcast_in_dim3A_159 = arith.constant 0xFF800000 : f32
      %broadcast_in_dim3A_160 = vector.broadcast %broadcast_in_dim3A_159 : f32 to vector<16xf32>
      %swap3A_161 = arith.constant 8 : index
      %swap3A_162 = tpu.vector_load %arg10[%swap3A_161] {strides = array<i32>} : memref<32xf32, #tpu.memory_space<vmem>>, vector<16xf32>,
      tpu.vector_store %arg10[%swap3A_161], %broadcast_in_dim3A_160 {strides = array<i32>} : memref<32xf32, #tpu.memory_space<vmem>>, vector<16xf32>,
      %add3A_163 = arith.constant 32768 : i32
      %add3A_164 = vector.broadcast %add3A_163 : i32 to vector<16xi32>
      %add3A_165 = arith.addi %add3A_164, %iota3A : vector<16xi32>
      %swap3A_166 = arith.constant 8 : index
      %swap3A_167 = tpu.vector_load %arg11[%swap3A_166] {strides = array<i32>} : memref<32xi32, #tpu.memory_space<vmem>>, vector<16xi32>,
      tpu.vector_store %arg11[%swap3A_166], %add3A_165 {strides = array<i32>} : memref<32xi32, #tpu.memory_space<vmem>>, vector<16xi32>,
      %get3A = arith.constant 0 : index
      %get3A_168 = tpu.vector_load %arg11[%get3A] {strides = array<i32>} : memref<32xi32, #tpu.memory_space<vmem>>, vector<16xi32>,
      %get3A_169 = arith.constant 0 : index
      %get3A_170 = tpu.vector_load %arg10[%get3A_169] {strides = array<i32>} : memref<32xf32, #tpu.memory_space<vmem>>, vector<16xf32>,
      %broadcast_in_dim3A_171 = arith.constant 0 : i32
      %broadcast_in_dim3A_172 = vector.broadcast %broadcast_in_dim3A_171 : i32 to vector<16xi32>
      %add3A_173 = arith.constant 1 : i32
      %add3A_174 = vector.broadcast %add3A_173 : i32 to vector<16xi32>
      %add3A_175 = arith.addi %iota3A, %add3A_174 : vector<16xi32>
      %and3A_176 = arith.constant 15 : i32
      %and3A_177 = vector.broadcast %and3A_176 : i32 to vector<16xi32>
      %and3A_178 = arith.andi %add3A_175, %and3A_177 : vector<16xi32>
      %gather3A = tpu.vector_load_idx %arg11[%and3A_178] : memref<32xi32, #tpu.memory_space<vmem>>[vector<16xi32>], vector<16xi32>,
      %lt3A_179 = arith.cmpi slt, %gather3A, %get3A_168 : vector<16xi32>
      %jit3A_180 = arith.constant 1 : i32
      %jit3A_181 = arith.constant 0 : i32
      %broadcast_in_dim3A_182 = vector.broadcast %jit3A_180 : i32 to vector<16xi32>
      %broadcast_in_dim3A_183 = vector.broadcast %jit3A_181 : i32 to vector<16xi32>
      %select_n3A_184 = arith.select %lt3A_179, %broadcast_in_dim3A_182, %broadcast_in_dim3A_183 : vector<16xi1>, vector<16xi32>
      %add3A_185 = arith.addi %broadcast_in_dim3A_172, %select_n3A_184 : vector<16xi32>
      %add3A_186 = arith.constant 2 : i32
      %add3A_187 = vector.broadcast %add3A_186 : i32 to vector<16xi32>
      %add3A_188 = arith.addi %iota3A, %add3A_187 : vector<16xi32>
      %and3A_189 = arith.constant 15 : i32
      %and3A_190 = vector.broadcast %and3A_189 : i32 to vector<16xi32>
      %and3A_191 = arith.andi %add3A_188, %and3A_190 : vector<16xi32>
      %gather3A_192 = tpu.vector_load_idx %arg11[%and3A_191] : memref<32xi32, #tpu.memory_space<vmem>>[vector<16xi32>], vector<16xi32>,
      %lt3A_193 = arith.cmpi slt, %gather3A_192, %get3A_168 : vector<16xi32>
      %jit3A_194 = arith.constant 1 : i32
      %jit3A_195 = arith.constant 0 : i32
      %broadcast_in_dim3A_196 = vector.broadcast %jit3A_194 : i32 to vector<16xi32>
      %broadcast_in_dim3A_197 = vector.broadcast %jit3A_195 : i32 to vector<16xi32>
      %select_n3A_198 = arith.select %lt3A_193, %broadcast_in_dim3A_196, %broadcast_in_dim3A_197 : vector<16xi1>, vector<16xi32>
      %add3A_199 = arith.addi %add3A_185, %select_n3A_198 : vector<16xi32>
      %add3A_200 = arith.constant 3 : i32
      %add3A_201 = vector.broadcast %add3A_200 : i32 to vector<16xi32>
      %add3A_202 = arith.addi %iota3A, %add3A_201 : vector<16xi32>
      %and3A_203 = arith.constant 15 : i32
      %and3A_204 = vector.broadcast %and3A_203 : i32 to vector<16xi32>
      %and3A_205 = arith.andi %add3A_202, %and3A_204 : vector<16xi32>
      %gather3A_206 = tpu.vector_load_idx %arg11[%and3A_205] : memref<32xi32, #tpu.memory_space<vmem>>[vector<16xi32>], vector<16xi32>,
      %lt3A_207 = arith.cmpi slt, %gather3A_206, %get3A_168 : vector<16xi32>
      %jit3A_208 = arith.constant 1 : i32
      %jit3A_209 = arith.constant 0 : i32
      %broadcast_in_dim3A_210 = vector.broadcast %jit3A_208 : i32 to vector<16xi32>
      %broadcast_in_dim3A_211 = vector.broadcast %jit3A_209 : i32 to vector<16xi32>
      %select_n3A_212 = arith.select %lt3A_207, %broadcast_in_dim3A_210, %broadcast_in_dim3A_211 : vector<16xi1>, vector<16xi32>
      %add3A_213 = arith.addi %add3A_199, %select_n3A_212 : vector<16xi32>
      %add3A_214 = arith.constant 4 : i32
      %add3A_215 = vector.broadcast %add3A_214 : i32 to vector<16xi32>
      %add3A_216 = arith.addi %iota3A, %add3A_215 : vector<16xi32>
      %and3A_217 = arith.constant 15 : i32
      %and3A_218 = vector.broadcast %and3A_217 : i32 to vector<16xi32>
      %and3A_219 = arith.andi %add3A_216, %and3A_218 : vector<16xi32>
      %gather3A_220 = tpu.vector_load_idx %arg11[%and3A_219] : memref<32xi32, #tpu.memory_space<vmem>>[vector<16xi32>], vector<16xi32>,
      %lt3A_221 = arith.cmpi slt, %gather3A_220, %get3A_168 : vector<16xi32>
      %jit3A_222 = arith.constant 1 : i32
      %jit3A_223 = arith.constant 0 : i32
      %broadcast_in_dim3A_224 = vector.broadcast %jit3A_222 : i32 to vector<16xi32>
      %broadcast_in_dim3A_225 = vector.broadcast %jit3A_223 : i32 to vector<16xi32>
      %select_n3A_226 = arith.select %lt3A_221, %broadcast_in_dim3A_224, %broadcast_in_dim3A_225 : vector<16xi1>, vector<16xi32>
      %add3A_227 = arith.addi %add3A_213, %select_n3A_226 : vector<16xi32>
      %add3A_228 = arith.constant 5 : i32
      %add3A_229 = vector.broadcast %add3A_228 : i32 to vector<16xi32>
      %add3A_230 = arith.addi %iota3A, %add3A_229 : vector<16xi32>
      %and3A_231 = arith.constant 15 : i32
      %and3A_232 = vector.broadcast %and3A_231 : i32 to vector<16xi32>
      %and3A_233 = arith.andi %add3A_230, %and3A_232 : vector<16xi32>
      %gather3A_234 = tpu.vector_load_idx %arg11[%and3A_233] : memref<32xi32, #tpu.memory_space<vmem>>[vector<16xi32>], vector<16xi32>,
      %lt3A_235 = arith.cmpi slt, %gather3A_234, %get3A_168 : vector<16xi32>
      %jit3A_236 = arith.constant 1 : i32
      %jit3A_237 = arith.constant 0 : i32
      %broadcast_in_dim3A_238 = vector.broadcast %jit3A_236 : i32 to vector<16xi32>
      %broadcast_in_dim3A_239 = vector.broadcast %jit3A_237 : i32 to vector<16xi32>
      %select_n3A_240 = arith.select %lt3A_235, %broadcast_in_dim3A_238, %broadcast_in_dim3A_239 : vector<16xi1>, vector<16xi32>
      %add3A_241 = arith.addi %add3A_227, %select_n3A_240 : vector<16xi32>
      %add3A_242 = arith.constant 6 : i32
      %add3A_243 = vector.broadcast %add3A_242 : i32 to vector<16xi32>
      %add3A_244 = arith.addi %iota3A, %add3A_243 : vector<16xi32>
      %and3A_245 = arith.constant 15 : i32
      %and3A_246 = vector.broadcast %and3A_245 : i32 to vector<16xi32>
      %and3A_247 = arith.andi %add3A_244, %and3A_246 : vector<16xi32>
      %gather3A_248 = tpu.vector_load_idx %arg11[%and3A_247] : memref<32xi32, #tpu.memory_space<vmem>>[vector<16xi32>], vector<16xi32>,
      %lt3A_249 = arith.cmpi slt, %gather3A_248, %get3A_168 : vector<16xi32>
      %jit3A_250 = arith.constant 1 : i32
      %jit3A_251 = arith.constant 0 : i32
      %broadcast_in_dim3A_252 = vector.broadcast %jit3A_250 : i32 to vector<16xi32>
      %broadcast_in_dim3A_253 = vector.broadcast %jit3A_251 : i32 to vector<16xi32>
      %select_n3A_254 = arith.select %lt3A_249, %broadcast_in_dim3A_252, %broadcast_in_dim3A_253 : vector<16xi1>, vector<16xi32>
      %add3A_255 = arith.addi %add3A_241, %select_n3A_254 : vector<16xi32>
      %add3A_256 = arith.constant 7 : i32
      %add3A_257 = vector.broadcast %add3A_256 : i32 to vector<16xi32>
      %add3A_258 = arith.addi %iota3A, %add3A_257 : vector<16xi32>
      %and3A_259 = arith.constant 15 : i32
      %and3A_260 = vector.broadcast %and3A_259 : i32 to vector<16xi32>
      %and3A_261 = arith.andi %add3A_258, %and3A_260 : vector<16xi32>
      %gather3A_262 = tpu.vector_load_idx %arg11[%and3A_261] : memref<32xi32, #tpu.memory_space<vmem>>[vector<16xi32>], vector<16xi32>,
      %lt3A_263 = arith.cmpi slt, %gather3A_262, %get3A_168 : vector<16xi32>
      %jit3A_264 = arith.constant 1 : i32
      %jit3A_265 = arith.constant 0 : i32
      %broadcast_in_dim3A_266 = vector.broadcast %jit3A_264 : i32 to vector<16xi32>
      %broadcast_in_dim3A_267 = vector.broadcast %jit3A_265 : i32 to vector<16xi32>
      %select_n3A_268 = arith.select %lt3A_263, %broadcast_in_dim3A_266, %broadcast_in_dim3A_267 : vector<16xi1>, vector<16xi32>
      %add3A_269 = arith.addi %add3A_255, %select_n3A_268 : vector<16xi32>
      %add3A_270 = arith.constant 8 : i32
      %add3A_271 = vector.broadcast %add3A_270 : i32 to vector<16xi32>
      %add3A_272 = arith.addi %iota3A, %add3A_271 : vector<16xi32>
      %and3A_273 = arith.constant 15 : i32
      %and3A_274 = vector.broadcast %and3A_273 : i32 to vector<16xi32>
      %and3A_275 = arith.andi %add3A_272, %and3A_274 : vector<16xi32>
      %gather3A_276 = tpu.vector_load_idx %arg11[%and3A_275] : memref<32xi32, #tpu.memory_space<vmem>>[vector<16xi32>], vector<16xi32>,
      %lt3A_277 = arith.cmpi slt, %gather3A_276, %get3A_168 : vector<16xi32>
      %jit3A_278 = arith.constant 1 : i32
      %jit3A_279 = arith.constant 0 : i32
      %broadcast_in_dim3A_280 = vector.broadcast %jit3A_278 : i32 to vector<16xi32>
      %broadcast_in_dim3A_281 = vector.broadcast %jit3A_279 : i32 to vector<16xi32>
      %select_n3A_282 = arith.select %lt3A_277, %broadcast_in_dim3A_280, %broadcast_in_dim3A_281 : vector<16xi1>, vector<16xi32>
      %add3A_283 = arith.addi %add3A_269, %select_n3A_282 : vector<16xi32>
      %add3A_284 = arith.constant 9 : i32
      %add3A_285 = vector.broadcast %add3A_284 : i32 to vector<16xi32>
      %add3A_286 = arith.addi %iota3A, %add3A_285 : vector<16xi32>
      %and3A_287 = arith.constant 15 : i32
      %and3A_288 = vector.broadcast %and3A_287 : i32 to vector<16xi32>
      %and3A_289 = arith.andi %add3A_286, %and3A_288 : vector<16xi32>
      %gather3A_290 = tpu.vector_load_idx %arg11[%and3A_289] : memref<32xi32, #tpu.memory_space<vmem>>[vector<16xi32>], vector<16xi32>,
      %lt3A_291 = arith.cmpi slt, %gather3A_290, %get3A_168 : vector<16xi32>
      %jit3A_292 = arith.constant 1 : i32
      %jit3A_293 = arith.constant 0 : i32
      %broadcast_in_dim3A_294 = vector.broadcast %jit3A_292 : i32 to vector<16xi32>
      %broadcast_in_dim3A_295 = vector.broadcast %jit3A_293 : i32 to vector<16xi32>
      %select_n3A_296 = arith.select %lt3A_291, %broadcast_in_dim3A_294, %broadcast_in_dim3A_295 : vector<16xi1>, vector<16xi32>
      %add3A_297 = arith.addi %add3A_283, %select_n3A_296 : vector<16xi32>
      %add3A_298 = arith.constant 10 : i32
      %add3A_299 = vector.broadcast %add3A_298 : i32 to vector<16xi32>
      %add3A_300 = arith.addi %iota3A, %add3A_299 : vector<16xi32>
      %and3A_301 = arith.constant 15 : i32
      %and3A_302 = vector.broadcast %and3A_301 : i32 to vector<16xi32>
      %and3A_303 = arith.andi %add3A_300, %and3A_302 : vector<16xi32>
      %gather3A_304 = tpu.vector_load_idx %arg11[%and3A_303] : memref<32xi32, #tpu.memory_space<vmem>>[vector<16xi32>], vector<16xi32>,
      %lt3A_305 = arith.cmpi slt, %gather3A_304, %get3A_168 : vector<16xi32>
      %jit3A_306 = arith.constant 1 : i32
      %jit3A_307 = arith.constant 0 : i32
      %broadcast_in_dim3A_308 = vector.broadcast %jit3A_306 : i32 to vector<16xi32>
      %broadcast_in_dim3A_309 = vector.broadcast %jit3A_307 : i32 to vector<16xi32>
      %select_n3A_310 = arith.select %lt3A_305, %broadcast_in_dim3A_308, %broadcast_in_dim3A_309 : vector<16xi1>, vector<16xi32>
      %add3A_311 = arith.addi %add3A_297, %select_n3A_310 : vector<16xi32>
      %add3A_312 = arith.constant 11 : i32
      %add3A_313 = vector.broadcast %add3A_312 : i32 to vector<16xi32>
      %add3A_314 = arith.addi %iota3A, %add3A_313 : vector<16xi32>
      %and3A_315 = arith.constant 15 : i32
      %and3A_316 = vector.broadcast %and3A_315 : i32 to vector<16xi32>
      %and3A_317 = arith.andi %add3A_314, %and3A_316 : vector<16xi32>
      %gather3A_318 = tpu.vector_load_idx %arg11[%and3A_317] : memref<32xi32, #tpu.memory_space<vmem>>[vector<16xi32>], vector<16xi32>,
      %lt3A_319 = arith.cmpi slt, %gather3A_318, %get3A_168 : vector<16xi32>
      %jit3A_320 = arith.constant 1 : i32
      %jit3A_321 = arith.constant 0 : i32
      %broadcast_in_dim3A_322 = vector.broadcast %jit3A_320 : i32 to vector<16xi32>
      %broadcast_in_dim3A_323 = vector.broadcast %jit3A_321 : i32 to vector<16xi32>
      %select_n3A_324 = arith.select %lt3A_319, %broadcast_in_dim3A_322, %broadcast_in_dim3A_323 : vector<16xi1>, vector<16xi32>
      %add3A_325 = arith.addi %add3A_311, %select_n3A_324 : vector<16xi32>
      %add3A_326 = arith.constant 12 : i32
      %add3A_327 = vector.broadcast %add3A_326 : i32 to vector<16xi32>
      %add3A_328 = arith.addi %iota3A, %add3A_327 : vector<16xi32>
      %and3A_329 = arith.constant 15 : i32
      %and3A_330 = vector.broadcast %and3A_329 : i32 to vector<16xi32>
      %and3A_331 = arith.andi %add3A_328, %and3A_330 : vector<16xi32>
      %gather3A_332 = tpu.vector_load_idx %arg11[%and3A_331] : memref<32xi32, #tpu.memory_space<vmem>>[vector<16xi32>], vector<16xi32>,
      %lt3A_333 = arith.cmpi slt, %gather3A_332, %get3A_168 : vector<16xi32>
      %jit3A_334 = arith.constant 1 : i32
      %jit3A_335 = arith.constant 0 : i32
      %broadcast_in_dim3A_336 = vector.broadcast %jit3A_334 : i32 to vector<16xi32>
      %broadcast_in_dim3A_337 = vector.broadcast %jit3A_335 : i32 to vector<16xi32>
      %select_n3A_338 = arith.select %lt3A_333, %broadcast_in_dim3A_336, %broadcast_in_dim3A_337 : vector<16xi1>, vector<16xi32>
      %add3A_339 = arith.addi %add3A_325, %select_n3A_338 : vector<16xi32>
      %add3A_340 = arith.constant 13 : i32
      %add3A_341 = vector.broadcast %add3A_340 : i32 to vector<16xi32>
      %add3A_342 = arith.addi %iota3A, %add3A_341 : vector<16xi32>
      %and3A_343 = arith.constant 15 : i32
      %and3A_344 = vector.broadcast %and3A_343 : i32 to vector<16xi32>
      %and3A_345 = arith.andi %add3A_342, %and3A_344 : vector<16xi32>
      %gather3A_346 = tpu.vector_load_idx %arg11[%and3A_345] : memref<32xi32, #tpu.memory_space<vmem>>[vector<16xi32>], vector<16xi32>,
      %lt3A_347 = arith.cmpi slt, %gather3A_346, %get3A_168 : vector<16xi32>
      %jit3A_348 = arith.constant 1 : i32
      %jit3A_349 = arith.constant 0 : i32
      %broadcast_in_dim3A_350 = vector.broadcast %jit3A_348 : i32 to vector<16xi32>
      %broadcast_in_dim3A_351 = vector.broadcast %jit3A_349 : i32 to vector<16xi32>
      %select_n3A_352 = arith.select %lt3A_347, %broadcast_in_dim3A_350, %broadcast_in_dim3A_351 : vector<16xi1>, vector<16xi32>
      %add3A_353 = arith.addi %add3A_339, %select_n3A_352 : vector<16xi32>
      %add3A_354 = arith.constant 14 : i32
      %add3A_355 = vector.broadcast %add3A_354 : i32 to vector<16xi32>
      %add3A_356 = arith.addi %iota3A, %add3A_355 : vector<16xi32>
      %and3A_357 = arith.constant 15 : i32
      %and3A_358 = vector.broadcast %and3A_357 : i32 to vector<16xi32>
      %and3A_359 = arith.andi %add3A_356, %and3A_358 : vector<16xi32>
      %gather3A_360 = tpu.vector_load_idx %arg11[%and3A_359] : memref<32xi32, #tpu.memory_space<vmem>>[vector<16xi32>], vector<16xi32>,
      %lt3A_361 = arith.cmpi slt, %gather3A_360, %get3A_168 : vector<16xi32>
      %jit3A_362 = arith.constant 1 : i32
      %jit3A_363 = arith.constant 0 : i32
      %broadcast_in_dim3A_364 = vector.broadcast %jit3A_362 : i32 to vector<16xi32>
      %broadcast_in_dim3A_365 = vector.broadcast %jit3A_363 : i32 to vector<16xi32>
      %select_n3A_366 = arith.select %lt3A_361, %broadcast_in_dim3A_364, %broadcast_in_dim3A_365 : vector<16xi1>, vector<16xi32>
      %add3A_367 = arith.addi %add3A_353, %select_n3A_366 : vector<16xi32>
      %add3A_368 = arith.constant 15 : i32
      %add3A_369 = vector.broadcast %add3A_368 : i32 to vector<16xi32>
      %add3A_370 = arith.addi %iota3A, %add3A_369 : vector<16xi32>
      %and3A_371 = arith.constant 15 : i32
      %and3A_372 = vector.broadcast %and3A_371 : i32 to vector<16xi32>
      %and3A_373 = arith.andi %add3A_370, %and3A_372 : vector<16xi32>
      %gather3A_374 = tpu.vector_load_idx %arg11[%and3A_373] : memref<32xi32, #tpu.memory_space<vmem>>[vector<16xi32>], vector<16xi32>,
      %lt3A_375 = arith.cmpi slt, %gather3A_374, %get3A_168 : vector<16xi32>
      %jit3A_376 = arith.constant 1 : i32
      %jit3A_377 = arith.constant 0 : i32
      %broadcast_in_dim3A_378 = vector.broadcast %jit3A_376 : i32 to vector<16xi32>
      %broadcast_in_dim3A_379 = vector.broadcast %jit3A_377 : i32 to vector<16xi32>
      %select_n3A_380 = arith.select %lt3A_375, %broadcast_in_dim3A_378, %broadcast_in_dim3A_379 : vector<16xi1>, vector<16xi32>
      %add3A_381 = arith.addi %add3A_367, %select_n3A_380 : vector<16xi32>
      %mul3A_382 = arith.constant 8 : i32
      %mul3A_383 = arith.muli %add3A_100, %mul3A_382 : i32
      %add3A_384 = vector.broadcast %mul3A_383 : i32 to vector<16xi32>
      %add3A_385 = arith.addi %add3A_384, %add3A_381 : vector<16xi32>
      %lt3A_386 = arith.constant 8 : i32
      %lt3A_387 = vector.broadcast %lt3A_386 : i32 to vector<16xi32>
      %lt3A_388 = arith.cmpi slt, %iota3A, %lt3A_387 : vector<16xi32>
      tpu.vector_store_idx %arg12[%add3A_385], %get3A_170 masked %lt3A_388 : memref<2064xf32, #tpu.memory_space<vmem>>[vector<16xi32>], vector<16xf32>, vector<16xi1>
      %add3A_389 = arith.constant 4 : i32
      %add3A_390 = arith.addi %add3A_100, %add3A_389 : i32
      %lt3A_391 = arith.constant 256 : i32
      %lt3A_392 = arith.cmpi slt, %add3A_390, %lt3A_391 : i32
      %add3A_393 = arith.addi %mul3A_34, %add3A_100 : i32
      %add3A_394 = arith.constant 4 : i32
      %add3A_395 = arith.addi %add3A_393, %add3A_394 : i32
      %select_n3A_396 = arith.select %lt3A_392, %add3A_395, %mul3A_34 : i32
      %dma_start3A_397 = arith.constant 0 : i32
      %dma_start3A_398 = tpu.memref_slice %arg2[%select_n3A, %select_n3A_396, %dma_start3A_397] : memref<8x1024x8192xf32, #tpu.memory_space<hbm>> -> memref<1x1x8192xf32, #tpu.memory_space<hbm>>
      %dma_start3A_399 = tpu.memref_squeeze %dma_start3A_398 : memref<1x1x8192xf32, #tpu.memory_space<hbm>> -> memref<8192xf32, #tpu.memory_space<hbm>>
      %dma_start3A_400 = arith.constant 0 : i32
      %dma_start3A_401 = tpu.memref_slice %arg2[%select_n3A, %select_n3A_396, %dma_start3A_400] : memref<8x1024x8192xf32, #tpu.memory_space<hbm>> -> memref<1x1x8192xf32, #tpu.memory_space<hbm>>
      %dma_start3A_402 = tpu.memref_squeeze %dma_start3A_401 : memref<1x1x8192xf32, #tpu.memory_space<hbm>> -> memref<8192xf32, #tpu.memory_space<hbm>>
      tpu.enqueue_dma source(%dma_start3A_402 : memref<8192xf32, #tpu.memory_space<hbm>>) target(%arg4 : memref<8192xf32, #tpu.memory_space<vmem>>) target_semaphore(%arg13 : memref<!tpu.dma_semaphore, #tpu.memory_space<semaphore_mem>>)
      %mul3A_403 = arith.constant 4 : i32
      %mul3A_404 = arith.muli %scan3A_96, %mul3A_403 : i32
      %add3A_405 = arith.constant 1 : i32
      %add3A_406 = arith.addi %mul3A_404, %add3A_405 : i32
      %add3A_407 = arith.addi %mul3A_34, %add3A_406 : i32
      %dma_wait3A_408 = arith.constant 0 : i32
      %dma_wait3A_409 = tpu.memref_slice %arg2[%select_n3A, %add3A_407, %dma_wait3A_408] : memref<8x1024x8192xf32, #tpu.memory_space<hbm>> -> memref<1x1x8192xf32, #tpu.memory_space<hbm>>
      %dma_wait3A_410 = tpu.memref_squeeze %dma_wait3A_409 : memref<1x1x8192xf32, #tpu.memory_space<hbm>> -> memref<8192xf32, #tpu.memory_space<hbm>>
      %dma_wait3A_411 = arith.constant 0 : i32
      %dma_wait3A_412 = tpu.memref_slice %arg2[%select_n3A, %add3A_407, %dma_wait3A_411] : memref<8x1024x8192xf32, #tpu.memory_space<hbm>> -> memref<1x1x8192xf32, #tpu.memory_space<hbm>>
      %dma_wait3A_413 = tpu.memref_squeeze %dma_wait3A_412 : memref<1x1x8192xf32, #tpu.memory_space<hbm>> -> memref<8192xf32, #tpu.memory_space<hbm>>
      tpu.wait_dma2 semaphore(%arg14 : memref<!tpu.dma_semaphore, #tpu.memory_space<semaphore_mem>>) src(%dma_wait3A_413 : memref<8192xf32, #tpu.memory_space<hbm>>) dst(%arg5 : memref<8192xf32, #tpu.memory_space<vmem>>)
      %broadcast_in_dim3A_414 = arith.constant 0xFF800000 : f32
      %broadcast_in_dim3A_415 = vector.broadcast %broadcast_in_dim3A_414 : f32 to vector<16xf32>
      %parallel_loop3A_416 = arith.constant 0 : i32
      %parallel_loop3A_417 = arith.constant 512 : i32
      %parallel_loop3A_418 = arith.constant 1 : i32
      %parallel_loop3A_419 = scf.for %parallel_loop3A_1345 = %parallel_loop3A_416 to %parallel_loop3A_417 step %parallel_loop3A_418 iter_args(%parallel_loop3A_1346 = %broadcast_in_dim3A_415) -> (vector<16xf32>)  : i32 {
        %parallel_loop3A_1347 = arith.constant 16 : i32
        %parallel_loop3A_1348 = arith.muli %parallel_loop3A_1345, %parallel_loop3A_1347 : i32
        %parallel_loop3A_1349 = arith.index_cast %parallel_loop3A_1348 : i32 to index
        %parallel_loop3A_1350 = tpu.vector_load %arg5[%parallel_loop3A_1349] {strides = array<i32>} : memref<8192xf32, #tpu.memory_space<vmem>>, vector<16xf32>,
        %parallel_loop3A_1351 = arith.maximumf %parallel_loop3A_1346, %parallel_loop3A_1350 : vector<16xf32>
        scf.yield %parallel_loop3A_1351 : vector<16xf32>
      } {sc.loop_unroll_factor = 16 : i64, sc.parallel_access}
      %masked_sort3A_420 = arith.constant dense<true> : vector<16xi1>
      %masked_sort3A_421, %masked_sort3A_422, %masked_sort3A_423 = tpu.sort %parallel_loop3A_419, %parallel_loop3A_419 masked %masked_sort3A_420 : (vector<16xf32>, vector<16xf32>, vector<16xi1>) -> (vector<16xi1>, vector<16xf32>, vector<16xf32>)
      %eq3A_424 = arith.constant 7 : i32
      %eq3A_425 = vector.broadcast %eq3A_424 : i32 to vector<16xi32>
      %eq3A_426 = arith.cmpi eq, %iota3A, %eq3A_425 : vector<16xi32>
      %jit3A_427 = arith.constant 0xFF800000 : f32
      %broadcast_in_dim3A_428 = vector.broadcast %jit3A_427 : f32 to vector<16xf32>
      %select_n3A_429 = arith.select %eq3A_426, %masked_sort3A_422, %broadcast_in_dim3A_428 : vector<16xi1>, vector<16xf32>
      %reduce_max3A_430 = arith.constant true
      %reduce_max3A_431 = vector.broadcast %reduce_max3A_430 : i1 to vector<16xi1>
      %reduce_max3A_432 = tpu.scan <max>, %select_n3A_429 masked %reduce_max3A_431 : vector<16xf32>, vector<16xi1> -> vector<16xf32>
      %reduce_max3A_433 = vector.extract %reduce_max3A_432[15] : f32 from vector<16xf32>
      %broadcast_in_dim3A_434 = arith.constant 0 : i32
      %broadcast_in_dim3A_435 = vector.broadcast %broadcast_in_dim3A_434 : i32 to vector<16xi32>
      %parallel_loop3A_436 = arith.constant 0 : i32
      %parallel_loop3A_437 = arith.constant 512 : i32
      %parallel_loop3A_438 = arith.constant 1 : i32
      %parallel_loop3A_439:2 = scf.for %parallel_loop3A_1345 = %parallel_loop3A_436 to %parallel_loop3A_437 step %parallel_loop3A_438 iter_args(%parallel_loop3A_1346 = %broadcast_in_dim3A_435, %parallel_loop3A_1347 = %iota3A) -> (vector<16xi32>, vector<16xi32>)  : i32 {
        %parallel_loop3A_1348 = arith.constant 16 : i32
        %parallel_loop3A_1349 = arith.muli %parallel_loop3A_1345, %parallel_loop3A_1348 : i32
        %parallel_loop3A_1350 = arith.index_cast %parallel_loop3A_1349 : i32 to index
        %parallel_loop3A_1351 = tpu.vector_load %arg5[%parallel_loop3A_1350] {strides = array<i32>} : memref<8192xf32, #tpu.memory_space<vmem>>, vector<16xf32>,
        %parallel_loop3A_1352 = vector.broadcast %reduce_max3A_433 : f32 to vector<16xf32>
        %parallel_loop3A_1353 = arith.cmpf oge, %parallel_loop3A_1351, %parallel_loop3A_1352 : vector<16xf32>
        %parallel_loop3A_1354 = arith.constant 4 : i32
        %parallel_loop3A_1355 = vector.broadcast %parallel_loop3A_1354 : i32 to vector<16xi32>
        %parallel_loop3A_1356 = arith.shli %parallel_loop3A_1346, %parallel_loop3A_1355 : vector<16xi32>
        %parallel_loop3A_1357 = arith.addi %iota3A, %parallel_loop3A_1356 : vector<16xi32>
        tpu.vector_store_idx %arg8[%parallel_loop3A_1357], %parallel_loop3A_1347 masked %parallel_loop3A_1353 : memref<8192xi32, #tpu.memory_space<vmem>>[vector<16xi32>], vector<16xi32>, vector<16xi1>
        %parallel_loop3A_1358 = arith.constant 1 : i32
        %parallel_loop3A_1359 = arith.constant 0 : i32
        %parallel_loop3A_1360 = vector.broadcast %parallel_loop3A_1358 : i32 to vector<16xi32>
        %parallel_loop3A_1361 = vector.broadcast %parallel_loop3A_1359 : i32 to vector<16xi32>
        %parallel_loop3A_1362 = arith.select %parallel_loop3A_1353, %parallel_loop3A_1360, %parallel_loop3A_1361 : vector<16xi1>, vector<16xi32>
        %parallel_loop3A_1363 = arith.addi %parallel_loop3A_1346, %parallel_loop3A_1362 : vector<16xi32>
        %parallel_loop3A_1364 = arith.constant 16 : i32
        %parallel_loop3A_1365 = vector.broadcast %parallel_loop3A_1364 : i32 to vector<16xi32>
        %parallel_loop3A_1366 = arith.addi %parallel_loop3A_1347, %parallel_loop3A_1365 : vector<16xi32>
        scf.yield %parallel_loop3A_1363, %parallel_loop3A_1366 : vector<16xi32>, vector<16xi32>
      } {sc.loop_unroll_factor = 16 : i64, sc.parallel_access}
      %swap3A_440 = arith.constant 0 : index
      %swap3A_441 = tpu.vector_load %arg9[%swap3A_440] {strides = array<i32>} : memref<16xi32, #tpu.memory_space<vmem>>, vector<16xi32>,
      tpu.vector_store %arg9[%swap3A_440], %parallel_loop3A_439#0 {strides = array<i32>} : memref<16xi32, #tpu.memory_space<vmem>>, vector<16xi32>,
      %reduce_max3A_442 = arith.constant true
      %reduce_max3A_443 = vector.broadcast %reduce_max3A_442 : i1 to vector<16xi1>
      %reduce_max3A_444 = arith.constant -2147483648 : i32
      %reduce_max3A_445 = vector.broadcast %reduce_max3A_444 : i32 to vector<16xi32>
      %reduce_max3A_446 = arith.xori %parallel_loop3A_439#0, %reduce_max3A_445 : vector<16xi32>
      %reduce_max3A_447 = tpu.scan <max>, %reduce_max3A_446 masked %reduce_max3A_443 : vector<16xi32>, vector<16xi1> -> vector<16xi32>
      %reduce_max3A_448 = arith.xori %reduce_max3A_447, %reduce_max3A_445 : vector<16xi32>
      %reduce_max3A_449 = vector.extract %reduce_max3A_448[15] : i32 from vector<16xi32>
      %broadcast_in_dim3A_450 = arith.constant 0xFF800000 : f32
      %broadcast_in_dim3A_451 = vector.broadcast %broadcast_in_dim3A_450 : f32 to vector<16xf32>
      %swap3A_452 = arith.constant 0 : index
      %swap3A_453 = tpu.vector_load %arg10[%swap3A_452] {strides = array<i32>} : memref<32xf32, #tpu.memory_space<vmem>>, vector<16xf32>,
      tpu.vector_store %arg10[%swap3A_452], %broadcast_in_dim3A_451 {strides = array<i32>} : memref<32xf32, #tpu.memory_space<vmem>>, vector<16xf32>,
      %add3A_454 = arith.constant 32768 : i32
      %add3A_455 = vector.broadcast %add3A_454 : i32 to vector<16xi32>
      %add3A_456 = arith.addi %add3A_455, %iota3A : vector<16xi32>
      %swap3A_457 = arith.constant 0 : index
      %swap3A_458 = tpu.vector_load %arg11[%swap3A_457] {strides = array<i32>} : memref<32xi32, #tpu.memory_space<vmem>>, vector<16xi32>,
      tpu.vector_store %arg11[%swap3A_457], %add3A_456 {strides = array<i32>} : memref<32xi32, #tpu.memory_space<vmem>>, vector<16xi32>,
      %mul3A_459 = arith.constant 2 : i32
      %mul3A_460 = arith.muli %mul3A_459, %reduce_max3A_449 : i32
      %while3A_461 = arith.constant 0 : i32
      %while3A_462 = arith.constant 0 : i32
      %while3A_463 = arith.subi %mul3A_460, %while3A_462 : i32
      %while3A_464 = arith.addi %while3A_462, %while3A_463 : i32
      %while3A_465 = arith.constant 1 : i32
      %while3A_466 = arith.divsi %while3A_463, %while3A_465 : i32
      %while3A_467 = arith.muli %while3A_466, %while3A_465 : i32
      %while3A_468 = arith.addi %while3A_462, %while3A_467 : i32
      %while3A_469 = arith.constant 1 : i32
      scf.for %while3A_1345 = %while3A_462 to %while3A_468 step %while3A_469  : i32 {
        %shift_right_logical3A = arith.constant 1 : i32
        %shift_right_logical3A_1346 = arith.shrui %while3A_1345, %shift_right_logical3A : i32
        %and3A_1347 = arith.constant 1 : i32
        %and3A_1348 = arith.andi %while3A_1345, %and3A_1347 : i32
        %and3A_1349 = arith.constant 7 : i32
        %and3A_1350 = vector.broadcast %and3A_1349 : i32 to vector<16xi32>
        %and3A_1351 = arith.andi %iota3A, %and3A_1350 : vector<16xi32>
        %mul3A_1352 = arith.constant 8 : i32
        %mul3A_1353 = arith.muli %and3A_1348, %mul3A_1352 : i32
        %add3A_1354 = vector.broadcast %mul3A_1353 : i32 to vector<16xi32>
        %add3A_1355 = arith.addi %and3A_1351, %add3A_1354 : vector<16xi32>
        %gather3A_1356 = tpu.vector_load_idx %arg9[%add3A_1355] : memref<16xi32, #tpu.memory_space<vmem>>[vector<16xi32>], vector<16xi32>,
        %ge3A = arith.constant 8 : i32
        %ge3A_1357 = vector.broadcast %ge3A : i32 to vector<16xi32>
        %ge3A_1358 = arith.cmpi sge, %iota3A, %ge3A_1357 : vector<16xi32>
        %lt3A_1359 = vector.broadcast %shift_right_logical3A_1346 : i32 to vector<16xi32>
        %lt3A_1360 = arith.cmpi slt, %lt3A_1359, %gather3A_1356 : vector<16xi32>
        %and3A_1361 = arith.andi %ge3A_1358, %lt3A_1360 : vector<16xi1>
        %shift_left3A = arith.constant 4 : i32
        %shift_left3A_1362 = arith.shli %shift_right_logical3A_1346, %shift_left3A : i32
        %add3A_1363 = vector.broadcast %shift_left3A_1362 : i32 to vector<16xi32>
        %add3A_1364 = arith.addi %add3A_1355, %add3A_1363 : vector<16xi32>
        %gather3A_1365 = tpu.vector_load_idx %arg8[%add3A_1364] : memref<8192xi32, #tpu.memory_space<vmem>>[vector<16xi32>], vector<16xi32>,
        %jit3A_1366 = arith.constant 0 : i32
        %broadcast_in_dim3A_1367 = vector.broadcast %jit3A_1366 : i32 to vector<16xi32>
        %select_n3A_1368 = arith.select %and3A_1361, %gather3A_1365, %broadcast_in_dim3A_1367 : vector<16xi1>, vector<16xi32>
        %gather3A_1369 = tpu.vector_load_idx %arg5[%select_n3A_1368] : memref<8192xf32, #tpu.memory_space<vmem>>[vector<16xi32>], vector<16xf32>,
        %broadcast_in_dim3A_1370 = arith.constant 0xFF800000 : f32
        %broadcast_in_dim3A_1371 = vector.broadcast %broadcast_in_dim3A_1370 : f32 to vector<16xf32>
        %swap3A_1372 = arith.constant 8 : index
        %swap3A_1373 = tpu.vector_load %arg10[%swap3A_1372] {strides = array<i32>} : memref<32xf32, #tpu.memory_space<vmem>>, vector<16xf32>,
        tpu.vector_store %arg10[%swap3A_1372], %broadcast_in_dim3A_1371 {strides = array<i32>} : memref<32xf32, #tpu.memory_space<vmem>>, vector<16xf32>,
        %add3A_1374 = arith.constant 16384 : i32
        %add3A_1375 = vector.broadcast %add3A_1374 : i32 to vector<16xi32>
        %add3A_1376 = arith.addi %add3A_1375, %iota3A : vector<16xi32>
        %swap3A_1377 = arith.constant 8 : index
        %swap3A_1378 = tpu.vector_load %arg11[%swap3A_1377] {strides = array<i32>} : memref<32xi32, #tpu.memory_space<vmem>>, vector<16xi32>,
        tpu.vector_store %arg11[%swap3A_1377], %add3A_1376 {strides = array<i32>} : memref<32xi32, #tpu.memory_space<vmem>>, vector<16xi32>,
        %swap3A_1379 = arith.constant 8 : index
        %swap3A_1380 = tpu.vector_load %arg10[%swap3A_1379] masked %and3A_1361 {strides = array<i32>} : memref<32xf32, #tpu.memory_space<vmem>>, vector<16xf32>, vector<16xi1>
        tpu.vector_store %arg10[%swap3A_1379], %gather3A_1369 masked %and3A_1361 {strides = array<i32>} : memref<32xf32, #tpu.memory_space<vmem>>, vector<16xf32>, vector<16xi1>
        %swap3A_1381 = arith.constant 8 : index
        %swap3A_1382 = tpu.vector_load %arg11[%swap3A_1381] masked %and3A_1361 {strides = array<i32>} : memref<32xi32, #tpu.memory_space<vmem>>, vector<16xi32>, vector<16xi1>
        tpu.vector_store %arg11[%swap3A_1381], %select_n3A_1368 masked %and3A_1361 {strides = array<i32>} : memref<32xi32, #tpu.memory_space<vmem>>, vector<16xi32>, vector<16xi1>
        %get3A_1383 = arith.constant 0 : index
        %get3A_1384 = tpu.vector_load %arg10[%get3A_1383] {strides = array<i32>} : memref<32xf32, #tpu.memory_space<vmem>>, vector<16xf32>,
        %get3A_1385 = arith.constant 0 : index
        %get3A_1386 = tpu.vector_load %arg11[%get3A_1385] {strides = array<i32>} : memref<32xi32, #tpu.memory_space<vmem>>, vector<16xi32>,
        %broadcast_in_dim3A_1387 = arith.constant 0 : i32
        %broadcast_in_dim3A_1388 = vector.broadcast %broadcast_in_dim3A_1387 : i32 to vector<16xi32>
        %add3A_1389 = arith.constant 1 : i32
        %add3A_1390 = vector.broadcast %add3A_1389 : i32 to vector<16xi32>
        %add3A_1391 = arith.addi %iota3A, %add3A_1390 : vector<16xi32>
        %and3A_1392 = arith.constant 15 : i32
        %and3A_1393 = vector.broadcast %and3A_1392 : i32 to vector<16xi32>
        %and3A_1394 = arith.andi %add3A_1391, %and3A_1393 : vector<16xi32>
        %gather3A_1395 = tpu.vector_load_idx %arg10[%and3A_1394] : memref<32xf32, #tpu.memory_space<vmem>>[vector<16xi32>], vector<16xf32>,
        %gather3A_1396 = tpu.vector_load_idx %arg11[%and3A_1394] : memref<32xi32, #tpu.memory_space<vmem>>[vector<16xi32>], vector<16xi32>,
        %gt3A = arith.cmpf ogt, %gather3A_1395, %get3A_1384 : vector<16xf32>
        %eq3A_1397 = arith.cmpf oeq, %gather3A_1395, %get3A_1384 : vector<16xf32>
        %lt3A_1398 = arith.cmpi slt, %gather3A_1396, %get3A_1386 : vector<16xi32>
        %and3A_1399 = arith.andi %eq3A_1397, %lt3A_1398 : vector<16xi1>
        %or3A = arith.ori %gt3A, %and3A_1399 : vector<16xi1>
        %jit3A_1400 = arith.constant 1 : i32
        %jit3A_1401 = arith.constant 0 : i32
        %broadcast_in_dim3A_1402 = vector.broadcast %jit3A_1400 : i32 to vector<16xi32>
        %broadcast_in_dim3A_1403 = vector.broadcast %jit3A_1401 : i32 to vector<16xi32>
        %select_n3A_1404 = arith.select %or3A, %broadcast_in_dim3A_1402, %broadcast_in_dim3A_1403 : vector<16xi1>, vector<16xi32>
        %add3A_1405 = arith.addi %broadcast_in_dim3A_1388, %select_n3A_1404 : vector<16xi32>
        %add3A_1406 = arith.constant 2 : i32
        %add3A_1407 = vector.broadcast %add3A_1406 : i32 to vector<16xi32>
        %add3A_1408 = arith.addi %iota3A, %add3A_1407 : vector<16xi32>
        %and3A_1409 = arith.constant 15 : i32
        %and3A_1410 = vector.broadcast %and3A_1409 : i32 to vector<16xi32>
        %and3A_1411 = arith.andi %add3A_1408, %and3A_1410 : vector<16xi32>
        %gather3A_1412 = tpu.vector_load_idx %arg10[%and3A_1411] : memref<32xf32, #tpu.memory_space<vmem>>[vector<16xi32>], vector<16xf32>,
        %gather3A_1413 = tpu.vector_load_idx %arg11[%and3A_1411] : memref<32xi32, #tpu.memory_space<vmem>>[vector<16xi32>], vector<16xi32>,
        %gt3A_1414 = arith.cmpf ogt, %gather3A_1412, %get3A_1384 : vector<16xf32>
        %eq3A_1415 = arith.cmpf oeq, %gather3A_1412, %get3A_1384 : vector<16xf32>
        %lt3A_1416 = arith.cmpi slt, %gather3A_1413, %get3A_1386 : vector<16xi32>
        %and3A_1417 = arith.andi %eq3A_1415, %lt3A_1416 : vector<16xi1>
        %or3A_1418 = arith.ori %gt3A_1414, %and3A_1417 : vector<16xi1>
        %jit3A_1419 = arith.constant 1 : i32
        %jit3A_1420 = arith.constant 0 : i32
        %broadcast_in_dim3A_1421 = vector.broadcast %jit3A_1419 : i32 to vector<16xi32>
        %broadcast_in_dim3A_1422 = vector.broadcast %jit3A_1420 : i32 to vector<16xi32>
        %select_n3A_1423 = arith.select %or3A_1418, %broadcast_in_dim3A_1421, %broadcast_in_dim3A_1422 : vector<16xi1>, vector<16xi32>
        %add3A_1424 = arith.addi %add3A_1405, %select_n3A_1423 : vector<16xi32>
        %add3A_1425 = arith.constant 3 : i32
        %add3A_1426 = vector.broadcast %add3A_1425 : i32 to vector<16xi32>
        %add3A_1427 = arith.addi %iota3A, %add3A_1426 : vector<16xi32>
        %and3A_1428 = arith.constant 15 : i32
        %and3A_1429 = vector.broadcast %and3A_1428 : i32 to vector<16xi32>
        %and3A_1430 = arith.andi %add3A_1427, %and3A_1429 : vector<16xi32>
        %gather3A_1431 = tpu.vector_load_idx %arg10[%and3A_1430] : memref<32xf32, #tpu.memory_space<vmem>>[vector<16xi32>], vector<16xf32>,
        %gather3A_1432 = tpu.vector_load_idx %arg11[%and3A_1430] : memref<32xi32, #tpu.memory_space<vmem>>[vector<16xi32>], vector<16xi32>,
        %gt3A_1433 = arith.cmpf ogt, %gather3A_1431, %get3A_1384 : vector<16xf32>
        %eq3A_1434 = arith.cmpf oeq, %gather3A_1431, %get3A_1384 : vector<16xf32>
        %lt3A_1435 = arith.cmpi slt, %gather3A_1432, %get3A_1386 : vector<16xi32>
        %and3A_1436 = arith.andi %eq3A_1434, %lt3A_1435 : vector<16xi1>
        %or3A_1437 = arith.ori %gt3A_1433, %and3A_1436 : vector<16xi1>
        %jit3A_1438 = arith.constant 1 : i32
        %jit3A_1439 = arith.constant 0 : i32
        %broadcast_in_dim3A_1440 = vector.broadcast %jit3A_1438 : i32 to vector<16xi32>
        %broadcast_in_dim3A_1441 = vector.broadcast %jit3A_1439 : i32 to vector<16xi32>
        %select_n3A_1442 = arith.select %or3A_1437, %broadcast_in_dim3A_1440, %broadcast_in_dim3A_1441 : vector<16xi1>, vector<16xi32>
        %add3A_1443 = arith.addi %add3A_1424, %select_n3A_1442 : vector<16xi32>
        %add3A_1444 = arith.constant 4 : i32
        %add3A_1445 = vector.broadcast %add3A_1444 : i32 to vector<16xi32>
        %add3A_1446 = arith.addi %iota3A, %add3A_1445 : vector<16xi32>
        %and3A_1447 = arith.constant 15 : i32
        %and3A_1448 = vector.broadcast %and3A_1447 : i32 to vector<16xi32>
        %and3A_1449 = arith.andi %add3A_1446, %and3A_1448 : vector<16xi32>
        %gather3A_1450 = tpu.vector_load_idx %arg10[%and3A_1449] : memref<32xf32, #tpu.memory_space<vmem>>[vector<16xi32>], vector<16xf32>,
        %gather3A_1451 = tpu.vector_load_idx %arg11[%and3A_1449] : memref<32xi32, #tpu.memory_space<vmem>>[vector<16xi32>], vector<16xi32>,
        %gt3A_1452 = arith.cmpf ogt, %gather3A_1450, %get3A_1384 : vector<16xf32>
        %eq3A_1453 = arith.cmpf oeq, %gather3A_1450, %get3A_1384 : vector<16xf32>
        %lt3A_1454 = arith.cmpi slt, %gather3A_1451, %get3A_1386 : vector<16xi32>
        %and3A_1455 = arith.andi %eq3A_1453, %lt3A_1454 : vector<16xi1>
        %or3A_1456 = arith.ori %gt3A_1452, %and3A_1455 : vector<16xi1>
        %jit3A_1457 = arith.constant 1 : i32
        %jit3A_1458 = arith.constant 0 : i32
        %broadcast_in_dim3A_1459 = vector.broadcast %jit3A_1457 : i32 to vector<16xi32>
        %broadcast_in_dim3A_1460 = vector.broadcast %jit3A_1458 : i32 to vector<16xi32>
        %select_n3A_1461 = arith.select %or3A_1456, %broadcast_in_dim3A_1459, %broadcast_in_dim3A_1460 : vector<16xi1>, vector<16xi32>
        %add3A_1462 = arith.addi %add3A_1443, %select_n3A_1461 : vector<16xi32>
        %add3A_1463 = arith.constant 5 : i32
        %add3A_1464 = vector.broadcast %add3A_1463 : i32 to vector<16xi32>
        %add3A_1465 = arith.addi %iota3A, %add3A_1464 : vector<16xi32>
        %and3A_1466 = arith.constant 15 : i32
        %and3A_1467 = vector.broadcast %and3A_1466 : i32 to vector<16xi32>
        %and3A_1468 = arith.andi %add3A_1465, %and3A_1467 : vector<16xi32>
        %gather3A_1469 = tpu.vector_load_idx %arg10[%and3A_1468] : memref<32xf32, #tpu.memory_space<vmem>>[vector<16xi32>], vector<16xf32>,
        %gather3A_1470 = tpu.vector_load_idx %arg11[%and3A_1468] : memref<32xi32, #tpu.memory_space<vmem>>[vector<16xi32>], vector<16xi32>,
        %gt3A_1471 = arith.cmpf ogt, %gather3A_1469, %get3A_1384 : vector<16xf32>
        %eq3A_1472 = arith.cmpf oeq, %gather3A_1469, %get3A_1384 : vector<16xf32>
        %lt3A_1473 = arith.cmpi slt, %gather3A_1470, %get3A_1386 : vector<16xi32>
        %and3A_1474 = arith.andi %eq3A_1472, %lt3A_1473 : vector<16xi1>
        %or3A_1475 = arith.ori %gt3A_1471, %and3A_1474 : vector<16xi1>
        %jit3A_1476 = arith.constant 1 : i32
        %jit3A_1477 = arith.constant 0 : i32
        %broadcast_in_dim3A_1478 = vector.broadcast %jit3A_1476 : i32 to vector<16xi32>
        %broadcast_in_dim3A_1479 = vector.broadcast %jit3A_1477 : i32 to vector<16xi32>
        %select_n3A_1480 = arith.select %or3A_1475, %broadcast_in_dim3A_1478, %broadcast_in_dim3A_1479 : vector<16xi1>, vector<16xi32>
        %add3A_1481 = arith.addi %add3A_1462, %select_n3A_1480 : vector<16xi32>
        %add3A_1482 = arith.constant 6 : i32
        %add3A_1483 = vector.broadcast %add3A_1482 : i32 to vector<16xi32>
        %add3A_1484 = arith.addi %iota3A, %add3A_1483 : vector<16xi32>
        %and3A_1485 = arith.constant 15 : i32
        %and3A_1486 = vector.broadcast %and3A_1485 : i32 to vector<16xi32>
        %and3A_1487 = arith.andi %add3A_1484, %and3A_1486 : vector<16xi32>
        %gather3A_1488 = tpu.vector_load_idx %arg10[%and3A_1487] : memref<32xf32, #tpu.memory_space<vmem>>[vector<16xi32>], vector<16xf32>,
        %gather3A_1489 = tpu.vector_load_idx %arg11[%and3A_1487] : memref<32xi32, #tpu.memory_space<vmem>>[vector<16xi32>], vector<16xi32>,
        %gt3A_1490 = arith.cmpf ogt, %gather3A_1488, %get3A_1384 : vector<16xf32>
        %eq3A_1491 = arith.cmpf oeq, %gather3A_1488, %get3A_1384 : vector<16xf32>
        %lt3A_1492 = arith.cmpi slt, %gather3A_1489, %get3A_1386 : vector<16xi32>
        %and3A_1493 = arith.andi %eq3A_1491, %lt3A_1492 : vector<16xi1>
        %or3A_1494 = arith.ori %gt3A_1490, %and3A_1493 : vector<16xi1>
        %jit3A_1495 = arith.constant 1 : i32
        %jit3A_1496 = arith.constant 0 : i32
        %broadcast_in_dim3A_1497 = vector.broadcast %jit3A_1495 : i32 to vector<16xi32>
        %broadcast_in_dim3A_1498 = vector.broadcast %jit3A_1496 : i32 to vector<16xi32>
        %select_n3A_1499 = arith.select %or3A_1494, %broadcast_in_dim3A_1497, %broadcast_in_dim3A_1498 : vector<16xi1>, vector<16xi32>
        %add3A_1500 = arith.addi %add3A_1481, %select_n3A_1499 : vector<16xi32>
        %add3A_1501 = arith.constant 7 : i32
        %add3A_1502 = vector.broadcast %add3A_1501 : i32 to vector<16xi32>
        %add3A_1503 = arith.addi %iota3A, %add3A_1502 : vector<16xi32>
        %and3A_1504 = arith.constant 15 : i32
        %and3A_1505 = vector.broadcast %and3A_1504 : i32 to vector<16xi32>
        %and3A_1506 = arith.andi %add3A_1503, %and3A_1505 : vector<16xi32>
        %gather3A_1507 = tpu.vector_load_idx %arg10[%and3A_1506] : memref<32xf32, #tpu.memory_space<vmem>>[vector<16xi32>], vector<16xf32>,
        %gather3A_1508 = tpu.vector_load_idx %arg11[%and3A_1506] : memref<32xi32, #tpu.memory_space<vmem>>[vector<16xi32>], vector<16xi32>,
        %gt3A_1509 = arith.cmpf ogt, %gather3A_1507, %get3A_1384 : vector<16xf32>
        %eq3A_1510 = arith.cmpf oeq, %gather3A_1507, %get3A_1384 : vector<16xf32>
        %lt3A_1511 = arith.cmpi slt, %gather3A_1508, %get3A_1386 : vector<16xi32>
        %and3A_1512 = arith.andi %eq3A_1510, %lt3A_1511 : vector<16xi1>
        %or3A_1513 = arith.ori %gt3A_1509, %and3A_1512 : vector<16xi1>
        %jit3A_1514 = arith.constant 1 : i32
        %jit3A_1515 = arith.constant 0 : i32
        %broadcast_in_dim3A_1516 = vector.broadcast %jit3A_1514 : i32 to vector<16xi32>
        %broadcast_in_dim3A_1517 = vector.broadcast %jit3A_1515 : i32 to vector<16xi32>
        %select_n3A_1518 = arith.select %or3A_1513, %broadcast_in_dim3A_1516, %broadcast_in_dim3A_1517 : vector<16xi1>, vector<16xi32>
        %add3A_1519 = arith.addi %add3A_1500, %select_n3A_1518 : vector<16xi32>
        %add3A_1520 = arith.constant 8 : i32
        %add3A_1521 = vector.broadcast %add3A_1520 : i32 to vector<16xi32>
        %add3A_1522 = arith.addi %iota3A, %add3A_1521 : vector<16xi32>
        %and3A_1523 = arith.constant 15 : i32
        %and3A_1524 = vector.broadcast %and3A_1523 : i32 to vector<16xi32>
        %and3A_1525 = arith.andi %add3A_1522, %and3A_1524 : vector<16xi32>
        %gather3A_1526 = tpu.vector_load_idx %arg10[%and3A_1525] : memref<32xf32, #tpu.memory_space<vmem>>[vector<16xi32>], vector<16xf32>,
        %gather3A_1527 = tpu.vector_load_idx %arg11[%and3A_1525] : memref<32xi32, #tpu.memory_space<vmem>>[vector<16xi32>], vector<16xi32>,
        %gt3A_1528 = arith.cmpf ogt, %gather3A_1526, %get3A_1384 : vector<16xf32>
        %eq3A_1529 = arith.cmpf oeq, %gather3A_1526, %get3A_1384 : vector<16xf32>
        %lt3A_1530 = arith.cmpi slt, %gather3A_1527, %get3A_1386 : vector<16xi32>
        %and3A_1531 = arith.andi %eq3A_1529, %lt3A_1530 : vector<16xi1>
        %or3A_1532 = arith.ori %gt3A_1528, %and3A_1531 : vector<16xi1>
        %jit3A_1533 = arith.constant 1 : i32
        %jit3A_1534 = arith.constant 0 : i32
        %broadcast_in_dim3A_1535 = vector.broadcast %jit3A_1533 : i32 to vector<16xi32>
        %broadcast_in_dim3A_1536 = vector.broadcast %jit3A_1534 : i32 to vector<16xi32>
        %select_n3A_1537 = arith.select %or3A_1532, %broadcast_in_dim3A_1535, %broadcast_in_dim3A_1536 : vector<16xi1>, vector<16xi32>
        %add3A_1538 = arith.addi %add3A_1519, %select_n3A_1537 : vector<16xi32>
        %add3A_1539 = arith.constant 9 : i32
        %add3A_1540 = vector.broadcast %add3A_1539 : i32 to vector<16xi32>
        %add3A_1541 = arith.addi %iota3A, %add3A_1540 : vector<16xi32>
        %and3A_1542 = arith.constant 15 : i32
        %and3A_1543 = vector.broadcast %and3A_1542 : i32 to vector<16xi32>
        %and3A_1544 = arith.andi %add3A_1541, %and3A_1543 : vector<16xi32>
        %gather3A_1545 = tpu.vector_load_idx %arg10[%and3A_1544] : memref<32xf32, #tpu.memory_space<vmem>>[vector<16xi32>], vector<16xf32>,
        %gather3A_1546 = tpu.vector_load_idx %arg11[%and3A_1544] : memref<32xi32, #tpu.memory_space<vmem>>[vector<16xi32>], vector<16xi32>,
        %gt3A_1547 = arith.cmpf ogt, %gather3A_1545, %get3A_1384 : vector<16xf32>
        %eq3A_1548 = arith.cmpf oeq, %gather3A_1545, %get3A_1384 : vector<16xf32>
        %lt3A_1549 = arith.cmpi slt, %gather3A_1546, %get3A_1386 : vector<16xi32>
        %and3A_1550 = arith.andi %eq3A_1548, %lt3A_1549 : vector<16xi1>
        %or3A_1551 = arith.ori %gt3A_1547, %and3A_1550 : vector<16xi1>
        %jit3A_1552 = arith.constant 1 : i32
        %jit3A_1553 = arith.constant 0 : i32
        %broadcast_in_dim3A_1554 = vector.broadcast %jit3A_1552 : i32 to vector<16xi32>
        %broadcast_in_dim3A_1555 = vector.broadcast %jit3A_1553 : i32 to vector<16xi32>
        %select_n3A_1556 = arith.select %or3A_1551, %broadcast_in_dim3A_1554, %broadcast_in_dim3A_1555 : vector<16xi1>, vector<16xi32>
        %add3A_1557 = arith.addi %add3A_1538, %select_n3A_1556 : vector<16xi32>
        %add3A_1558 = arith.constant 10 : i32
        %add3A_1559 = vector.broadcast %add3A_1558 : i32 to vector<16xi32>
        %add3A_1560 = arith.addi %iota3A, %add3A_1559 : vector<16xi32>
        %and3A_1561 = arith.constant 15 : i32
        %and3A_1562 = vector.broadcast %and3A_1561 : i32 to vector<16xi32>
        %and3A_1563 = arith.andi %add3A_1560, %and3A_1562 : vector<16xi32>
        %gather3A_1564 = tpu.vector_load_idx %arg10[%and3A_1563] : memref<32xf32, #tpu.memory_space<vmem>>[vector<16xi32>], vector<16xf32>,
        %gather3A_1565 = tpu.vector_load_idx %arg11[%and3A_1563] : memref<32xi32, #tpu.memory_space<vmem>>[vector<16xi32>], vector<16xi32>,
        %gt3A_1566 = arith.cmpf ogt, %gather3A_1564, %get3A_1384 : vector<16xf32>
        %eq3A_1567 = arith.cmpf oeq, %gather3A_1564, %get3A_1384 : vector<16xf32>
        %lt3A_1568 = arith.cmpi slt, %gather3A_1565, %get3A_1386 : vector<16xi32>
        %and3A_1569 = arith.andi %eq3A_1567, %lt3A_1568 : vector<16xi1>
        %or3A_1570 = arith.ori %gt3A_1566, %and3A_1569 : vector<16xi1>
        %jit3A_1571 = arith.constant 1 : i32
        %jit3A_1572 = arith.constant 0 : i32
        %broadcast_in_dim3A_1573 = vector.broadcast %jit3A_1571 : i32 to vector<16xi32>
        %broadcast_in_dim3A_1574 = vector.broadcast %jit3A_1572 : i32 to vector<16xi32>
        %select_n3A_1575 = arith.select %or3A_1570, %broadcast_in_dim3A_1573, %broadcast_in_dim3A_1574 : vector<16xi1>, vector<16xi32>
        %add3A_1576 = arith.addi %add3A_1557, %select_n3A_1575 : vector<16xi32>
        %add3A_1577 = arith.constant 11 : i32
        %add3A_1578 = vector.broadcast %add3A_1577 : i32 to vector<16xi32>
        %add3A_1579 = arith.addi %iota3A, %add3A_1578 : vector<16xi32>
        %and3A_1580 = arith.constant 15 : i32
        %and3A_1581 = vector.broadcast %and3A_1580 : i32 to vector<16xi32>
        %and3A_1582 = arith.andi %add3A_1579, %and3A_1581 : vector<16xi32>
        %gather3A_1583 = tpu.vector_load_idx %arg10[%and3A_1582] : memref<32xf32, #tpu.memory_space<vmem>>[vector<16xi32>], vector<16xf32>,
        %gather3A_1584 = tpu.vector_load_idx %arg11[%and3A_1582] : memref<32xi32, #tpu.memory_space<vmem>>[vector<16xi32>], vector<16xi32>,
        %gt3A_1585 = arith.cmpf ogt, %gather3A_1583, %get3A_1384 : vector<16xf32>
        %eq3A_1586 = arith.cmpf oeq, %gather3A_1583, %get3A_1384 : vector<16xf32>
        %lt3A_1587 = arith.cmpi slt, %gather3A_1584, %get3A_1386 : vector<16xi32>
        %and3A_1588 = arith.andi %eq3A_1586, %lt3A_1587 : vector<16xi1>
        %or3A_1589 = arith.ori %gt3A_1585, %and3A_1588 : vector<16xi1>
        %jit3A_1590 = arith.constant 1 : i32
        %jit3A_1591 = arith.constant 0 : i32
        %broadcast_in_dim3A_1592 = vector.broadcast %jit3A_1590 : i32 to vector<16xi32>
        %broadcast_in_dim3A_1593 = vector.broadcast %jit3A_1591 : i32 to vector<16xi32>
        %select_n3A_1594 = arith.select %or3A_1589, %broadcast_in_dim3A_1592, %broadcast_in_dim3A_1593 : vector<16xi1>, vector<16xi32>
        %add3A_1595 = arith.addi %add3A_1576, %select_n3A_1594 : vector<16xi32>
        %add3A_1596 = arith.constant 12 : i32
        %add3A_1597 = vector.broadcast %add3A_1596 : i32 to vector<16xi32>
        %add3A_1598 = arith.addi %iota3A, %add3A_1597 : vector<16xi32>
        %and3A_1599 = arith.constant 15 : i32
        %and3A_1600 = vector.broadcast %and3A_1599 : i32 to vector<16xi32>
        %and3A_1601 = arith.andi %add3A_1598, %and3A_1600 : vector<16xi32>
        %gather3A_1602 = tpu.vector_load_idx %arg10[%and3A_1601] : memref<32xf32, #tpu.memory_space<vmem>>[vector<16xi32>], vector<16xf32>,
        %gather3A_1603 = tpu.vector_load_idx %arg11[%and3A_1601] : memref<32xi32, #tpu.memory_space<vmem>>[vector<16xi32>], vector<16xi32>,
        %gt3A_1604 = arith.cmpf ogt, %gather3A_1602, %get3A_1384 : vector<16xf32>
        %eq3A_1605 = arith.cmpf oeq, %gather3A_1602, %get3A_1384 : vector<16xf32>
        %lt3A_1606 = arith.cmpi slt, %gather3A_1603, %get3A_1386 : vector<16xi32>
        %and3A_1607 = arith.andi %eq3A_1605, %lt3A_1606 : vector<16xi1>
        %or3A_1608 = arith.ori %gt3A_1604, %and3A_1607 : vector<16xi1>
        %jit3A_1609 = arith.constant 1 : i32
        %jit3A_1610 = arith.constant 0 : i32
        %broadcast_in_dim3A_1611 = vector.broadcast %jit3A_1609 : i32 to vector<16xi32>
        %broadcast_in_dim3A_1612 = vector.broadcast %jit3A_1610 : i32 to vector<16xi32>
        %select_n3A_1613 = arith.select %or3A_1608, %broadcast_in_dim3A_1611, %broadcast_in_dim3A_1612 : vector<16xi1>, vector<16xi32>
        %add3A_1614 = arith.addi %add3A_1595, %select_n3A_1613 : vector<16xi32>
        %add3A_1615 = arith.constant 13 : i32
        %add3A_1616 = vector.broadcast %add3A_1615 : i32 to vector<16xi32>
        %add3A_1617 = arith.addi %iota3A, %add3A_1616 : vector<16xi32>
        %and3A_1618 = arith.constant 15 : i32
        %and3A_1619 = vector.broadcast %and3A_1618 : i32 to vector<16xi32>
        %and3A_1620 = arith.andi %add3A_1617, %and3A_1619 : vector<16xi32>
        %gather3A_1621 = tpu.vector_load_idx %arg10[%and3A_1620] : memref<32xf32, #tpu.memory_space<vmem>>[vector<16xi32>], vector<16xf32>,
        %gather3A_1622 = tpu.vector_load_idx %arg11[%and3A_1620] : memref<32xi32, #tpu.memory_space<vmem>>[vector<16xi32>], vector<16xi32>,
        %gt3A_1623 = arith.cmpf ogt, %gather3A_1621, %get3A_1384 : vector<16xf32>
        %eq3A_1624 = arith.cmpf oeq, %gather3A_1621, %get3A_1384 : vector<16xf32>
        %lt3A_1625 = arith.cmpi slt, %gather3A_1622, %get3A_1386 : vector<16xi32>
        %and3A_1626 = arith.andi %eq3A_1624, %lt3A_1625 : vector<16xi1>
        %or3A_1627 = arith.ori %gt3A_1623, %and3A_1626 : vector<16xi1>
        %jit3A_1628 = arith.constant 1 : i32
        %jit3A_1629 = arith.constant 0 : i32
        %broadcast_in_dim3A_1630 = vector.broadcast %jit3A_1628 : i32 to vector<16xi32>
        %broadcast_in_dim3A_1631 = vector.broadcast %jit3A_1629 : i32 to vector<16xi32>
        %select_n3A_1632 = arith.select %or3A_1627, %broadcast_in_dim3A_1630, %broadcast_in_dim3A_1631 : vector<16xi1>, vector<16xi32>
        %add3A_1633 = arith.addi %add3A_1614, %select_n3A_1632 : vector<16xi32>
        %add3A_1634 = arith.constant 14 : i32
        %add3A_1635 = vector.broadcast %add3A_1634 : i32 to vector<16xi32>
        %add3A_1636 = arith.addi %iota3A, %add3A_1635 : vector<16xi32>
        %and3A_1637 = arith.constant 15 : i32
        %and3A_1638 = vector.broadcast %and3A_1637 : i32 to vector<16xi32>
        %and3A_1639 = arith.andi %add3A_1636, %and3A_1638 : vector<16xi32>
        %gather3A_1640 = tpu.vector_load_idx %arg10[%and3A_1639] : memref<32xf32, #tpu.memory_space<vmem>>[vector<16xi32>], vector<16xf32>,
        %gather3A_1641 = tpu.vector_load_idx %arg11[%and3A_1639] : memref<32xi32, #tpu.memory_space<vmem>>[vector<16xi32>], vector<16xi32>,
        %gt3A_1642 = arith.cmpf ogt, %gather3A_1640, %get3A_1384 : vector<16xf32>
        %eq3A_1643 = arith.cmpf oeq, %gather3A_1640, %get3A_1384 : vector<16xf32>
        %lt3A_1644 = arith.cmpi slt, %gather3A_1641, %get3A_1386 : vector<16xi32>
        %and3A_1645 = arith.andi %eq3A_1643, %lt3A_1644 : vector<16xi1>
        %or3A_1646 = arith.ori %gt3A_1642, %and3A_1645 : vector<16xi1>
        %jit3A_1647 = arith.constant 1 : i32
        %jit3A_1648 = arith.constant 0 : i32
        %broadcast_in_dim3A_1649 = vector.broadcast %jit3A_1647 : i32 to vector<16xi32>
        %broadcast_in_dim3A_1650 = vector.broadcast %jit3A_1648 : i32 to vector<16xi32>
        %select_n3A_1651 = arith.select %or3A_1646, %broadcast_in_dim3A_1649, %broadcast_in_dim3A_1650 : vector<16xi1>, vector<16xi32>
        %add3A_1652 = arith.addi %add3A_1633, %select_n3A_1651 : vector<16xi32>
        %add3A_1653 = arith.constant 15 : i32
        %add3A_1654 = vector.broadcast %add3A_1653 : i32 to vector<16xi32>
        %add3A_1655 = arith.addi %iota3A, %add3A_1654 : vector<16xi32>
        %and3A_1656 = arith.constant 15 : i32
        %and3A_1657 = vector.broadcast %and3A_1656 : i32 to vector<16xi32>
        %and3A_1658 = arith.andi %add3A_1655, %and3A_1657 : vector<16xi32>
        %gather3A_1659 = tpu.vector_load_idx %arg10[%and3A_1658] : memref<32xf32, #tpu.memory_space<vmem>>[vector<16xi32>], vector<16xf32>,
        %gather3A_1660 = tpu.vector_load_idx %arg11[%and3A_1658] : memref<32xi32, #tpu.memory_space<vmem>>[vector<16xi32>], vector<16xi32>,
        %gt3A_1661 = arith.cmpf ogt, %gather3A_1659, %get3A_1384 : vector<16xf32>
        %eq3A_1662 = arith.cmpf oeq, %gather3A_1659, %get3A_1384 : vector<16xf32>
        %lt3A_1663 = arith.cmpi slt, %gather3A_1660, %get3A_1386 : vector<16xi32>
        %and3A_1664 = arith.andi %eq3A_1662, %lt3A_1663 : vector<16xi1>
        %or3A_1665 = arith.ori %gt3A_1661, %and3A_1664 : vector<16xi1>
        %jit3A_1666 = arith.constant 1 : i32
        %jit3A_1667 = arith.constant 0 : i32
        %broadcast_in_dim3A_1668 = vector.broadcast %jit3A_1666 : i32 to vector<16xi32>
        %broadcast_in_dim3A_1669 = vector.broadcast %jit3A_1667 : i32 to vector<16xi32>
        %select_n3A_1670 = arith.select %or3A_1665, %broadcast_in_dim3A_1668, %broadcast_in_dim3A_1669 : vector<16xi1>, vector<16xi32>
        %add3A_1671 = arith.addi %add3A_1652, %select_n3A_1670 : vector<16xi32>
        %lt3A_1672 = arith.constant 8 : i32
        %lt3A_1673 = vector.broadcast %lt3A_1672 : i32 to vector<16xi32>
        %lt3A_1674 = arith.cmpi slt, %add3A_1671, %lt3A_1673 : vector<16xi32>
        %swap3A_1675 = arith.constant 0 : index
        %swap3A_1676 = tpu.vector_load %arg10[%swap3A_1675] masked %lt3A_1674 {strides = array<i32>} : memref<32xf32, #tpu.memory_space<vmem>>, vector<16xf32>, vector<16xi1>
        tpu.vector_store %arg10[%swap3A_1675], %get3A_1384 masked %lt3A_1674 {strides = array<i32>} : memref<32xf32, #tpu.memory_space<vmem>>, vector<16xf32>, vector<16xi1>
        %swap3A_1677 = arith.constant 0 : index
        %swap3A_1678 = tpu.vector_load %arg11[%swap3A_1677] masked %lt3A_1674 {strides = array<i32>} : memref<32xi32, #tpu.memory_space<vmem>>, vector<16xi32>, vector<16xi1>
        tpu.vector_store %arg11[%swap3A_1677], %get3A_1386 masked %lt3A_1674 {strides = array<i32>} : memref<32xi32, #tpu.memory_space<vmem>>, vector<16xi32>, vector<16xi1>
      }
      %while3A_470 = arith.constant 1 : i32
      scf.for %while3A_1345 = %while3A_468 to %while3A_464 step %while3A_470  : i32 {
        %shift_right_logical3A = arith.constant 1 : i32
        %shift_right_logical3A_1346 = arith.shrui %while3A_1345, %shift_right_logical3A : i32
        %and3A_1347 = arith.constant 1 : i32
        %and3A_1348 = arith.andi %while3A_1345, %and3A_1347 : i32
        %and3A_1349 = arith.constant 7 : i32
        %and3A_1350 = vector.broadcast %and3A_1349 : i32 to vector<16xi32>
        %and3A_1351 = arith.andi %iota3A, %and3A_1350 : vector<16xi32>
        %mul3A_1352 = arith.constant 8 : i32
        %mul3A_1353 = arith.muli %and3A_1348, %mul3A_1352 : i32
        %add3A_1354 = vector.broadcast %mul3A_1353 : i32 to vector<16xi32>
        %add3A_1355 = arith.addi %and3A_1351, %add3A_1354 : vector<16xi32>
        %gather3A_1356 = tpu.vector_load_idx %arg9[%add3A_1355] : memref<16xi32, #tpu.memory_space<vmem>>[vector<16xi32>], vector<16xi32>,
        %ge3A = arith.constant 8 : i32
        %ge3A_1357 = vector.broadcast %ge3A : i32 to vector<16xi32>
        %ge3A_1358 = arith.cmpi sge, %iota3A, %ge3A_1357 : vector<16xi32>
        %lt3A_1359 = vector.broadcast %shift_right_logical3A_1346 : i32 to vector<16xi32>
        %lt3A_1360 = arith.cmpi slt, %lt3A_1359, %gather3A_1356 : vector<16xi32>
        %and3A_1361 = arith.andi %ge3A_1358, %lt3A_1360 : vector<16xi1>
        %shift_left3A = arith.constant 4 : i32
        %shift_left3A_1362 = arith.shli %shift_right_logical3A_1346, %shift_left3A : i32
        %add3A_1363 = vector.broadcast %shift_left3A_1362 : i32 to vector<16xi32>
        %add3A_1364 = arith.addi %add3A_1355, %add3A_1363 : vector<16xi32>
        %gather3A_1365 = tpu.vector_load_idx %arg8[%add3A_1364] : memref<8192xi32, #tpu.memory_space<vmem>>[vector<16xi32>], vector<16xi32>,
        %jit3A_1366 = arith.constant 0 : i32
        %broadcast_in_dim3A_1367 = vector.broadcast %jit3A_1366 : i32 to vector<16xi32>
        %select_n3A_1368 = arith.select %and3A_1361, %gather3A_1365, %broadcast_in_dim3A_1367 : vector<16xi1>, vector<16xi32>
        %gather3A_1369 = tpu.vector_load_idx %arg5[%select_n3A_1368] : memref<8192xf32, #tpu.memory_space<vmem>>[vector<16xi32>], vector<16xf32>,
        %broadcast_in_dim3A_1370 = arith.constant 0xFF800000 : f32
        %broadcast_in_dim3A_1371 = vector.broadcast %broadcast_in_dim3A_1370 : f32 to vector<16xf32>
        %swap3A_1372 = arith.constant 8 : index
        %swap3A_1373 = tpu.vector_load %arg10[%swap3A_1372] {strides = array<i32>} : memref<32xf32, #tpu.memory_space<vmem>>, vector<16xf32>,
        tpu.vector_store %arg10[%swap3A_1372], %broadcast_in_dim3A_1371 {strides = array<i32>} : memref<32xf32, #tpu.memory_space<vmem>>, vector<16xf32>,
        %add3A_1374 = arith.constant 16384 : i32
        %add3A_1375 = vector.broadcast %add3A_1374 : i32 to vector<16xi32>
        %add3A_1376 = arith.addi %add3A_1375, %iota3A : vector<16xi32>
        %swap3A_1377 = arith.constant 8 : index
        %swap3A_1378 = tpu.vector_load %arg11[%swap3A_1377] {strides = array<i32>} : memref<32xi32, #tpu.memory_space<vmem>>, vector<16xi32>,
        tpu.vector_store %arg11[%swap3A_1377], %add3A_1376 {strides = array<i32>} : memref<32xi32, #tpu.memory_space<vmem>>, vector<16xi32>,
        %swap3A_1379 = arith.constant 8 : index
        %swap3A_1380 = tpu.vector_load %arg10[%swap3A_1379] masked %and3A_1361 {strides = array<i32>} : memref<32xf32, #tpu.memory_space<vmem>>, vector<16xf32>, vector<16xi1>
        tpu.vector_store %arg10[%swap3A_1379], %gather3A_1369 masked %and3A_1361 {strides = array<i32>} : memref<32xf32, #tpu.memory_space<vmem>>, vector<16xf32>, vector<16xi1>
        %swap3A_1381 = arith.constant 8 : index
        %swap3A_1382 = tpu.vector_load %arg11[%swap3A_1381] masked %and3A_1361 {strides = array<i32>} : memref<32xi32, #tpu.memory_space<vmem>>, vector<16xi32>, vector<16xi1>
        tpu.vector_store %arg11[%swap3A_1381], %select_n3A_1368 masked %and3A_1361 {strides = array<i32>} : memref<32xi32, #tpu.memory_space<vmem>>, vector<16xi32>, vector<16xi1>
        %get3A_1383 = arith.constant 0 : index
        %get3A_1384 = tpu.vector_load %arg10[%get3A_1383] {strides = array<i32>} : memref<32xf32, #tpu.memory_space<vmem>>, vector<16xf32>,
        %get3A_1385 = arith.constant 0 : index
        %get3A_1386 = tpu.vector_load %arg11[%get3A_1385] {strides = array<i32>} : memref<32xi32, #tpu.memory_space<vmem>>, vector<16xi32>,
        %broadcast_in_dim3A_1387 = arith.constant 0 : i32
        %broadcast_in_dim3A_1388 = vector.broadcast %broadcast_in_dim3A_1387 : i32 to vector<16xi32>
        %add3A_1389 = arith.constant 1 : i32
        %add3A_1390 = vector.broadcast %add3A_1389 : i32 to vector<16xi32>
        %add3A_1391 = arith.addi %iota3A, %add3A_1390 : vector<16xi32>
        %and3A_1392 = arith.constant 15 : i32
        %and3A_1393 = vector.broadcast %and3A_1392 : i32 to vector<16xi32>
        %and3A_1394 = arith.andi %add3A_1391, %and3A_1393 : vector<16xi32>
        %gather3A_1395 = tpu.vector_load_idx %arg10[%and3A_1394] : memref<32xf32, #tpu.memory_space<vmem>>[vector<16xi32>], vector<16xf32>,
        %gather3A_1396 = tpu.vector_load_idx %arg11[%and3A_1394] : memref<32xi32, #tpu.memory_space<vmem>>[vector<16xi32>], vector<16xi32>,
        %gt3A = arith.cmpf ogt, %gather3A_1395, %get3A_1384 : vector<16xf32>
        %eq3A_1397 = arith.cmpf oeq, %gather3A_1395, %get3A_1384 : vector<16xf32>
        %lt3A_1398 = arith.cmpi slt, %gather3A_1396, %get3A_1386 : vector<16xi32>
        %and3A_1399 = arith.andi %eq3A_1397, %lt3A_1398 : vector<16xi1>
        %or3A = arith.ori %gt3A, %and3A_1399 : vector<16xi1>
        %jit3A_1400 = arith.constant 1 : i32
        %jit3A_1401 = arith.constant 0 : i32
        %broadcast_in_dim3A_1402 = vector.broadcast %jit3A_1400 : i32 to vector<16xi32>
        %broadcast_in_dim3A_1403 = vector.broadcast %jit3A_1401 : i32 to vector<16xi32>
        %select_n3A_1404 = arith.select %or3A, %broadcast_in_dim3A_1402, %broadcast_in_dim3A_1403 : vector<16xi1>, vector<16xi32>
        %add3A_1405 = arith.addi %broadcast_in_dim3A_1388, %select_n3A_1404 : vector<16xi32>
        %add3A_1406 = arith.constant 2 : i32
        %add3A_1407 = vector.broadcast %add3A_1406 : i32 to vector<16xi32>
        %add3A_1408 = arith.addi %iota3A, %add3A_1407 : vector<16xi32>
        %and3A_1409 = arith.constant 15 : i32
        %and3A_1410 = vector.broadcast %and3A_1409 : i32 to vector<16xi32>
        %and3A_1411 = arith.andi %add3A_1408, %and3A_1410 : vector<16xi32>
        %gather3A_1412 = tpu.vector_load_idx %arg10[%and3A_1411] : memref<32xf32, #tpu.memory_space<vmem>>[vector<16xi32>], vector<16xf32>,
        %gather3A_1413 = tpu.vector_load_idx %arg11[%and3A_1411] : memref<32xi32, #tpu.memory_space<vmem>>[vector<16xi32>], vector<16xi32>,
        %gt3A_1414 = arith.cmpf ogt, %gather3A_1412, %get3A_1384 : vector<16xf32>
        %eq3A_1415 = arith.cmpf oeq, %gather3A_1412, %get3A_1384 : vector<16xf32>
        %lt3A_1416 = arith.cmpi slt, %gather3A_1413, %get3A_1386 : vector<16xi32>
        %and3A_1417 = arith.andi %eq3A_1415, %lt3A_1416 : vector<16xi1>
        %or3A_1418 = arith.ori %gt3A_1414, %and3A_1417 : vector<16xi1>
        %jit3A_1419 = arith.constant 1 : i32
        %jit3A_1420 = arith.constant 0 : i32
        %broadcast_in_dim3A_1421 = vector.broadcast %jit3A_1419 : i32 to vector<16xi32>
        %broadcast_in_dim3A_1422 = vector.broadcast %jit3A_1420 : i32 to vector<16xi32>
        %select_n3A_1423 = arith.select %or3A_1418, %broadcast_in_dim3A_1421, %broadcast_in_dim3A_1422 : vector<16xi1>, vector<16xi32>
        %add3A_1424 = arith.addi %add3A_1405, %select_n3A_1423 : vector<16xi32>
        %add3A_1425 = arith.constant 3 : i32
        %add3A_1426 = vector.broadcast %add3A_1425 : i32 to vector<16xi32>
        %add3A_1427 = arith.addi %iota3A, %add3A_1426 : vector<16xi32>
        %and3A_1428 = arith.constant 15 : i32
        %and3A_1429 = vector.broadcast %and3A_1428 : i32 to vector<16xi32>
        %and3A_1430 = arith.andi %add3A_1427, %and3A_1429 : vector<16xi32>
        %gather3A_1431 = tpu.vector_load_idx %arg10[%and3A_1430] : memref<32xf32, #tpu.memory_space<vmem>>[vector<16xi32>], vector<16xf32>,
        %gather3A_1432 = tpu.vector_load_idx %arg11[%and3A_1430] : memref<32xi32, #tpu.memory_space<vmem>>[vector<16xi32>], vector<16xi32>,
        %gt3A_1433 = arith.cmpf ogt, %gather3A_1431, %get3A_1384 : vector<16xf32>
        %eq3A_1434 = arith.cmpf oeq, %gather3A_1431, %get3A_1384 : vector<16xf32>
        %lt3A_1435 = arith.cmpi slt, %gather3A_1432, %get3A_1386 : vector<16xi32>
        %and3A_1436 = arith.andi %eq3A_1434, %lt3A_1435 : vector<16xi1>
        %or3A_1437 = arith.ori %gt3A_1433, %and3A_1436 : vector<16xi1>
        %jit3A_1438 = arith.constant 1 : i32
        %jit3A_1439 = arith.constant 0 : i32
        %broadcast_in_dim3A_1440 = vector.broadcast %jit3A_1438 : i32 to vector<16xi32>
        %broadcast_in_dim3A_1441 = vector.broadcast %jit3A_1439 : i32 to vector<16xi32>
        %select_n3A_1442 = arith.select %or3A_1437, %broadcast_in_dim3A_1440, %broadcast_in_dim3A_1441 : vector<16xi1>, vector<16xi32>
        %add3A_1443 = arith.addi %add3A_1424, %select_n3A_1442 : vector<16xi32>
        %add3A_1444 = arith.constant 4 : i32
        %add3A_1445 = vector.broadcast %add3A_1444 : i32 to vector<16xi32>
        %add3A_1446 = arith.addi %iota3A, %add3A_1445 : vector<16xi32>
        %and3A_1447 = arith.constant 15 : i32
        %and3A_1448 = vector.broadcast %and3A_1447 : i32 to vector<16xi32>
        %and3A_1449 = arith.andi %add3A_1446, %and3A_1448 : vector<16xi32>
        %gather3A_1450 = tpu.vector_load_idx %arg10[%and3A_1449] : memref<32xf32, #tpu.memory_space<vmem>>[vector<16xi32>], vector<16xf32>,
        %gather3A_1451 = tpu.vector_load_idx %arg11[%and3A_1449] : memref<32xi32, #tpu.memory_space<vmem>>[vector<16xi32>], vector<16xi32>,
        %gt3A_1452 = arith.cmpf ogt, %gather3A_1450, %get3A_1384 : vector<16xf32>
        %eq3A_1453 = arith.cmpf oeq, %gather3A_1450, %get3A_1384 : vector<16xf32>
        %lt3A_1454 = arith.cmpi slt, %gather3A_1451, %get3A_1386 : vector<16xi32>
        %and3A_1455 = arith.andi %eq3A_1453, %lt3A_1454 : vector<16xi1>
        %or3A_1456 = arith.ori %gt3A_1452, %and3A_1455 : vector<16xi1>
        %jit3A_1457 = arith.constant 1 : i32
        %jit3A_1458 = arith.constant 0 : i32
        %broadcast_in_dim3A_1459 = vector.broadcast %jit3A_1457 : i32 to vector<16xi32>
        %broadcast_in_dim3A_1460 = vector.broadcast %jit3A_1458 : i32 to vector<16xi32>
        %select_n3A_1461 = arith.select %or3A_1456, %broadcast_in_dim3A_1459, %broadcast_in_dim3A_1460 : vector<16xi1>, vector<16xi32>
        %add3A_1462 = arith.addi %add3A_1443, %select_n3A_1461 : vector<16xi32>
        %add3A_1463 = arith.constant 5 : i32
        %add3A_1464 = vector.broadcast %add3A_1463 : i32 to vector<16xi32>
        %add3A_1465 = arith.addi %iota3A, %add3A_1464 : vector<16xi32>
        %and3A_1466 = arith.constant 15 : i32
        %and3A_1467 = vector.broadcast %and3A_1466 : i32 to vector<16xi32>
        %and3A_1468 = arith.andi %add3A_1465, %and3A_1467 : vector<16xi32>
        %gather3A_1469 = tpu.vector_load_idx %arg10[%and3A_1468] : memref<32xf32, #tpu.memory_space<vmem>>[vector<16xi32>], vector<16xf32>,
        %gather3A_1470 = tpu.vector_load_idx %arg11[%and3A_1468] : memref<32xi32, #tpu.memory_space<vmem>>[vector<16xi32>], vector<16xi32>,
        %gt3A_1471 = arith.cmpf ogt, %gather3A_1469, %get3A_1384 : vector<16xf32>
        %eq3A_1472 = arith.cmpf oeq, %gather3A_1469, %get3A_1384 : vector<16xf32>
        %lt3A_1473 = arith.cmpi slt, %gather3A_1470, %get3A_1386 : vector<16xi32>
        %and3A_1474 = arith.andi %eq3A_1472, %lt3A_1473 : vector<16xi1>
        %or3A_1475 = arith.ori %gt3A_1471, %and3A_1474 : vector<16xi1>
        %jit3A_1476 = arith.constant 1 : i32
        %jit3A_1477 = arith.constant 0 : i32
        %broadcast_in_dim3A_1478 = vector.broadcast %jit3A_1476 : i32 to vector<16xi32>
        %broadcast_in_dim3A_1479 = vector.broadcast %jit3A_1477 : i32 to vector<16xi32>
        %select_n3A_1480 = arith.select %or3A_1475, %broadcast_in_dim3A_1478, %broadcast_in_dim3A_1479 : vector<16xi1>, vector<16xi32>
        %add3A_1481 = arith.addi %add3A_1462, %select_n3A_1480 : vector<16xi32>
        %add3A_1482 = arith.constant 6 : i32
        %add3A_1483 = vector.broadcast %add3A_1482 : i32 to vector<16xi32>
        %add3A_1484 = arith.addi %iota3A, %add3A_1483 : vector<16xi32>
        %and3A_1485 = arith.constant 15 : i32
        %and3A_1486 = vector.broadcast %and3A_1485 : i32 to vector<16xi32>
        %and3A_1487 = arith.andi %add3A_1484, %and3A_1486 : vector<16xi32>
        %gather3A_1488 = tpu.vector_load_idx %arg10[%and3A_1487] : memref<32xf32, #tpu.memory_space<vmem>>[vector<16xi32>], vector<16xf32>,
        %gather3A_1489 = tpu.vector_load_idx %arg11[%and3A_1487] : memref<32xi32, #tpu.memory_space<vmem>>[vector<16xi32>], vector<16xi32>,
        %gt3A_1490 = arith.cmpf ogt, %gather3A_1488, %get3A_1384 : vector<16xf32>
        %eq3A_1491 = arith.cmpf oeq, %gather3A_1488, %get3A_1384 : vector<16xf32>
        %lt3A_1492 = arith.cmpi slt, %gather3A_1489, %get3A_1386 : vector<16xi32>
        %and3A_1493 = arith.andi %eq3A_1491, %lt3A_1492 : vector<16xi1>
        %or3A_1494 = arith.ori %gt3A_1490, %and3A_1493 : vector<16xi1>
        %jit3A_1495 = arith.constant 1 : i32
        %jit3A_1496 = arith.constant 0 : i32
        %broadcast_in_dim3A_1497 = vector.broadcast %jit3A_1495 : i32 to vector<16xi32>
        %broadcast_in_dim3A_1498 = vector.broadcast %jit3A_1496 : i32 to vector<16xi32>
        %select_n3A_1499 = arith.select %or3A_1494, %broadcast_in_dim3A_1497, %broadcast_in_dim3A_1498 : vector<16xi1>, vector<16xi32>
        %add3A_1500 = arith.addi %add3A_1481, %select_n3A_1499 : vector<16xi32>
        %add3A_1501 = arith.constant 7 : i32
        %add3A_1502 = vector.broadcast %add3A_1501 : i32 to vector<16xi32>
        %add3A_1503 = arith.addi %iota3A, %add3A_1502 : vector<16xi32>
        %and3A_1504 = arith.constant 15 : i32
        %and3A_1505 = vector.broadcast %and3A_1504 : i32 to vector<16xi32>
        %and3A_1506 = arith.andi %add3A_1503, %and3A_1505 : vector<16xi32>
        %gather3A_1507 = tpu.vector_load_idx %arg10[%and3A_1506] : memref<32xf32, #tpu.memory_space<vmem>>[vector<16xi32>], vector<16xf32>,
        %gather3A_1508 = tpu.vector_load_idx %arg11[%and3A_1506] : memref<32xi32, #tpu.memory_space<vmem>>[vector<16xi32>], vector<16xi32>,
        %gt3A_1509 = arith.cmpf ogt, %gather3A_1507, %get3A_1384 : vector<16xf32>
        %eq3A_1510 = arith.cmpf oeq, %gather3A_1507, %get3A_1384 : vector<16xf32>
        %lt3A_1511 = arith.cmpi slt, %gather3A_1508, %get3A_1386 : vector<16xi32>
        %and3A_1512 = arith.andi %eq3A_1510, %lt3A_1511 : vector<16xi1>
        %or3A_1513 = arith.ori %gt3A_1509, %and3A_1512 : vector<16xi1>
        %jit3A_1514 = arith.constant 1 : i32
        %jit3A_1515 = arith.constant 0 : i32
        %broadcast_in_dim3A_1516 = vector.broadcast %jit3A_1514 : i32 to vector<16xi32>
        %broadcast_in_dim3A_1517 = vector.broadcast %jit3A_1515 : i32 to vector<16xi32>
        %select_n3A_1518 = arith.select %or3A_1513, %broadcast_in_dim3A_1516, %broadcast_in_dim3A_1517 : vector<16xi1>, vector<16xi32>
        %add3A_1519 = arith.addi %add3A_1500, %select_n3A_1518 : vector<16xi32>
        %add3A_1520 = arith.constant 8 : i32
        %add3A_1521 = vector.broadcast %add3A_1520 : i32 to vector<16xi32>
        %add3A_1522 = arith.addi %iota3A, %add3A_1521 : vector<16xi32>
        %and3A_1523 = arith.constant 15 : i32
        %and3A_1524 = vector.broadcast %and3A_1523 : i32 to vector<16xi32>
        %and3A_1525 = arith.andi %add3A_1522, %and3A_1524 : vector<16xi32>
        %gather3A_1526 = tpu.vector_load_idx %arg10[%and3A_1525] : memref<32xf32, #tpu.memory_space<vmem>>[vector<16xi32>], vector<16xf32>,
        %gather3A_1527 = tpu.vector_load_idx %arg11[%and3A_1525] : memref<32xi32, #tpu.memory_space<vmem>>[vector<16xi32>], vector<16xi32>,
        %gt3A_1528 = arith.cmpf ogt, %gather3A_1526, %get3A_1384 : vector<16xf32>
        %eq3A_1529 = arith.cmpf oeq, %gather3A_1526, %get3A_1384 : vector<16xf32>
        %lt3A_1530 = arith.cmpi slt, %gather3A_1527, %get3A_1386 : vector<16xi32>
        %and3A_1531 = arith.andi %eq3A_1529, %lt3A_1530 : vector<16xi1>
        %or3A_1532 = arith.ori %gt3A_1528, %and3A_1531 : vector<16xi1>
        %jit3A_1533 = arith.constant 1 : i32
        %jit3A_1534 = arith.constant 0 : i32
        %broadcast_in_dim3A_1535 = vector.broadcast %jit3A_1533 : i32 to vector<16xi32>
        %broadcast_in_dim3A_1536 = vector.broadcast %jit3A_1534 : i32 to vector<16xi32>
        %select_n3A_1537 = arith.select %or3A_1532, %broadcast_in_dim3A_1535, %broadcast_in_dim3A_1536 : vector<16xi1>, vector<16xi32>
        %add3A_1538 = arith.addi %add3A_1519, %select_n3A_1537 : vector<16xi32>
        %add3A_1539 = arith.constant 9 : i32
        %add3A_1540 = vector.broadcast %add3A_1539 : i32 to vector<16xi32>
        %add3A_1541 = arith.addi %iota3A, %add3A_1540 : vector<16xi32>
        %and3A_1542 = arith.constant 15 : i32
        %and3A_1543 = vector.broadcast %and3A_1542 : i32 to vector<16xi32>
        %and3A_1544 = arith.andi %add3A_1541, %and3A_1543 : vector<16xi32>
        %gather3A_1545 = tpu.vector_load_idx %arg10[%and3A_1544] : memref<32xf32, #tpu.memory_space<vmem>>[vector<16xi32>], vector<16xf32>,
        %gather3A_1546 = tpu.vector_load_idx %arg11[%and3A_1544] : memref<32xi32, #tpu.memory_space<vmem>>[vector<16xi32>], vector<16xi32>,
        %gt3A_1547 = arith.cmpf ogt, %gather3A_1545, %get3A_1384 : vector<16xf32>
        %eq3A_1548 = arith.cmpf oeq, %gather3A_1545, %get3A_1384 : vector<16xf32>
        %lt3A_1549 = arith.cmpi slt, %gather3A_1546, %get3A_1386 : vector<16xi32>
        %and3A_1550 = arith.andi %eq3A_1548, %lt3A_1549 : vector<16xi1>
        %or3A_1551 = arith.ori %gt3A_1547, %and3A_1550 : vector<16xi1>
        %jit3A_1552 = arith.constant 1 : i32
        %jit3A_1553 = arith.constant 0 : i32
        %broadcast_in_dim3A_1554 = vector.broadcast %jit3A_1552 : i32 to vector<16xi32>
        %broadcast_in_dim3A_1555 = vector.broadcast %jit3A_1553 : i32 to vector<16xi32>
        %select_n3A_1556 = arith.select %or3A_1551, %broadcast_in_dim3A_1554, %broadcast_in_dim3A_1555 : vector<16xi1>, vector<16xi32>
        %add3A_1557 = arith.addi %add3A_1538, %select_n3A_1556 : vector<16xi32>
        %add3A_1558 = arith.constant 10 : i32
        %add3A_1559 = vector.broadcast %add3A_1558 : i32 to vector<16xi32>
        %add3A_1560 = arith.addi %iota3A, %add3A_1559 : vector<16xi32>
        %and3A_1561 = arith.constant 15 : i32
        %and3A_1562 = vector.broadcast %and3A_1561 : i32 to vector<16xi32>
        %and3A_1563 = arith.andi %add3A_1560, %and3A_1562 : vector<16xi32>
        %gather3A_1564 = tpu.vector_load_idx %arg10[%and3A_1563] : memref<32xf32, #tpu.memory_space<vmem>>[vector<16xi32>], vector<16xf32>,
        %gather3A_1565 = tpu.vector_load_idx %arg11[%and3A_1563] : memref<32xi32, #tpu.memory_space<vmem>>[vector<16xi32>], vector<16xi32>,
        %gt3A_1566 = arith.cmpf ogt, %gather3A_1564, %get3A_1384 : vector<16xf32>
        %eq3A_1567 = arith.cmpf oeq, %gather3A_1564, %get3A_1384 : vector<16xf32>
        %lt3A_1568 = arith.cmpi slt, %gather3A_1565, %get3A_1386 : vector<16xi32>
        %and3A_1569 = arith.andi %eq3A_1567, %lt3A_1568 : vector<16xi1>
        %or3A_1570 = arith.ori %gt3A_1566, %and3A_1569 : vector<16xi1>
        %jit3A_1571 = arith.constant 1 : i32
        %jit3A_1572 = arith.constant 0 : i32
        %broadcast_in_dim3A_1573 = vector.broadcast %jit3A_1571 : i32 to vector<16xi32>
        %broadcast_in_dim3A_1574 = vector.broadcast %jit3A_1572 : i32 to vector<16xi32>
        %select_n3A_1575 = arith.select %or3A_1570, %broadcast_in_dim3A_1573, %broadcast_in_dim3A_1574 : vector<16xi1>, vector<16xi32>
        %add3A_1576 = arith.addi %add3A_1557, %select_n3A_1575 : vector<16xi32>
        %add3A_1577 = arith.constant 11 : i32
        %add3A_1578 = vector.broadcast %add3A_1577 : i32 to vector<16xi32>
        %add3A_1579 = arith.addi %iota3A, %add3A_1578 : vector<16xi32>
        %and3A_1580 = arith.constant 15 : i32
        %and3A_1581 = vector.broadcast %and3A_1580 : i32 to vector<16xi32>
        %and3A_1582 = arith.andi %add3A_1579, %and3A_1581 : vector<16xi32>
        %gather3A_1583 = tpu.vector_load_idx %arg10[%and3A_1582] : memref<32xf32, #tpu.memory_space<vmem>>[vector<16xi32>], vector<16xf32>,
        %gather3A_1584 = tpu.vector_load_idx %arg11[%and3A_1582] : memref<32xi32, #tpu.memory_space<vmem>>[vector<16xi32>], vector<16xi32>,
        %gt3A_1585 = arith.cmpf ogt, %gather3A_1583, %get3A_1384 : vector<16xf32>
        %eq3A_1586 = arith.cmpf oeq, %gather3A_1583, %get3A_1384 : vector<16xf32>
        %lt3A_1587 = arith.cmpi slt, %gather3A_1584, %get3A_1386 : vector<16xi32>
        %and3A_1588 = arith.andi %eq3A_1586, %lt3A_1587 : vector<16xi1>
        %or3A_1589 = arith.ori %gt3A_1585, %and3A_1588 : vector<16xi1>
        %jit3A_1590 = arith.constant 1 : i32
        %jit3A_1591 = arith.constant 0 : i32
        %broadcast_in_dim3A_1592 = vector.broadcast %jit3A_1590 : i32 to vector<16xi32>
        %broadcast_in_dim3A_1593 = vector.broadcast %jit3A_1591 : i32 to vector<16xi32>
        %select_n3A_1594 = arith.select %or3A_1589, %broadcast_in_dim3A_1592, %broadcast_in_dim3A_1593 : vector<16xi1>, vector<16xi32>
        %add3A_1595 = arith.addi %add3A_1576, %select_n3A_1594 : vector<16xi32>
        %add3A_1596 = arith.constant 12 : i32
        %add3A_1597 = vector.broadcast %add3A_1596 : i32 to vector<16xi32>
        %add3A_1598 = arith.addi %iota3A, %add3A_1597 : vector<16xi32>
        %and3A_1599 = arith.constant 15 : i32
        %and3A_1600 = vector.broadcast %and3A_1599 : i32 to vector<16xi32>
        %and3A_1601 = arith.andi %add3A_1598, %and3A_1600 : vector<16xi32>
        %gather3A_1602 = tpu.vector_load_idx %arg10[%and3A_1601] : memref<32xf32, #tpu.memory_space<vmem>>[vector<16xi32>], vector<16xf32>,
        %gather3A_1603 = tpu.vector_load_idx %arg11[%and3A_1601] : memref<32xi32, #tpu.memory_space<vmem>>[vector<16xi32>], vector<16xi32>,
        %gt3A_1604 = arith.cmpf ogt, %gather3A_1602, %get3A_1384 : vector<16xf32>
        %eq3A_1605 = arith.cmpf oeq, %gather3A_1602, %get3A_1384 : vector<16xf32>
        %lt3A_1606 = arith.cmpi slt, %gather3A_1603, %get3A_1386 : vector<16xi32>
        %and3A_1607 = arith.andi %eq3A_1605, %lt3A_1606 : vector<16xi1>
        %or3A_1608 = arith.ori %gt3A_1604, %and3A_1607 : vector<16xi1>
        %jit3A_1609 = arith.constant 1 : i32
        %jit3A_1610 = arith.constant 0 : i32
        %broadcast_in_dim3A_1611 = vector.broadcast %jit3A_1609 : i32 to vector<16xi32>
        %broadcast_in_dim3A_1612 = vector.broadcast %jit3A_1610 : i32 to vector<16xi32>
        %select_n3A_1613 = arith.select %or3A_1608, %broadcast_in_dim3A_1611, %broadcast_in_dim3A_1612 : vector<16xi1>, vector<16xi32>
        %add3A_1614 = arith.addi %add3A_1595, %select_n3A_1613 : vector<16xi32>
        %add3A_1615 = arith.constant 13 : i32
        %add3A_1616 = vector.broadcast %add3A_1615 : i32 to vector<16xi32>
        %add3A_1617 = arith.addi %iota3A, %add3A_1616 : vector<16xi32>
        %and3A_1618 = arith.constant 15 : i32
        %and3A_1619 = vector.broadcast %and3A_1618 : i32 to vector<16xi32>
        %and3A_1620 = arith.andi %add3A_1617, %and3A_1619 : vector<16xi32>
        %gather3A_1621 = tpu.vector_load_idx %arg10[%and3A_1620] : memref<32xf32, #tpu.memory_space<vmem>>[vector<16xi32>], vector<16xf32>,
        %gather3A_1622 = tpu.vector_load_idx %arg11[%and3A_1620] : memref<32xi32, #tpu.memory_space<vmem>>[vector<16xi32>], vector<16xi32>,
        %gt3A_1623 = arith.cmpf ogt, %gather3A_1621, %get3A_1384 : vector<16xf32>
        %eq3A_1624 = arith.cmpf oeq, %gather3A_1621, %get3A_1384 : vector<16xf32>
        %lt3A_1625 = arith.cmpi slt, %gather3A_1622, %get3A_1386 : vector<16xi32>
        %and3A_1626 = arith.andi %eq3A_1624, %lt3A_1625 : vector<16xi1>
        %or3A_1627 = arith.ori %gt3A_1623, %and3A_1626 : vector<16xi1>
        %jit3A_1628 = arith.constant 1 : i32
        %jit3A_1629 = arith.constant 0 : i32
        %broadcast_in_dim3A_1630 = vector.broadcast %jit3A_1628 : i32 to vector<16xi32>
        %broadcast_in_dim3A_1631 = vector.broadcast %jit3A_1629 : i32 to vector<16xi32>
        %select_n3A_1632 = arith.select %or3A_1627, %broadcast_in_dim3A_1630, %broadcast_in_dim3A_1631 : vector<16xi1>, vector<16xi32>
        %add3A_1633 = arith.addi %add3A_1614, %select_n3A_1632 : vector<16xi32>
        %add3A_1634 = arith.constant 14 : i32
        %add3A_1635 = vector.broadcast %add3A_1634 : i32 to vector<16xi32>
        %add3A_1636 = arith.addi %iota3A, %add3A_1635 : vector<16xi32>
        %and3A_1637 = arith.constant 15 : i32
        %and3A_1638 = vector.broadcast %and3A_1637 : i32 to vector<16xi32>
        %and3A_1639 = arith.andi %add3A_1636, %and3A_1638 : vector<16xi32>
        %gather3A_1640 = tpu.vector_load_idx %arg10[%and3A_1639] : memref<32xf32, #tpu.memory_space<vmem>>[vector<16xi32>], vector<16xf32>,
        %gather3A_1641 = tpu.vector_load_idx %arg11[%and3A_1639] : memref<32xi32, #tpu.memory_space<vmem>>[vector<16xi32>], vector<16xi32>,
        %gt3A_1642 = arith.cmpf ogt, %gather3A_1640, %get3A_1384 : vector<16xf32>
        %eq3A_1643 = arith.cmpf oeq, %gather3A_1640, %get3A_1384 : vector<16xf32>
        %lt3A_1644 = arith.cmpi slt, %gather3A_1641, %get3A_1386 : vector<16xi32>
        %and3A_1645 = arith.andi %eq3A_1643, %lt3A_1644 : vector<16xi1>
        %or3A_1646 = arith.ori %gt3A_1642, %and3A_1645 : vector<16xi1>
        %jit3A_1647 = arith.constant 1 : i32
        %jit3A_1648 = arith.constant 0 : i32
        %broadcast_in_dim3A_1649 = vector.broadcast %jit3A_1647 : i32 to vector<16xi32>
        %broadcast_in_dim3A_1650 = vector.broadcast %jit3A_1648 : i32 to vector<16xi32>
        %select_n3A_1651 = arith.select %or3A_1646, %broadcast_in_dim3A_1649, %broadcast_in_dim3A_1650 : vector<16xi1>, vector<16xi32>
        %add3A_1652 = arith.addi %add3A_1633, %select_n3A_1651 : vector<16xi32>
        %add3A_1653 = arith.constant 15 : i32
        %add3A_1654 = vector.broadcast %add3A_1653 : i32 to vector<16xi32>
        %add3A_1655 = arith.addi %iota3A, %add3A_1654 : vector<16xi32>
        %and3A_1656 = arith.constant 15 : i32
        %and3A_1657 = vector.broadcast %and3A_1656 : i32 to vector<16xi32>
        %and3A_1658 = arith.andi %add3A_1655, %and3A_1657 : vector<16xi32>
        %gather3A_1659 = tpu.vector_load_idx %arg10[%and3A_1658] : memref<32xf32, #tpu.memory_space<vmem>>[vector<16xi32>], vector<16xf32>,
        %gather3A_1660 = tpu.vector_load_idx %arg11[%and3A_1658] : memref<32xi32, #tpu.memory_space<vmem>>[vector<16xi32>], vector<16xi32>,
        %gt3A_1661 = arith.cmpf ogt, %gather3A_1659, %get3A_1384 : vector<16xf32>
        %eq3A_1662 = arith.cmpf oeq, %gather3A_1659, %get3A_1384 : vector<16xf32>
        %lt3A_1663 = arith.cmpi slt, %gather3A_1660, %get3A_1386 : vector<16xi32>
        %and3A_1664 = arith.andi %eq3A_1662, %lt3A_1663 : vector<16xi1>
        %or3A_1665 = arith.ori %gt3A_1661, %and3A_1664 : vector<16xi1>
        %jit3A_1666 = arith.constant 1 : i32
        %jit3A_1667 = arith.constant 0 : i32
        %broadcast_in_dim3A_1668 = vector.broadcast %jit3A_1666 : i32 to vector<16xi32>
        %broadcast_in_dim3A_1669 = vector.broadcast %jit3A_1667 : i32 to vector<16xi32>
        %select_n3A_1670 = arith.select %or3A_1665, %broadcast_in_dim3A_1668, %broadcast_in_dim3A_1669 : vector<16xi1>, vector<16xi32>
        %add3A_1671 = arith.addi %add3A_1652, %select_n3A_1670 : vector<16xi32>
        %lt3A_1672 = arith.constant 8 : i32
        %lt3A_1673 = vector.broadcast %lt3A_1672 : i32 to vector<16xi32>
        %lt3A_1674 = arith.cmpi slt, %add3A_1671, %lt3A_1673 : vector<16xi32>
        %swap3A_1675 = arith.constant 0 : index
        %swap3A_1676 = tpu.vector_load %arg10[%swap3A_1675] masked %lt3A_1674 {strides = array<i32>} : memref<32xf32, #tpu.memory_space<vmem>>, vector<16xf32>, vector<16xi1>
        tpu.vector_store %arg10[%swap3A_1675], %get3A_1384 masked %lt3A_1674 {strides = array<i32>} : memref<32xf32, #tpu.memory_space<vmem>>, vector<16xf32>, vector<16xi1>
        %swap3A_1677 = arith.constant 0 : index
        %swap3A_1678 = tpu.vector_load %arg11[%swap3A_1677] masked %lt3A_1674 {strides = array<i32>} : memref<32xi32, #tpu.memory_space<vmem>>, vector<16xi32>, vector<16xi1>
        tpu.vector_store %arg11[%swap3A_1677], %get3A_1386 masked %lt3A_1674 {strides = array<i32>} : memref<32xi32, #tpu.memory_space<vmem>>, vector<16xi32>, vector<16xi1>
      }
      %broadcast_in_dim3A_471 = arith.constant 0xFF800000 : f32
      %broadcast_in_dim3A_472 = vector.broadcast %broadcast_in_dim3A_471 : f32 to vector<16xf32>
      %swap3A_473 = arith.constant 8 : index
      %swap3A_474 = tpu.vector_load %arg10[%swap3A_473] {strides = array<i32>} : memref<32xf32, #tpu.memory_space<vmem>>, vector<16xf32>,
      tpu.vector_store %arg10[%swap3A_473], %broadcast_in_dim3A_472 {strides = array<i32>} : memref<32xf32, #tpu.memory_space<vmem>>, vector<16xf32>,
      %add3A_475 = arith.constant 32768 : i32
      %add3A_476 = vector.broadcast %add3A_475 : i32 to vector<16xi32>
      %add3A_477 = arith.addi %add3A_476, %iota3A : vector<16xi32>
      %swap3A_478 = arith.constant 8 : index
      %swap3A_479 = tpu.vector_load %arg11[%swap3A_478] {strides = array<i32>} : memref<32xi32, #tpu.memory_space<vmem>>, vector<16xi32>,
      tpu.vector_store %arg11[%swap3A_478], %add3A_477 {strides = array<i32>} : memref<32xi32, #tpu.memory_space<vmem>>, vector<16xi32>,
      %get3A_480 = arith.constant 0 : index
      %get3A_481 = tpu.vector_load %arg11[%get3A_480] {strides = array<i32>} : memref<32xi32, #tpu.memory_space<vmem>>, vector<16xi32>,
      %get3A_482 = arith.constant 0 : index
      %get3A_483 = tpu.vector_load %arg10[%get3A_482] {strides = array<i32>} : memref<32xf32, #tpu.memory_space<vmem>>, vector<16xf32>,
      %broadcast_in_dim3A_484 = arith.constant 0 : i32
      %broadcast_in_dim3A_485 = vector.broadcast %broadcast_in_dim3A_484 : i32 to vector<16xi32>
      %add3A_486 = arith.constant 1 : i32
      %add3A_487 = vector.broadcast %add3A_486 : i32 to vector<16xi32>
      %add3A_488 = arith.addi %iota3A, %add3A_487 : vector<16xi32>
      %and3A_489 = arith.constant 15 : i32
      %and3A_490 = vector.broadcast %and3A_489 : i32 to vector<16xi32>
      %and3A_491 = arith.andi %add3A_488, %and3A_490 : vector<16xi32>
      %gather3A_492 = tpu.vector_load_idx %arg11[%and3A_491] : memref<32xi32, #tpu.memory_space<vmem>>[vector<16xi32>], vector<16xi32>,
      %lt3A_493 = arith.cmpi slt, %gather3A_492, %get3A_481 : vector<16xi32>
      %jit3A_494 = arith.constant 1 : i32
      %jit3A_495 = arith.constant 0 : i32
      %broadcast_in_dim3A_496 = vector.broadcast %jit3A_494 : i32 to vector<16xi32>
      %broadcast_in_dim3A_497 = vector.broadcast %jit3A_495 : i32 to vector<16xi32>
      %select_n3A_498 = arith.select %lt3A_493, %broadcast_in_dim3A_496, %broadcast_in_dim3A_497 : vector<16xi1>, vector<16xi32>
      %add3A_499 = arith.addi %broadcast_in_dim3A_485, %select_n3A_498 : vector<16xi32>
      %add3A_500 = arith.constant 2 : i32
      %add3A_501 = vector.broadcast %add3A_500 : i32 to vector<16xi32>
      %add3A_502 = arith.addi %iota3A, %add3A_501 : vector<16xi32>
      %and3A_503 = arith.constant 15 : i32
      %and3A_504 = vector.broadcast %and3A_503 : i32 to vector<16xi32>
      %and3A_505 = arith.andi %add3A_502, %and3A_504 : vector<16xi32>
      %gather3A_506 = tpu.vector_load_idx %arg11[%and3A_505] : memref<32xi32, #tpu.memory_space<vmem>>[vector<16xi32>], vector<16xi32>,
      %lt3A_507 = arith.cmpi slt, %gather3A_506, %get3A_481 : vector<16xi32>
      %jit3A_508 = arith.constant 1 : i32
      %jit3A_509 = arith.constant 0 : i32
      %broadcast_in_dim3A_510 = vector.broadcast %jit3A_508 : i32 to vector<16xi32>
      %broadcast_in_dim3A_511 = vector.broadcast %jit3A_509 : i32 to vector<16xi32>
      %select_n3A_512 = arith.select %lt3A_507, %broadcast_in_dim3A_510, %broadcast_in_dim3A_511 : vector<16xi1>, vector<16xi32>
      %add3A_513 = arith.addi %add3A_499, %select_n3A_512 : vector<16xi32>
      %add3A_514 = arith.constant 3 : i32
      %add3A_515 = vector.broadcast %add3A_514 : i32 to vector<16xi32>
      %add3A_516 = arith.addi %iota3A, %add3A_515 : vector<16xi32>
      %and3A_517 = arith.constant 15 : i32
      %and3A_518 = vector.broadcast %and3A_517 : i32 to vector<16xi32>
      %and3A_519 = arith.andi %add3A_516, %and3A_518 : vector<16xi32>
      %gather3A_520 = tpu.vector_load_idx %arg11[%and3A_519] : memref<32xi32, #tpu.memory_space<vmem>>[vector<16xi32>], vector<16xi32>,
      %lt3A_521 = arith.cmpi slt, %gather3A_520, %get3A_481 : vector<16xi32>
      %jit3A_522 = arith.constant 1 : i32
      %jit3A_523 = arith.constant 0 : i32
      %broadcast_in_dim3A_524 = vector.broadcast %jit3A_522 : i32 to vector<16xi32>
      %broadcast_in_dim3A_525 = vector.broadcast %jit3A_523 : i32 to vector<16xi32>
      %select_n3A_526 = arith.select %lt3A_521, %broadcast_in_dim3A_524, %broadcast_in_dim3A_525 : vector<16xi1>, vector<16xi32>
      %add3A_527 = arith.addi %add3A_513, %select_n3A_526 : vector<16xi32>
      %add3A_528 = arith.constant 4 : i32
      %add3A_529 = vector.broadcast %add3A_528 : i32 to vector<16xi32>
      %add3A_530 = arith.addi %iota3A, %add3A_529 : vector<16xi32>
      %and3A_531 = arith.constant 15 : i32
      %and3A_532 = vector.broadcast %and3A_531 : i32 to vector<16xi32>
      %and3A_533 = arith.andi %add3A_530, %and3A_532 : vector<16xi32>
      %gather3A_534 = tpu.vector_load_idx %arg11[%and3A_533] : memref<32xi32, #tpu.memory_space<vmem>>[vector<16xi32>], vector<16xi32>,
      %lt3A_535 = arith.cmpi slt, %gather3A_534, %get3A_481 : vector<16xi32>
      %jit3A_536 = arith.constant 1 : i32
      %jit3A_537 = arith.constant 0 : i32
      %broadcast_in_dim3A_538 = vector.broadcast %jit3A_536 : i32 to vector<16xi32>
      %broadcast_in_dim3A_539 = vector.broadcast %jit3A_537 : i32 to vector<16xi32>
      %select_n3A_540 = arith.select %lt3A_535, %broadcast_in_dim3A_538, %broadcast_in_dim3A_539 : vector<16xi1>, vector<16xi32>
      %add3A_541 = arith.addi %add3A_527, %select_n3A_540 : vector<16xi32>
      %add3A_542 = arith.constant 5 : i32
      %add3A_543 = vector.broadcast %add3A_542 : i32 to vector<16xi32>
      %add3A_544 = arith.addi %iota3A, %add3A_543 : vector<16xi32>
      %and3A_545 = arith.constant 15 : i32
      %and3A_546 = vector.broadcast %and3A_545 : i32 to vector<16xi32>
      %and3A_547 = arith.andi %add3A_544, %and3A_546 : vector<16xi32>
      %gather3A_548 = tpu.vector_load_idx %arg11[%and3A_547] : memref<32xi32, #tpu.memory_space<vmem>>[vector<16xi32>], vector<16xi32>,
      %lt3A_549 = arith.cmpi slt, %gather3A_548, %get3A_481 : vector<16xi32>
      %jit3A_550 = arith.constant 1 : i32
      %jit3A_551 = arith.constant 0 : i32
      %broadcast_in_dim3A_552 = vector.broadcast %jit3A_550 : i32 to vector<16xi32>
      %broadcast_in_dim3A_553 = vector.broadcast %jit3A_551 : i32 to vector<16xi32>
      %select_n3A_554 = arith.select %lt3A_549, %broadcast_in_dim3A_552, %broadcast_in_dim3A_553 : vector<16xi1>, vector<16xi32>
      %add3A_555 = arith.addi %add3A_541, %select_n3A_554 : vector<16xi32>
      %add3A_556 = arith.constant 6 : i32
      %add3A_557 = vector.broadcast %add3A_556 : i32 to vector<16xi32>
      %add3A_558 = arith.addi %iota3A, %add3A_557 : vector<16xi32>
      %and3A_559 = arith.constant 15 : i32
      %and3A_560 = vector.broadcast %and3A_559 : i32 to vector<16xi32>
      %and3A_561 = arith.andi %add3A_558, %and3A_560 : vector<16xi32>
      %gather3A_562 = tpu.vector_load_idx %arg11[%and3A_561] : memref<32xi32, #tpu.memory_space<vmem>>[vector<16xi32>], vector<16xi32>,
      %lt3A_563 = arith.cmpi slt, %gather3A_562, %get3A_481 : vector<16xi32>
      %jit3A_564 = arith.constant 1 : i32
      %jit3A_565 = arith.constant 0 : i32
      %broadcast_in_dim3A_566 = vector.broadcast %jit3A_564 : i32 to vector<16xi32>
      %broadcast_in_dim3A_567 = vector.broadcast %jit3A_565 : i32 to vector<16xi32>
      %select_n3A_568 = arith.select %lt3A_563, %broadcast_in_dim3A_566, %broadcast_in_dim3A_567 : vector<16xi1>, vector<16xi32>
      %add3A_569 = arith.addi %add3A_555, %select_n3A_568 : vector<16xi32>
      %add3A_570 = arith.constant 7 : i32
      %add3A_571 = vector.broadcast %add3A_570 : i32 to vector<16xi32>
      %add3A_572 = arith.addi %iota3A, %add3A_571 : vector<16xi32>
      %and3A_573 = arith.constant 15 : i32
      %and3A_574 = vector.broadcast %and3A_573 : i32 to vector<16xi32>
      %and3A_575 = arith.andi %add3A_572, %and3A_574 : vector<16xi32>
      %gather3A_576 = tpu.vector_load_idx %arg11[%and3A_575] : memref<32xi32, #tpu.memory_space<vmem>>[vector<16xi32>], vector<16xi32>,
      %lt3A_577 = arith.cmpi slt, %gather3A_576, %get3A_481 : vector<16xi32>
      %jit3A_578 = arith.constant 1 : i32
      %jit3A_579 = arith.constant 0 : i32
      %broadcast_in_dim3A_580 = vector.broadcast %jit3A_578 : i32 to vector<16xi32>
      %broadcast_in_dim3A_581 = vector.broadcast %jit3A_579 : i32 to vector<16xi32>
      %select_n3A_582 = arith.select %lt3A_577, %broadcast_in_dim3A_580, %broadcast_in_dim3A_581 : vector<16xi1>, vector<16xi32>
      %add3A_583 = arith.addi %add3A_569, %select_n3A_582 : vector<16xi32>
      %add3A_584 = arith.constant 8 : i32
      %add3A_585 = vector.broadcast %add3A_584 : i32 to vector<16xi32>
      %add3A_586 = arith.addi %iota3A, %add3A_585 : vector<16xi32>
      %and3A_587 = arith.constant 15 : i32
      %and3A_588 = vector.broadcast %and3A_587 : i32 to vector<16xi32>
      %and3A_589 = arith.andi %add3A_586, %and3A_588 : vector<16xi32>
      %gather3A_590 = tpu.vector_load_idx %arg11[%and3A_589] : memref<32xi32, #tpu.memory_space<vmem>>[vector<16xi32>], vector<16xi32>,
      %lt3A_591 = arith.cmpi slt, %gather3A_590, %get3A_481 : vector<16xi32>
      %jit3A_592 = arith.constant 1 : i32
      %jit3A_593 = arith.constant 0 : i32
      %broadcast_in_dim3A_594 = vector.broadcast %jit3A_592 : i32 to vector<16xi32>
      %broadcast_in_dim3A_595 = vector.broadcast %jit3A_593 : i32 to vector<16xi32>
      %select_n3A_596 = arith.select %lt3A_591, %broadcast_in_dim3A_594, %broadcast_in_dim3A_595 : vector<16xi1>, vector<16xi32>
      %add3A_597 = arith.addi %add3A_583, %select_n3A_596 : vector<16xi32>
      %add3A_598 = arith.constant 9 : i32
      %add3A_599 = vector.broadcast %add3A_598 : i32 to vector<16xi32>
      %add3A_600 = arith.addi %iota3A, %add3A_599 : vector<16xi32>
      %and3A_601 = arith.constant 15 : i32
      %and3A_602 = vector.broadcast %and3A_601 : i32 to vector<16xi32>
      %and3A_603 = arith.andi %add3A_600, %and3A_602 : vector<16xi32>
      %gather3A_604 = tpu.vector_load_idx %arg11[%and3A_603] : memref<32xi32, #tpu.memory_space<vmem>>[vector<16xi32>], vector<16xi32>,
      %lt3A_605 = arith.cmpi slt, %gather3A_604, %get3A_481 : vector<16xi32>
      %jit3A_606 = arith.constant 1 : i32
      %jit3A_607 = arith.constant 0 : i32
      %broadcast_in_dim3A_608 = vector.broadcast %jit3A_606 : i32 to vector<16xi32>
      %broadcast_in_dim3A_609 = vector.broadcast %jit3A_607 : i32 to vector<16xi32>
      %select_n3A_610 = arith.select %lt3A_605, %broadcast_in_dim3A_608, %broadcast_in_dim3A_609 : vector<16xi1>, vector<16xi32>
      %add3A_611 = arith.addi %add3A_597, %select_n3A_610 : vector<16xi32>
      %add3A_612 = arith.constant 10 : i32
      %add3A_613 = vector.broadcast %add3A_612 : i32 to vector<16xi32>
      %add3A_614 = arith.addi %iota3A, %add3A_613 : vector<16xi32>
      %and3A_615 = arith.constant 15 : i32
      %and3A_616 = vector.broadcast %and3A_615 : i32 to vector<16xi32>
      %and3A_617 = arith.andi %add3A_614, %and3A_616 : vector<16xi32>
      %gather3A_618 = tpu.vector_load_idx %arg11[%and3A_617] : memref<32xi32, #tpu.memory_space<vmem>>[vector<16xi32>], vector<16xi32>,
      %lt3A_619 = arith.cmpi slt, %gather3A_618, %get3A_481 : vector<16xi32>
      %jit3A_620 = arith.constant 1 : i32
      %jit3A_621 = arith.constant 0 : i32
      %broadcast_in_dim3A_622 = vector.broadcast %jit3A_620 : i32 to vector<16xi32>
      %broadcast_in_dim3A_623 = vector.broadcast %jit3A_621 : i32 to vector<16xi32>
      %select_n3A_624 = arith.select %lt3A_619, %broadcast_in_dim3A_622, %broadcast_in_dim3A_623 : vector<16xi1>, vector<16xi32>
      %add3A_625 = arith.addi %add3A_611, %select_n3A_624 : vector<16xi32>
      %add3A_626 = arith.constant 11 : i32
      %add3A_627 = vector.broadcast %add3A_626 : i32 to vector<16xi32>
      %add3A_628 = arith.addi %iota3A, %add3A_627 : vector<16xi32>
      %and3A_629 = arith.constant 15 : i32
      %and3A_630 = vector.broadcast %and3A_629 : i32 to vector<16xi32>
      %and3A_631 = arith.andi %add3A_628, %and3A_630 : vector<16xi32>
      %gather3A_632 = tpu.vector_load_idx %arg11[%and3A_631] : memref<32xi32, #tpu.memory_space<vmem>>[vector<16xi32>], vector<16xi32>,
      %lt3A_633 = arith.cmpi slt, %gather3A_632, %get3A_481 : vector<16xi32>
      %jit3A_634 = arith.constant 1 : i32
      %jit3A_635 = arith.constant 0 : i32
      %broadcast_in_dim3A_636 = vector.broadcast %jit3A_634 : i32 to vector<16xi32>
      %broadcast_in_dim3A_637 = vector.broadcast %jit3A_635 : i32 to vector<16xi32>
      %select_n3A_638 = arith.select %lt3A_633, %broadcast_in_dim3A_636, %broadcast_in_dim3A_637 : vector<16xi1>, vector<16xi32>
      %add3A_639 = arith.addi %add3A_625, %select_n3A_638 : vector<16xi32>
      %add3A_640 = arith.constant 12 : i32
      %add3A_641 = vector.broadcast %add3A_640 : i32 to vector<16xi32>
      %add3A_642 = arith.addi %iota3A, %add3A_641 : vector<16xi32>
      %and3A_643 = arith.constant 15 : i32
      %and3A_644 = vector.broadcast %and3A_643 : i32 to vector<16xi32>
      %and3A_645 = arith.andi %add3A_642, %and3A_644 : vector<16xi32>
      %gather3A_646 = tpu.vector_load_idx %arg11[%and3A_645] : memref<32xi32, #tpu.memory_space<vmem>>[vector<16xi32>], vector<16xi32>,
      %lt3A_647 = arith.cmpi slt, %gather3A_646, %get3A_481 : vector<16xi32>
      %jit3A_648 = arith.constant 1 : i32
      %jit3A_649 = arith.constant 0 : i32
      %broadcast_in_dim3A_650 = vector.broadcast %jit3A_648 : i32 to vector<16xi32>
      %broadcast_in_dim3A_651 = vector.broadcast %jit3A_649 : i32 to vector<16xi32>
      %select_n3A_652 = arith.select %lt3A_647, %broadcast_in_dim3A_650, %broadcast_in_dim3A_651 : vector<16xi1>, vector<16xi32>
      %add3A_653 = arith.addi %add3A_639, %select_n3A_652 : vector<16xi32>
      %add3A_654 = arith.constant 13 : i32
      %add3A_655 = vector.broadcast %add3A_654 : i32 to vector<16xi32>
      %add3A_656 = arith.addi %iota3A, %add3A_655 : vector<16xi32>
      %and3A_657 = arith.constant 15 : i32
      %and3A_658 = vector.broadcast %and3A_657 : i32 to vector<16xi32>
      %and3A_659 = arith.andi %add3A_656, %and3A_658 : vector<16xi32>
      %gather3A_660 = tpu.vector_load_idx %arg11[%and3A_659] : memref<32xi32, #tpu.memory_space<vmem>>[vector<16xi32>], vector<16xi32>,
      %lt3A_661 = arith.cmpi slt, %gather3A_660, %get3A_481 : vector<16xi32>
      %jit3A_662 = arith.constant 1 : i32
      %jit3A_663 = arith.constant 0 : i32
      %broadcast_in_dim3A_664 = vector.broadcast %jit3A_662 : i32 to vector<16xi32>
      %broadcast_in_dim3A_665 = vector.broadcast %jit3A_663 : i32 to vector<16xi32>
      %select_n3A_666 = arith.select %lt3A_661, %broadcast_in_dim3A_664, %broadcast_in_dim3A_665 : vector<16xi1>, vector<16xi32>
      %add3A_667 = arith.addi %add3A_653, %select_n3A_666 : vector<16xi32>
      %add3A_668 = arith.constant 14 : i32
      %add3A_669 = vector.broadcast %add3A_668 : i32 to vector<16xi32>
      %add3A_670 = arith.addi %iota3A, %add3A_669 : vector<16xi32>
      %and3A_671 = arith.constant 15 : i32
      %and3A_672 = vector.broadcast %and3A_671 : i32 to vector<16xi32>
      %and3A_673 = arith.andi %add3A_670, %and3A_672 : vector<16xi32>
      %gather3A_674 = tpu.vector_load_idx %arg11[%and3A_673] : memref<32xi32, #tpu.memory_space<vmem>>[vector<16xi32>], vector<16xi32>,
      %lt3A_675 = arith.cmpi slt, %gather3A_674, %get3A_481 : vector<16xi32>
      %jit3A_676 = arith.constant 1 : i32
      %jit3A_677 = arith.constant 0 : i32
      %broadcast_in_dim3A_678 = vector.broadcast %jit3A_676 : i32 to vector<16xi32>
      %broadcast_in_dim3A_679 = vector.broadcast %jit3A_677 : i32 to vector<16xi32>
      %select_n3A_680 = arith.select %lt3A_675, %broadcast_in_dim3A_678, %broadcast_in_dim3A_679 : vector<16xi1>, vector<16xi32>
      %add3A_681 = arith.addi %add3A_667, %select_n3A_680 : vector<16xi32>
      %add3A_682 = arith.constant 15 : i32
      %add3A_683 = vector.broadcast %add3A_682 : i32 to vector<16xi32>
      %add3A_684 = arith.addi %iota3A, %add3A_683 : vector<16xi32>
      %and3A_685 = arith.constant 15 : i32
      %and3A_686 = vector.broadcast %and3A_685 : i32 to vector<16xi32>
      %and3A_687 = arith.andi %add3A_684, %and3A_686 : vector<16xi32>
      %gather3A_688 = tpu.vector_load_idx %arg11[%and3A_687] : memref<32xi32, #tpu.memory_space<vmem>>[vector<16xi32>], vector<16xi32>,
      %lt3A_689 = arith.cmpi slt, %gather3A_688, %get3A_481 : vector<16xi32>
      %jit3A_690 = arith.constant 1 : i32
      %jit3A_691 = arith.constant 0 : i32
      %broadcast_in_dim3A_692 = vector.broadcast %jit3A_690 : i32 to vector<16xi32>
      %broadcast_in_dim3A_693 = vector.broadcast %jit3A_691 : i32 to vector<16xi32>
      %select_n3A_694 = arith.select %lt3A_689, %broadcast_in_dim3A_692, %broadcast_in_dim3A_693 : vector<16xi1>, vector<16xi32>
      %add3A_695 = arith.addi %add3A_681, %select_n3A_694 : vector<16xi32>
      %mul3A_696 = arith.constant 8 : i32
      %mul3A_697 = arith.muli %add3A_406, %mul3A_696 : i32
      %add3A_698 = vector.broadcast %mul3A_697 : i32 to vector<16xi32>
      %add3A_699 = arith.addi %add3A_698, %add3A_695 : vector<16xi32>
      %lt3A_700 = arith.constant 8 : i32
      %lt3A_701 = vector.broadcast %lt3A_700 : i32 to vector<16xi32>
      %lt3A_702 = arith.cmpi slt, %iota3A, %lt3A_701 : vector<16xi32>
      tpu.vector_store_idx %arg12[%add3A_699], %get3A_483 masked %lt3A_702 : memref<2064xf32, #tpu.memory_space<vmem>>[vector<16xi32>], vector<16xf32>, vector<16xi1>
      %add3A_703 = arith.constant 4 : i32
      %add3A_704 = arith.addi %add3A_406, %add3A_703 : i32
      %lt3A_705 = arith.constant 256 : i32
      %lt3A_706 = arith.cmpi slt, %add3A_704, %lt3A_705 : i32
      %add3A_707 = arith.addi %mul3A_34, %add3A_406 : i32
      %add3A_708 = arith.constant 4 : i32
      %add3A_709 = arith.addi %add3A_707, %add3A_708 : i32
      %select_n3A_710 = arith.select %lt3A_706, %add3A_709, %mul3A_34 : i32
      %dma_start3A_711 = arith.constant 0 : i32
      %dma_start3A_712 = tpu.memref_slice %arg2[%select_n3A, %select_n3A_710, %dma_start3A_711] : memref<8x1024x8192xf32, #tpu.memory_space<hbm>> -> memref<1x1x8192xf32, #tpu.memory_space<hbm>>
      %dma_start3A_713 = tpu.memref_squeeze %dma_start3A_712 : memref<1x1x8192xf32, #tpu.memory_space<hbm>> -> memref<8192xf32, #tpu.memory_space<hbm>>
      %dma_start3A_714 = arith.constant 0 : i32
      %dma_start3A_715 = tpu.memref_slice %arg2[%select_n3A, %select_n3A_710, %dma_start3A_714] : memref<8x1024x8192xf32, #tpu.memory_space<hbm>> -> memref<1x1x8192xf32, #tpu.memory_space<hbm>>
      %dma_start3A_716 = tpu.memref_squeeze %dma_start3A_715 : memref<1x1x8192xf32, #tpu.memory_space<hbm>> -> memref<8192xf32, #tpu.memory_space<hbm>>
      tpu.enqueue_dma source(%dma_start3A_716 : memref<8192xf32, #tpu.memory_space<hbm>>) target(%arg5 : memref<8192xf32, #tpu.memory_space<vmem>>) target_semaphore(%arg14 : memref<!tpu.dma_semaphore, #tpu.memory_space<semaphore_mem>>)
      %mul3A_717 = arith.constant 4 : i32
      %mul3A_718 = arith.muli %scan3A_96, %mul3A_717 : i32
      %add3A_719 = arith.constant 2 : i32
      %add3A_720 = arith.addi %mul3A_718, %add3A_719 : i32
      %add3A_721 = arith.addi %mul3A_34, %add3A_720 : i32
      %dma_wait3A_722 = arith.constant 0 : i32
      %dma_wait3A_723 = tpu.memref_slice %arg2[%select_n3A, %add3A_721, %dma_wait3A_722] : memref<8x1024x8192xf32, #tpu.memory_space<hbm>> -> memref<1x1x8192xf32, #tpu.memory_space<hbm>>
      %dma_wait3A_724 = tpu.memref_squeeze %dma_wait3A_723 : memref<1x1x8192xf32, #tpu.memory_space<hbm>> -> memref<8192xf32, #tpu.memory_space<hbm>>
      %dma_wait3A_725 = arith.constant 0 : i32
      %dma_wait3A_726 = tpu.memref_slice %arg2[%select_n3A, %add3A_721, %dma_wait3A_725] : memref<8x1024x8192xf32, #tpu.memory_space<hbm>> -> memref<1x1x8192xf32, #tpu.memory_space<hbm>>
      %dma_wait3A_727 = tpu.memref_squeeze %dma_wait3A_726 : memref<1x1x8192xf32, #tpu.memory_space<hbm>> -> memref<8192xf32, #tpu.memory_space<hbm>>
      tpu.wait_dma2 semaphore(%arg15 : memref<!tpu.dma_semaphore, #tpu.memory_space<semaphore_mem>>) src(%dma_wait3A_727 : memref<8192xf32, #tpu.memory_space<hbm>>) dst(%arg6 : memref<8192xf32, #tpu.memory_space<vmem>>)
      %broadcast_in_dim3A_728 = arith.constant 0xFF800000 : f32
      %broadcast_in_dim3A_729 = vector.broadcast %broadcast_in_dim3A_728 : f32 to vector<16xf32>
      %parallel_loop3A_730 = arith.constant 0 : i32
      %parallel_loop3A_731 = arith.constant 512 : i32
      %parallel_loop3A_732 = arith.constant 1 : i32
      %parallel_loop3A_733 = scf.for %parallel_loop3A_1345 = %parallel_loop3A_730 to %parallel_loop3A_731 step %parallel_loop3A_732 iter_args(%parallel_loop3A_1346 = %broadcast_in_dim3A_729) -> (vector<16xf32>)  : i32 {
        %parallel_loop3A_1347 = arith.constant 16 : i32
        %parallel_loop3A_1348 = arith.muli %parallel_loop3A_1345, %parallel_loop3A_1347 : i32
        %parallel_loop3A_1349 = arith.index_cast %parallel_loop3A_1348 : i32 to index
        %parallel_loop3A_1350 = tpu.vector_load %arg6[%parallel_loop3A_1349] {strides = array<i32>} : memref<8192xf32, #tpu.memory_space<vmem>>, vector<16xf32>,
        %parallel_loop3A_1351 = arith.maximumf %parallel_loop3A_1346, %parallel_loop3A_1350 : vector<16xf32>
        scf.yield %parallel_loop3A_1351 : vector<16xf32>
      } {sc.loop_unroll_factor = 16 : i64, sc.parallel_access}
      %masked_sort3A_734 = arith.constant dense<true> : vector<16xi1>
      %masked_sort3A_735, %masked_sort3A_736, %masked_sort3A_737 = tpu.sort %parallel_loop3A_733, %parallel_loop3A_733 masked %masked_sort3A_734 : (vector<16xf32>, vector<16xf32>, vector<16xi1>) -> (vector<16xi1>, vector<16xf32>, vector<16xf32>)
      %eq3A_738 = arith.constant 7 : i32
      %eq3A_739 = vector.broadcast %eq3A_738 : i32 to vector<16xi32>
      %eq3A_740 = arith.cmpi eq, %iota3A, %eq3A_739 : vector<16xi32>
      %jit3A_741 = arith.constant 0xFF800000 : f32
      %broadcast_in_dim3A_742 = vector.broadcast %jit3A_741 : f32 to vector<16xf32>
      %select_n3A_743 = arith.select %eq3A_740, %masked_sort3A_736, %broadcast_in_dim3A_742 : vector<16xi1>, vector<16xf32>
      %reduce_max3A_744 = arith.constant true
      %reduce_max3A_745 = vector.broadcast %reduce_max3A_744 : i1 to vector<16xi1>
      %reduce_max3A_746 = tpu.scan <max>, %select_n3A_743 masked %reduce_max3A_745 : vector<16xf32>, vector<16xi1> -> vector<16xf32>
      %reduce_max3A_747 = vector.extract %reduce_max3A_746[15] : f32 from vector<16xf32>
      %broadcast_in_dim3A_748 = arith.constant 0 : i32
      %broadcast_in_dim3A_749 = vector.broadcast %broadcast_in_dim3A_748 : i32 to vector<16xi32>
      %parallel_loop3A_750 = arith.constant 0 : i32
      %parallel_loop3A_751 = arith.constant 512 : i32
      %parallel_loop3A_752 = arith.constant 1 : i32
      %parallel_loop3A_753:2 = scf.for %parallel_loop3A_1345 = %parallel_loop3A_750 to %parallel_loop3A_751 step %parallel_loop3A_752 iter_args(%parallel_loop3A_1346 = %broadcast_in_dim3A_749, %parallel_loop3A_1347 = %iota3A) -> (vector<16xi32>, vector<16xi32>)  : i32 {
        %parallel_loop3A_1348 = arith.constant 16 : i32
        %parallel_loop3A_1349 = arith.muli %parallel_loop3A_1345, %parallel_loop3A_1348 : i32
        %parallel_loop3A_1350 = arith.index_cast %parallel_loop3A_1349 : i32 to index
        %parallel_loop3A_1351 = tpu.vector_load %arg6[%parallel_loop3A_1350] {strides = array<i32>} : memref<8192xf32, #tpu.memory_space<vmem>>, vector<16xf32>,
        %parallel_loop3A_1352 = vector.broadcast %reduce_max3A_747 : f32 to vector<16xf32>
        %parallel_loop3A_1353 = arith.cmpf oge, %parallel_loop3A_1351, %parallel_loop3A_1352 : vector<16xf32>
        %parallel_loop3A_1354 = arith.constant 4 : i32
        %parallel_loop3A_1355 = vector.broadcast %parallel_loop3A_1354 : i32 to vector<16xi32>
        %parallel_loop3A_1356 = arith.shli %parallel_loop3A_1346, %parallel_loop3A_1355 : vector<16xi32>
        %parallel_loop3A_1357 = arith.addi %iota3A, %parallel_loop3A_1356 : vector<16xi32>
        tpu.vector_store_idx %arg8[%parallel_loop3A_1357], %parallel_loop3A_1347 masked %parallel_loop3A_1353 : memref<8192xi32, #tpu.memory_space<vmem>>[vector<16xi32>], vector<16xi32>, vector<16xi1>
        %parallel_loop3A_1358 = arith.constant 1 : i32
        %parallel_loop3A_1359 = arith.constant 0 : i32
        %parallel_loop3A_1360 = vector.broadcast %parallel_loop3A_1358 : i32 to vector<16xi32>
        %parallel_loop3A_1361 = vector.broadcast %parallel_loop3A_1359 : i32 to vector<16xi32>
        %parallel_loop3A_1362 = arith.select %parallel_loop3A_1353, %parallel_loop3A_1360, %parallel_loop3A_1361 : vector<16xi1>, vector<16xi32>
        %parallel_loop3A_1363 = arith.addi %parallel_loop3A_1346, %parallel_loop3A_1362 : vector<16xi32>
        %parallel_loop3A_1364 = arith.constant 16 : i32
        %parallel_loop3A_1365 = vector.broadcast %parallel_loop3A_1364 : i32 to vector<16xi32>
        %parallel_loop3A_1366 = arith.addi %parallel_loop3A_1347, %parallel_loop3A_1365 : vector<16xi32>
        scf.yield %parallel_loop3A_1363, %parallel_loop3A_1366 : vector<16xi32>, vector<16xi32>
      } {sc.loop_unroll_factor = 16 : i64, sc.parallel_access}
      %swap3A_754 = arith.constant 0 : index
      %swap3A_755 = tpu.vector_load %arg9[%swap3A_754] {strides = array<i32>} : memref<16xi32, #tpu.memory_space<vmem>>, vector<16xi32>,
      tpu.vector_store %arg9[%swap3A_754], %parallel_loop3A_753#0 {strides = array<i32>} : memref<16xi32, #tpu.memory_space<vmem>>, vector<16xi32>,
      %reduce_max3A_756 = arith.constant true
      %reduce_max3A_757 = vector.broadcast %reduce_max3A_756 : i1 to vector<16xi1>
      %reduce_max3A_758 = arith.constant -2147483648 : i32
      %reduce_max3A_759 = vector.broadcast %reduce_max3A_758 : i32 to vector<16xi32>
      %reduce_max3A_760 = arith.xori %parallel_loop3A_753#0, %reduce_max3A_759 : vector<16xi32>
      %reduce_max3A_761 = tpu.scan <max>, %reduce_max3A_760 masked %reduce_max3A_757 : vector<16xi32>, vector<16xi1> -> vector<16xi32>
      %reduce_max3A_762 = arith.xori %reduce_max3A_761, %reduce_max3A_759 : vector<16xi32>
      %reduce_max3A_763 = vector.extract %reduce_max3A_762[15] : i32 from vector<16xi32>
      %broadcast_in_dim3A_764 = arith.constant 0xFF800000 : f32
      %broadcast_in_dim3A_765 = vector.broadcast %broadcast_in_dim3A_764 : f32 to vector<16xf32>
      %swap3A_766 = arith.constant 0 : index
      %swap3A_767 = tpu.vector_load %arg10[%swap3A_766] {strides = array<i32>} : memref<32xf32, #tpu.memory_space<vmem>>, vector<16xf32>,
      tpu.vector_store %arg10[%swap3A_766], %broadcast_in_dim3A_765 {strides = array<i32>} : memref<32xf32, #tpu.memory_space<vmem>>, vector<16xf32>,
      %add3A_768 = arith.constant 32768 : i32
      %add3A_769 = vector.broadcast %add3A_768 : i32 to vector<16xi32>
      %add3A_770 = arith.addi %add3A_769, %iota3A : vector<16xi32>
      %swap3A_771 = arith.constant 0 : index
      %swap3A_772 = tpu.vector_load %arg11[%swap3A_771] {strides = array<i32>} : memref<32xi32, #tpu.memory_space<vmem>>, vector<16xi32>,
      tpu.vector_store %arg11[%swap3A_771], %add3A_770 {strides = array<i32>} : memref<32xi32, #tpu.memory_space<vmem>>, vector<16xi32>,
      %mul3A_773 = arith.constant 2 : i32
      %mul3A_774 = arith.muli %mul3A_773, %reduce_max3A_763 : i32
      %while3A_775 = arith.constant 0 : i32
      %while3A_776 = arith.constant 0 : i32
      %while3A_777 = arith.subi %mul3A_774, %while3A_776 : i32
      %while3A_778 = arith.addi %while3A_776, %while3A_777 : i32
      %while3A_779 = arith.constant 1 : i32
      %while3A_780 = arith.divsi %while3A_777, %while3A_779 : i32
      %while3A_781 = arith.muli %while3A_780, %while3A_779 : i32
      %while3A_782 = arith.addi %while3A_776, %while3A_781 : i32
      %while3A_783 = arith.constant 1 : i32
      scf.for %while3A_1345 = %while3A_776 to %while3A_782 step %while3A_783  : i32 {
        %shift_right_logical3A = arith.constant 1 : i32
        %shift_right_logical3A_1346 = arith.shrui %while3A_1345, %shift_right_logical3A : i32
        %and3A_1347 = arith.constant 1 : i32
        %and3A_1348 = arith.andi %while3A_1345, %and3A_1347 : i32
        %and3A_1349 = arith.constant 7 : i32
        %and3A_1350 = vector.broadcast %and3A_1349 : i32 to vector<16xi32>
        %and3A_1351 = arith.andi %iota3A, %and3A_1350 : vector<16xi32>
        %mul3A_1352 = arith.constant 8 : i32
        %mul3A_1353 = arith.muli %and3A_1348, %mul3A_1352 : i32
        %add3A_1354 = vector.broadcast %mul3A_1353 : i32 to vector<16xi32>
        %add3A_1355 = arith.addi %and3A_1351, %add3A_1354 : vector<16xi32>
        %gather3A_1356 = tpu.vector_load_idx %arg9[%add3A_1355] : memref<16xi32, #tpu.memory_space<vmem>>[vector<16xi32>], vector<16xi32>,
        %ge3A = arith.constant 8 : i32
        %ge3A_1357 = vector.broadcast %ge3A : i32 to vector<16xi32>
        %ge3A_1358 = arith.cmpi sge, %iota3A, %ge3A_1357 : vector<16xi32>
        %lt3A_1359 = vector.broadcast %shift_right_logical3A_1346 : i32 to vector<16xi32>
        %lt3A_1360 = arith.cmpi slt, %lt3A_1359, %gather3A_1356 : vector<16xi32>
        %and3A_1361 = arith.andi %ge3A_1358, %lt3A_1360 : vector<16xi1>
        %shift_left3A = arith.constant 4 : i32
        %shift_left3A_1362 = arith.shli %shift_right_logical3A_1346, %shift_left3A : i32
        %add3A_1363 = vector.broadcast %shift_left3A_1362 : i32 to vector<16xi32>
        %add3A_1364 = arith.addi %add3A_1355, %add3A_1363 : vector<16xi32>
        %gather3A_1365 = tpu.vector_load_idx %arg8[%add3A_1364] : memref<8192xi32, #tpu.memory_space<vmem>>[vector<16xi32>], vector<16xi32>,
        %jit3A_1366 = arith.constant 0 : i32
        %broadcast_in_dim3A_1367 = vector.broadcast %jit3A_1366 : i32 to vector<16xi32>
        %select_n3A_1368 = arith.select %and3A_1361, %gather3A_1365, %broadcast_in_dim3A_1367 : vector<16xi1>, vector<16xi32>
        %gather3A_1369 = tpu.vector_load_idx %arg6[%select_n3A_1368] : memref<8192xf32, #tpu.memory_space<vmem>>[vector<16xi32>], vector<16xf32>,
        %broadcast_in_dim3A_1370 = arith.constant 0xFF800000 : f32
        %broadcast_in_dim3A_1371 = vector.broadcast %broadcast_in_dim3A_1370 : f32 to vector<16xf32>
        %swap3A_1372 = arith.constant 8 : index
        %swap3A_1373 = tpu.vector_load %arg10[%swap3A_1372] {strides = array<i32>} : memref<32xf32, #tpu.memory_space<vmem>>, vector<16xf32>,
        tpu.vector_store %arg10[%swap3A_1372], %broadcast_in_dim3A_1371 {strides = array<i32>} : memref<32xf32, #tpu.memory_space<vmem>>, vector<16xf32>,
        %add3A_1374 = arith.constant 16384 : i32
        %add3A_1375 = vector.broadcast %add3A_1374 : i32 to vector<16xi32>
        %add3A_1376 = arith.addi %add3A_1375, %iota3A : vector<16xi32>
        %swap3A_1377 = arith.constant 8 : index
        %swap3A_1378 = tpu.vector_load %arg11[%swap3A_1377] {strides = array<i32>} : memref<32xi32, #tpu.memory_space<vmem>>, vector<16xi32>,
        tpu.vector_store %arg11[%swap3A_1377], %add3A_1376 {strides = array<i32>} : memref<32xi32, #tpu.memory_space<vmem>>, vector<16xi32>,
        %swap3A_1379 = arith.constant 8 : index
        %swap3A_1380 = tpu.vector_load %arg10[%swap3A_1379] masked %and3A_1361 {strides = array<i32>} : memref<32xf32, #tpu.memory_space<vmem>>, vector<16xf32>, vector<16xi1>
        tpu.vector_store %arg10[%swap3A_1379], %gather3A_1369 masked %and3A_1361 {strides = array<i32>} : memref<32xf32, #tpu.memory_space<vmem>>, vector<16xf32>, vector<16xi1>
        %swap3A_1381 = arith.constant 8 : index
        %swap3A_1382 = tpu.vector_load %arg11[%swap3A_1381] masked %and3A_1361 {strides = array<i32>} : memref<32xi32, #tpu.memory_space<vmem>>, vector<16xi32>, vector<16xi1>
        tpu.vector_store %arg11[%swap3A_1381], %select_n3A_1368 masked %and3A_1361 {strides = array<i32>} : memref<32xi32, #tpu.memory_space<vmem>>, vector<16xi32>, vector<16xi1>
        %get3A_1383 = arith.constant 0 : index
        %get3A_1384 = tpu.vector_load %arg10[%get3A_1383] {strides = array<i32>} : memref<32xf32, #tpu.memory_space<vmem>>, vector<16xf32>,
        %get3A_1385 = arith.constant 0 : index
        %get3A_1386 = tpu.vector_load %arg11[%get3A_1385] {strides = array<i32>} : memref<32xi32, #tpu.memory_space<vmem>>, vector<16xi32>,
        %broadcast_in_dim3A_1387 = arith.constant 0 : i32
        %broadcast_in_dim3A_1388 = vector.broadcast %broadcast_in_dim3A_1387 : i32 to vector<16xi32>
        %add3A_1389 = arith.constant 1 : i32
        %add3A_1390 = vector.broadcast %add3A_1389 : i32 to vector<16xi32>
        %add3A_1391 = arith.addi %iota3A, %add3A_1390 : vector<16xi32>
        %and3A_1392 = arith.constant 15 : i32
        %and3A_1393 = vector.broadcast %and3A_1392 : i32 to vector<16xi32>
        %and3A_1394 = arith.andi %add3A_1391, %and3A_1393 : vector<16xi32>
        %gather3A_1395 = tpu.vector_load_idx %arg10[%and3A_1394] : memref<32xf32, #tpu.memory_space<vmem>>[vector<16xi32>], vector<16xf32>,
        %gather3A_1396 = tpu.vector_load_idx %arg11[%and3A_1394] : memref<32xi32, #tpu.memory_space<vmem>>[vector<16xi32>], vector<16xi32>,
        %gt3A = arith.cmpf ogt, %gather3A_1395, %get3A_1384 : vector<16xf32>
        %eq3A_1397 = arith.cmpf oeq, %gather3A_1395, %get3A_1384 : vector<16xf32>
        %lt3A_1398 = arith.cmpi slt, %gather3A_1396, %get3A_1386 : vector<16xi32>
        %and3A_1399 = arith.andi %eq3A_1397, %lt3A_1398 : vector<16xi1>
        %or3A = arith.ori %gt3A, %and3A_1399 : vector<16xi1>
        %jit3A_1400 = arith.constant 1 : i32
        %jit3A_1401 = arith.constant 0 : i32
        %broadcast_in_dim3A_1402 = vector.broadcast %jit3A_1400 : i32 to vector<16xi32>
        %broadcast_in_dim3A_1403 = vector.broadcast %jit3A_1401 : i32 to vector<16xi32>
        %select_n3A_1404 = arith.select %or3A, %broadcast_in_dim3A_1402, %broadcast_in_dim3A_1403 : vector<16xi1>, vector<16xi32>
        %add3A_1405 = arith.addi %broadcast_in_dim3A_1388, %select_n3A_1404 : vector<16xi32>
        %add3A_1406 = arith.constant 2 : i32
        %add3A_1407 = vector.broadcast %add3A_1406 : i32 to vector<16xi32>
        %add3A_1408 = arith.addi %iota3A, %add3A_1407 : vector<16xi32>
        %and3A_1409 = arith.constant 15 : i32
        %and3A_1410 = vector.broadcast %and3A_1409 : i32 to vector<16xi32>
        %and3A_1411 = arith.andi %add3A_1408, %and3A_1410 : vector<16xi32>
        %gather3A_1412 = tpu.vector_load_idx %arg10[%and3A_1411] : memref<32xf32, #tpu.memory_space<vmem>>[vector<16xi32>], vector<16xf32>,
        %gather3A_1413 = tpu.vector_load_idx %arg11[%and3A_1411] : memref<32xi32, #tpu.memory_space<vmem>>[vector<16xi32>], vector<16xi32>,
        %gt3A_1414 = arith.cmpf ogt, %gather3A_1412, %get3A_1384 : vector<16xf32>
        %eq3A_1415 = arith.cmpf oeq, %gather3A_1412, %get3A_1384 : vector<16xf32>
        %lt3A_1416 = arith.cmpi slt, %gather3A_1413, %get3A_1386 : vector<16xi32>
        %and3A_1417 = arith.andi %eq3A_1415, %lt3A_1416 : vector<16xi1>
        %or3A_1418 = arith.ori %gt3A_1414, %and3A_1417 : vector<16xi1>
        %jit3A_1419 = arith.constant 1 : i32
        %jit3A_1420 = arith.constant 0 : i32
        %broadcast_in_dim3A_1421 = vector.broadcast %jit3A_1419 : i32 to vector<16xi32>
        %broadcast_in_dim3A_1422 = vector.broadcast %jit3A_1420 : i32 to vector<16xi32>
        %select_n3A_1423 = arith.select %or3A_1418, %broadcast_in_dim3A_1421, %broadcast_in_dim3A_1422 : vector<16xi1>, vector<16xi32>
        %add3A_1424 = arith.addi %add3A_1405, %select_n3A_1423 : vector<16xi32>
        %add3A_1425 = arith.constant 3 : i32
        %add3A_1426 = vector.broadcast %add3A_1425 : i32 to vector<16xi32>
        %add3A_1427 = arith.addi %iota3A, %add3A_1426 : vector<16xi32>
        %and3A_1428 = arith.constant 15 : i32
        %and3A_1429 = vector.broadcast %and3A_1428 : i32 to vector<16xi32>
        %and3A_1430 = arith.andi %add3A_1427, %and3A_1429 : vector<16xi32>
        %gather3A_1431 = tpu.vector_load_idx %arg10[%and3A_1430] : memref<32xf32, #tpu.memory_space<vmem>>[vector<16xi32>], vector<16xf32>,
        %gather3A_1432 = tpu.vector_load_idx %arg11[%and3A_1430] : memref<32xi32, #tpu.memory_space<vmem>>[vector<16xi32>], vector<16xi32>,
        %gt3A_1433 = arith.cmpf ogt, %gather3A_1431, %get3A_1384 : vector<16xf32>
        %eq3A_1434 = arith.cmpf oeq, %gather3A_1431, %get3A_1384 : vector<16xf32>
        %lt3A_1435 = arith.cmpi slt, %gather3A_1432, %get3A_1386 : vector<16xi32>
        %and3A_1436 = arith.andi %eq3A_1434, %lt3A_1435 : vector<16xi1>
        %or3A_1437 = arith.ori %gt3A_1433, %and3A_1436 : vector<16xi1>
        %jit3A_1438 = arith.constant 1 : i32
        %jit3A_1439 = arith.constant 0 : i32
        %broadcast_in_dim3A_1440 = vector.broadcast %jit3A_1438 : i32 to vector<16xi32>
        %broadcast_in_dim3A_1441 = vector.broadcast %jit3A_1439 : i32 to vector<16xi32>
        %select_n3A_1442 = arith.select %or3A_1437, %broadcast_in_dim3A_1440, %broadcast_in_dim3A_1441 : vector<16xi1>, vector<16xi32>
        %add3A_1443 = arith.addi %add3A_1424, %select_n3A_1442 : vector<16xi32>
        %add3A_1444 = arith.constant 4 : i32
        %add3A_1445 = vector.broadcast %add3A_1444 : i32 to vector<16xi32>
        %add3A_1446 = arith.addi %iota3A, %add3A_1445 : vector<16xi32>
        %and3A_1447 = arith.constant 15 : i32
        %and3A_1448 = vector.broadcast %and3A_1447 : i32 to vector<16xi32>
        %and3A_1449 = arith.andi %add3A_1446, %and3A_1448 : vector<16xi32>
        %gather3A_1450 = tpu.vector_load_idx %arg10[%and3A_1449] : memref<32xf32, #tpu.memory_space<vmem>>[vector<16xi32>], vector<16xf32>,
        %gather3A_1451 = tpu.vector_load_idx %arg11[%and3A_1449] : memref<32xi32, #tpu.memory_space<vmem>>[vector<16xi32>], vector<16xi32>,
        %gt3A_1452 = arith.cmpf ogt, %gather3A_1450, %get3A_1384 : vector<16xf32>
        %eq3A_1453 = arith.cmpf oeq, %gather3A_1450, %get3A_1384 : vector<16xf32>
        %lt3A_1454 = arith.cmpi slt, %gather3A_1451, %get3A_1386 : vector<16xi32>
        %and3A_1455 = arith.andi %eq3A_1453, %lt3A_1454 : vector<16xi1>
        %or3A_1456 = arith.ori %gt3A_1452, %and3A_1455 : vector<16xi1>
        %jit3A_1457 = arith.constant 1 : i32
        %jit3A_1458 = arith.constant 0 : i32
        %broadcast_in_dim3A_1459 = vector.broadcast %jit3A_1457 : i32 to vector<16xi32>
        %broadcast_in_dim3A_1460 = vector.broadcast %jit3A_1458 : i32 to vector<16xi32>
        %select_n3A_1461 = arith.select %or3A_1456, %broadcast_in_dim3A_1459, %broadcast_in_dim3A_1460 : vector<16xi1>, vector<16xi32>
        %add3A_1462 = arith.addi %add3A_1443, %select_n3A_1461 : vector<16xi32>
        %add3A_1463 = arith.constant 5 : i32
        %add3A_1464 = vector.broadcast %add3A_1463 : i32 to vector<16xi32>
        %add3A_1465 = arith.addi %iota3A, %add3A_1464 : vector<16xi32>
        %and3A_1466 = arith.constant 15 : i32
        %and3A_1467 = vector.broadcast %and3A_1466 : i32 to vector<16xi32>
        %and3A_1468 = arith.andi %add3A_1465, %and3A_1467 : vector<16xi32>
        %gather3A_1469 = tpu.vector_load_idx %arg10[%and3A_1468] : memref<32xf32, #tpu.memory_space<vmem>>[vector<16xi32>], vector<16xf32>,
        %gather3A_1470 = tpu.vector_load_idx %arg11[%and3A_1468] : memref<32xi32, #tpu.memory_space<vmem>>[vector<16xi32>], vector<16xi32>,
        %gt3A_1471 = arith.cmpf ogt, %gather3A_1469, %get3A_1384 : vector<16xf32>
        %eq3A_1472 = arith.cmpf oeq, %gather3A_1469, %get3A_1384 : vector<16xf32>
        %lt3A_1473 = arith.cmpi slt, %gather3A_1470, %get3A_1386 : vector<16xi32>
        %and3A_1474 = arith.andi %eq3A_1472, %lt3A_1473 : vector<16xi1>
        %or3A_1475 = arith.ori %gt3A_1471, %and3A_1474 : vector<16xi1>
        %jit3A_1476 = arith.constant 1 : i32
        %jit3A_1477 = arith.constant 0 : i32
        %broadcast_in_dim3A_1478 = vector.broadcast %jit3A_1476 : i32 to vector<16xi32>
        %broadcast_in_dim3A_1479 = vector.broadcast %jit3A_1477 : i32 to vector<16xi32>
        %select_n3A_1480 = arith.select %or3A_1475, %broadcast_in_dim3A_1478, %broadcast_in_dim3A_1479 : vector<16xi1>, vector<16xi32>
        %add3A_1481 = arith.addi %add3A_1462, %select_n3A_1480 : vector<16xi32>
        %add3A_1482 = arith.constant 6 : i32
        %add3A_1483 = vector.broadcast %add3A_1482 : i32 to vector<16xi32>
        %add3A_1484 = arith.addi %iota3A, %add3A_1483 : vector<16xi32>
        %and3A_1485 = arith.constant 15 : i32
        %and3A_1486 = vector.broadcast %and3A_1485 : i32 to vector<16xi32>
        %and3A_1487 = arith.andi %add3A_1484, %and3A_1486 : vector<16xi32>
        %gather3A_1488 = tpu.vector_load_idx %arg10[%and3A_1487] : memref<32xf32, #tpu.memory_space<vmem>>[vector<16xi32>], vector<16xf32>,
        %gather3A_1489 = tpu.vector_load_idx %arg11[%and3A_1487] : memref<32xi32, #tpu.memory_space<vmem>>[vector<16xi32>], vector<16xi32>,
        %gt3A_1490 = arith.cmpf ogt, %gather3A_1488, %get3A_1384 : vector<16xf32>
        %eq3A_1491 = arith.cmpf oeq, %gather3A_1488, %get3A_1384 : vector<16xf32>
        %lt3A_1492 = arith.cmpi slt, %gather3A_1489, %get3A_1386 : vector<16xi32>
        %and3A_1493 = arith.andi %eq3A_1491, %lt3A_1492 : vector<16xi1>
        %or3A_1494 = arith.ori %gt3A_1490, %and3A_1493 : vector<16xi1>
        %jit3A_1495 = arith.constant 1 : i32
        %jit3A_1496 = arith.constant 0 : i32
        %broadcast_in_dim3A_1497 = vector.broadcast %jit3A_1495 : i32 to vector<16xi32>
        %broadcast_in_dim3A_1498 = vector.broadcast %jit3A_1496 : i32 to vector<16xi32>
        %select_n3A_1499 = arith.select %or3A_1494, %broadcast_in_dim3A_1497, %broadcast_in_dim3A_1498 : vector<16xi1>, vector<16xi32>
        %add3A_1500 = arith.addi %add3A_1481, %select_n3A_1499 : vector<16xi32>
        %add3A_1501 = arith.constant 7 : i32
        %add3A_1502 = vector.broadcast %add3A_1501 : i32 to vector<16xi32>
        %add3A_1503 = arith.addi %iota3A, %add3A_1502 : vector<16xi32>
        %and3A_1504 = arith.constant 15 : i32
        %and3A_1505 = vector.broadcast %and3A_1504 : i32 to vector<16xi32>
        %and3A_1506 = arith.andi %add3A_1503, %and3A_1505 : vector<16xi32>
        %gather3A_1507 = tpu.vector_load_idx %arg10[%and3A_1506] : memref<32xf32, #tpu.memory_space<vmem>>[vector<16xi32>], vector<16xf32>,
        %gather3A_1508 = tpu.vector_load_idx %arg11[%and3A_1506] : memref<32xi32, #tpu.memory_space<vmem>>[vector<16xi32>], vector<16xi32>,
        %gt3A_1509 = arith.cmpf ogt, %gather3A_1507, %get3A_1384 : vector<16xf32>
        %eq3A_1510 = arith.cmpf oeq, %gather3A_1507, %get3A_1384 : vector<16xf32>
        %lt3A_1511 = arith.cmpi slt, %gather3A_1508, %get3A_1386 : vector<16xi32>
        %and3A_1512 = arith.andi %eq3A_1510, %lt3A_1511 : vector<16xi1>
        %or3A_1513 = arith.ori %gt3A_1509, %and3A_1512 : vector<16xi1>
        %jit3A_1514 = arith.constant 1 : i32
        %jit3A_1515 = arith.constant 0 : i32
        %broadcast_in_dim3A_1516 = vector.broadcast %jit3A_1514 : i32 to vector<16xi32>
        %broadcast_in_dim3A_1517 = vector.broadcast %jit3A_1515 : i32 to vector<16xi32>
        %select_n3A_1518 = arith.select %or3A_1513, %broadcast_in_dim3A_1516, %broadcast_in_dim3A_1517 : vector<16xi1>, vector<16xi32>
        %add3A_1519 = arith.addi %add3A_1500, %select_n3A_1518 : vector<16xi32>
        %add3A_1520 = arith.constant 8 : i32
        %add3A_1521 = vector.broadcast %add3A_1520 : i32 to vector<16xi32>
        %add3A_1522 = arith.addi %iota3A, %add3A_1521 : vector<16xi32>
        %and3A_1523 = arith.constant 15 : i32
        %and3A_1524 = vector.broadcast %and3A_1523 : i32 to vector<16xi32>
        %and3A_1525 = arith.andi %add3A_1522, %and3A_1524 : vector<16xi32>
        %gather3A_1526 = tpu.vector_load_idx %arg10[%and3A_1525] : memref<32xf32, #tpu.memory_space<vmem>>[vector<16xi32>], vector<16xf32>,
        %gather3A_1527 = tpu.vector_load_idx %arg11[%and3A_1525] : memref<32xi32, #tpu.memory_space<vmem>>[vector<16xi32>], vector<16xi32>,
        %gt3A_1528 = arith.cmpf ogt, %gather3A_1526, %get3A_1384 : vector<16xf32>
        %eq3A_1529 = arith.cmpf oeq, %gather3A_1526, %get3A_1384 : vector<16xf32>
        %lt3A_1530 = arith.cmpi slt, %gather3A_1527, %get3A_1386 : vector<16xi32>
        %and3A_1531 = arith.andi %eq3A_1529, %lt3A_1530 : vector<16xi1>
        %or3A_1532 = arith.ori %gt3A_1528, %and3A_1531 : vector<16xi1>
        %jit3A_1533 = arith.constant 1 : i32
        %jit3A_1534 = arith.constant 0 : i32
        %broadcast_in_dim3A_1535 = vector.broadcast %jit3A_1533 : i32 to vector<16xi32>
        %broadcast_in_dim3A_1536 = vector.broadcast %jit3A_1534 : i32 to vector<16xi32>
        %select_n3A_1537 = arith.select %or3A_1532, %broadcast_in_dim3A_1535, %broadcast_in_dim3A_1536 : vector<16xi1>, vector<16xi32>
        %add3A_1538 = arith.addi %add3A_1519, %select_n3A_1537 : vector<16xi32>
        %add3A_1539 = arith.constant 9 : i32
        %add3A_1540 = vector.broadcast %add3A_1539 : i32 to vector<16xi32>
        %add3A_1541 = arith.addi %iota3A, %add3A_1540 : vector<16xi32>
        %and3A_1542 = arith.constant 15 : i32
        %and3A_1543 = vector.broadcast %and3A_1542 : i32 to vector<16xi32>
        %and3A_1544 = arith.andi %add3A_1541, %and3A_1543 : vector<16xi32>
        %gather3A_1545 = tpu.vector_load_idx %arg10[%and3A_1544] : memref<32xf32, #tpu.memory_space<vmem>>[vector<16xi32>], vector<16xf32>,
        %gather3A_1546 = tpu.vector_load_idx %arg11[%and3A_1544] : memref<32xi32, #tpu.memory_space<vmem>>[vector<16xi32>], vector<16xi32>,
        %gt3A_1547 = arith.cmpf ogt, %gather3A_1545, %get3A_1384 : vector<16xf32>
        %eq3A_1548 = arith.cmpf oeq, %gather3A_1545, %get3A_1384 : vector<16xf32>
        %lt3A_1549 = arith.cmpi slt, %gather3A_1546, %get3A_1386 : vector<16xi32>
        %and3A_1550 = arith.andi %eq3A_1548, %lt3A_1549 : vector<16xi1>
        %or3A_1551 = arith.ori %gt3A_1547, %and3A_1550 : vector<16xi1>
        %jit3A_1552 = arith.constant 1 : i32
        %jit3A_1553 = arith.constant 0 : i32
        %broadcast_in_dim3A_1554 = vector.broadcast %jit3A_1552 : i32 to vector<16xi32>
        %broadcast_in_dim3A_1555 = vector.broadcast %jit3A_1553 : i32 to vector<16xi32>
        %select_n3A_1556 = arith.select %or3A_1551, %broadcast_in_dim3A_1554, %broadcast_in_dim3A_1555 : vector<16xi1>, vector<16xi32>
        %add3A_1557 = arith.addi %add3A_1538, %select_n3A_1556 : vector<16xi32>
        %add3A_1558 = arith.constant 10 : i32
        %add3A_1559 = vector.broadcast %add3A_1558 : i32 to vector<16xi32>
        %add3A_1560 = arith.addi %iota3A, %add3A_1559 : vector<16xi32>
        %and3A_1561 = arith.constant 15 : i32
        %and3A_1562 = vector.broadcast %and3A_1561 : i32 to vector<16xi32>
        %and3A_1563 = arith.andi %add3A_1560, %and3A_1562 : vector<16xi32>
        %gather3A_1564 = tpu.vector_load_idx %arg10[%and3A_1563] : memref<32xf32, #tpu.memory_space<vmem>>[vector<16xi32>], vector<16xf32>,
        %gather3A_1565 = tpu.vector_load_idx %arg11[%and3A_1563] : memref<32xi32, #tpu.memory_space<vmem>>[vector<16xi32>], vector<16xi32>,
        %gt3A_1566 = arith.cmpf ogt, %gather3A_1564, %get3A_1384 : vector<16xf32>
        %eq3A_1567 = arith.cmpf oeq, %gather3A_1564, %get3A_1384 : vector<16xf32>
        %lt3A_1568 = arith.cmpi slt, %gather3A_1565, %get3A_1386 : vector<16xi32>
        %and3A_1569 = arith.andi %eq3A_1567, %lt3A_1568 : vector<16xi1>
        %or3A_1570 = arith.ori %gt3A_1566, %and3A_1569 : vector<16xi1>
        %jit3A_1571 = arith.constant 1 : i32
        %jit3A_1572 = arith.constant 0 : i32
        %broadcast_in_dim3A_1573 = vector.broadcast %jit3A_1571 : i32 to vector<16xi32>
        %broadcast_in_dim3A_1574 = vector.broadcast %jit3A_1572 : i32 to vector<16xi32>
        %select_n3A_1575 = arith.select %or3A_1570, %broadcast_in_dim3A_1573, %broadcast_in_dim3A_1574 : vector<16xi1>, vector<16xi32>
        %add3A_1576 = arith.addi %add3A_1557, %select_n3A_1575 : vector<16xi32>
        %add3A_1577 = arith.constant 11 : i32
        %add3A_1578 = vector.broadcast %add3A_1577 : i32 to vector<16xi32>
        %add3A_1579 = arith.addi %iota3A, %add3A_1578 : vector<16xi32>
        %and3A_1580 = arith.constant 15 : i32
        %and3A_1581 = vector.broadcast %and3A_1580 : i32 to vector<16xi32>
        %and3A_1582 = arith.andi %add3A_1579, %and3A_1581 : vector<16xi32>
        %gather3A_1583 = tpu.vector_load_idx %arg10[%and3A_1582] : memref<32xf32, #tpu.memory_space<vmem>>[vector<16xi32>], vector<16xf32>,
        %gather3A_1584 = tpu.vector_load_idx %arg11[%and3A_1582] : memref<32xi32, #tpu.memory_space<vmem>>[vector<16xi32>], vector<16xi32>,
        %gt3A_1585 = arith.cmpf ogt, %gather3A_1583, %get3A_1384 : vector<16xf32>
        %eq3A_1586 = arith.cmpf oeq, %gather3A_1583, %get3A_1384 : vector<16xf32>
        %lt3A_1587 = arith.cmpi slt, %gather3A_1584, %get3A_1386 : vector<16xi32>
        %and3A_1588 = arith.andi %eq3A_1586, %lt3A_1587 : vector<16xi1>
        %or3A_1589 = arith.ori %gt3A_1585, %and3A_1588 : vector<16xi1>
        %jit3A_1590 = arith.constant 1 : i32
        %jit3A_1591 = arith.constant 0 : i32
        %broadcast_in_dim3A_1592 = vector.broadcast %jit3A_1590 : i32 to vector<16xi32>
        %broadcast_in_dim3A_1593 = vector.broadcast %jit3A_1591 : i32 to vector<16xi32>
        %select_n3A_1594 = arith.select %or3A_1589, %broadcast_in_dim3A_1592, %broadcast_in_dim3A_1593 : vector<16xi1>, vector<16xi32>
        %add3A_1595 = arith.addi %add3A_1576, %select_n3A_1594 : vector<16xi32>
        %add3A_1596 = arith.constant 12 : i32
        %add3A_1597 = vector.broadcast %add3A_1596 : i32 to vector<16xi32>
        %add3A_1598 = arith.addi %iota3A, %add3A_1597 : vector<16xi32>
        %and3A_1599 = arith.constant 15 : i32
        %and3A_1600 = vector.broadcast %and3A_1599 : i32 to vector<16xi32>
        %and3A_1601 = arith.andi %add3A_1598, %and3A_1600 : vector<16xi32>
        %gather3A_1602 = tpu.vector_load_idx %arg10[%and3A_1601] : memref<32xf32, #tpu.memory_space<vmem>>[vector<16xi32>], vector<16xf32>,
        %gather3A_1603 = tpu.vector_load_idx %arg11[%and3A_1601] : memref<32xi32, #tpu.memory_space<vmem>>[vector<16xi32>], vector<16xi32>,
        %gt3A_1604 = arith.cmpf ogt, %gather3A_1602, %get3A_1384 : vector<16xf32>
        %eq3A_1605 = arith.cmpf oeq, %gather3A_1602, %get3A_1384 : vector<16xf32>
        %lt3A_1606 = arith.cmpi slt, %gather3A_1603, %get3A_1386 : vector<16xi32>
        %and3A_1607 = arith.andi %eq3A_1605, %lt3A_1606 : vector<16xi1>
        %or3A_1608 = arith.ori %gt3A_1604, %and3A_1607 : vector<16xi1>
        %jit3A_1609 = arith.constant 1 : i32
        %jit3A_1610 = arith.constant 0 : i32
        %broadcast_in_dim3A_1611 = vector.broadcast %jit3A_1609 : i32 to vector<16xi32>
        %broadcast_in_dim3A_1612 = vector.broadcast %jit3A_1610 : i32 to vector<16xi32>
        %select_n3A_1613 = arith.select %or3A_1608, %broadcast_in_dim3A_1611, %broadcast_in_dim3A_1612 : vector<16xi1>, vector<16xi32>
        %add3A_1614 = arith.addi %add3A_1595, %select_n3A_1613 : vector<16xi32>
        %add3A_1615 = arith.constant 13 : i32
        %add3A_1616 = vector.broadcast %add3A_1615 : i32 to vector<16xi32>
        %add3A_1617 = arith.addi %iota3A, %add3A_1616 : vector<16xi32>
        %and3A_1618 = arith.constant 15 : i32
        %and3A_1619 = vector.broadcast %and3A_1618 : i32 to vector<16xi32>
        %and3A_1620 = arith.andi %add3A_1617, %and3A_1619 : vector<16xi32>
        %gather3A_1621 = tpu.vector_load_idx %arg10[%and3A_1620] : memref<32xf32, #tpu.memory_space<vmem>>[vector<16xi32>], vector<16xf32>,
        %gather3A_1622 = tpu.vector_load_idx %arg11[%and3A_1620] : memref<32xi32, #tpu.memory_space<vmem>>[vector<16xi32>], vector<16xi32>,
        %gt3A_1623 = arith.cmpf ogt, %gather3A_1621, %get3A_1384 : vector<16xf32>
        %eq3A_1624 = arith.cmpf oeq, %gather3A_1621, %get3A_1384 : vector<16xf32>
        %lt3A_1625 = arith.cmpi slt, %gather3A_1622, %get3A_1386 : vector<16xi32>
        %and3A_1626 = arith.andi %eq3A_1624, %lt3A_1625 : vector<16xi1>
        %or3A_1627 = arith.ori %gt3A_1623, %and3A_1626 : vector<16xi1>
        %jit3A_1628 = arith.constant 1 : i32
        %jit3A_1629 = arith.constant 0 : i32
        %broadcast_in_dim3A_1630 = vector.broadcast %jit3A_1628 : i32 to vector<16xi32>
        %broadcast_in_dim3A_1631 = vector.broadcast %jit3A_1629 : i32 to vector<16xi32>
        %select_n3A_1632 = arith.select %or3A_1627, %broadcast_in_dim3A_1630, %broadcast_in_dim3A_1631 : vector<16xi1>, vector<16xi32>
        %add3A_1633 = arith.addi %add3A_1614, %select_n3A_1632 : vector<16xi32>
        %add3A_1634 = arith.constant 14 : i32
        %add3A_1635 = vector.broadcast %add3A_1634 : i32 to vector<16xi32>
        %add3A_1636 = arith.addi %iota3A, %add3A_1635 : vector<16xi32>
        %and3A_1637 = arith.constant 15 : i32
        %and3A_1638 = vector.broadcast %and3A_1637 : i32 to vector<16xi32>
        %and3A_1639 = arith.andi %add3A_1636, %and3A_1638 : vector<16xi32>
        %gather3A_1640 = tpu.vector_load_idx %arg10[%and3A_1639] : memref<32xf32, #tpu.memory_space<vmem>>[vector<16xi32>], vector<16xf32>,
        %gather3A_1641 = tpu.vector_load_idx %arg11[%and3A_1639] : memref<32xi32, #tpu.memory_space<vmem>>[vector<16xi32>], vector<16xi32>,
        %gt3A_1642 = arith.cmpf ogt, %gather3A_1640, %get3A_1384 : vector<16xf32>
        %eq3A_1643 = arith.cmpf oeq, %gather3A_1640, %get3A_1384 : vector<16xf32>
        %lt3A_1644 = arith.cmpi slt, %gather3A_1641, %get3A_1386 : vector<16xi32>
        %and3A_1645 = arith.andi %eq3A_1643, %lt3A_1644 : vector<16xi1>
        %or3A_1646 = arith.ori %gt3A_1642, %and3A_1645 : vector<16xi1>
        %jit3A_1647 = arith.constant 1 : i32
        %jit3A_1648 = arith.constant 0 : i32
        %broadcast_in_dim3A_1649 = vector.broadcast %jit3A_1647 : i32 to vector<16xi32>
        %broadcast_in_dim3A_1650 = vector.broadcast %jit3A_1648 : i32 to vector<16xi32>
        %select_n3A_1651 = arith.select %or3A_1646, %broadcast_in_dim3A_1649, %broadcast_in_dim3A_1650 : vector<16xi1>, vector<16xi32>
        %add3A_1652 = arith.addi %add3A_1633, %select_n3A_1651 : vector<16xi32>
        %add3A_1653 = arith.constant 15 : i32
        %add3A_1654 = vector.broadcast %add3A_1653 : i32 to vector<16xi32>
        %add3A_1655 = arith.addi %iota3A, %add3A_1654 : vector<16xi32>
        %and3A_1656 = arith.constant 15 : i32
        %and3A_1657 = vector.broadcast %and3A_1656 : i32 to vector<16xi32>
        %and3A_1658 = arith.andi %add3A_1655, %and3A_1657 : vector<16xi32>
        %gather3A_1659 = tpu.vector_load_idx %arg10[%and3A_1658] : memref<32xf32, #tpu.memory_space<vmem>>[vector<16xi32>], vector<16xf32>,
        %gather3A_1660 = tpu.vector_load_idx %arg11[%and3A_1658] : memref<32xi32, #tpu.memory_space<vmem>>[vector<16xi32>], vector<16xi32>,
        %gt3A_1661 = arith.cmpf ogt, %gather3A_1659, %get3A_1384 : vector<16xf32>
        %eq3A_1662 = arith.cmpf oeq, %gather3A_1659, %get3A_1384 : vector<16xf32>
        %lt3A_1663 = arith.cmpi slt, %gather3A_1660, %get3A_1386 : vector<16xi32>
        %and3A_1664 = arith.andi %eq3A_1662, %lt3A_1663 : vector<16xi1>
        %or3A_1665 = arith.ori %gt3A_1661, %and3A_1664 : vector<16xi1>
        %jit3A_1666 = arith.constant 1 : i32
        %jit3A_1667 = arith.constant 0 : i32
        %broadcast_in_dim3A_1668 = vector.broadcast %jit3A_1666 : i32 to vector<16xi32>
        %broadcast_in_dim3A_1669 = vector.broadcast %jit3A_1667 : i32 to vector<16xi32>
        %select_n3A_1670 = arith.select %or3A_1665, %broadcast_in_dim3A_1668, %broadcast_in_dim3A_1669 : vector<16xi1>, vector<16xi32>
        %add3A_1671 = arith.addi %add3A_1652, %select_n3A_1670 : vector<16xi32>
        %lt3A_1672 = arith.constant 8 : i32
        %lt3A_1673 = vector.broadcast %lt3A_1672 : i32 to vector<16xi32>
        %lt3A_1674 = arith.cmpi slt, %add3A_1671, %lt3A_1673 : vector<16xi32>
        %swap3A_1675 = arith.constant 0 : index
        %swap3A_1676 = tpu.vector_load %arg10[%swap3A_1675] masked %lt3A_1674 {strides = array<i32>} : memref<32xf32, #tpu.memory_space<vmem>>, vector<16xf32>, vector<16xi1>
        tpu.vector_store %arg10[%swap3A_1675], %get3A_1384 masked %lt3A_1674 {strides = array<i32>} : memref<32xf32, #tpu.memory_space<vmem>>, vector<16xf32>, vector<16xi1>
        %swap3A_1677 = arith.constant 0 : index
        %swap3A_1678 = tpu.vector_load %arg11[%swap3A_1677] masked %lt3A_1674 {strides = array<i32>} : memref<32xi32, #tpu.memory_space<vmem>>, vector<16xi32>, vector<16xi1>
        tpu.vector_store %arg11[%swap3A_1677], %get3A_1386 masked %lt3A_1674 {strides = array<i32>} : memref<32xi32, #tpu.memory_space<vmem>>, vector<16xi32>, vector<16xi1>
      }
      %while3A_784 = arith.constant 1 : i32
      scf.for %while3A_1345 = %while3A_782 to %while3A_778 step %while3A_784  : i32 {
        %shift_right_logical3A = arith.constant 1 : i32
        %shift_right_logical3A_1346 = arith.shrui %while3A_1345, %shift_right_logical3A : i32
        %and3A_1347 = arith.constant 1 : i32
        %and3A_1348 = arith.andi %while3A_1345, %and3A_1347 : i32
        %and3A_1349 = arith.constant 7 : i32
        %and3A_1350 = vector.broadcast %and3A_1349 : i32 to vector<16xi32>
        %and3A_1351 = arith.andi %iota3A, %and3A_1350 : vector<16xi32>
        %mul3A_1352 = arith.constant 8 : i32
        %mul3A_1353 = arith.muli %and3A_1348, %mul3A_1352 : i32
        %add3A_1354 = vector.broadcast %mul3A_1353 : i32 to vector<16xi32>
        %add3A_1355 = arith.addi %and3A_1351, %add3A_1354 : vector<16xi32>
        %gather3A_1356 = tpu.vector_load_idx %arg9[%add3A_1355] : memref<16xi32, #tpu.memory_space<vmem>>[vector<16xi32>], vector<16xi32>,
        %ge3A = arith.constant 8 : i32
        %ge3A_1357 = vector.broadcast %ge3A : i32 to vector<16xi32>
        %ge3A_1358 = arith.cmpi sge, %iota3A, %ge3A_1357 : vector<16xi32>
        %lt3A_1359 = vector.broadcast %shift_right_logical3A_1346 : i32 to vector<16xi32>
        %lt3A_1360 = arith.cmpi slt, %lt3A_1359, %gather3A_1356 : vector<16xi32>
        %and3A_1361 = arith.andi %ge3A_1358, %lt3A_1360 : vector<16xi1>
        %shift_left3A = arith.constant 4 : i32
        %shift_left3A_1362 = arith.shli %shift_right_logical3A_1346, %shift_left3A : i32
        %add3A_1363 = vector.broadcast %shift_left3A_1362 : i32 to vector<16xi32>
        %add3A_1364 = arith.addi %add3A_1355, %add3A_1363 : vector<16xi32>
        %gather3A_1365 = tpu.vector_load_idx %arg8[%add3A_1364] : memref<8192xi32, #tpu.memory_space<vmem>>[vector<16xi32>], vector<16xi32>,
        %jit3A_1366 = arith.constant 0 : i32
        %broadcast_in_dim3A_1367 = vector.broadcast %jit3A_1366 : i32 to vector<16xi32>
        %select_n3A_1368 = arith.select %and3A_1361, %gather3A_1365, %broadcast_in_dim3A_1367 : vector<16xi1>, vector<16xi32>
        %gather3A_1369 = tpu.vector_load_idx %arg6[%select_n3A_1368] : memref<8192xf32, #tpu.memory_space<vmem>>[vector<16xi32>], vector<16xf32>,
        %broadcast_in_dim3A_1370 = arith.constant 0xFF800000 : f32
        %broadcast_in_dim3A_1371 = vector.broadcast %broadcast_in_dim3A_1370 : f32 to vector<16xf32>
        %swap3A_1372 = arith.constant 8 : index
        %swap3A_1373 = tpu.vector_load %arg10[%swap3A_1372] {strides = array<i32>} : memref<32xf32, #tpu.memory_space<vmem>>, vector<16xf32>,
        tpu.vector_store %arg10[%swap3A_1372], %broadcast_in_dim3A_1371 {strides = array<i32>} : memref<32xf32, #tpu.memory_space<vmem>>, vector<16xf32>,
        %add3A_1374 = arith.constant 16384 : i32
        %add3A_1375 = vector.broadcast %add3A_1374 : i32 to vector<16xi32>
        %add3A_1376 = arith.addi %add3A_1375, %iota3A : vector<16xi32>
        %swap3A_1377 = arith.constant 8 : index
        %swap3A_1378 = tpu.vector_load %arg11[%swap3A_1377] {strides = array<i32>} : memref<32xi32, #tpu.memory_space<vmem>>, vector<16xi32>,
        tpu.vector_store %arg11[%swap3A_1377], %add3A_1376 {strides = array<i32>} : memref<32xi32, #tpu.memory_space<vmem>>, vector<16xi32>,
        %swap3A_1379 = arith.constant 8 : index
        %swap3A_1380 = tpu.vector_load %arg10[%swap3A_1379] masked %and3A_1361 {strides = array<i32>} : memref<32xf32, #tpu.memory_space<vmem>>, vector<16xf32>, vector<16xi1>
        tpu.vector_store %arg10[%swap3A_1379], %gather3A_1369 masked %and3A_1361 {strides = array<i32>} : memref<32xf32, #tpu.memory_space<vmem>>, vector<16xf32>, vector<16xi1>
        %swap3A_1381 = arith.constant 8 : index
        %swap3A_1382 = tpu.vector_load %arg11[%swap3A_1381] masked %and3A_1361 {strides = array<i32>} : memref<32xi32, #tpu.memory_space<vmem>>, vector<16xi32>, vector<16xi1>
        tpu.vector_store %arg11[%swap3A_1381], %select_n3A_1368 masked %and3A_1361 {strides = array<i32>} : memref<32xi32, #tpu.memory_space<vmem>>, vector<16xi32>, vector<16xi1>
        %get3A_1383 = arith.constant 0 : index
        %get3A_1384 = tpu.vector_load %arg10[%get3A_1383] {strides = array<i32>} : memref<32xf32, #tpu.memory_space<vmem>>, vector<16xf32>,
        %get3A_1385 = arith.constant 0 : index
        %get3A_1386 = tpu.vector_load %arg11[%get3A_1385] {strides = array<i32>} : memref<32xi32, #tpu.memory_space<vmem>>, vector<16xi32>,
        %broadcast_in_dim3A_1387 = arith.constant 0 : i32
        %broadcast_in_dim3A_1388 = vector.broadcast %broadcast_in_dim3A_1387 : i32 to vector<16xi32>
        %add3A_1389 = arith.constant 1 : i32
        %add3A_1390 = vector.broadcast %add3A_1389 : i32 to vector<16xi32>
        %add3A_1391 = arith.addi %iota3A, %add3A_1390 : vector<16xi32>
        %and3A_1392 = arith.constant 15 : i32
        %and3A_1393 = vector.broadcast %and3A_1392 : i32 to vector<16xi32>
        %and3A_1394 = arith.andi %add3A_1391, %and3A_1393 : vector<16xi32>
        %gather3A_1395 = tpu.vector_load_idx %arg10[%and3A_1394] : memref<32xf32, #tpu.memory_space<vmem>>[vector<16xi32>], vector<16xf32>,
        %gather3A_1396 = tpu.vector_load_idx %arg11[%and3A_1394] : memref<32xi32, #tpu.memory_space<vmem>>[vector<16xi32>], vector<16xi32>,
        %gt3A = arith.cmpf ogt, %gather3A_1395, %get3A_1384 : vector<16xf32>
        %eq3A_1397 = arith.cmpf oeq, %gather3A_1395, %get3A_1384 : vector<16xf32>
        %lt3A_1398 = arith.cmpi slt, %gather3A_1396, %get3A_1386 : vector<16xi32>
        %and3A_1399 = arith.andi %eq3A_1397, %lt3A_1398 : vector<16xi1>
        %or3A = arith.ori %gt3A, %and3A_1399 : vector<16xi1>
        %jit3A_1400 = arith.constant 1 : i32
        %jit3A_1401 = arith.constant 0 : i32
        %broadcast_in_dim3A_1402 = vector.broadcast %jit3A_1400 : i32 to vector<16xi32>
        %broadcast_in_dim3A_1403 = vector.broadcast %jit3A_1401 : i32 to vector<16xi32>
        %select_n3A_1404 = arith.select %or3A, %broadcast_in_dim3A_1402, %broadcast_in_dim3A_1403 : vector<16xi1>, vector<16xi32>
        %add3A_1405 = arith.addi %broadcast_in_dim3A_1388, %select_n3A_1404 : vector<16xi32>
        %add3A_1406 = arith.constant 2 : i32
        %add3A_1407 = vector.broadcast %add3A_1406 : i32 to vector<16xi32>
        %add3A_1408 = arith.addi %iota3A, %add3A_1407 : vector<16xi32>
        %and3A_1409 = arith.constant 15 : i32
        %and3A_1410 = vector.broadcast %and3A_1409 : i32 to vector<16xi32>
        %and3A_1411 = arith.andi %add3A_1408, %and3A_1410 : vector<16xi32>
        %gather3A_1412 = tpu.vector_load_idx %arg10[%and3A_1411] : memref<32xf32, #tpu.memory_space<vmem>>[vector<16xi32>], vector<16xf32>,
        %gather3A_1413 = tpu.vector_load_idx %arg11[%and3A_1411] : memref<32xi32, #tpu.memory_space<vmem>>[vector<16xi32>], vector<16xi32>,
        %gt3A_1414 = arith.cmpf ogt, %gather3A_1412, %get3A_1384 : vector<16xf32>
        %eq3A_1415 = arith.cmpf oeq, %gather3A_1412, %get3A_1384 : vector<16xf32>
        %lt3A_1416 = arith.cmpi slt, %gather3A_1413, %get3A_1386 : vector<16xi32>
        %and3A_1417 = arith.andi %eq3A_1415, %lt3A_1416 : vector<16xi1>
        %or3A_1418 = arith.ori %gt3A_1414, %and3A_1417 : vector<16xi1>
        %jit3A_1419 = arith.constant 1 : i32
        %jit3A_1420 = arith.constant 0 : i32
        %broadcast_in_dim3A_1421 = vector.broadcast %jit3A_1419 : i32 to vector<16xi32>
        %broadcast_in_dim3A_1422 = vector.broadcast %jit3A_1420 : i32 to vector<16xi32>
        %select_n3A_1423 = arith.select %or3A_1418, %broadcast_in_dim3A_1421, %broadcast_in_dim3A_1422 : vector<16xi1>, vector<16xi32>
        %add3A_1424 = arith.addi %add3A_1405, %select_n3A_1423 : vector<16xi32>
        %add3A_1425 = arith.constant 3 : i32
        %add3A_1426 = vector.broadcast %add3A_1425 : i32 to vector<16xi32>
        %add3A_1427 = arith.addi %iota3A, %add3A_1426 : vector<16xi32>
        %and3A_1428 = arith.constant 15 : i32
        %and3A_1429 = vector.broadcast %and3A_1428 : i32 to vector<16xi32>
        %and3A_1430 = arith.andi %add3A_1427, %and3A_1429 : vector<16xi32>
        %gather3A_1431 = tpu.vector_load_idx %arg10[%and3A_1430] : memref<32xf32, #tpu.memory_space<vmem>>[vector<16xi32>], vector<16xf32>,
        %gather3A_1432 = tpu.vector_load_idx %arg11[%and3A_1430] : memref<32xi32, #tpu.memory_space<vmem>>[vector<16xi32>], vector<16xi32>,
        %gt3A_1433 = arith.cmpf ogt, %gather3A_1431, %get3A_1384 : vector<16xf32>
        %eq3A_1434 = arith.cmpf oeq, %gather3A_1431, %get3A_1384 : vector<16xf32>
        %lt3A_1435 = arith.cmpi slt, %gather3A_1432, %get3A_1386 : vector<16xi32>
        %and3A_1436 = arith.andi %eq3A_1434, %lt3A_1435 : vector<16xi1>
        %or3A_1437 = arith.ori %gt3A_1433, %and3A_1436 : vector<16xi1>
        %jit3A_1438 = arith.constant 1 : i32
        %jit3A_1439 = arith.constant 0 : i32
        %broadcast_in_dim3A_1440 = vector.broadcast %jit3A_1438 : i32 to vector<16xi32>
        %broadcast_in_dim3A_1441 = vector.broadcast %jit3A_1439 : i32 to vector<16xi32>
        %select_n3A_1442 = arith.select %or3A_1437, %broadcast_in_dim3A_1440, %broadcast_in_dim3A_1441 : vector<16xi1>, vector<16xi32>
        %add3A_1443 = arith.addi %add3A_1424, %select_n3A_1442 : vector<16xi32>
        %add3A_1444 = arith.constant 4 : i32
        %add3A_1445 = vector.broadcast %add3A_1444 : i32 to vector<16xi32>
        %add3A_1446 = arith.addi %iota3A, %add3A_1445 : vector<16xi32>
        %and3A_1447 = arith.constant 15 : i32
        %and3A_1448 = vector.broadcast %and3A_1447 : i32 to vector<16xi32>
        %and3A_1449 = arith.andi %add3A_1446, %and3A_1448 : vector<16xi32>
        %gather3A_1450 = tpu.vector_load_idx %arg10[%and3A_1449] : memref<32xf32, #tpu.memory_space<vmem>>[vector<16xi32>], vector<16xf32>,
        %gather3A_1451 = tpu.vector_load_idx %arg11[%and3A_1449] : memref<32xi32, #tpu.memory_space<vmem>>[vector<16xi32>], vector<16xi32>,
        %gt3A_1452 = arith.cmpf ogt, %gather3A_1450, %get3A_1384 : vector<16xf32>
        %eq3A_1453 = arith.cmpf oeq, %gather3A_1450, %get3A_1384 : vector<16xf32>
        %lt3A_1454 = arith.cmpi slt, %gather3A_1451, %get3A_1386 : vector<16xi32>
        %and3A_1455 = arith.andi %eq3A_1453, %lt3A_1454 : vector<16xi1>
        %or3A_1456 = arith.ori %gt3A_1452, %and3A_1455 : vector<16xi1>
        %jit3A_1457 = arith.constant 1 : i32
        %jit3A_1458 = arith.constant 0 : i32
        %broadcast_in_dim3A_1459 = vector.broadcast %jit3A_1457 : i32 to vector<16xi32>
        %broadcast_in_dim3A_1460 = vector.broadcast %jit3A_1458 : i32 to vector<16xi32>
        %select_n3A_1461 = arith.select %or3A_1456, %broadcast_in_dim3A_1459, %broadcast_in_dim3A_1460 : vector<16xi1>, vector<16xi32>
        %add3A_1462 = arith.addi %add3A_1443, %select_n3A_1461 : vector<16xi32>
        %add3A_1463 = arith.constant 5 : i32
        %add3A_1464 = vector.broadcast %add3A_1463 : i32 to vector<16xi32>
        %add3A_1465 = arith.addi %iota3A, %add3A_1464 : vector<16xi32>
        %and3A_1466 = arith.constant 15 : i32
        %and3A_1467 = vector.broadcast %and3A_1466 : i32 to vector<16xi32>
        %and3A_1468 = arith.andi %add3A_1465, %and3A_1467 : vector<16xi32>
        %gather3A_1469 = tpu.vector_load_idx %arg10[%and3A_1468] : memref<32xf32, #tpu.memory_space<vmem>>[vector<16xi32>], vector<16xf32>,
        %gather3A_1470 = tpu.vector_load_idx %arg11[%and3A_1468] : memref<32xi32, #tpu.memory_space<vmem>>[vector<16xi32>], vector<16xi32>,
        %gt3A_1471 = arith.cmpf ogt, %gather3A_1469, %get3A_1384 : vector<16xf32>
        %eq3A_1472 = arith.cmpf oeq, %gather3A_1469, %get3A_1384 : vector<16xf32>
        %lt3A_1473 = arith.cmpi slt, %gather3A_1470, %get3A_1386 : vector<16xi32>
        %and3A_1474 = arith.andi %eq3A_1472, %lt3A_1473 : vector<16xi1>
        %or3A_1475 = arith.ori %gt3A_1471, %and3A_1474 : vector<16xi1>
        %jit3A_1476 = arith.constant 1 : i32
        %jit3A_1477 = arith.constant 0 : i32
        %broadcast_in_dim3A_1478 = vector.broadcast %jit3A_1476 : i32 to vector<16xi32>
        %broadcast_in_dim3A_1479 = vector.broadcast %jit3A_1477 : i32 to vector<16xi32>
        %select_n3A_1480 = arith.select %or3A_1475, %broadcast_in_dim3A_1478, %broadcast_in_dim3A_1479 : vector<16xi1>, vector<16xi32>
        %add3A_1481 = arith.addi %add3A_1462, %select_n3A_1480 : vector<16xi32>
        %add3A_1482 = arith.constant 6 : i32
        %add3A_1483 = vector.broadcast %add3A_1482 : i32 to vector<16xi32>
        %add3A_1484 = arith.addi %iota3A, %add3A_1483 : vector<16xi32>
        %and3A_1485 = arith.constant 15 : i32
        %and3A_1486 = vector.broadcast %and3A_1485 : i32 to vector<16xi32>
        %and3A_1487 = arith.andi %add3A_1484, %and3A_1486 : vector<16xi32>
        %gather3A_1488 = tpu.vector_load_idx %arg10[%and3A_1487] : memref<32xf32, #tpu.memory_space<vmem>>[vector<16xi32>], vector<16xf32>,
        %gather3A_1489 = tpu.vector_load_idx %arg11[%and3A_1487] : memref<32xi32, #tpu.memory_space<vmem>>[vector<16xi32>], vector<16xi32>,
        %gt3A_1490 = arith.cmpf ogt, %gather3A_1488, %get3A_1384 : vector<16xf32>
        %eq3A_1491 = arith.cmpf oeq, %gather3A_1488, %get3A_1384 : vector<16xf32>
        %lt3A_1492 = arith.cmpi slt, %gather3A_1489, %get3A_1386 : vector<16xi32>
        %and3A_1493 = arith.andi %eq3A_1491, %lt3A_1492 : vector<16xi1>
        %or3A_1494 = arith.ori %gt3A_1490, %and3A_1493 : vector<16xi1>
        %jit3A_1495 = arith.constant 1 : i32
        %jit3A_1496 = arith.constant 0 : i32
        %broadcast_in_dim3A_1497 = vector.broadcast %jit3A_1495 : i32 to vector<16xi32>
        %broadcast_in_dim3A_1498 = vector.broadcast %jit3A_1496 : i32 to vector<16xi32>
        %select_n3A_1499 = arith.select %or3A_1494, %broadcast_in_dim3A_1497, %broadcast_in_dim3A_1498 : vector<16xi1>, vector<16xi32>
        %add3A_1500 = arith.addi %add3A_1481, %select_n3A_1499 : vector<16xi32>
        %add3A_1501 = arith.constant 7 : i32
        %add3A_1502 = vector.broadcast %add3A_1501 : i32 to vector<16xi32>
        %add3A_1503 = arith.addi %iota3A, %add3A_1502 : vector<16xi32>
        %and3A_1504 = arith.constant 15 : i32
        %and3A_1505 = vector.broadcast %and3A_1504 : i32 to vector<16xi32>
        %and3A_1506 = arith.andi %add3A_1503, %and3A_1505 : vector<16xi32>
        %gather3A_1507 = tpu.vector_load_idx %arg10[%and3A_1506] : memref<32xf32, #tpu.memory_space<vmem>>[vector<16xi32>], vector<16xf32>,
        %gather3A_1508 = tpu.vector_load_idx %arg11[%and3A_1506] : memref<32xi32, #tpu.memory_space<vmem>>[vector<16xi32>], vector<16xi32>,
        %gt3A_1509 = arith.cmpf ogt, %gather3A_1507, %get3A_1384 : vector<16xf32>
        %eq3A_1510 = arith.cmpf oeq, %gather3A_1507, %get3A_1384 : vector<16xf32>
        %lt3A_1511 = arith.cmpi slt, %gather3A_1508, %get3A_1386 : vector<16xi32>
        %and3A_1512 = arith.andi %eq3A_1510, %lt3A_1511 : vector<16xi1>
        %or3A_1513 = arith.ori %gt3A_1509, %and3A_1512 : vector<16xi1>
        %jit3A_1514 = arith.constant 1 : i32
        %jit3A_1515 = arith.constant 0 : i32
        %broadcast_in_dim3A_1516 = vector.broadcast %jit3A_1514 : i32 to vector<16xi32>
        %broadcast_in_dim3A_1517 = vector.broadcast %jit3A_1515 : i32 to vector<16xi32>
        %select_n3A_1518 = arith.select %or3A_1513, %broadcast_in_dim3A_1516, %broadcast_in_dim3A_1517 : vector<16xi1>, vector<16xi32>
        %add3A_1519 = arith.addi %add3A_1500, %select_n3A_1518 : vector<16xi32>
        %add3A_1520 = arith.constant 8 : i32
        %add3A_1521 = vector.broadcast %add3A_1520 : i32 to vector<16xi32>
        %add3A_1522 = arith.addi %iota3A, %add3A_1521 : vector<16xi32>
        %and3A_1523 = arith.constant 15 : i32
        %and3A_1524 = vector.broadcast %and3A_1523 : i32 to vector<16xi32>
        %and3A_1525 = arith.andi %add3A_1522, %and3A_1524 : vector<16xi32>
        %gather3A_1526 = tpu.vector_load_idx %arg10[%and3A_1525] : memref<32xf32, #tpu.memory_space<vmem>>[vector<16xi32>], vector<16xf32>,
        %gather3A_1527 = tpu.vector_load_idx %arg11[%and3A_1525] : memref<32xi32, #tpu.memory_space<vmem>>[vector<16xi32>], vector<16xi32>,
        %gt3A_1528 = arith.cmpf ogt, %gather3A_1526, %get3A_1384 : vector<16xf32>
        %eq3A_1529 = arith.cmpf oeq, %gather3A_1526, %get3A_1384 : vector<16xf32>
        %lt3A_1530 = arith.cmpi slt, %gather3A_1527, %get3A_1386 : vector<16xi32>
        %and3A_1531 = arith.andi %eq3A_1529, %lt3A_1530 : vector<16xi1>
        %or3A_1532 = arith.ori %gt3A_1528, %and3A_1531 : vector<16xi1>
        %jit3A_1533 = arith.constant 1 : i32
        %jit3A_1534 = arith.constant 0 : i32
        %broadcast_in_dim3A_1535 = vector.broadcast %jit3A_1533 : i32 to vector<16xi32>
        %broadcast_in_dim3A_1536 = vector.broadcast %jit3A_1534 : i32 to vector<16xi32>
        %select_n3A_1537 = arith.select %or3A_1532, %broadcast_in_dim3A_1535, %broadcast_in_dim3A_1536 : vector<16xi1>, vector<16xi32>
        %add3A_1538 = arith.addi %add3A_1519, %select_n3A_1537 : vector<16xi32>
        %add3A_1539 = arith.constant 9 : i32
        %add3A_1540 = vector.broadcast %add3A_1539 : i32 to vector<16xi32>
        %add3A_1541 = arith.addi %iota3A, %add3A_1540 : vector<16xi32>
        %and3A_1542 = arith.constant 15 : i32
        %and3A_1543 = vector.broadcast %and3A_1542 : i32 to vector<16xi32>
        %and3A_1544 = arith.andi %add3A_1541, %and3A_1543 : vector<16xi32>
        %gather3A_1545 = tpu.vector_load_idx %arg10[%and3A_1544] : memref<32xf32, #tpu.memory_space<vmem>>[vector<16xi32>], vector<16xf32>,
        %gather3A_1546 = tpu.vector_load_idx %arg11[%and3A_1544] : memref<32xi32, #tpu.memory_space<vmem>>[vector<16xi32>], vector<16xi32>,
        %gt3A_1547 = arith.cmpf ogt, %gather3A_1545, %get3A_1384 : vector<16xf32>
        %eq3A_1548 = arith.cmpf oeq, %gather3A_1545, %get3A_1384 : vector<16xf32>
        %lt3A_1549 = arith.cmpi slt, %gather3A_1546, %get3A_1386 : vector<16xi32>
        %and3A_1550 = arith.andi %eq3A_1548, %lt3A_1549 : vector<16xi1>
        %or3A_1551 = arith.ori %gt3A_1547, %and3A_1550 : vector<16xi1>
        %jit3A_1552 = arith.constant 1 : i32
        %jit3A_1553 = arith.constant 0 : i32
        %broadcast_in_dim3A_1554 = vector.broadcast %jit3A_1552 : i32 to vector<16xi32>
        %broadcast_in_dim3A_1555 = vector.broadcast %jit3A_1553 : i32 to vector<16xi32>
        %select_n3A_1556 = arith.select %or3A_1551, %broadcast_in_dim3A_1554, %broadcast_in_dim3A_1555 : vector<16xi1>, vector<16xi32>
        %add3A_1557 = arith.addi %add3A_1538, %select_n3A_1556 : vector<16xi32>
        %add3A_1558 = arith.constant 10 : i32
        %add3A_1559 = vector.broadcast %add3A_1558 : i32 to vector<16xi32>
        %add3A_1560 = arith.addi %iota3A, %add3A_1559 : vector<16xi32>
        %and3A_1561 = arith.constant 15 : i32
        %and3A_1562 = vector.broadcast %and3A_1561 : i32 to vector<16xi32>
        %and3A_1563 = arith.andi %add3A_1560, %and3A_1562 : vector<16xi32>
        %gather3A_1564 = tpu.vector_load_idx %arg10[%and3A_1563] : memref<32xf32, #tpu.memory_space<vmem>>[vector<16xi32>], vector<16xf32>,
        %gather3A_1565 = tpu.vector_load_idx %arg11[%and3A_1563] : memref<32xi32, #tpu.memory_space<vmem>>[vector<16xi32>], vector<16xi32>,
        %gt3A_1566 = arith.cmpf ogt, %gather3A_1564, %get3A_1384 : vector<16xf32>
        %eq3A_1567 = arith.cmpf oeq, %gather3A_1564, %get3A_1384 : vector<16xf32>
        %lt3A_1568 = arith.cmpi slt, %gather3A_1565, %get3A_1386 : vector<16xi32>
        %and3A_1569 = arith.andi %eq3A_1567, %lt3A_1568 : vector<16xi1>
        %or3A_1570 = arith.ori %gt3A_1566, %and3A_1569 : vector<16xi1>
        %jit3A_1571 = arith.constant 1 : i32
        %jit3A_1572 = arith.constant 0 : i32
        %broadcast_in_dim3A_1573 = vector.broadcast %jit3A_1571 : i32 to vector<16xi32>
        %broadcast_in_dim3A_1574 = vector.broadcast %jit3A_1572 : i32 to vector<16xi32>
        %select_n3A_1575 = arith.select %or3A_1570, %broadcast_in_dim3A_1573, %broadcast_in_dim3A_1574 : vector<16xi1>, vector<16xi32>
        %add3A_1576 = arith.addi %add3A_1557, %select_n3A_1575 : vector<16xi32>
        %add3A_1577 = arith.constant 11 : i32
        %add3A_1578 = vector.broadcast %add3A_1577 : i32 to vector<16xi32>
        %add3A_1579 = arith.addi %iota3A, %add3A_1578 : vector<16xi32>
        %and3A_1580 = arith.constant 15 : i32
        %and3A_1581 = vector.broadcast %and3A_1580 : i32 to vector<16xi32>
        %and3A_1582 = arith.andi %add3A_1579, %and3A_1581 : vector<16xi32>
        %gather3A_1583 = tpu.vector_load_idx %arg10[%and3A_1582] : memref<32xf32, #tpu.memory_space<vmem>>[vector<16xi32>], vector<16xf32>,
        %gather3A_1584 = tpu.vector_load_idx %arg11[%and3A_1582] : memref<32xi32, #tpu.memory_space<vmem>>[vector<16xi32>], vector<16xi32>,
        %gt3A_1585 = arith.cmpf ogt, %gather3A_1583, %get3A_1384 : vector<16xf32>
        %eq3A_1586 = arith.cmpf oeq, %gather3A_1583, %get3A_1384 : vector<16xf32>
        %lt3A_1587 = arith.cmpi slt, %gather3A_1584, %get3A_1386 : vector<16xi32>
        %and3A_1588 = arith.andi %eq3A_1586, %lt3A_1587 : vector<16xi1>
        %or3A_1589 = arith.ori %gt3A_1585, %and3A_1588 : vector<16xi1>
        %jit3A_1590 = arith.constant 1 : i32
        %jit3A_1591 = arith.constant 0 : i32
        %broadcast_in_dim3A_1592 = vector.broadcast %jit3A_1590 : i32 to vector<16xi32>
        %broadcast_in_dim3A_1593 = vector.broadcast %jit3A_1591 : i32 to vector<16xi32>
        %select_n3A_1594 = arith.select %or3A_1589, %broadcast_in_dim3A_1592, %broadcast_in_dim3A_1593 : vector<16xi1>, vector<16xi32>
        %add3A_1595 = arith.addi %add3A_1576, %select_n3A_1594 : vector<16xi32>
        %add3A_1596 = arith.constant 12 : i32
        %add3A_1597 = vector.broadcast %add3A_1596 : i32 to vector<16xi32>
        %add3A_1598 = arith.addi %iota3A, %add3A_1597 : vector<16xi32>
        %and3A_1599 = arith.constant 15 : i32
        %and3A_1600 = vector.broadcast %and3A_1599 : i32 to vector<16xi32>
        %and3A_1601 = arith.andi %add3A_1598, %and3A_1600 : vector<16xi32>
        %gather3A_1602 = tpu.vector_load_idx %arg10[%and3A_1601] : memref<32xf32, #tpu.memory_space<vmem>>[vector<16xi32>], vector<16xf32>,
        %gather3A_1603 = tpu.vector_load_idx %arg11[%and3A_1601] : memref<32xi32, #tpu.memory_space<vmem>>[vector<16xi32>], vector<16xi32>,
        %gt3A_1604 = arith.cmpf ogt, %gather3A_1602, %get3A_1384 : vector<16xf32>
        %eq3A_1605 = arith.cmpf oeq, %gather3A_1602, %get3A_1384 : vector<16xf32>
        %lt3A_1606 = arith.cmpi slt, %gather3A_1603, %get3A_1386 : vector<16xi32>
        %and3A_1607 = arith.andi %eq3A_1605, %lt3A_1606 : vector<16xi1>
        %or3A_1608 = arith.ori %gt3A_1604, %and3A_1607 : vector<16xi1>
        %jit3A_1609 = arith.constant 1 : i32
        %jit3A_1610 = arith.constant 0 : i32
        %broadcast_in_dim3A_1611 = vector.broadcast %jit3A_1609 : i32 to vector<16xi32>
        %broadcast_in_dim3A_1612 = vector.broadcast %jit3A_1610 : i32 to vector<16xi32>
        %select_n3A_1613 = arith.select %or3A_1608, %broadcast_in_dim3A_1611, %broadcast_in_dim3A_1612 : vector<16xi1>, vector<16xi32>
        %add3A_1614 = arith.addi %add3A_1595, %select_n3A_1613 : vector<16xi32>
        %add3A_1615 = arith.constant 13 : i32
        %add3A_1616 = vector.broadcast %add3A_1615 : i32 to vector<16xi32>
        %add3A_1617 = arith.addi %iota3A, %add3A_1616 : vector<16xi32>
        %and3A_1618 = arith.constant 15 : i32
        %and3A_1619 = vector.broadcast %and3A_1618 : i32 to vector<16xi32>
        %and3A_1620 = arith.andi %add3A_1617, %and3A_1619 : vector<16xi32>
        %gather3A_1621 = tpu.vector_load_idx %arg10[%and3A_1620] : memref<32xf32, #tpu.memory_space<vmem>>[vector<16xi32>], vector<16xf32>,
        %gather3A_1622 = tpu.vector_load_idx %arg11[%and3A_1620] : memref<32xi32, #tpu.memory_space<vmem>>[vector<16xi32>], vector<16xi32>,
        %gt3A_1623 = arith.cmpf ogt, %gather3A_1621, %get3A_1384 : vector<16xf32>
        %eq3A_1624 = arith.cmpf oeq, %gather3A_1621, %get3A_1384 : vector<16xf32>
        %lt3A_1625 = arith.cmpi slt, %gather3A_1622, %get3A_1386 : vector<16xi32>
        %and3A_1626 = arith.andi %eq3A_1624, %lt3A_1625 : vector<16xi1>
        %or3A_1627 = arith.ori %gt3A_1623, %and3A_1626 : vector<16xi1>
        %jit3A_1628 = arith.constant 1 : i32
        %jit3A_1629 = arith.constant 0 : i32
        %broadcast_in_dim3A_1630 = vector.broadcast %jit3A_1628 : i32 to vector<16xi32>
        %broadcast_in_dim3A_1631 = vector.broadcast %jit3A_1629 : i32 to vector<16xi32>
        %select_n3A_1632 = arith.select %or3A_1627, %broadcast_in_dim3A_1630, %broadcast_in_dim3A_1631 : vector<16xi1>, vector<16xi32>
        %add3A_1633 = arith.addi %add3A_1614, %select_n3A_1632 : vector<16xi32>
        %add3A_1634 = arith.constant 14 : i32
        %add3A_1635 = vector.broadcast %add3A_1634 : i32 to vector<16xi32>
        %add3A_1636 = arith.addi %iota3A, %add3A_1635 : vector<16xi32>
        %and3A_1637 = arith.constant 15 : i32
        %and3A_1638 = vector.broadcast %and3A_1637 : i32 to vector<16xi32>
        %and3A_1639 = arith.andi %add3A_1636, %and3A_1638 : vector<16xi32>
        %gather3A_1640 = tpu.vector_load_idx %arg10[%and3A_1639] : memref<32xf32, #tpu.memory_space<vmem>>[vector<16xi32>], vector<16xf32>,
        %gather3A_1641 = tpu.vector_load_idx %arg11[%and3A_1639] : memref<32xi32, #tpu.memory_space<vmem>>[vector<16xi32>], vector<16xi32>,
        %gt3A_1642 = arith.cmpf ogt, %gather3A_1640, %get3A_1384 : vector<16xf32>
        %eq3A_1643 = arith.cmpf oeq, %gather3A_1640, %get3A_1384 : vector<16xf32>
        %lt3A_1644 = arith.cmpi slt, %gather3A_1641, %get3A_1386 : vector<16xi32>
        %and3A_1645 = arith.andi %eq3A_1643, %lt3A_1644 : vector<16xi1>
        %or3A_1646 = arith.ori %gt3A_1642, %and3A_1645 : vector<16xi1>
        %jit3A_1647 = arith.constant 1 : i32
        %jit3A_1648 = arith.constant 0 : i32
        %broadcast_in_dim3A_1649 = vector.broadcast %jit3A_1647 : i32 to vector<16xi32>
        %broadcast_in_dim3A_1650 = vector.broadcast %jit3A_1648 : i32 to vector<16xi32>
        %select_n3A_1651 = arith.select %or3A_1646, %broadcast_in_dim3A_1649, %broadcast_in_dim3A_1650 : vector<16xi1>, vector<16xi32>
        %add3A_1652 = arith.addi %add3A_1633, %select_n3A_1651 : vector<16xi32>
        %add3A_1653 = arith.constant 15 : i32
        %add3A_1654 = vector.broadcast %add3A_1653 : i32 to vector<16xi32>
        %add3A_1655 = arith.addi %iota3A, %add3A_1654 : vector<16xi32>
        %and3A_1656 = arith.constant 15 : i32
        %and3A_1657 = vector.broadcast %and3A_1656 : i32 to vector<16xi32>
        %and3A_1658 = arith.andi %add3A_1655, %and3A_1657 : vector<16xi32>
        %gather3A_1659 = tpu.vector_load_idx %arg10[%and3A_1658] : memref<32xf32, #tpu.memory_space<vmem>>[vector<16xi32>], vector<16xf32>,
        %gather3A_1660 = tpu.vector_load_idx %arg11[%and3A_1658] : memref<32xi32, #tpu.memory_space<vmem>>[vector<16xi32>], vector<16xi32>,
        %gt3A_1661 = arith.cmpf ogt, %gather3A_1659, %get3A_1384 : vector<16xf32>
        %eq3A_1662 = arith.cmpf oeq, %gather3A_1659, %get3A_1384 : vector<16xf32>
        %lt3A_1663 = arith.cmpi slt, %gather3A_1660, %get3A_1386 : vector<16xi32>
        %and3A_1664 = arith.andi %eq3A_1662, %lt3A_1663 : vector<16xi1>
        %or3A_1665 = arith.ori %gt3A_1661, %and3A_1664 : vector<16xi1>
        %jit3A_1666 = arith.constant 1 : i32
        %jit3A_1667 = arith.constant 0 : i32
        %broadcast_in_dim3A_1668 = vector.broadcast %jit3A_1666 : i32 to vector<16xi32>
        %broadcast_in_dim3A_1669 = vector.broadcast %jit3A_1667 : i32 to vector<16xi32>
        %select_n3A_1670 = arith.select %or3A_1665, %broadcast_in_dim3A_1668, %broadcast_in_dim3A_1669 : vector<16xi1>, vector<16xi32>
        %add3A_1671 = arith.addi %add3A_1652, %select_n3A_1670 : vector<16xi32>
        %lt3A_1672 = arith.constant 8 : i32
        %lt3A_1673 = vector.broadcast %lt3A_1672 : i32 to vector<16xi32>
        %lt3A_1674 = arith.cmpi slt, %add3A_1671, %lt3A_1673 : vector<16xi32>
        %swap3A_1675 = arith.constant 0 : index
        %swap3A_1676 = tpu.vector_load %arg10[%swap3A_1675] masked %lt3A_1674 {strides = array<i32>} : memref<32xf32, #tpu.memory_space<vmem>>, vector<16xf32>, vector<16xi1>
        tpu.vector_store %arg10[%swap3A_1675], %get3A_1384 masked %lt3A_1674 {strides = array<i32>} : memref<32xf32, #tpu.memory_space<vmem>>, vector<16xf32>, vector<16xi1>
        %swap3A_1677 = arith.constant 0 : index
        %swap3A_1678 = tpu.vector_load %arg11[%swap3A_1677] masked %lt3A_1674 {strides = array<i32>} : memref<32xi32, #tpu.memory_space<vmem>>, vector<16xi32>, vector<16xi1>
        tpu.vector_store %arg11[%swap3A_1677], %get3A_1386 masked %lt3A_1674 {strides = array<i32>} : memref<32xi32, #tpu.memory_space<vmem>>, vector<16xi32>, vector<16xi1>
      }
      %broadcast_in_dim3A_785 = arith.constant 0xFF800000 : f32
      %broadcast_in_dim3A_786 = vector.broadcast %broadcast_in_dim3A_785 : f32 to vector<16xf32>
      %swap3A_787 = arith.constant 8 : index
      %swap3A_788 = tpu.vector_load %arg10[%swap3A_787] {strides = array<i32>} : memref<32xf32, #tpu.memory_space<vmem>>, vector<16xf32>,
      tpu.vector_store %arg10[%swap3A_787], %broadcast_in_dim3A_786 {strides = array<i32>} : memref<32xf32, #tpu.memory_space<vmem>>, vector<16xf32>,
      %add3A_789 = arith.constant 32768 : i32
      %add3A_790 = vector.broadcast %add3A_789 : i32 to vector<16xi32>
      %add3A_791 = arith.addi %add3A_790, %iota3A : vector<16xi32>
      %swap3A_792 = arith.constant 8 : index
      %swap3A_793 = tpu.vector_load %arg11[%swap3A_792] {strides = array<i32>} : memref<32xi32, #tpu.memory_space<vmem>>, vector<16xi32>,
      tpu.vector_store %arg11[%swap3A_792], %add3A_791 {strides = array<i32>} : memref<32xi32, #tpu.memory_space<vmem>>, vector<16xi32>,
      %get3A_794 = arith.constant 0 : index
      %get3A_795 = tpu.vector_load %arg11[%get3A_794] {strides = array<i32>} : memref<32xi32, #tpu.memory_space<vmem>>, vector<16xi32>,
      %get3A_796 = arith.constant 0 : index
      %get3A_797 = tpu.vector_load %arg10[%get3A_796] {strides = array<i32>} : memref<32xf32, #tpu.memory_space<vmem>>, vector<16xf32>,
      %broadcast_in_dim3A_798 = arith.constant 0 : i32
      %broadcast_in_dim3A_799 = vector.broadcast %broadcast_in_dim3A_798 : i32 to vector<16xi32>
      %add3A_800 = arith.constant 1 : i32
      %add3A_801 = vector.broadcast %add3A_800 : i32 to vector<16xi32>
      %add3A_802 = arith.addi %iota3A, %add3A_801 : vector<16xi32>
      %and3A_803 = arith.constant 15 : i32
      %and3A_804 = vector.broadcast %and3A_803 : i32 to vector<16xi32>
      %and3A_805 = arith.andi %add3A_802, %and3A_804 : vector<16xi32>
      %gather3A_806 = tpu.vector_load_idx %arg11[%and3A_805] : memref<32xi32, #tpu.memory_space<vmem>>[vector<16xi32>], vector<16xi32>,
      %lt3A_807 = arith.cmpi slt, %gather3A_806, %get3A_795 : vector<16xi32>
      %jit3A_808 = arith.constant 1 : i32
      %jit3A_809 = arith.constant 0 : i32
      %broadcast_in_dim3A_810 = vector.broadcast %jit3A_808 : i32 to vector<16xi32>
      %broadcast_in_dim3A_811 = vector.broadcast %jit3A_809 : i32 to vector<16xi32>
      %select_n3A_812 = arith.select %lt3A_807, %broadcast_in_dim3A_810, %broadcast_in_dim3A_811 : vector<16xi1>, vector<16xi32>
      %add3A_813 = arith.addi %broadcast_in_dim3A_799, %select_n3A_812 : vector<16xi32>
      %add3A_814 = arith.constant 2 : i32
      %add3A_815 = vector.broadcast %add3A_814 : i32 to vector<16xi32>
      %add3A_816 = arith.addi %iota3A, %add3A_815 : vector<16xi32>
      %and3A_817 = arith.constant 15 : i32
      %and3A_818 = vector.broadcast %and3A_817 : i32 to vector<16xi32>
      %and3A_819 = arith.andi %add3A_816, %and3A_818 : vector<16xi32>
      %gather3A_820 = tpu.vector_load_idx %arg11[%and3A_819] : memref<32xi32, #tpu.memory_space<vmem>>[vector<16xi32>], vector<16xi32>,
      %lt3A_821 = arith.cmpi slt, %gather3A_820, %get3A_795 : vector<16xi32>
      %jit3A_822 = arith.constant 1 : i32
      %jit3A_823 = arith.constant 0 : i32
      %broadcast_in_dim3A_824 = vector.broadcast %jit3A_822 : i32 to vector<16xi32>
      %broadcast_in_dim3A_825 = vector.broadcast %jit3A_823 : i32 to vector<16xi32>
      %select_n3A_826 = arith.select %lt3A_821, %broadcast_in_dim3A_824, %broadcast_in_dim3A_825 : vector<16xi1>, vector<16xi32>
      %add3A_827 = arith.addi %add3A_813, %select_n3A_826 : vector<16xi32>
      %add3A_828 = arith.constant 3 : i32
      %add3A_829 = vector.broadcast %add3A_828 : i32 to vector<16xi32>
      %add3A_830 = arith.addi %iota3A, %add3A_829 : vector<16xi32>
      %and3A_831 = arith.constant 15 : i32
      %and3A_832 = vector.broadcast %and3A_831 : i32 to vector<16xi32>
      %and3A_833 = arith.andi %add3A_830, %and3A_832 : vector<16xi32>
      %gather3A_834 = tpu.vector_load_idx %arg11[%and3A_833] : memref<32xi32, #tpu.memory_space<vmem>>[vector<16xi32>], vector<16xi32>,
      %lt3A_835 = arith.cmpi slt, %gather3A_834, %get3A_795 : vector<16xi32>
      %jit3A_836 = arith.constant 1 : i32
      %jit3A_837 = arith.constant 0 : i32
      %broadcast_in_dim3A_838 = vector.broadcast %jit3A_836 : i32 to vector<16xi32>
      %broadcast_in_dim3A_839 = vector.broadcast %jit3A_837 : i32 to vector<16xi32>
      %select_n3A_840 = arith.select %lt3A_835, %broadcast_in_dim3A_838, %broadcast_in_dim3A_839 : vector<16xi1>, vector<16xi32>
      %add3A_841 = arith.addi %add3A_827, %select_n3A_840 : vector<16xi32>
      %add3A_842 = arith.constant 4 : i32
      %add3A_843 = vector.broadcast %add3A_842 : i32 to vector<16xi32>
      %add3A_844 = arith.addi %iota3A, %add3A_843 : vector<16xi32>
      %and3A_845 = arith.constant 15 : i32
      %and3A_846 = vector.broadcast %and3A_845 : i32 to vector<16xi32>
      %and3A_847 = arith.andi %add3A_844, %and3A_846 : vector<16xi32>
      %gather3A_848 = tpu.vector_load_idx %arg11[%and3A_847] : memref<32xi32, #tpu.memory_space<vmem>>[vector<16xi32>], vector<16xi32>,
      %lt3A_849 = arith.cmpi slt, %gather3A_848, %get3A_795 : vector<16xi32>
      %jit3A_850 = arith.constant 1 : i32
      %jit3A_851 = arith.constant 0 : i32
      %broadcast_in_dim3A_852 = vector.broadcast %jit3A_850 : i32 to vector<16xi32>
      %broadcast_in_dim3A_853 = vector.broadcast %jit3A_851 : i32 to vector<16xi32>
      %select_n3A_854 = arith.select %lt3A_849, %broadcast_in_dim3A_852, %broadcast_in_dim3A_853 : vector<16xi1>, vector<16xi32>
      %add3A_855 = arith.addi %add3A_841, %select_n3A_854 : vector<16xi32>
      %add3A_856 = arith.constant 5 : i32
      %add3A_857 = vector.broadcast %add3A_856 : i32 to vector<16xi32>
      %add3A_858 = arith.addi %iota3A, %add3A_857 : vector<16xi32>
      %and3A_859 = arith.constant 15 : i32
      %and3A_860 = vector.broadcast %and3A_859 : i32 to vector<16xi32>
      %and3A_861 = arith.andi %add3A_858, %and3A_860 : vector<16xi32>
      %gather3A_862 = tpu.vector_load_idx %arg11[%and3A_861] : memref<32xi32, #tpu.memory_space<vmem>>[vector<16xi32>], vector<16xi32>,
      %lt3A_863 = arith.cmpi slt, %gather3A_862, %get3A_795 : vector<16xi32>
      %jit3A_864 = arith.constant 1 : i32
      %jit3A_865 = arith.constant 0 : i32
      %broadcast_in_dim3A_866 = vector.broadcast %jit3A_864 : i32 to vector<16xi32>
      %broadcast_in_dim3A_867 = vector.broadcast %jit3A_865 : i32 to vector<16xi32>
      %select_n3A_868 = arith.select %lt3A_863, %broadcast_in_dim3A_866, %broadcast_in_dim3A_867 : vector<16xi1>, vector<16xi32>
      %add3A_869 = arith.addi %add3A_855, %select_n3A_868 : vector<16xi32>
      %add3A_870 = arith.constant 6 : i32
      %add3A_871 = vector.broadcast %add3A_870 : i32 to vector<16xi32>
      %add3A_872 = arith.addi %iota3A, %add3A_871 : vector<16xi32>
      %and3A_873 = arith.constant 15 : i32
      %and3A_874 = vector.broadcast %and3A_873 : i32 to vector<16xi32>
      %and3A_875 = arith.andi %add3A_872, %and3A_874 : vector<16xi32>
      %gather3A_876 = tpu.vector_load_idx %arg11[%and3A_875] : memref<32xi32, #tpu.memory_space<vmem>>[vector<16xi32>], vector<16xi32>,
      %lt3A_877 = arith.cmpi slt, %gather3A_876, %get3A_795 : vector<16xi32>
      %jit3A_878 = arith.constant 1 : i32
      %jit3A_879 = arith.constant 0 : i32
      %broadcast_in_dim3A_880 = vector.broadcast %jit3A_878 : i32 to vector<16xi32>
      %broadcast_in_dim3A_881 = vector.broadcast %jit3A_879 : i32 to vector<16xi32>
      %select_n3A_882 = arith.select %lt3A_877, %broadcast_in_dim3A_880, %broadcast_in_dim3A_881 : vector<16xi1>, vector<16xi32>
      %add3A_883 = arith.addi %add3A_869, %select_n3A_882 : vector<16xi32>
      %add3A_884 = arith.constant 7 : i32
      %add3A_885 = vector.broadcast %add3A_884 : i32 to vector<16xi32>
      %add3A_886 = arith.addi %iota3A, %add3A_885 : vector<16xi32>
      %and3A_887 = arith.constant 15 : i32
      %and3A_888 = vector.broadcast %and3A_887 : i32 to vector<16xi32>
      %and3A_889 = arith.andi %add3A_886, %and3A_888 : vector<16xi32>
      %gather3A_890 = tpu.vector_load_idx %arg11[%and3A_889] : memref<32xi32, #tpu.memory_space<vmem>>[vector<16xi32>], vector<16xi32>,
      %lt3A_891 = arith.cmpi slt, %gather3A_890, %get3A_795 : vector<16xi32>
      %jit3A_892 = arith.constant 1 : i32
      %jit3A_893 = arith.constant 0 : i32
      %broadcast_in_dim3A_894 = vector.broadcast %jit3A_892 : i32 to vector<16xi32>
      %broadcast_in_dim3A_895 = vector.broadcast %jit3A_893 : i32 to vector<16xi32>
      %select_n3A_896 = arith.select %lt3A_891, %broadcast_in_dim3A_894, %broadcast_in_dim3A_895 : vector<16xi1>, vector<16xi32>
      %add3A_897 = arith.addi %add3A_883, %select_n3A_896 : vector<16xi32>
      %add3A_898 = arith.constant 8 : i32
      %add3A_899 = vector.broadcast %add3A_898 : i32 to vector<16xi32>
      %add3A_900 = arith.addi %iota3A, %add3A_899 : vector<16xi32>
      %and3A_901 = arith.constant 15 : i32
      %and3A_902 = vector.broadcast %and3A_901 : i32 to vector<16xi32>
      %and3A_903 = arith.andi %add3A_900, %and3A_902 : vector<16xi32>
      %gather3A_904 = tpu.vector_load_idx %arg11[%and3A_903] : memref<32xi32, #tpu.memory_space<vmem>>[vector<16xi32>], vector<16xi32>,
      %lt3A_905 = arith.cmpi slt, %gather3A_904, %get3A_795 : vector<16xi32>
      %jit3A_906 = arith.constant 1 : i32
      %jit3A_907 = arith.constant 0 : i32
      %broadcast_in_dim3A_908 = vector.broadcast %jit3A_906 : i32 to vector<16xi32>
      %broadcast_in_dim3A_909 = vector.broadcast %jit3A_907 : i32 to vector<16xi32>
      %select_n3A_910 = arith.select %lt3A_905, %broadcast_in_dim3A_908, %broadcast_in_dim3A_909 : vector<16xi1>, vector<16xi32>
      %add3A_911 = arith.addi %add3A_897, %select_n3A_910 : vector<16xi32>
      %add3A_912 = arith.constant 9 : i32
      %add3A_913 = vector.broadcast %add3A_912 : i32 to vector<16xi32>
      %add3A_914 = arith.addi %iota3A, %add3A_913 : vector<16xi32>
      %and3A_915 = arith.constant 15 : i32
      %and3A_916 = vector.broadcast %and3A_915 : i32 to vector<16xi32>
      %and3A_917 = arith.andi %add3A_914, %and3A_916 : vector<16xi32>
      %gather3A_918 = tpu.vector_load_idx %arg11[%and3A_917] : memref<32xi32, #tpu.memory_space<vmem>>[vector<16xi32>], vector<16xi32>,
      %lt3A_919 = arith.cmpi slt, %gather3A_918, %get3A_795 : vector<16xi32>
      %jit3A_920 = arith.constant 1 : i32
      %jit3A_921 = arith.constant 0 : i32
      %broadcast_in_dim3A_922 = vector.broadcast %jit3A_920 : i32 to vector<16xi32>
      %broadcast_in_dim3A_923 = vector.broadcast %jit3A_921 : i32 to vector<16xi32>
      %select_n3A_924 = arith.select %lt3A_919, %broadcast_in_dim3A_922, %broadcast_in_dim3A_923 : vector<16xi1>, vector<16xi32>
      %add3A_925 = arith.addi %add3A_911, %select_n3A_924 : vector<16xi32>
      %add3A_926 = arith.constant 10 : i32
      %add3A_927 = vector.broadcast %add3A_926 : i32 to vector<16xi32>
      %add3A_928 = arith.addi %iota3A, %add3A_927 : vector<16xi32>
      %and3A_929 = arith.constant 15 : i32
      %and3A_930 = vector.broadcast %and3A_929 : i32 to vector<16xi32>
      %and3A_931 = arith.andi %add3A_928, %and3A_930 : vector<16xi32>
      %gather3A_932 = tpu.vector_load_idx %arg11[%and3A_931] : memref<32xi32, #tpu.memory_space<vmem>>[vector<16xi32>], vector<16xi32>,
      %lt3A_933 = arith.cmpi slt, %gather3A_932, %get3A_795 : vector<16xi32>
      %jit3A_934 = arith.constant 1 : i32
      %jit3A_935 = arith.constant 0 : i32
      %broadcast_in_dim3A_936 = vector.broadcast %jit3A_934 : i32 to vector<16xi32>
      %broadcast_in_dim3A_937 = vector.broadcast %jit3A_935 : i32 to vector<16xi32>
      %select_n3A_938 = arith.select %lt3A_933, %broadcast_in_dim3A_936, %broadcast_in_dim3A_937 : vector<16xi1>, vector<16xi32>
      %add3A_939 = arith.addi %add3A_925, %select_n3A_938 : vector<16xi32>
      %add3A_940 = arith.constant 11 : i32
      %add3A_941 = vector.broadcast %add3A_940 : i32 to vector<16xi32>
      %add3A_942 = arith.addi %iota3A, %add3A_941 : vector<16xi32>
      %and3A_943 = arith.constant 15 : i32
      %and3A_944 = vector.broadcast %and3A_943 : i32 to vector<16xi32>
      %and3A_945 = arith.andi %add3A_942, %and3A_944 : vector<16xi32>
      %gather3A_946 = tpu.vector_load_idx %arg11[%and3A_945] : memref<32xi32, #tpu.memory_space<vmem>>[vector<16xi32>], vector<16xi32>,
      %lt3A_947 = arith.cmpi slt, %gather3A_946, %get3A_795 : vector<16xi32>
      %jit3A_948 = arith.constant 1 : i32
      %jit3A_949 = arith.constant 0 : i32
      %broadcast_in_dim3A_950 = vector.broadcast %jit3A_948 : i32 to vector<16xi32>
      %broadcast_in_dim3A_951 = vector.broadcast %jit3A_949 : i32 to vector<16xi32>
      %select_n3A_952 = arith.select %lt3A_947, %broadcast_in_dim3A_950, %broadcast_in_dim3A_951 : vector<16xi1>, vector<16xi32>
      %add3A_953 = arith.addi %add3A_939, %select_n3A_952 : vector<16xi32>
      %add3A_954 = arith.constant 12 : i32
      %add3A_955 = vector.broadcast %add3A_954 : i32 to vector<16xi32>
      %add3A_956 = arith.addi %iota3A, %add3A_955 : vector<16xi32>
      %and3A_957 = arith.constant 15 : i32
      %and3A_958 = vector.broadcast %and3A_957 : i32 to vector<16xi32>
      %and3A_959 = arith.andi %add3A_956, %and3A_958 : vector<16xi32>
      %gather3A_960 = tpu.vector_load_idx %arg11[%and3A_959] : memref<32xi32, #tpu.memory_space<vmem>>[vector<16xi32>], vector<16xi32>,
      %lt3A_961 = arith.cmpi slt, %gather3A_960, %get3A_795 : vector<16xi32>
      %jit3A_962 = arith.constant 1 : i32
      %jit3A_963 = arith.constant 0 : i32
      %broadcast_in_dim3A_964 = vector.broadcast %jit3A_962 : i32 to vector<16xi32>
      %broadcast_in_dim3A_965 = vector.broadcast %jit3A_963 : i32 to vector<16xi32>
      %select_n3A_966 = arith.select %lt3A_961, %broadcast_in_dim3A_964, %broadcast_in_dim3A_965 : vector<16xi1>, vector<16xi32>
      %add3A_967 = arith.addi %add3A_953, %select_n3A_966 : vector<16xi32>
      %add3A_968 = arith.constant 13 : i32
      %add3A_969 = vector.broadcast %add3A_968 : i32 to vector<16xi32>
      %add3A_970 = arith.addi %iota3A, %add3A_969 : vector<16xi32>
      %and3A_971 = arith.constant 15 : i32
      %and3A_972 = vector.broadcast %and3A_971 : i32 to vector<16xi32>
      %and3A_973 = arith.andi %add3A_970, %and3A_972 : vector<16xi32>
      %gather3A_974 = tpu.vector_load_idx %arg11[%and3A_973] : memref<32xi32, #tpu.memory_space<vmem>>[vector<16xi32>], vector<16xi32>,
      %lt3A_975 = arith.cmpi slt, %gather3A_974, %get3A_795 : vector<16xi32>
      %jit3A_976 = arith.constant 1 : i32
      %jit3A_977 = arith.constant 0 : i32
      %broadcast_in_dim3A_978 = vector.broadcast %jit3A_976 : i32 to vector<16xi32>
      %broadcast_in_dim3A_979 = vector.broadcast %jit3A_977 : i32 to vector<16xi32>
      %select_n3A_980 = arith.select %lt3A_975, %broadcast_in_dim3A_978, %broadcast_in_dim3A_979 : vector<16xi1>, vector<16xi32>
      %add3A_981 = arith.addi %add3A_967, %select_n3A_980 : vector<16xi32>
      %add3A_982 = arith.constant 14 : i32
      %add3A_983 = vector.broadcast %add3A_982 : i32 to vector<16xi32>
      %add3A_984 = arith.addi %iota3A, %add3A_983 : vector<16xi32>
      %and3A_985 = arith.constant 15 : i32
      %and3A_986 = vector.broadcast %and3A_985 : i32 to vector<16xi32>
      %and3A_987 = arith.andi %add3A_984, %and3A_986 : vector<16xi32>
      %gather3A_988 = tpu.vector_load_idx %arg11[%and3A_987] : memref<32xi32, #tpu.memory_space<vmem>>[vector<16xi32>], vector<16xi32>,
      %lt3A_989 = arith.cmpi slt, %gather3A_988, %get3A_795 : vector<16xi32>
      %jit3A_990 = arith.constant 1 : i32
      %jit3A_991 = arith.constant 0 : i32
      %broadcast_in_dim3A_992 = vector.broadcast %jit3A_990 : i32 to vector<16xi32>
      %broadcast_in_dim3A_993 = vector.broadcast %jit3A_991 : i32 to vector<16xi32>
      %select_n3A_994 = arith.select %lt3A_989, %broadcast_in_dim3A_992, %broadcast_in_dim3A_993 : vector<16xi1>, vector<16xi32>
      %add3A_995 = arith.addi %add3A_981, %select_n3A_994 : vector<16xi32>
      %add3A_996 = arith.constant 15 : i32
      %add3A_997 = vector.broadcast %add3A_996 : i32 to vector<16xi32>
      %add3A_998 = arith.addi %iota3A, %add3A_997 : vector<16xi32>
      %and3A_999 = arith.constant 15 : i32
      %and3A_1000 = vector.broadcast %and3A_999 : i32 to vector<16xi32>
      %and3A_1001 = arith.andi %add3A_998, %and3A_1000 : vector<16xi32>
      %gather3A_1002 = tpu.vector_load_idx %arg11[%and3A_1001] : memref<32xi32, #tpu.memory_space<vmem>>[vector<16xi32>], vector<16xi32>,
      %lt3A_1003 = arith.cmpi slt, %gather3A_1002, %get3A_795 : vector<16xi32>
      %jit3A_1004 = arith.constant 1 : i32
      %jit3A_1005 = arith.constant 0 : i32
      %broadcast_in_dim3A_1006 = vector.broadcast %jit3A_1004 : i32 to vector<16xi32>
      %broadcast_in_dim3A_1007 = vector.broadcast %jit3A_1005 : i32 to vector<16xi32>
      %select_n3A_1008 = arith.select %lt3A_1003, %broadcast_in_dim3A_1006, %broadcast_in_dim3A_1007 : vector<16xi1>, vector<16xi32>
      %add3A_1009 = arith.addi %add3A_995, %select_n3A_1008 : vector<16xi32>
      %mul3A_1010 = arith.constant 8 : i32
      %mul3A_1011 = arith.muli %add3A_720, %mul3A_1010 : i32
      %add3A_1012 = vector.broadcast %mul3A_1011 : i32 to vector<16xi32>
      %add3A_1013 = arith.addi %add3A_1012, %add3A_1009 : vector<16xi32>
      %lt3A_1014 = arith.constant 8 : i32
      %lt3A_1015 = vector.broadcast %lt3A_1014 : i32 to vector<16xi32>
      %lt3A_1016 = arith.cmpi slt, %iota3A, %lt3A_1015 : vector<16xi32>
      tpu.vector_store_idx %arg12[%add3A_1013], %get3A_797 masked %lt3A_1016 : memref<2064xf32, #tpu.memory_space<vmem>>[vector<16xi32>], vector<16xf32>, vector<16xi1>
      %add3A_1017 = arith.constant 4 : i32
      %add3A_1018 = arith.addi %add3A_720, %add3A_1017 : i32
      %lt3A_1019 = arith.constant 256 : i32
      %lt3A_1020 = arith.cmpi slt, %add3A_1018, %lt3A_1019 : i32
      %add3A_1021 = arith.addi %mul3A_34, %add3A_720 : i32
      %add3A_1022 = arith.constant 4 : i32
      %add3A_1023 = arith.addi %add3A_1021, %add3A_1022 : i32
      %select_n3A_1024 = arith.select %lt3A_1020, %add3A_1023, %mul3A_34 : i32
      %dma_start3A_1025 = arith.constant 0 : i32
      %dma_start3A_1026 = tpu.memref_slice %arg2[%select_n3A, %select_n3A_1024, %dma_start3A_1025] : memref<8x1024x8192xf32, #tpu.memory_space<hbm>> -> memref<1x1x8192xf32, #tpu.memory_space<hbm>>
      %dma_start3A_1027 = tpu.memref_squeeze %dma_start3A_1026 : memref<1x1x8192xf32, #tpu.memory_space<hbm>> -> memref<8192xf32, #tpu.memory_space<hbm>>
      %dma_start3A_1028 = arith.constant 0 : i32
      %dma_start3A_1029 = tpu.memref_slice %arg2[%select_n3A, %select_n3A_1024, %dma_start3A_1028] : memref<8x1024x8192xf32, #tpu.memory_space<hbm>> -> memref<1x1x8192xf32, #tpu.memory_space<hbm>>
      %dma_start3A_1030 = tpu.memref_squeeze %dma_start3A_1029 : memref<1x1x8192xf32, #tpu.memory_space<hbm>> -> memref<8192xf32, #tpu.memory_space<hbm>>
      tpu.enqueue_dma source(%dma_start3A_1030 : memref<8192xf32, #tpu.memory_space<hbm>>) target(%arg6 : memref<8192xf32, #tpu.memory_space<vmem>>) target_semaphore(%arg15 : memref<!tpu.dma_semaphore, #tpu.memory_space<semaphore_mem>>)
      %mul3A_1031 = arith.constant 4 : i32
      %mul3A_1032 = arith.muli %scan3A_96, %mul3A_1031 : i32
      %add3A_1033 = arith.constant 3 : i32
      %add3A_1034 = arith.addi %mul3A_1032, %add3A_1033 : i32
      %add3A_1035 = arith.addi %mul3A_34, %add3A_1034 : i32
      %dma_wait3A_1036 = arith.constant 0 : i32
      %dma_wait3A_1037 = tpu.memref_slice %arg2[%select_n3A, %add3A_1035, %dma_wait3A_1036] : memref<8x1024x8192xf32, #tpu.memory_space<hbm>> -> memref<1x1x8192xf32, #tpu.memory_space<hbm>>
      %dma_wait3A_1038 = tpu.memref_squeeze %dma_wait3A_1037 : memref<1x1x8192xf32, #tpu.memory_space<hbm>> -> memref<8192xf32, #tpu.memory_space<hbm>>
      %dma_wait3A_1039 = arith.constant 0 : i32
      %dma_wait3A_1040 = tpu.memref_slice %arg2[%select_n3A, %add3A_1035, %dma_wait3A_1039] : memref<8x1024x8192xf32, #tpu.memory_space<hbm>> -> memref<1x1x8192xf32, #tpu.memory_space<hbm>>
      %dma_wait3A_1041 = tpu.memref_squeeze %dma_wait3A_1040 : memref<1x1x8192xf32, #tpu.memory_space<hbm>> -> memref<8192xf32, #tpu.memory_space<hbm>>
      tpu.wait_dma2 semaphore(%arg16 : memref<!tpu.dma_semaphore, #tpu.memory_space<semaphore_mem>>) src(%dma_wait3A_1041 : memref<8192xf32, #tpu.memory_space<hbm>>) dst(%arg7 : memref<8192xf32, #tpu.memory_space<vmem>>)
      %broadcast_in_dim3A_1042 = arith.constant 0xFF800000 : f32
      %broadcast_in_dim3A_1043 = vector.broadcast %broadcast_in_dim3A_1042 : f32 to vector<16xf32>
      %parallel_loop3A_1044 = arith.constant 0 : i32
      %parallel_loop3A_1045 = arith.constant 512 : i32
      %parallel_loop3A_1046 = arith.constant 1 : i32
      %parallel_loop3A_1047 = scf.for %parallel_loop3A_1345 = %parallel_loop3A_1044 to %parallel_loop3A_1045 step %parallel_loop3A_1046 iter_args(%parallel_loop3A_1346 = %broadcast_in_dim3A_1043) -> (vector<16xf32>)  : i32 {
        %parallel_loop3A_1347 = arith.constant 16 : i32
        %parallel_loop3A_1348 = arith.muli %parallel_loop3A_1345, %parallel_loop3A_1347 : i32
        %parallel_loop3A_1349 = arith.index_cast %parallel_loop3A_1348 : i32 to index
        %parallel_loop3A_1350 = tpu.vector_load %arg7[%parallel_loop3A_1349] {strides = array<i32>} : memref<8192xf32, #tpu.memory_space<vmem>>, vector<16xf32>,
        %parallel_loop3A_1351 = arith.maximumf %parallel_loop3A_1346, %parallel_loop3A_1350 : vector<16xf32>
        scf.yield %parallel_loop3A_1351 : vector<16xf32>
      } {sc.loop_unroll_factor = 16 : i64, sc.parallel_access}
      %masked_sort3A_1048 = arith.constant dense<true> : vector<16xi1>
      %masked_sort3A_1049, %masked_sort3A_1050, %masked_sort3A_1051 = tpu.sort %parallel_loop3A_1047, %parallel_loop3A_1047 masked %masked_sort3A_1048 : (vector<16xf32>, vector<16xf32>, vector<16xi1>) -> (vector<16xi1>, vector<16xf32>, vector<16xf32>)
      %eq3A_1052 = arith.constant 7 : i32
      %eq3A_1053 = vector.broadcast %eq3A_1052 : i32 to vector<16xi32>
      %eq3A_1054 = arith.cmpi eq, %iota3A, %eq3A_1053 : vector<16xi32>
      %jit3A_1055 = arith.constant 0xFF800000 : f32
      %broadcast_in_dim3A_1056 = vector.broadcast %jit3A_1055 : f32 to vector<16xf32>
      %select_n3A_1057 = arith.select %eq3A_1054, %masked_sort3A_1050, %broadcast_in_dim3A_1056 : vector<16xi1>, vector<16xf32>
      %reduce_max3A_1058 = arith.constant true
      %reduce_max3A_1059 = vector.broadcast %reduce_max3A_1058 : i1 to vector<16xi1>
      %reduce_max3A_1060 = tpu.scan <max>, %select_n3A_1057 masked %reduce_max3A_1059 : vector<16xf32>, vector<16xi1> -> vector<16xf32>
      %reduce_max3A_1061 = vector.extract %reduce_max3A_1060[15] : f32 from vector<16xf32>
      %broadcast_in_dim3A_1062 = arith.constant 0 : i32
      %broadcast_in_dim3A_1063 = vector.broadcast %broadcast_in_dim3A_1062 : i32 to vector<16xi32>
      %parallel_loop3A_1064 = arith.constant 0 : i32
      %parallel_loop3A_1065 = arith.constant 512 : i32
      %parallel_loop3A_1066 = arith.constant 1 : i32
      %parallel_loop3A_1067:2 = scf.for %parallel_loop3A_1345 = %parallel_loop3A_1064 to %parallel_loop3A_1065 step %parallel_loop3A_1066 iter_args(%parallel_loop3A_1346 = %broadcast_in_dim3A_1063, %parallel_loop3A_1347 = %iota3A) -> (vector<16xi32>, vector<16xi32>)  : i32 {
        %parallel_loop3A_1348 = arith.constant 16 : i32
        %parallel_loop3A_1349 = arith.muli %parallel_loop3A_1345, %parallel_loop3A_1348 : i32
        %parallel_loop3A_1350 = arith.index_cast %parallel_loop3A_1349 : i32 to index
        %parallel_loop3A_1351 = tpu.vector_load %arg7[%parallel_loop3A_1350] {strides = array<i32>} : memref<8192xf32, #tpu.memory_space<vmem>>, vector<16xf32>,
        %parallel_loop3A_1352 = vector.broadcast %reduce_max3A_1061 : f32 to vector<16xf32>
        %parallel_loop3A_1353 = arith.cmpf oge, %parallel_loop3A_1351, %parallel_loop3A_1352 : vector<16xf32>
        %parallel_loop3A_1354 = arith.constant 4 : i32
        %parallel_loop3A_1355 = vector.broadcast %parallel_loop3A_1354 : i32 to vector<16xi32>
        %parallel_loop3A_1356 = arith.shli %parallel_loop3A_1346, %parallel_loop3A_1355 : vector<16xi32>
        %parallel_loop3A_1357 = arith.addi %iota3A, %parallel_loop3A_1356 : vector<16xi32>
        tpu.vector_store_idx %arg8[%parallel_loop3A_1357], %parallel_loop3A_1347 masked %parallel_loop3A_1353 : memref<8192xi32, #tpu.memory_space<vmem>>[vector<16xi32>], vector<16xi32>, vector<16xi1>
        %parallel_loop3A_1358 = arith.constant 1 : i32
        %parallel_loop3A_1359 = arith.constant 0 : i32
        %parallel_loop3A_1360 = vector.broadcast %parallel_loop3A_1358 : i32 to vector<16xi32>
        %parallel_loop3A_1361 = vector.broadcast %parallel_loop3A_1359 : i32 to vector<16xi32>
        %parallel_loop3A_1362 = arith.select %parallel_loop3A_1353, %parallel_loop3A_1360, %parallel_loop3A_1361 : vector<16xi1>, vector<16xi32>
        %parallel_loop3A_1363 = arith.addi %parallel_loop3A_1346, %parallel_loop3A_1362 : vector<16xi32>
        %parallel_loop3A_1364 = arith.constant 16 : i32
        %parallel_loop3A_1365 = vector.broadcast %parallel_loop3A_1364 : i32 to vector<16xi32>
        %parallel_loop3A_1366 = arith.addi %parallel_loop3A_1347, %parallel_loop3A_1365 : vector<16xi32>
        scf.yield %parallel_loop3A_1363, %parallel_loop3A_1366 : vector<16xi32>, vector<16xi32>
      } {sc.loop_unroll_factor = 16 : i64, sc.parallel_access}
      %swap3A_1068 = arith.constant 0 : index
      %swap3A_1069 = tpu.vector_load %arg9[%swap3A_1068] {strides = array<i32>} : memref<16xi32, #tpu.memory_space<vmem>>, vector<16xi32>,
      tpu.vector_store %arg9[%swap3A_1068], %parallel_loop3A_1067#0 {strides = array<i32>} : memref<16xi32, #tpu.memory_space<vmem>>, vector<16xi32>,
      %reduce_max3A_1070 = arith.constant true
      %reduce_max3A_1071 = vector.broadcast %reduce_max3A_1070 : i1 to vector<16xi1>
      %reduce_max3A_1072 = arith.constant -2147483648 : i32
      %reduce_max3A_1073 = vector.broadcast %reduce_max3A_1072 : i32 to vector<16xi32>
      %reduce_max3A_1074 = arith.xori %parallel_loop3A_1067#0, %reduce_max3A_1073 : vector<16xi32>
      %reduce_max3A_1075 = tpu.scan <max>, %reduce_max3A_1074 masked %reduce_max3A_1071 : vector<16xi32>, vector<16xi1> -> vector<16xi32>
      %reduce_max3A_1076 = arith.xori %reduce_max3A_1075, %reduce_max3A_1073 : vector<16xi32>
      %reduce_max3A_1077 = vector.extract %reduce_max3A_1076[15] : i32 from vector<16xi32>
      %broadcast_in_dim3A_1078 = arith.constant 0xFF800000 : f32
      %broadcast_in_dim3A_1079 = vector.broadcast %broadcast_in_dim3A_1078 : f32 to vector<16xf32>
      %swap3A_1080 = arith.constant 0 : index
      %swap3A_1081 = tpu.vector_load %arg10[%swap3A_1080] {strides = array<i32>} : memref<32xf32, #tpu.memory_space<vmem>>, vector<16xf32>,
      tpu.vector_store %arg10[%swap3A_1080], %broadcast_in_dim3A_1079 {strides = array<i32>} : memref<32xf32, #tpu.memory_space<vmem>>, vector<16xf32>,
      %add3A_1082 = arith.constant 32768 : i32
      %add3A_1083 = vector.broadcast %add3A_1082 : i32 to vector<16xi32>
      %add3A_1084 = arith.addi %add3A_1083, %iota3A : vector<16xi32>
      %swap3A_1085 = arith.constant 0 : index
      %swap3A_1086 = tpu.vector_load %arg11[%swap3A_1085] {strides = array<i32>} : memref<32xi32, #tpu.memory_space<vmem>>, vector<16xi32>,
      tpu.vector_store %arg11[%swap3A_1085], %add3A_1084 {strides = array<i32>} : memref<32xi32, #tpu.memory_space<vmem>>, vector<16xi32>,
      %mul3A_1087 = arith.constant 2 : i32
      %mul3A_1088 = arith.muli %mul3A_1087, %reduce_max3A_1077 : i32
      %while3A_1089 = arith.constant 0 : i32
      %while3A_1090 = arith.constant 0 : i32
      %while3A_1091 = arith.subi %mul3A_1088, %while3A_1090 : i32
      %while3A_1092 = arith.addi %while3A_1090, %while3A_1091 : i32
      %while3A_1093 = arith.constant 1 : i32
      %while3A_1094 = arith.divsi %while3A_1091, %while3A_1093 : i32
      %while3A_1095 = arith.muli %while3A_1094, %while3A_1093 : i32
      %while3A_1096 = arith.addi %while3A_1090, %while3A_1095 : i32
      %while3A_1097 = arith.constant 1 : i32
      scf.for %while3A_1345 = %while3A_1090 to %while3A_1096 step %while3A_1097  : i32 {
        %shift_right_logical3A = arith.constant 1 : i32
        %shift_right_logical3A_1346 = arith.shrui %while3A_1345, %shift_right_logical3A : i32
        %and3A_1347 = arith.constant 1 : i32
        %and3A_1348 = arith.andi %while3A_1345, %and3A_1347 : i32
        %and3A_1349 = arith.constant 7 : i32
        %and3A_1350 = vector.broadcast %and3A_1349 : i32 to vector<16xi32>
        %and3A_1351 = arith.andi %iota3A, %and3A_1350 : vector<16xi32>
        %mul3A_1352 = arith.constant 8 : i32
        %mul3A_1353 = arith.muli %and3A_1348, %mul3A_1352 : i32
        %add3A_1354 = vector.broadcast %mul3A_1353 : i32 to vector<16xi32>
        %add3A_1355 = arith.addi %and3A_1351, %add3A_1354 : vector<16xi32>
        %gather3A_1356 = tpu.vector_load_idx %arg9[%add3A_1355] : memref<16xi32, #tpu.memory_space<vmem>>[vector<16xi32>], vector<16xi32>,
        %ge3A = arith.constant 8 : i32
        %ge3A_1357 = vector.broadcast %ge3A : i32 to vector<16xi32>
        %ge3A_1358 = arith.cmpi sge, %iota3A, %ge3A_1357 : vector<16xi32>
        %lt3A_1359 = vector.broadcast %shift_right_logical3A_1346 : i32 to vector<16xi32>
        %lt3A_1360 = arith.cmpi slt, %lt3A_1359, %gather3A_1356 : vector<16xi32>
        %and3A_1361 = arith.andi %ge3A_1358, %lt3A_1360 : vector<16xi1>
        %shift_left3A = arith.constant 4 : i32
        %shift_left3A_1362 = arith.shli %shift_right_logical3A_1346, %shift_left3A : i32
        %add3A_1363 = vector.broadcast %shift_left3A_1362 : i32 to vector<16xi32>
        %add3A_1364 = arith.addi %add3A_1355, %add3A_1363 : vector<16xi32>
        %gather3A_1365 = tpu.vector_load_idx %arg8[%add3A_1364] : memref<8192xi32, #tpu.memory_space<vmem>>[vector<16xi32>], vector<16xi32>,
        %jit3A_1366 = arith.constant 0 : i32
        %broadcast_in_dim3A_1367 = vector.broadcast %jit3A_1366 : i32 to vector<16xi32>
        %select_n3A_1368 = arith.select %and3A_1361, %gather3A_1365, %broadcast_in_dim3A_1367 : vector<16xi1>, vector<16xi32>
        %gather3A_1369 = tpu.vector_load_idx %arg7[%select_n3A_1368] : memref<8192xf32, #tpu.memory_space<vmem>>[vector<16xi32>], vector<16xf32>,
        %broadcast_in_dim3A_1370 = arith.constant 0xFF800000 : f32
        %broadcast_in_dim3A_1371 = vector.broadcast %broadcast_in_dim3A_1370 : f32 to vector<16xf32>
        %swap3A_1372 = arith.constant 8 : index
        %swap3A_1373 = tpu.vector_load %arg10[%swap3A_1372] {strides = array<i32>} : memref<32xf32, #tpu.memory_space<vmem>>, vector<16xf32>,
        tpu.vector_store %arg10[%swap3A_1372], %broadcast_in_dim3A_1371 {strides = array<i32>} : memref<32xf32, #tpu.memory_space<vmem>>, vector<16xf32>,
        %add3A_1374 = arith.constant 16384 : i32
        %add3A_1375 = vector.broadcast %add3A_1374 : i32 to vector<16xi32>
        %add3A_1376 = arith.addi %add3A_1375, %iota3A : vector<16xi32>
        %swap3A_1377 = arith.constant 8 : index
        %swap3A_1378 = tpu.vector_load %arg11[%swap3A_1377] {strides = array<i32>} : memref<32xi32, #tpu.memory_space<vmem>>, vector<16xi32>,
        tpu.vector_store %arg11[%swap3A_1377], %add3A_1376 {strides = array<i32>} : memref<32xi32, #tpu.memory_space<vmem>>, vector<16xi32>,
        %swap3A_1379 = arith.constant 8 : index
        %swap3A_1380 = tpu.vector_load %arg10[%swap3A_1379] masked %and3A_1361 {strides = array<i32>} : memref<32xf32, #tpu.memory_space<vmem>>, vector<16xf32>, vector<16xi1>
        tpu.vector_store %arg10[%swap3A_1379], %gather3A_1369 masked %and3A_1361 {strides = array<i32>} : memref<32xf32, #tpu.memory_space<vmem>>, vector<16xf32>, vector<16xi1>
        %swap3A_1381 = arith.constant 8 : index
        %swap3A_1382 = tpu.vector_load %arg11[%swap3A_1381] masked %and3A_1361 {strides = array<i32>} : memref<32xi32, #tpu.memory_space<vmem>>, vector<16xi32>, vector<16xi1>
        tpu.vector_store %arg11[%swap3A_1381], %select_n3A_1368 masked %and3A_1361 {strides = array<i32>} : memref<32xi32, #tpu.memory_space<vmem>>, vector<16xi32>, vector<16xi1>
        %get3A_1383 = arith.constant 0 : index
        %get3A_1384 = tpu.vector_load %arg10[%get3A_1383] {strides = array<i32>} : memref<32xf32, #tpu.memory_space<vmem>>, vector<16xf32>,
        %get3A_1385 = arith.constant 0 : index
        %get3A_1386 = tpu.vector_load %arg11[%get3A_1385] {strides = array<i32>} : memref<32xi32, #tpu.memory_space<vmem>>, vector<16xi32>,
        %broadcast_in_dim3A_1387 = arith.constant 0 : i32
        %broadcast_in_dim3A_1388 = vector.broadcast %broadcast_in_dim3A_1387 : i32 to vector<16xi32>
        %add3A_1389 = arith.constant 1 : i32
        %add3A_1390 = vector.broadcast %add3A_1389 : i32 to vector<16xi32>
        %add3A_1391 = arith.addi %iota3A, %add3A_1390 : vector<16xi32>
        %and3A_1392 = arith.constant 15 : i32
        %and3A_1393 = vector.broadcast %and3A_1392 : i32 to vector<16xi32>
        %and3A_1394 = arith.andi %add3A_1391, %and3A_1393 : vector<16xi32>
        %gather3A_1395 = tpu.vector_load_idx %arg10[%and3A_1394] : memref<32xf32, #tpu.memory_space<vmem>>[vector<16xi32>], vector<16xf32>,
        %gather3A_1396 = tpu.vector_load_idx %arg11[%and3A_1394] : memref<32xi32, #tpu.memory_space<vmem>>[vector<16xi32>], vector<16xi32>,
        %gt3A = arith.cmpf ogt, %gather3A_1395, %get3A_1384 : vector<16xf32>
        %eq3A_1397 = arith.cmpf oeq, %gather3A_1395, %get3A_1384 : vector<16xf32>
        %lt3A_1398 = arith.cmpi slt, %gather3A_1396, %get3A_1386 : vector<16xi32>
        %and3A_1399 = arith.andi %eq3A_1397, %lt3A_1398 : vector<16xi1>
        %or3A = arith.ori %gt3A, %and3A_1399 : vector<16xi1>
        %jit3A_1400 = arith.constant 1 : i32
        %jit3A_1401 = arith.constant 0 : i32
        %broadcast_in_dim3A_1402 = vector.broadcast %jit3A_1400 : i32 to vector<16xi32>
        %broadcast_in_dim3A_1403 = vector.broadcast %jit3A_1401 : i32 to vector<16xi32>
        %select_n3A_1404 = arith.select %or3A, %broadcast_in_dim3A_1402, %broadcast_in_dim3A_1403 : vector<16xi1>, vector<16xi32>
        %add3A_1405 = arith.addi %broadcast_in_dim3A_1388, %select_n3A_1404 : vector<16xi32>
        %add3A_1406 = arith.constant 2 : i32
        %add3A_1407 = vector.broadcast %add3A_1406 : i32 to vector<16xi32>
        %add3A_1408 = arith.addi %iota3A, %add3A_1407 : vector<16xi32>
        %and3A_1409 = arith.constant 15 : i32
        %and3A_1410 = vector.broadcast %and3A_1409 : i32 to vector<16xi32>
        %and3A_1411 = arith.andi %add3A_1408, %and3A_1410 : vector<16xi32>
        %gather3A_1412 = tpu.vector_load_idx %arg10[%and3A_1411] : memref<32xf32, #tpu.memory_space<vmem>>[vector<16xi32>], vector<16xf32>,
        %gather3A_1413 = tpu.vector_load_idx %arg11[%and3A_1411] : memref<32xi32, #tpu.memory_space<vmem>>[vector<16xi32>], vector<16xi32>,
        %gt3A_1414 = arith.cmpf ogt, %gather3A_1412, %get3A_1384 : vector<16xf32>
        %eq3A_1415 = arith.cmpf oeq, %gather3A_1412, %get3A_1384 : vector<16xf32>
        %lt3A_1416 = arith.cmpi slt, %gather3A_1413, %get3A_1386 : vector<16xi32>
        %and3A_1417 = arith.andi %eq3A_1415, %lt3A_1416 : vector<16xi1>
        %or3A_1418 = arith.ori %gt3A_1414, %and3A_1417 : vector<16xi1>
        %jit3A_1419 = arith.constant 1 : i32
        %jit3A_1420 = arith.constant 0 : i32
        %broadcast_in_dim3A_1421 = vector.broadcast %jit3A_1419 : i32 to vector<16xi32>
        %broadcast_in_dim3A_1422 = vector.broadcast %jit3A_1420 : i32 to vector<16xi32>
        %select_n3A_1423 = arith.select %or3A_1418, %broadcast_in_dim3A_1421, %broadcast_in_dim3A_1422 : vector<16xi1>, vector<16xi32>
        %add3A_1424 = arith.addi %add3A_1405, %select_n3A_1423 : vector<16xi32>
        %add3A_1425 = arith.constant 3 : i32
        %add3A_1426 = vector.broadcast %add3A_1425 : i32 to vector<16xi32>
        %add3A_1427 = arith.addi %iota3A, %add3A_1426 : vector<16xi32>
        %and3A_1428 = arith.constant 15 : i32
        %and3A_1429 = vector.broadcast %and3A_1428 : i32 to vector<16xi32>
        %and3A_1430 = arith.andi %add3A_1427, %and3A_1429 : vector<16xi32>
        %gather3A_1431 = tpu.vector_load_idx %arg10[%and3A_1430] : memref<32xf32, #tpu.memory_space<vmem>>[vector<16xi32>], vector<16xf32>,
        %gather3A_1432 = tpu.vector_load_idx %arg11[%and3A_1430] : memref<32xi32, #tpu.memory_space<vmem>>[vector<16xi32>], vector<16xi32>,
        %gt3A_1433 = arith.cmpf ogt, %gather3A_1431, %get3A_1384 : vector<16xf32>
        %eq3A_1434 = arith.cmpf oeq, %gather3A_1431, %get3A_1384 : vector<16xf32>
        %lt3A_1435 = arith.cmpi slt, %gather3A_1432, %get3A_1386 : vector<16xi32>
        %and3A_1436 = arith.andi %eq3A_1434, %lt3A_1435 : vector<16xi1>
        %or3A_1437 = arith.ori %gt3A_1433, %and3A_1436 : vector<16xi1>
        %jit3A_1438 = arith.constant 1 : i32
        %jit3A_1439 = arith.constant 0 : i32
        %broadcast_in_dim3A_1440 = vector.broadcast %jit3A_1438 : i32 to vector<16xi32>
        %broadcast_in_dim3A_1441 = vector.broadcast %jit3A_1439 : i32 to vector<16xi32>
        %select_n3A_1442 = arith.select %or3A_1437, %broadcast_in_dim3A_1440, %broadcast_in_dim3A_1441 : vector<16xi1>, vector<16xi32>
        %add3A_1443 = arith.addi %add3A_1424, %select_n3A_1442 : vector<16xi32>
        %add3A_1444 = arith.constant 4 : i32
        %add3A_1445 = vector.broadcast %add3A_1444 : i32 to vector<16xi32>
        %add3A_1446 = arith.addi %iota3A, %add3A_1445 : vector<16xi32>
        %and3A_1447 = arith.constant 15 : i32
        %and3A_1448 = vector.broadcast %and3A_1447 : i32 to vector<16xi32>
        %and3A_1449 = arith.andi %add3A_1446, %and3A_1448 : vector<16xi32>
        %gather3A_1450 = tpu.vector_load_idx %arg10[%and3A_1449] : memref<32xf32, #tpu.memory_space<vmem>>[vector<16xi32>], vector<16xf32>,
        %gather3A_1451 = tpu.vector_load_idx %arg11[%and3A_1449] : memref<32xi32, #tpu.memory_space<vmem>>[vector<16xi32>], vector<16xi32>,
        %gt3A_1452 = arith.cmpf ogt, %gather3A_1450, %get3A_1384 : vector<16xf32>
        %eq3A_1453 = arith.cmpf oeq, %gather3A_1450, %get3A_1384 : vector<16xf32>
        %lt3A_1454 = arith.cmpi slt, %gather3A_1451, %get3A_1386 : vector<16xi32>
        %and3A_1455 = arith.andi %eq3A_1453, %lt3A_1454 : vector<16xi1>
        %or3A_1456 = arith.ori %gt3A_1452, %and3A_1455 : vector<16xi1>
        %jit3A_1457 = arith.constant 1 : i32
        %jit3A_1458 = arith.constant 0 : i32
        %broadcast_in_dim3A_1459 = vector.broadcast %jit3A_1457 : i32 to vector<16xi32>
        %broadcast_in_dim3A_1460 = vector.broadcast %jit3A_1458 : i32 to vector<16xi32>
        %select_n3A_1461 = arith.select %or3A_1456, %broadcast_in_dim3A_1459, %broadcast_in_dim3A_1460 : vector<16xi1>, vector<16xi32>
        %add3A_1462 = arith.addi %add3A_1443, %select_n3A_1461 : vector<16xi32>
        %add3A_1463 = arith.constant 5 : i32
        %add3A_1464 = vector.broadcast %add3A_1463 : i32 to vector<16xi32>
        %add3A_1465 = arith.addi %iota3A, %add3A_1464 : vector<16xi32>
        %and3A_1466 = arith.constant 15 : i32
        %and3A_1467 = vector.broadcast %and3A_1466 : i32 to vector<16xi32>
        %and3A_1468 = arith.andi %add3A_1465, %and3A_1467 : vector<16xi32>
        %gather3A_1469 = tpu.vector_load_idx %arg10[%and3A_1468] : memref<32xf32, #tpu.memory_space<vmem>>[vector<16xi32>], vector<16xf32>,
        %gather3A_1470 = tpu.vector_load_idx %arg11[%and3A_1468] : memref<32xi32, #tpu.memory_space<vmem>>[vector<16xi32>], vector<16xi32>,
        %gt3A_1471 = arith.cmpf ogt, %gather3A_1469, %get3A_1384 : vector<16xf32>
        %eq3A_1472 = arith.cmpf oeq, %gather3A_1469, %get3A_1384 : vector<16xf32>
        %lt3A_1473 = arith.cmpi slt, %gather3A_1470, %get3A_1386 : vector<16xi32>
        %and3A_1474 = arith.andi %eq3A_1472, %lt3A_1473 : vector<16xi1>
        %or3A_1475 = arith.ori %gt3A_1471, %and3A_1474 : vector<16xi1>
        %jit3A_1476 = arith.constant 1 : i32
        %jit3A_1477 = arith.constant 0 : i32
        %broadcast_in_dim3A_1478 = vector.broadcast %jit3A_1476 : i32 to vector<16xi32>
        %broadcast_in_dim3A_1479 = vector.broadcast %jit3A_1477 : i32 to vector<16xi32>
        %select_n3A_1480 = arith.select %or3A_1475, %broadcast_in_dim3A_1478, %broadcast_in_dim3A_1479 : vector<16xi1>, vector<16xi32>
        %add3A_1481 = arith.addi %add3A_1462, %select_n3A_1480 : vector<16xi32>
        %add3A_1482 = arith.constant 6 : i32
        %add3A_1483 = vector.broadcast %add3A_1482 : i32 to vector<16xi32>
        %add3A_1484 = arith.addi %iota3A, %add3A_1483 : vector<16xi32>
        %and3A_1485 = arith.constant 15 : i32
        %and3A_1486 = vector.broadcast %and3A_1485 : i32 to vector<16xi32>
        %and3A_1487 = arith.andi %add3A_1484, %and3A_1486 : vector<16xi32>
        %gather3A_1488 = tpu.vector_load_idx %arg10[%and3A_1487] : memref<32xf32, #tpu.memory_space<vmem>>[vector<16xi32>], vector<16xf32>,
        %gather3A_1489 = tpu.vector_load_idx %arg11[%and3A_1487] : memref<32xi32, #tpu.memory_space<vmem>>[vector<16xi32>], vector<16xi32>,
        %gt3A_1490 = arith.cmpf ogt, %gather3A_1488, %get3A_1384 : vector<16xf32>
        %eq3A_1491 = arith.cmpf oeq, %gather3A_1488, %get3A_1384 : vector<16xf32>
        %lt3A_1492 = arith.cmpi slt, %gather3A_1489, %get3A_1386 : vector<16xi32>
        %and3A_1493 = arith.andi %eq3A_1491, %lt3A_1492 : vector<16xi1>
        %or3A_1494 = arith.ori %gt3A_1490, %and3A_1493 : vector<16xi1>
        %jit3A_1495 = arith.constant 1 : i32
        %jit3A_1496 = arith.constant 0 : i32
        %broadcast_in_dim3A_1497 = vector.broadcast %jit3A_1495 : i32 to vector<16xi32>
        %broadcast_in_dim3A_1498 = vector.broadcast %jit3A_1496 : i32 to vector<16xi32>
        %select_n3A_1499 = arith.select %or3A_1494, %broadcast_in_dim3A_1497, %broadcast_in_dim3A_1498 : vector<16xi1>, vector<16xi32>
        %add3A_1500 = arith.addi %add3A_1481, %select_n3A_1499 : vector<16xi32>
        %add3A_1501 = arith.constant 7 : i32
        %add3A_1502 = vector.broadcast %add3A_1501 : i32 to vector<16xi32>
        %add3A_1503 = arith.addi %iota3A, %add3A_1502 : vector<16xi32>
        %and3A_1504 = arith.constant 15 : i32
        %and3A_1505 = vector.broadcast %and3A_1504 : i32 to vector<16xi32>
        %and3A_1506 = arith.andi %add3A_1503, %and3A_1505 : vector<16xi32>
        %gather3A_1507 = tpu.vector_load_idx %arg10[%and3A_1506] : memref<32xf32, #tpu.memory_space<vmem>>[vector<16xi32>], vector<16xf32>,
        %gather3A_1508 = tpu.vector_load_idx %arg11[%and3A_1506] : memref<32xi32, #tpu.memory_space<vmem>>[vector<16xi32>], vector<16xi32>,
        %gt3A_1509 = arith.cmpf ogt, %gather3A_1507, %get3A_1384 : vector<16xf32>
        %eq3A_1510 = arith.cmpf oeq, %gather3A_1507, %get3A_1384 : vector<16xf32>
        %lt3A_1511 = arith.cmpi slt, %gather3A_1508, %get3A_1386 : vector<16xi32>
        %and3A_1512 = arith.andi %eq3A_1510, %lt3A_1511 : vector<16xi1>
        %or3A_1513 = arith.ori %gt3A_1509, %and3A_1512 : vector<16xi1>
        %jit3A_1514 = arith.constant 1 : i32
        %jit3A_1515 = arith.constant 0 : i32
        %broadcast_in_dim3A_1516 = vector.broadcast %jit3A_1514 : i32 to vector<16xi32>
        %broadcast_in_dim3A_1517 = vector.broadcast %jit3A_1515 : i32 to vector<16xi32>
        %select_n3A_1518 = arith.select %or3A_1513, %broadcast_in_dim3A_1516, %broadcast_in_dim3A_1517 : vector<16xi1>, vector<16xi32>
        %add3A_1519 = arith.addi %add3A_1500, %select_n3A_1518 : vector<16xi32>
        %add3A_1520 = arith.constant 8 : i32
        %add3A_1521 = vector.broadcast %add3A_1520 : i32 to vector<16xi32>
        %add3A_1522 = arith.addi %iota3A, %add3A_1521 : vector<16xi32>
        %and3A_1523 = arith.constant 15 : i32
        %and3A_1524 = vector.broadcast %and3A_1523 : i32 to vector<16xi32>
        %and3A_1525 = arith.andi %add3A_1522, %and3A_1524 : vector<16xi32>
        %gather3A_1526 = tpu.vector_load_idx %arg10[%and3A_1525] : memref<32xf32, #tpu.memory_space<vmem>>[vector<16xi32>], vector<16xf32>,
        %gather3A_1527 = tpu.vector_load_idx %arg11[%and3A_1525] : memref<32xi32, #tpu.memory_space<vmem>>[vector<16xi32>], vector<16xi32>,
        %gt3A_1528 = arith.cmpf ogt, %gather3A_1526, %get3A_1384 : vector<16xf32>
        %eq3A_1529 = arith.cmpf oeq, %gather3A_1526, %get3A_1384 : vector<16xf32>
        %lt3A_1530 = arith.cmpi slt, %gather3A_1527, %get3A_1386 : vector<16xi32>
        %and3A_1531 = arith.andi %eq3A_1529, %lt3A_1530 : vector<16xi1>
        %or3A_1532 = arith.ori %gt3A_1528, %and3A_1531 : vector<16xi1>
        %jit3A_1533 = arith.constant 1 : i32
        %jit3A_1534 = arith.constant 0 : i32
        %broadcast_in_dim3A_1535 = vector.broadcast %jit3A_1533 : i32 to vector<16xi32>
        %broadcast_in_dim3A_1536 = vector.broadcast %jit3A_1534 : i32 to vector<16xi32>
        %select_n3A_1537 = arith.select %or3A_1532, %broadcast_in_dim3A_1535, %broadcast_in_dim3A_1536 : vector<16xi1>, vector<16xi32>
        %add3A_1538 = arith.addi %add3A_1519, %select_n3A_1537 : vector<16xi32>
        %add3A_1539 = arith.constant 9 : i32
        %add3A_1540 = vector.broadcast %add3A_1539 : i32 to vector<16xi32>
        %add3A_1541 = arith.addi %iota3A, %add3A_1540 : vector<16xi32>
        %and3A_1542 = arith.constant 15 : i32
        %and3A_1543 = vector.broadcast %and3A_1542 : i32 to vector<16xi32>
        %and3A_1544 = arith.andi %add3A_1541, %and3A_1543 : vector<16xi32>
        %gather3A_1545 = tpu.vector_load_idx %arg10[%and3A_1544] : memref<32xf32, #tpu.memory_space<vmem>>[vector<16xi32>], vector<16xf32>,
        %gather3A_1546 = tpu.vector_load_idx %arg11[%and3A_1544] : memref<32xi32, #tpu.memory_space<vmem>>[vector<16xi32>], vector<16xi32>,
        %gt3A_1547 = arith.cmpf ogt, %gather3A_1545, %get3A_1384 : vector<16xf32>
        %eq3A_1548 = arith.cmpf oeq, %gather3A_1545, %get3A_1384 : vector<16xf32>
        %lt3A_1549 = arith.cmpi slt, %gather3A_1546, %get3A_1386 : vector<16xi32>
        %and3A_1550 = arith.andi %eq3A_1548, %lt3A_1549 : vector<16xi1>
        %or3A_1551 = arith.ori %gt3A_1547, %and3A_1550 : vector<16xi1>
        %jit3A_1552 = arith.constant 1 : i32
        %jit3A_1553 = arith.constant 0 : i32
        %broadcast_in_dim3A_1554 = vector.broadcast %jit3A_1552 : i32 to vector<16xi32>
        %broadcast_in_dim3A_1555 = vector.broadcast %jit3A_1553 : i32 to vector<16xi32>
        %select_n3A_1556 = arith.select %or3A_1551, %broadcast_in_dim3A_1554, %broadcast_in_dim3A_1555 : vector<16xi1>, vector<16xi32>
        %add3A_1557 = arith.addi %add3A_1538, %select_n3A_1556 : vector<16xi32>
        %add3A_1558 = arith.constant 10 : i32
        %add3A_1559 = vector.broadcast %add3A_1558 : i32 to vector<16xi32>
        %add3A_1560 = arith.addi %iota3A, %add3A_1559 : vector<16xi32>
        %and3A_1561 = arith.constant 15 : i32
        %and3A_1562 = vector.broadcast %and3A_1561 : i32 to vector<16xi32>
        %and3A_1563 = arith.andi %add3A_1560, %and3A_1562 : vector<16xi32>
        %gather3A_1564 = tpu.vector_load_idx %arg10[%and3A_1563] : memref<32xf32, #tpu.memory_space<vmem>>[vector<16xi32>], vector<16xf32>,
        %gather3A_1565 = tpu.vector_load_idx %arg11[%and3A_1563] : memref<32xi32, #tpu.memory_space<vmem>>[vector<16xi32>], vector<16xi32>,
        %gt3A_1566 = arith.cmpf ogt, %gather3A_1564, %get3A_1384 : vector<16xf32>
        %eq3A_1567 = arith.cmpf oeq, %gather3A_1564, %get3A_1384 : vector<16xf32>
        %lt3A_1568 = arith.cmpi slt, %gather3A_1565, %get3A_1386 : vector<16xi32>
        %and3A_1569 = arith.andi %eq3A_1567, %lt3A_1568 : vector<16xi1>
        %or3A_1570 = arith.ori %gt3A_1566, %and3A_1569 : vector<16xi1>
        %jit3A_1571 = arith.constant 1 : i32
        %jit3A_1572 = arith.constant 0 : i32
        %broadcast_in_dim3A_1573 = vector.broadcast %jit3A_1571 : i32 to vector<16xi32>
        %broadcast_in_dim3A_1574 = vector.broadcast %jit3A_1572 : i32 to vector<16xi32>
        %select_n3A_1575 = arith.select %or3A_1570, %broadcast_in_dim3A_1573, %broadcast_in_dim3A_1574 : vector<16xi1>, vector<16xi32>
        %add3A_1576 = arith.addi %add3A_1557, %select_n3A_1575 : vector<16xi32>
        %add3A_1577 = arith.constant 11 : i32
        %add3A_1578 = vector.broadcast %add3A_1577 : i32 to vector<16xi32>
        %add3A_1579 = arith.addi %iota3A, %add3A_1578 : vector<16xi32>
        %and3A_1580 = arith.constant 15 : i32
        %and3A_1581 = vector.broadcast %and3A_1580 : i32 to vector<16xi32>
        %and3A_1582 = arith.andi %add3A_1579, %and3A_1581 : vector<16xi32>
        %gather3A_1583 = tpu.vector_load_idx %arg10[%and3A_1582] : memref<32xf32, #tpu.memory_space<vmem>>[vector<16xi32>], vector<16xf32>,
        %gather3A_1584 = tpu.vector_load_idx %arg11[%and3A_1582] : memref<32xi32, #tpu.memory_space<vmem>>[vector<16xi32>], vector<16xi32>,
        %gt3A_1585 = arith.cmpf ogt, %gather3A_1583, %get3A_1384 : vector<16xf32>
        %eq3A_1586 = arith.cmpf oeq, %gather3A_1583, %get3A_1384 : vector<16xf32>
        %lt3A_1587 = arith.cmpi slt, %gather3A_1584, %get3A_1386 : vector<16xi32>
        %and3A_1588 = arith.andi %eq3A_1586, %lt3A_1587 : vector<16xi1>
        %or3A_1589 = arith.ori %gt3A_1585, %and3A_1588 : vector<16xi1>
        %jit3A_1590 = arith.constant 1 : i32
        %jit3A_1591 = arith.constant 0 : i32
        %broadcast_in_dim3A_1592 = vector.broadcast %jit3A_1590 : i32 to vector<16xi32>
        %broadcast_in_dim3A_1593 = vector.broadcast %jit3A_1591 : i32 to vector<16xi32>
        %select_n3A_1594 = arith.select %or3A_1589, %broadcast_in_dim3A_1592, %broadcast_in_dim3A_1593 : vector<16xi1>, vector<16xi32>
        %add3A_1595 = arith.addi %add3A_1576, %select_n3A_1594 : vector<16xi32>
        %add3A_1596 = arith.constant 12 : i32
        %add3A_1597 = vector.broadcast %add3A_1596 : i32 to vector<16xi32>
        %add3A_1598 = arith.addi %iota3A, %add3A_1597 : vector<16xi32>
        %and3A_1599 = arith.constant 15 : i32
        %and3A_1600 = vector.broadcast %and3A_1599 : i32 to vector<16xi32>
        %and3A_1601 = arith.andi %add3A_1598, %and3A_1600 : vector<16xi32>
        %gather3A_1602 = tpu.vector_load_idx %arg10[%and3A_1601] : memref<32xf32, #tpu.memory_space<vmem>>[vector<16xi32>], vector<16xf32>,
        %gather3A_1603 = tpu.vector_load_idx %arg11[%and3A_1601] : memref<32xi32, #tpu.memory_space<vmem>>[vector<16xi32>], vector<16xi32>,
        %gt3A_1604 = arith.cmpf ogt, %gather3A_1602, %get3A_1384 : vector<16xf32>
        %eq3A_1605 = arith.cmpf oeq, %gather3A_1602, %get3A_1384 : vector<16xf32>
        %lt3A_1606 = arith.cmpi slt, %gather3A_1603, %get3A_1386 : vector<16xi32>
        %and3A_1607 = arith.andi %eq3A_1605, %lt3A_1606 : vector<16xi1>
        %or3A_1608 = arith.ori %gt3A_1604, %and3A_1607 : vector<16xi1>
        %jit3A_1609 = arith.constant 1 : i32
        %jit3A_1610 = arith.constant 0 : i32
        %broadcast_in_dim3A_1611 = vector.broadcast %jit3A_1609 : i32 to vector<16xi32>
        %broadcast_in_dim3A_1612 = vector.broadcast %jit3A_1610 : i32 to vector<16xi32>
        %select_n3A_1613 = arith.select %or3A_1608, %broadcast_in_dim3A_1611, %broadcast_in_dim3A_1612 : vector<16xi1>, vector<16xi32>
        %add3A_1614 = arith.addi %add3A_1595, %select_n3A_1613 : vector<16xi32>
        %add3A_1615 = arith.constant 13 : i32
        %add3A_1616 = vector.broadcast %add3A_1615 : i32 to vector<16xi32>
        %add3A_1617 = arith.addi %iota3A, %add3A_1616 : vector<16xi32>
        %and3A_1618 = arith.constant 15 : i32
        %and3A_1619 = vector.broadcast %and3A_1618 : i32 to vector<16xi32>
        %and3A_1620 = arith.andi %add3A_1617, %and3A_1619 : vector<16xi32>
        %gather3A_1621 = tpu.vector_load_idx %arg10[%and3A_1620] : memref<32xf32, #tpu.memory_space<vmem>>[vector<16xi32>], vector<16xf32>,
        %gather3A_1622 = tpu.vector_load_idx %arg11[%and3A_1620] : memref<32xi32, #tpu.memory_space<vmem>>[vector<16xi32>], vector<16xi32>,
        %gt3A_1623 = arith.cmpf ogt, %gather3A_1621, %get3A_1384 : vector<16xf32>
        %eq3A_1624 = arith.cmpf oeq, %gather3A_1621, %get3A_1384 : vector<16xf32>
        %lt3A_1625 = arith.cmpi slt, %gather3A_1622, %get3A_1386 : vector<16xi32>
        %and3A_1626 = arith.andi %eq3A_1624, %lt3A_1625 : vector<16xi1>
        %or3A_1627 = arith.ori %gt3A_1623, %and3A_1626 : vector<16xi1>
        %jit3A_1628 = arith.constant 1 : i32
        %jit3A_1629 = arith.constant 0 : i32
        %broadcast_in_dim3A_1630 = vector.broadcast %jit3A_1628 : i32 to vector<16xi32>
        %broadcast_in_dim3A_1631 = vector.broadcast %jit3A_1629 : i32 to vector<16xi32>
        %select_n3A_1632 = arith.select %or3A_1627, %broadcast_in_dim3A_1630, %broadcast_in_dim3A_1631 : vector<16xi1>, vector<16xi32>
        %add3A_1633 = arith.addi %add3A_1614, %select_n3A_1632 : vector<16xi32>
        %add3A_1634 = arith.constant 14 : i32
        %add3A_1635 = vector.broadcast %add3A_1634 : i32 to vector<16xi32>
        %add3A_1636 = arith.addi %iota3A, %add3A_1635 : vector<16xi32>
        %and3A_1637 = arith.constant 15 : i32
        %and3A_1638 = vector.broadcast %and3A_1637 : i32 to vector<16xi32>
        %and3A_1639 = arith.andi %add3A_1636, %and3A_1638 : vector<16xi32>
        %gather3A_1640 = tpu.vector_load_idx %arg10[%and3A_1639] : memref<32xf32, #tpu.memory_space<vmem>>[vector<16xi32>], vector<16xf32>,
        %gather3A_1641 = tpu.vector_load_idx %arg11[%and3A_1639] : memref<32xi32, #tpu.memory_space<vmem>>[vector<16xi32>], vector<16xi32>,
        %gt3A_1642 = arith.cmpf ogt, %gather3A_1640, %get3A_1384 : vector<16xf32>
        %eq3A_1643 = arith.cmpf oeq, %gather3A_1640, %get3A_1384 : vector<16xf32>
        %lt3A_1644 = arith.cmpi slt, %gather3A_1641, %get3A_1386 : vector<16xi32>
        %and3A_1645 = arith.andi %eq3A_1643, %lt3A_1644 : vector<16xi1>
        %or3A_1646 = arith.ori %gt3A_1642, %and3A_1645 : vector<16xi1>
        %jit3A_1647 = arith.constant 1 : i32
        %jit3A_1648 = arith.constant 0 : i32
        %broadcast_in_dim3A_1649 = vector.broadcast %jit3A_1647 : i32 to vector<16xi32>
        %broadcast_in_dim3A_1650 = vector.broadcast %jit3A_1648 : i32 to vector<16xi32>
        %select_n3A_1651 = arith.select %or3A_1646, %broadcast_in_dim3A_1649, %broadcast_in_dim3A_1650 : vector<16xi1>, vector<16xi32>
        %add3A_1652 = arith.addi %add3A_1633, %select_n3A_1651 : vector<16xi32>
        %add3A_1653 = arith.constant 15 : i32
        %add3A_1654 = vector.broadcast %add3A_1653 : i32 to vector<16xi32>
        %add3A_1655 = arith.addi %iota3A, %add3A_1654 : vector<16xi32>
        %and3A_1656 = arith.constant 15 : i32
        %and3A_1657 = vector.broadcast %and3A_1656 : i32 to vector<16xi32>
        %and3A_1658 = arith.andi %add3A_1655, %and3A_1657 : vector<16xi32>
        %gather3A_1659 = tpu.vector_load_idx %arg10[%and3A_1658] : memref<32xf32, #tpu.memory_space<vmem>>[vector<16xi32>], vector<16xf32>,
        %gather3A_1660 = tpu.vector_load_idx %arg11[%and3A_1658] : memref<32xi32, #tpu.memory_space<vmem>>[vector<16xi32>], vector<16xi32>,
        %gt3A_1661 = arith.cmpf ogt, %gather3A_1659, %get3A_1384 : vector<16xf32>
        %eq3A_1662 = arith.cmpf oeq, %gather3A_1659, %get3A_1384 : vector<16xf32>
        %lt3A_1663 = arith.cmpi slt, %gather3A_1660, %get3A_1386 : vector<16xi32>
        %and3A_1664 = arith.andi %eq3A_1662, %lt3A_1663 : vector<16xi1>
        %or3A_1665 = arith.ori %gt3A_1661, %and3A_1664 : vector<16xi1>
        %jit3A_1666 = arith.constant 1 : i32
        %jit3A_1667 = arith.constant 0 : i32
        %broadcast_in_dim3A_1668 = vector.broadcast %jit3A_1666 : i32 to vector<16xi32>
        %broadcast_in_dim3A_1669 = vector.broadcast %jit3A_1667 : i32 to vector<16xi32>
        %select_n3A_1670 = arith.select %or3A_1665, %broadcast_in_dim3A_1668, %broadcast_in_dim3A_1669 : vector<16xi1>, vector<16xi32>
        %add3A_1671 = arith.addi %add3A_1652, %select_n3A_1670 : vector<16xi32>
        %lt3A_1672 = arith.constant 8 : i32
        %lt3A_1673 = vector.broadcast %lt3A_1672 : i32 to vector<16xi32>
        %lt3A_1674 = arith.cmpi slt, %add3A_1671, %lt3A_1673 : vector<16xi32>
        %swap3A_1675 = arith.constant 0 : index
        %swap3A_1676 = tpu.vector_load %arg10[%swap3A_1675] masked %lt3A_1674 {strides = array<i32>} : memref<32xf32, #tpu.memory_space<vmem>>, vector<16xf32>, vector<16xi1>
        tpu.vector_store %arg10[%swap3A_1675], %get3A_1384 masked %lt3A_1674 {strides = array<i32>} : memref<32xf32, #tpu.memory_space<vmem>>, vector<16xf32>, vector<16xi1>
        %swap3A_1677 = arith.constant 0 : index
        %swap3A_1678 = tpu.vector_load %arg11[%swap3A_1677] masked %lt3A_1674 {strides = array<i32>} : memref<32xi32, #tpu.memory_space<vmem>>, vector<16xi32>, vector<16xi1>
        tpu.vector_store %arg11[%swap3A_1677], %get3A_1386 masked %lt3A_1674 {strides = array<i32>} : memref<32xi32, #tpu.memory_space<vmem>>, vector<16xi32>, vector<16xi1>
      }
      %while3A_1098 = arith.constant 1 : i32
      scf.for %while3A_1345 = %while3A_1096 to %while3A_1092 step %while3A_1098  : i32 {
        %shift_right_logical3A = arith.constant 1 : i32
        %shift_right_logical3A_1346 = arith.shrui %while3A_1345, %shift_right_logical3A : i32
        %and3A_1347 = arith.constant 1 : i32
        %and3A_1348 = arith.andi %while3A_1345, %and3A_1347 : i32
        %and3A_1349 = arith.constant 7 : i32
        %and3A_1350 = vector.broadcast %and3A_1349 : i32 to vector<16xi32>
        %and3A_1351 = arith.andi %iota3A, %and3A_1350 : vector<16xi32>
        %mul3A_1352 = arith.constant 8 : i32
        %mul3A_1353 = arith.muli %and3A_1348, %mul3A_1352 : i32
        %add3A_1354 = vector.broadcast %mul3A_1353 : i32 to vector<16xi32>
        %add3A_1355 = arith.addi %and3A_1351, %add3A_1354 : vector<16xi32>
        %gather3A_1356 = tpu.vector_load_idx %arg9[%add3A_1355] : memref<16xi32, #tpu.memory_space<vmem>>[vector<16xi32>], vector<16xi32>,
        %ge3A = arith.constant 8 : i32
        %ge3A_1357 = vector.broadcast %ge3A : i32 to vector<16xi32>
        %ge3A_1358 = arith.cmpi sge, %iota3A, %ge3A_1357 : vector<16xi32>
        %lt3A_1359 = vector.broadcast %shift_right_logical3A_1346 : i32 to vector<16xi32>
        %lt3A_1360 = arith.cmpi slt, %lt3A_1359, %gather3A_1356 : vector<16xi32>
        %and3A_1361 = arith.andi %ge3A_1358, %lt3A_1360 : vector<16xi1>
        %shift_left3A = arith.constant 4 : i32
        %shift_left3A_1362 = arith.shli %shift_right_logical3A_1346, %shift_left3A : i32
        %add3A_1363 = vector.broadcast %shift_left3A_1362 : i32 to vector<16xi32>
        %add3A_1364 = arith.addi %add3A_1355, %add3A_1363 : vector<16xi32>
        %gather3A_1365 = tpu.vector_load_idx %arg8[%add3A_1364] : memref<8192xi32, #tpu.memory_space<vmem>>[vector<16xi32>], vector<16xi32>,
        %jit3A_1366 = arith.constant 0 : i32
        %broadcast_in_dim3A_1367 = vector.broadcast %jit3A_1366 : i32 to vector<16xi32>
        %select_n3A_1368 = arith.select %and3A_1361, %gather3A_1365, %broadcast_in_dim3A_1367 : vector<16xi1>, vector<16xi32>
        %gather3A_1369 = tpu.vector_load_idx %arg7[%select_n3A_1368] : memref<8192xf32, #tpu.memory_space<vmem>>[vector<16xi32>], vector<16xf32>,
        %broadcast_in_dim3A_1370 = arith.constant 0xFF800000 : f32
        %broadcast_in_dim3A_1371 = vector.broadcast %broadcast_in_dim3A_1370 : f32 to vector<16xf32>
        %swap3A_1372 = arith.constant 8 : index
        %swap3A_1373 = tpu.vector_load %arg10[%swap3A_1372] {strides = array<i32>} : memref<32xf32, #tpu.memory_space<vmem>>, vector<16xf32>,
        tpu.vector_store %arg10[%swap3A_1372], %broadcast_in_dim3A_1371 {strides = array<i32>} : memref<32xf32, #tpu.memory_space<vmem>>, vector<16xf32>,
        %add3A_1374 = arith.constant 16384 : i32
        %add3A_1375 = vector.broadcast %add3A_1374 : i32 to vector<16xi32>
        %add3A_1376 = arith.addi %add3A_1375, %iota3A : vector<16xi32>
        %swap3A_1377 = arith.constant 8 : index
        %swap3A_1378 = tpu.vector_load %arg11[%swap3A_1377] {strides = array<i32>} : memref<32xi32, #tpu.memory_space<vmem>>, vector<16xi32>,
        tpu.vector_store %arg11[%swap3A_1377], %add3A_1376 {strides = array<i32>} : memref<32xi32, #tpu.memory_space<vmem>>, vector<16xi32>,
        %swap3A_1379 = arith.constant 8 : index
        %swap3A_1380 = tpu.vector_load %arg10[%swap3A_1379] masked %and3A_1361 {strides = array<i32>} : memref<32xf32, #tpu.memory_space<vmem>>, vector<16xf32>, vector<16xi1>
        tpu.vector_store %arg10[%swap3A_1379], %gather3A_1369 masked %and3A_1361 {strides = array<i32>} : memref<32xf32, #tpu.memory_space<vmem>>, vector<16xf32>, vector<16xi1>
        %swap3A_1381 = arith.constant 8 : index
        %swap3A_1382 = tpu.vector_load %arg11[%swap3A_1381] masked %and3A_1361 {strides = array<i32>} : memref<32xi32, #tpu.memory_space<vmem>>, vector<16xi32>, vector<16xi1>
        tpu.vector_store %arg11[%swap3A_1381], %select_n3A_1368 masked %and3A_1361 {strides = array<i32>} : memref<32xi32, #tpu.memory_space<vmem>>, vector<16xi32>, vector<16xi1>
        %get3A_1383 = arith.constant 0 : index
        %get3A_1384 = tpu.vector_load %arg10[%get3A_1383] {strides = array<i32>} : memref<32xf32, #tpu.memory_space<vmem>>, vector<16xf32>,
        %get3A_1385 = arith.constant 0 : index
        %get3A_1386 = tpu.vector_load %arg11[%get3A_1385] {strides = array<i32>} : memref<32xi32, #tpu.memory_space<vmem>>, vector<16xi32>,
        %broadcast_in_dim3A_1387 = arith.constant 0 : i32
        %broadcast_in_dim3A_1388 = vector.broadcast %broadcast_in_dim3A_1387 : i32 to vector<16xi32>
        %add3A_1389 = arith.constant 1 : i32
        %add3A_1390 = vector.broadcast %add3A_1389 : i32 to vector<16xi32>
        %add3A_1391 = arith.addi %iota3A, %add3A_1390 : vector<16xi32>
        %and3A_1392 = arith.constant 15 : i32
        %and3A_1393 = vector.broadcast %and3A_1392 : i32 to vector<16xi32>
        %and3A_1394 = arith.andi %add3A_1391, %and3A_1393 : vector<16xi32>
        %gather3A_1395 = tpu.vector_load_idx %arg10[%and3A_1394] : memref<32xf32, #tpu.memory_space<vmem>>[vector<16xi32>], vector<16xf32>,
        %gather3A_1396 = tpu.vector_load_idx %arg11[%and3A_1394] : memref<32xi32, #tpu.memory_space<vmem>>[vector<16xi32>], vector<16xi32>,
        %gt3A = arith.cmpf ogt, %gather3A_1395, %get3A_1384 : vector<16xf32>
        %eq3A_1397 = arith.cmpf oeq, %gather3A_1395, %get3A_1384 : vector<16xf32>
        %lt3A_1398 = arith.cmpi slt, %gather3A_1396, %get3A_1386 : vector<16xi32>
        %and3A_1399 = arith.andi %eq3A_1397, %lt3A_1398 : vector<16xi1>
        %or3A = arith.ori %gt3A, %and3A_1399 : vector<16xi1>
        %jit3A_1400 = arith.constant 1 : i32
        %jit3A_1401 = arith.constant 0 : i32
        %broadcast_in_dim3A_1402 = vector.broadcast %jit3A_1400 : i32 to vector<16xi32>
        %broadcast_in_dim3A_1403 = vector.broadcast %jit3A_1401 : i32 to vector<16xi32>
        %select_n3A_1404 = arith.select %or3A, %broadcast_in_dim3A_1402, %broadcast_in_dim3A_1403 : vector<16xi1>, vector<16xi32>
        %add3A_1405 = arith.addi %broadcast_in_dim3A_1388, %select_n3A_1404 : vector<16xi32>
        %add3A_1406 = arith.constant 2 : i32
        %add3A_1407 = vector.broadcast %add3A_1406 : i32 to vector<16xi32>
        %add3A_1408 = arith.addi %iota3A, %add3A_1407 : vector<16xi32>
        %and3A_1409 = arith.constant 15 : i32
        %and3A_1410 = vector.broadcast %and3A_1409 : i32 to vector<16xi32>
        %and3A_1411 = arith.andi %add3A_1408, %and3A_1410 : vector<16xi32>
        %gather3A_1412 = tpu.vector_load_idx %arg10[%and3A_1411] : memref<32xf32, #tpu.memory_space<vmem>>[vector<16xi32>], vector<16xf32>,
        %gather3A_1413 = tpu.vector_load_idx %arg11[%and3A_1411] : memref<32xi32, #tpu.memory_space<vmem>>[vector<16xi32>], vector<16xi32>,
        %gt3A_1414 = arith.cmpf ogt, %gather3A_1412, %get3A_1384 : vector<16xf32>
        %eq3A_1415 = arith.cmpf oeq, %gather3A_1412, %get3A_1384 : vector<16xf32>
        %lt3A_1416 = arith.cmpi slt, %gather3A_1413, %get3A_1386 : vector<16xi32>
        %and3A_1417 = arith.andi %eq3A_1415, %lt3A_1416 : vector<16xi1>
        %or3A_1418 = arith.ori %gt3A_1414, %and3A_1417 : vector<16xi1>
        %jit3A_1419 = arith.constant 1 : i32
        %jit3A_1420 = arith.constant 0 : i32
        %broadcast_in_dim3A_1421 = vector.broadcast %jit3A_1419 : i32 to vector<16xi32>
        %broadcast_in_dim3A_1422 = vector.broadcast %jit3A_1420 : i32 to vector<16xi32>
        %select_n3A_1423 = arith.select %or3A_1418, %broadcast_in_dim3A_1421, %broadcast_in_dim3A_1422 : vector<16xi1>, vector<16xi32>
        %add3A_1424 = arith.addi %add3A_1405, %select_n3A_1423 : vector<16xi32>
        %add3A_1425 = arith.constant 3 : i32
        %add3A_1426 = vector.broadcast %add3A_1425 : i32 to vector<16xi32>
        %add3A_1427 = arith.addi %iota3A, %add3A_1426 : vector<16xi32>
        %and3A_1428 = arith.constant 15 : i32
        %and3A_1429 = vector.broadcast %and3A_1428 : i32 to vector<16xi32>
        %and3A_1430 = arith.andi %add3A_1427, %and3A_1429 : vector<16xi32>
        %gather3A_1431 = tpu.vector_load_idx %arg10[%and3A_1430] : memref<32xf32, #tpu.memory_space<vmem>>[vector<16xi32>], vector<16xf32>,
        %gather3A_1432 = tpu.vector_load_idx %arg11[%and3A_1430] : memref<32xi32, #tpu.memory_space<vmem>>[vector<16xi32>], vector<16xi32>,
        %gt3A_1433 = arith.cmpf ogt, %gather3A_1431, %get3A_1384 : vector<16xf32>
        %eq3A_1434 = arith.cmpf oeq, %gather3A_1431, %get3A_1384 : vector<16xf32>
        %lt3A_1435 = arith.cmpi slt, %gather3A_1432, %get3A_1386 : vector<16xi32>
        %and3A_1436 = arith.andi %eq3A_1434, %lt3A_1435 : vector<16xi1>
        %or3A_1437 = arith.ori %gt3A_1433, %and3A_1436 : vector<16xi1>
        %jit3A_1438 = arith.constant 1 : i32
        %jit3A_1439 = arith.constant 0 : i32
        %broadcast_in_dim3A_1440 = vector.broadcast %jit3A_1438 : i32 to vector<16xi32>
        %broadcast_in_dim3A_1441 = vector.broadcast %jit3A_1439 : i32 to vector<16xi32>
        %select_n3A_1442 = arith.select %or3A_1437, %broadcast_in_dim3A_1440, %broadcast_in_dim3A_1441 : vector<16xi1>, vector<16xi32>
        %add3A_1443 = arith.addi %add3A_1424, %select_n3A_1442 : vector<16xi32>
        %add3A_1444 = arith.constant 4 : i32
        %add3A_1445 = vector.broadcast %add3A_1444 : i32 to vector<16xi32>
        %add3A_1446 = arith.addi %iota3A, %add3A_1445 : vector<16xi32>
        %and3A_1447 = arith.constant 15 : i32
        %and3A_1448 = vector.broadcast %and3A_1447 : i32 to vector<16xi32>
        %and3A_1449 = arith.andi %add3A_1446, %and3A_1448 : vector<16xi32>
        %gather3A_1450 = tpu.vector_load_idx %arg10[%and3A_1449] : memref<32xf32, #tpu.memory_space<vmem>>[vector<16xi32>], vector<16xf32>,
        %gather3A_1451 = tpu.vector_load_idx %arg11[%and3A_1449] : memref<32xi32, #tpu.memory_space<vmem>>[vector<16xi32>], vector<16xi32>,
        %gt3A_1452 = arith.cmpf ogt, %gather3A_1450, %get3A_1384 : vector<16xf32>
        %eq3A_1453 = arith.cmpf oeq, %gather3A_1450, %get3A_1384 : vector<16xf32>
        %lt3A_1454 = arith.cmpi slt, %gather3A_1451, %get3A_1386 : vector<16xi32>
        %and3A_1455 = arith.andi %eq3A_1453, %lt3A_1454 : vector<16xi1>
        %or3A_1456 = arith.ori %gt3A_1452, %and3A_1455 : vector<16xi1>
        %jit3A_1457 = arith.constant 1 : i32
        %jit3A_1458 = arith.constant 0 : i32
        %broadcast_in_dim3A_1459 = vector.broadcast %jit3A_1457 : i32 to vector<16xi32>
        %broadcast_in_dim3A_1460 = vector.broadcast %jit3A_1458 : i32 to vector<16xi32>
        %select_n3A_1461 = arith.select %or3A_1456, %broadcast_in_dim3A_1459, %broadcast_in_dim3A_1460 : vector<16xi1>, vector<16xi32>
        %add3A_1462 = arith.addi %add3A_1443, %select_n3A_1461 : vector<16xi32>
        %add3A_1463 = arith.constant 5 : i32
        %add3A_1464 = vector.broadcast %add3A_1463 : i32 to vector<16xi32>
        %add3A_1465 = arith.addi %iota3A, %add3A_1464 : vector<16xi32>
        %and3A_1466 = arith.constant 15 : i32
        %and3A_1467 = vector.broadcast %and3A_1466 : i32 to vector<16xi32>
        %and3A_1468 = arith.andi %add3A_1465, %and3A_1467 : vector<16xi32>
        %gather3A_1469 = tpu.vector_load_idx %arg10[%and3A_1468] : memref<32xf32, #tpu.memory_space<vmem>>[vector<16xi32>], vector<16xf32>,
        %gather3A_1470 = tpu.vector_load_idx %arg11[%and3A_1468] : memref<32xi32, #tpu.memory_space<vmem>>[vector<16xi32>], vector<16xi32>,
        %gt3A_1471 = arith.cmpf ogt, %gather3A_1469, %get3A_1384 : vector<16xf32>
        %eq3A_1472 = arith.cmpf oeq, %gather3A_1469, %get3A_1384 : vector<16xf32>
        %lt3A_1473 = arith.cmpi slt, %gather3A_1470, %get3A_1386 : vector<16xi32>
        %and3A_1474 = arith.andi %eq3A_1472, %lt3A_1473 : vector<16xi1>
        %or3A_1475 = arith.ori %gt3A_1471, %and3A_1474 : vector<16xi1>
        %jit3A_1476 = arith.constant 1 : i32
        %jit3A_1477 = arith.constant 0 : i32
        %broadcast_in_dim3A_1478 = vector.broadcast %jit3A_1476 : i32 to vector<16xi32>
        %broadcast_in_dim3A_1479 = vector.broadcast %jit3A_1477 : i32 to vector<16xi32>
        %select_n3A_1480 = arith.select %or3A_1475, %broadcast_in_dim3A_1478, %broadcast_in_dim3A_1479 : vector<16xi1>, vector<16xi32>
        %add3A_1481 = arith.addi %add3A_1462, %select_n3A_1480 : vector<16xi32>
        %add3A_1482 = arith.constant 6 : i32
        %add3A_1483 = vector.broadcast %add3A_1482 : i32 to vector<16xi32>
        %add3A_1484 = arith.addi %iota3A, %add3A_1483 : vector<16xi32>
        %and3A_1485 = arith.constant 15 : i32
        %and3A_1486 = vector.broadcast %and3A_1485 : i32 to vector<16xi32>
        %and3A_1487 = arith.andi %add3A_1484, %and3A_1486 : vector<16xi32>
        %gather3A_1488 = tpu.vector_load_idx %arg10[%and3A_1487] : memref<32xf32, #tpu.memory_space<vmem>>[vector<16xi32>], vector<16xf32>,
        %gather3A_1489 = tpu.vector_load_idx %arg11[%and3A_1487] : memref<32xi32, #tpu.memory_space<vmem>>[vector<16xi32>], vector<16xi32>,
        %gt3A_1490 = arith.cmpf ogt, %gather3A_1488, %get3A_1384 : vector<16xf32>
        %eq3A_1491 = arith.cmpf oeq, %gather3A_1488, %get3A_1384 : vector<16xf32>
        %lt3A_1492 = arith.cmpi slt, %gather3A_1489, %get3A_1386 : vector<16xi32>
        %and3A_1493 = arith.andi %eq3A_1491, %lt3A_1492 : vector<16xi1>
        %or3A_1494 = arith.ori %gt3A_1490, %and3A_1493 : vector<16xi1>
        %jit3A_1495 = arith.constant 1 : i32
        %jit3A_1496 = arith.constant 0 : i32
        %broadcast_in_dim3A_1497 = vector.broadcast %jit3A_1495 : i32 to vector<16xi32>
        %broadcast_in_dim3A_1498 = vector.broadcast %jit3A_1496 : i32 to vector<16xi32>
        %select_n3A_1499 = arith.select %or3A_1494, %broadcast_in_dim3A_1497, %broadcast_in_dim3A_1498 : vector<16xi1>, vector<16xi32>
        %add3A_1500 = arith.addi %add3A_1481, %select_n3A_1499 : vector<16xi32>
        %add3A_1501 = arith.constant 7 : i32
        %add3A_1502 = vector.broadcast %add3A_1501 : i32 to vector<16xi32>
        %add3A_1503 = arith.addi %iota3A, %add3A_1502 : vector<16xi32>
        %and3A_1504 = arith.constant 15 : i32
        %and3A_1505 = vector.broadcast %and3A_1504 : i32 to vector<16xi32>
        %and3A_1506 = arith.andi %add3A_1503, %and3A_1505 : vector<16xi32>
        %gather3A_1507 = tpu.vector_load_idx %arg10[%and3A_1506] : memref<32xf32, #tpu.memory_space<vmem>>[vector<16xi32>], vector<16xf32>,
        %gather3A_1508 = tpu.vector_load_idx %arg11[%and3A_1506] : memref<32xi32, #tpu.memory_space<vmem>>[vector<16xi32>], vector<16xi32>,
        %gt3A_1509 = arith.cmpf ogt, %gather3A_1507, %get3A_1384 : vector<16xf32>
        %eq3A_1510 = arith.cmpf oeq, %gather3A_1507, %get3A_1384 : vector<16xf32>
        %lt3A_1511 = arith.cmpi slt, %gather3A_1508, %get3A_1386 : vector<16xi32>
        %and3A_1512 = arith.andi %eq3A_1510, %lt3A_1511 : vector<16xi1>
        %or3A_1513 = arith.ori %gt3A_1509, %and3A_1512 : vector<16xi1>
        %jit3A_1514 = arith.constant 1 : i32
        %jit3A_1515 = arith.constant 0 : i32
        %broadcast_in_dim3A_1516 = vector.broadcast %jit3A_1514 : i32 to vector<16xi32>
        %broadcast_in_dim3A_1517 = vector.broadcast %jit3A_1515 : i32 to vector<16xi32>
        %select_n3A_1518 = arith.select %or3A_1513, %broadcast_in_dim3A_1516, %broadcast_in_dim3A_1517 : vector<16xi1>, vector<16xi32>
        %add3A_1519 = arith.addi %add3A_1500, %select_n3A_1518 : vector<16xi32>
        %add3A_1520 = arith.constant 8 : i32
        %add3A_1521 = vector.broadcast %add3A_1520 : i32 to vector<16xi32>
        %add3A_1522 = arith.addi %iota3A, %add3A_1521 : vector<16xi32>
        %and3A_1523 = arith.constant 15 : i32
        %and3A_1524 = vector.broadcast %and3A_1523 : i32 to vector<16xi32>
        %and3A_1525 = arith.andi %add3A_1522, %and3A_1524 : vector<16xi32>
        %gather3A_1526 = tpu.vector_load_idx %arg10[%and3A_1525] : memref<32xf32, #tpu.memory_space<vmem>>[vector<16xi32>], vector<16xf32>,
        %gather3A_1527 = tpu.vector_load_idx %arg11[%and3A_1525] : memref<32xi32, #tpu.memory_space<vmem>>[vector<16xi32>], vector<16xi32>,
        %gt3A_1528 = arith.cmpf ogt, %gather3A_1526, %get3A_1384 : vector<16xf32>
        %eq3A_1529 = arith.cmpf oeq, %gather3A_1526, %get3A_1384 : vector<16xf32>
        %lt3A_1530 = arith.cmpi slt, %gather3A_1527, %get3A_1386 : vector<16xi32>
        %and3A_1531 = arith.andi %eq3A_1529, %lt3A_1530 : vector<16xi1>
        %or3A_1532 = arith.ori %gt3A_1528, %and3A_1531 : vector<16xi1>
        %jit3A_1533 = arith.constant 1 : i32
        %jit3A_1534 = arith.constant 0 : i32
        %broadcast_in_dim3A_1535 = vector.broadcast %jit3A_1533 : i32 to vector<16xi32>
        %broadcast_in_dim3A_1536 = vector.broadcast %jit3A_1534 : i32 to vector<16xi32>
        %select_n3A_1537 = arith.select %or3A_1532, %broadcast_in_dim3A_1535, %broadcast_in_dim3A_1536 : vector<16xi1>, vector<16xi32>
        %add3A_1538 = arith.addi %add3A_1519, %select_n3A_1537 : vector<16xi32>
        %add3A_1539 = arith.constant 9 : i32
        %add3A_1540 = vector.broadcast %add3A_1539 : i32 to vector<16xi32>
        %add3A_1541 = arith.addi %iota3A, %add3A_1540 : vector<16xi32>
        %and3A_1542 = arith.constant 15 : i32
        %and3A_1543 = vector.broadcast %and3A_1542 : i32 to vector<16xi32>
        %and3A_1544 = arith.andi %add3A_1541, %and3A_1543 : vector<16xi32>
        %gather3A_1545 = tpu.vector_load_idx %arg10[%and3A_1544] : memref<32xf32, #tpu.memory_space<vmem>>[vector<16xi32>], vector<16xf32>,
        %gather3A_1546 = tpu.vector_load_idx %arg11[%and3A_1544] : memref<32xi32, #tpu.memory_space<vmem>>[vector<16xi32>], vector<16xi32>,
        %gt3A_1547 = arith.cmpf ogt, %gather3A_1545, %get3A_1384 : vector<16xf32>
        %eq3A_1548 = arith.cmpf oeq, %gather3A_1545, %get3A_1384 : vector<16xf32>
        %lt3A_1549 = arith.cmpi slt, %gather3A_1546, %get3A_1386 : vector<16xi32>
        %and3A_1550 = arith.andi %eq3A_1548, %lt3A_1549 : vector<16xi1>
        %or3A_1551 = arith.ori %gt3A_1547, %and3A_1550 : vector<16xi1>
        %jit3A_1552 = arith.constant 1 : i32
        %jit3A_1553 = arith.constant 0 : i32
        %broadcast_in_dim3A_1554 = vector.broadcast %jit3A_1552 : i32 to vector<16xi32>
        %broadcast_in_dim3A_1555 = vector.broadcast %jit3A_1553 : i32 to vector<16xi32>
        %select_n3A_1556 = arith.select %or3A_1551, %broadcast_in_dim3A_1554, %broadcast_in_dim3A_1555 : vector<16xi1>, vector<16xi32>
        %add3A_1557 = arith.addi %add3A_1538, %select_n3A_1556 : vector<16xi32>
        %add3A_1558 = arith.constant 10 : i32
        %add3A_1559 = vector.broadcast %add3A_1558 : i32 to vector<16xi32>
        %add3A_1560 = arith.addi %iota3A, %add3A_1559 : vector<16xi32>
        %and3A_1561 = arith.constant 15 : i32
        %and3A_1562 = vector.broadcast %and3A_1561 : i32 to vector<16xi32>
        %and3A_1563 = arith.andi %add3A_1560, %and3A_1562 : vector<16xi32>
        %gather3A_1564 = tpu.vector_load_idx %arg10[%and3A_1563] : memref<32xf32, #tpu.memory_space<vmem>>[vector<16xi32>], vector<16xf32>,
        %gather3A_1565 = tpu.vector_load_idx %arg11[%and3A_1563] : memref<32xi32, #tpu.memory_space<vmem>>[vector<16xi32>], vector<16xi32>,
        %gt3A_1566 = arith.cmpf ogt, %gather3A_1564, %get3A_1384 : vector<16xf32>
        %eq3A_1567 = arith.cmpf oeq, %gather3A_1564, %get3A_1384 : vector<16xf32>
        %lt3A_1568 = arith.cmpi slt, %gather3A_1565, %get3A_1386 : vector<16xi32>
        %and3A_1569 = arith.andi %eq3A_1567, %lt3A_1568 : vector<16xi1>
        %or3A_1570 = arith.ori %gt3A_1566, %and3A_1569 : vector<16xi1>
        %jit3A_1571 = arith.constant 1 : i32
        %jit3A_1572 = arith.constant 0 : i32
        %broadcast_in_dim3A_1573 = vector.broadcast %jit3A_1571 : i32 to vector<16xi32>
        %broadcast_in_dim3A_1574 = vector.broadcast %jit3A_1572 : i32 to vector<16xi32>
        %select_n3A_1575 = arith.select %or3A_1570, %broadcast_in_dim3A_1573, %broadcast_in_dim3A_1574 : vector<16xi1>, vector<16xi32>
        %add3A_1576 = arith.addi %add3A_1557, %select_n3A_1575 : vector<16xi32>
        %add3A_1577 = arith.constant 11 : i32
        %add3A_1578 = vector.broadcast %add3A_1577 : i32 to vector<16xi32>
        %add3A_1579 = arith.addi %iota3A, %add3A_1578 : vector<16xi32>
        %and3A_1580 = arith.constant 15 : i32
        %and3A_1581 = vector.broadcast %and3A_1580 : i32 to vector<16xi32>
        %and3A_1582 = arith.andi %add3A_1579, %and3A_1581 : vector<16xi32>
        %gather3A_1583 = tpu.vector_load_idx %arg10[%and3A_1582] : memref<32xf32, #tpu.memory_space<vmem>>[vector<16xi32>], vector<16xf32>,
        %gather3A_1584 = tpu.vector_load_idx %arg11[%and3A_1582] : memref<32xi32, #tpu.memory_space<vmem>>[vector<16xi32>], vector<16xi32>,
        %gt3A_1585 = arith.cmpf ogt, %gather3A_1583, %get3A_1384 : vector<16xf32>
        %eq3A_1586 = arith.cmpf oeq, %gather3A_1583, %get3A_1384 : vector<16xf32>
        %lt3A_1587 = arith.cmpi slt, %gather3A_1584, %get3A_1386 : vector<16xi32>
        %and3A_1588 = arith.andi %eq3A_1586, %lt3A_1587 : vector<16xi1>
        %or3A_1589 = arith.ori %gt3A_1585, %and3A_1588 : vector<16xi1>
        %jit3A_1590 = arith.constant 1 : i32
        %jit3A_1591 = arith.constant 0 : i32
        %broadcast_in_dim3A_1592 = vector.broadcast %jit3A_1590 : i32 to vector<16xi32>
        %broadcast_in_dim3A_1593 = vector.broadcast %jit3A_1591 : i32 to vector<16xi32>
        %select_n3A_1594 = arith.select %or3A_1589, %broadcast_in_dim3A_1592, %broadcast_in_dim3A_1593 : vector<16xi1>, vector<16xi32>
        %add3A_1595 = arith.addi %add3A_1576, %select_n3A_1594 : vector<16xi32>
        %add3A_1596 = arith.constant 12 : i32
        %add3A_1597 = vector.broadcast %add3A_1596 : i32 to vector<16xi32>
        %add3A_1598 = arith.addi %iota3A, %add3A_1597 : vector<16xi32>
        %and3A_1599 = arith.constant 15 : i32
        %and3A_1600 = vector.broadcast %and3A_1599 : i32 to vector<16xi32>
        %and3A_1601 = arith.andi %add3A_1598, %and3A_1600 : vector<16xi32>
        %gather3A_1602 = tpu.vector_load_idx %arg10[%and3A_1601] : memref<32xf32, #tpu.memory_space<vmem>>[vector<16xi32>], vector<16xf32>,
        %gather3A_1603 = tpu.vector_load_idx %arg11[%and3A_1601] : memref<32xi32, #tpu.memory_space<vmem>>[vector<16xi32>], vector<16xi32>,
        %gt3A_1604 = arith.cmpf ogt, %gather3A_1602, %get3A_1384 : vector<16xf32>
        %eq3A_1605 = arith.cmpf oeq, %gather3A_1602, %get3A_1384 : vector<16xf32>
        %lt3A_1606 = arith.cmpi slt, %gather3A_1603, %get3A_1386 : vector<16xi32>
        %and3A_1607 = arith.andi %eq3A_1605, %lt3A_1606 : vector<16xi1>
        %or3A_1608 = arith.ori %gt3A_1604, %and3A_1607 : vector<16xi1>
        %jit3A_1609 = arith.constant 1 : i32
        %jit3A_1610 = arith.constant 0 : i32
        %broadcast_in_dim3A_1611 = vector.broadcast %jit3A_1609 : i32 to vector<16xi32>
        %broadcast_in_dim3A_1612 = vector.broadcast %jit3A_1610 : i32 to vector<16xi32>
        %select_n3A_1613 = arith.select %or3A_1608, %broadcast_in_dim3A_1611, %broadcast_in_dim3A_1612 : vector<16xi1>, vector<16xi32>
        %add3A_1614 = arith.addi %add3A_1595, %select_n3A_1613 : vector<16xi32>
        %add3A_1615 = arith.constant 13 : i32
        %add3A_1616 = vector.broadcast %add3A_1615 : i32 to vector<16xi32>
        %add3A_1617 = arith.addi %iota3A, %add3A_1616 : vector<16xi32>
        %and3A_1618 = arith.constant 15 : i32
        %and3A_1619 = vector.broadcast %and3A_1618 : i32 to vector<16xi32>
        %and3A_1620 = arith.andi %add3A_1617, %and3A_1619 : vector<16xi32>
        %gather3A_1621 = tpu.vector_load_idx %arg10[%and3A_1620] : memref<32xf32, #tpu.memory_space<vmem>>[vector<16xi32>], vector<16xf32>,
        %gather3A_1622 = tpu.vector_load_idx %arg11[%and3A_1620] : memref<32xi32, #tpu.memory_space<vmem>>[vector<16xi32>], vector<16xi32>,
        %gt3A_1623 = arith.cmpf ogt, %gather3A_1621, %get3A_1384 : vector<16xf32>
        %eq3A_1624 = arith.cmpf oeq, %gather3A_1621, %get3A_1384 : vector<16xf32>
        %lt3A_1625 = arith.cmpi slt, %gather3A_1622, %get3A_1386 : vector<16xi32>
        %and3A_1626 = arith.andi %eq3A_1624, %lt3A_1625 : vector<16xi1>
        %or3A_1627 = arith.ori %gt3A_1623, %and3A_1626 : vector<16xi1>
        %jit3A_1628 = arith.constant 1 : i32
        %jit3A_1629 = arith.constant 0 : i32
        %broadcast_in_dim3A_1630 = vector.broadcast %jit3A_1628 : i32 to vector<16xi32>
        %broadcast_in_dim3A_1631 = vector.broadcast %jit3A_1629 : i32 to vector<16xi32>
        %select_n3A_1632 = arith.select %or3A_1627, %broadcast_in_dim3A_1630, %broadcast_in_dim3A_1631 : vector<16xi1>, vector<16xi32>
        %add3A_1633 = arith.addi %add3A_1614, %select_n3A_1632 : vector<16xi32>
        %add3A_1634 = arith.constant 14 : i32
        %add3A_1635 = vector.broadcast %add3A_1634 : i32 to vector<16xi32>
        %add3A_1636 = arith.addi %iota3A, %add3A_1635 : vector<16xi32>
        %and3A_1637 = arith.constant 15 : i32
        %and3A_1638 = vector.broadcast %and3A_1637 : i32 to vector<16xi32>
        %and3A_1639 = arith.andi %add3A_1636, %and3A_1638 : vector<16xi32>
        %gather3A_1640 = tpu.vector_load_idx %arg10[%and3A_1639] : memref<32xf32, #tpu.memory_space<vmem>>[vector<16xi32>], vector<16xf32>,
        %gather3A_1641 = tpu.vector_load_idx %arg11[%and3A_1639] : memref<32xi32, #tpu.memory_space<vmem>>[vector<16xi32>], vector<16xi32>,
        %gt3A_1642 = arith.cmpf ogt, %gather3A_1640, %get3A_1384 : vector<16xf32>
        %eq3A_1643 = arith.cmpf oeq, %gather3A_1640, %get3A_1384 : vector<16xf32>
        %lt3A_1644 = arith.cmpi slt, %gather3A_1641, %get3A_1386 : vector<16xi32>
        %and3A_1645 = arith.andi %eq3A_1643, %lt3A_1644 : vector<16xi1>
        %or3A_1646 = arith.ori %gt3A_1642, %and3A_1645 : vector<16xi1>
        %jit3A_1647 = arith.constant 1 : i32
        %jit3A_1648 = arith.constant 0 : i32
        %broadcast_in_dim3A_1649 = vector.broadcast %jit3A_1647 : i32 to vector<16xi32>
        %broadcast_in_dim3A_1650 = vector.broadcast %jit3A_1648 : i32 to vector<16xi32>
        %select_n3A_1651 = arith.select %or3A_1646, %broadcast_in_dim3A_1649, %broadcast_in_dim3A_1650 : vector<16xi1>, vector<16xi32>
        %add3A_1652 = arith.addi %add3A_1633, %select_n3A_1651 : vector<16xi32>
        %add3A_1653 = arith.constant 15 : i32
        %add3A_1654 = vector.broadcast %add3A_1653 : i32 to vector<16xi32>
        %add3A_1655 = arith.addi %iota3A, %add3A_1654 : vector<16xi32>
        %and3A_1656 = arith.constant 15 : i32
        %and3A_1657 = vector.broadcast %and3A_1656 : i32 to vector<16xi32>
        %and3A_1658 = arith.andi %add3A_1655, %and3A_1657 : vector<16xi32>
        %gather3A_1659 = tpu.vector_load_idx %arg10[%and3A_1658] : memref<32xf32, #tpu.memory_space<vmem>>[vector<16xi32>], vector<16xf32>,
        %gather3A_1660 = tpu.vector_load_idx %arg11[%and3A_1658] : memref<32xi32, #tpu.memory_space<vmem>>[vector<16xi32>], vector<16xi32>,
        %gt3A_1661 = arith.cmpf ogt, %gather3A_1659, %get3A_1384 : vector<16xf32>
        %eq3A_1662 = arith.cmpf oeq, %gather3A_1659, %get3A_1384 : vector<16xf32>
        %lt3A_1663 = arith.cmpi slt, %gather3A_1660, %get3A_1386 : vector<16xi32>
        %and3A_1664 = arith.andi %eq3A_1662, %lt3A_1663 : vector<16xi1>
        %or3A_1665 = arith.ori %gt3A_1661, %and3A_1664 : vector<16xi1>
        %jit3A_1666 = arith.constant 1 : i32
        %jit3A_1667 = arith.constant 0 : i32
        %broadcast_in_dim3A_1668 = vector.broadcast %jit3A_1666 : i32 to vector<16xi32>
        %broadcast_in_dim3A_1669 = vector.broadcast %jit3A_1667 : i32 to vector<16xi32>
        %select_n3A_1670 = arith.select %or3A_1665, %broadcast_in_dim3A_1668, %broadcast_in_dim3A_1669 : vector<16xi1>, vector<16xi32>
        %add3A_1671 = arith.addi %add3A_1652, %select_n3A_1670 : vector<16xi32>
        %lt3A_1672 = arith.constant 8 : i32
        %lt3A_1673 = vector.broadcast %lt3A_1672 : i32 to vector<16xi32>
        %lt3A_1674 = arith.cmpi slt, %add3A_1671, %lt3A_1673 : vector<16xi32>
        %swap3A_1675 = arith.constant 0 : index
        %swap3A_1676 = tpu.vector_load %arg10[%swap3A_1675] masked %lt3A_1674 {strides = array<i32>} : memref<32xf32, #tpu.memory_space<vmem>>, vector<16xf32>, vector<16xi1>
        tpu.vector_store %arg10[%swap3A_1675], %get3A_1384 masked %lt3A_1674 {strides = array<i32>} : memref<32xf32, #tpu.memory_space<vmem>>, vector<16xf32>, vector<16xi1>
        %swap3A_1677 = arith.constant 0 : index
        %swap3A_1678 = tpu.vector_load %arg11[%swap3A_1677] masked %lt3A_1674 {strides = array<i32>} : memref<32xi32, #tpu.memory_space<vmem>>, vector<16xi32>, vector<16xi1>
        tpu.vector_store %arg11[%swap3A_1677], %get3A_1386 masked %lt3A_1674 {strides = array<i32>} : memref<32xi32, #tpu.memory_space<vmem>>, vector<16xi32>, vector<16xi1>
      }
      %broadcast_in_dim3A_1099 = arith.constant 0xFF800000 : f32
      %broadcast_in_dim3A_1100 = vector.broadcast %broadcast_in_dim3A_1099 : f32 to vector<16xf32>
      %swap3A_1101 = arith.constant 8 : index
      %swap3A_1102 = tpu.vector_load %arg10[%swap3A_1101] {strides = array<i32>} : memref<32xf32, #tpu.memory_space<vmem>>, vector<16xf32>,
      tpu.vector_store %arg10[%swap3A_1101], %broadcast_in_dim3A_1100 {strides = array<i32>} : memref<32xf32, #tpu.memory_space<vmem>>, vector<16xf32>,
      %add3A_1103 = arith.constant 32768 : i32
      %add3A_1104 = vector.broadcast %add3A_1103 : i32 to vector<16xi32>
      %add3A_1105 = arith.addi %add3A_1104, %iota3A : vector<16xi32>
      %swap3A_1106 = arith.constant 8 : index
      %swap3A_1107 = tpu.vector_load %arg11[%swap3A_1106] {strides = array<i32>} : memref<32xi32, #tpu.memory_space<vmem>>, vector<16xi32>,
      tpu.vector_store %arg11[%swap3A_1106], %add3A_1105 {strides = array<i32>} : memref<32xi32, #tpu.memory_space<vmem>>, vector<16xi32>,
      %get3A_1108 = arith.constant 0 : index
      %get3A_1109 = tpu.vector_load %arg11[%get3A_1108] {strides = array<i32>} : memref<32xi32, #tpu.memory_space<vmem>>, vector<16xi32>,
      %get3A_1110 = arith.constant 0 : index
      %get3A_1111 = tpu.vector_load %arg10[%get3A_1110] {strides = array<i32>} : memref<32xf32, #tpu.memory_space<vmem>>, vector<16xf32>,
      %broadcast_in_dim3A_1112 = arith.constant 0 : i32
      %broadcast_in_dim3A_1113 = vector.broadcast %broadcast_in_dim3A_1112 : i32 to vector<16xi32>
      %add3A_1114 = arith.constant 1 : i32
      %add3A_1115 = vector.broadcast %add3A_1114 : i32 to vector<16xi32>
      %add3A_1116 = arith.addi %iota3A, %add3A_1115 : vector<16xi32>
      %and3A_1117 = arith.constant 15 : i32
      %and3A_1118 = vector.broadcast %and3A_1117 : i32 to vector<16xi32>
      %and3A_1119 = arith.andi %add3A_1116, %and3A_1118 : vector<16xi32>
      %gather3A_1120 = tpu.vector_load_idx %arg11[%and3A_1119] : memref<32xi32, #tpu.memory_space<vmem>>[vector<16xi32>], vector<16xi32>,
      %lt3A_1121 = arith.cmpi slt, %gather3A_1120, %get3A_1109 : vector<16xi32>
      %jit3A_1122 = arith.constant 1 : i32
      %jit3A_1123 = arith.constant 0 : i32
      %broadcast_in_dim3A_1124 = vector.broadcast %jit3A_1122 : i32 to vector<16xi32>
      %broadcast_in_dim3A_1125 = vector.broadcast %jit3A_1123 : i32 to vector<16xi32>
      %select_n3A_1126 = arith.select %lt3A_1121, %broadcast_in_dim3A_1124, %broadcast_in_dim3A_1125 : vector<16xi1>, vector<16xi32>
      %add3A_1127 = arith.addi %broadcast_in_dim3A_1113, %select_n3A_1126 : vector<16xi32>
      %add3A_1128 = arith.constant 2 : i32
      %add3A_1129 = vector.broadcast %add3A_1128 : i32 to vector<16xi32>
      %add3A_1130 = arith.addi %iota3A, %add3A_1129 : vector<16xi32>
      %and3A_1131 = arith.constant 15 : i32
      %and3A_1132 = vector.broadcast %and3A_1131 : i32 to vector<16xi32>
      %and3A_1133 = arith.andi %add3A_1130, %and3A_1132 : vector<16xi32>
      %gather3A_1134 = tpu.vector_load_idx %arg11[%and3A_1133] : memref<32xi32, #tpu.memory_space<vmem>>[vector<16xi32>], vector<16xi32>,
      %lt3A_1135 = arith.cmpi slt, %gather3A_1134, %get3A_1109 : vector<16xi32>
      %jit3A_1136 = arith.constant 1 : i32
      %jit3A_1137 = arith.constant 0 : i32
      %broadcast_in_dim3A_1138 = vector.broadcast %jit3A_1136 : i32 to vector<16xi32>
      %broadcast_in_dim3A_1139 = vector.broadcast %jit3A_1137 : i32 to vector<16xi32>
      %select_n3A_1140 = arith.select %lt3A_1135, %broadcast_in_dim3A_1138, %broadcast_in_dim3A_1139 : vector<16xi1>, vector<16xi32>
      %add3A_1141 = arith.addi %add3A_1127, %select_n3A_1140 : vector<16xi32>
      %add3A_1142 = arith.constant 3 : i32
      %add3A_1143 = vector.broadcast %add3A_1142 : i32 to vector<16xi32>
      %add3A_1144 = arith.addi %iota3A, %add3A_1143 : vector<16xi32>
      %and3A_1145 = arith.constant 15 : i32
      %and3A_1146 = vector.broadcast %and3A_1145 : i32 to vector<16xi32>
      %and3A_1147 = arith.andi %add3A_1144, %and3A_1146 : vector<16xi32>
      %gather3A_1148 = tpu.vector_load_idx %arg11[%and3A_1147] : memref<32xi32, #tpu.memory_space<vmem>>[vector<16xi32>], vector<16xi32>,
      %lt3A_1149 = arith.cmpi slt, %gather3A_1148, %get3A_1109 : vector<16xi32>
      %jit3A_1150 = arith.constant 1 : i32
      %jit3A_1151 = arith.constant 0 : i32
      %broadcast_in_dim3A_1152 = vector.broadcast %jit3A_1150 : i32 to vector<16xi32>
      %broadcast_in_dim3A_1153 = vector.broadcast %jit3A_1151 : i32 to vector<16xi32>
      %select_n3A_1154 = arith.select %lt3A_1149, %broadcast_in_dim3A_1152, %broadcast_in_dim3A_1153 : vector<16xi1>, vector<16xi32>
      %add3A_1155 = arith.addi %add3A_1141, %select_n3A_1154 : vector<16xi32>
      %add3A_1156 = arith.constant 4 : i32
      %add3A_1157 = vector.broadcast %add3A_1156 : i32 to vector<16xi32>
      %add3A_1158 = arith.addi %iota3A, %add3A_1157 : vector<16xi32>
      %and3A_1159 = arith.constant 15 : i32
      %and3A_1160 = vector.broadcast %and3A_1159 : i32 to vector<16xi32>
      %and3A_1161 = arith.andi %add3A_1158, %and3A_1160 : vector<16xi32>
      %gather3A_1162 = tpu.vector_load_idx %arg11[%and3A_1161] : memref<32xi32, #tpu.memory_space<vmem>>[vector<16xi32>], vector<16xi32>,
      %lt3A_1163 = arith.cmpi slt, %gather3A_1162, %get3A_1109 : vector<16xi32>
      %jit3A_1164 = arith.constant 1 : i32
      %jit3A_1165 = arith.constant 0 : i32
      %broadcast_in_dim3A_1166 = vector.broadcast %jit3A_1164 : i32 to vector<16xi32>
      %broadcast_in_dim3A_1167 = vector.broadcast %jit3A_1165 : i32 to vector<16xi32>
      %select_n3A_1168 = arith.select %lt3A_1163, %broadcast_in_dim3A_1166, %broadcast_in_dim3A_1167 : vector<16xi1>, vector<16xi32>
      %add3A_1169 = arith.addi %add3A_1155, %select_n3A_1168 : vector<16xi32>
      %add3A_1170 = arith.constant 5 : i32
      %add3A_1171 = vector.broadcast %add3A_1170 : i32 to vector<16xi32>
      %add3A_1172 = arith.addi %iota3A, %add3A_1171 : vector<16xi32>
      %and3A_1173 = arith.constant 15 : i32
      %and3A_1174 = vector.broadcast %and3A_1173 : i32 to vector<16xi32>
      %and3A_1175 = arith.andi %add3A_1172, %and3A_1174 : vector<16xi32>
      %gather3A_1176 = tpu.vector_load_idx %arg11[%and3A_1175] : memref<32xi32, #tpu.memory_space<vmem>>[vector<16xi32>], vector<16xi32>,
      %lt3A_1177 = arith.cmpi slt, %gather3A_1176, %get3A_1109 : vector<16xi32>
      %jit3A_1178 = arith.constant 1 : i32
      %jit3A_1179 = arith.constant 0 : i32
      %broadcast_in_dim3A_1180 = vector.broadcast %jit3A_1178 : i32 to vector<16xi32>
      %broadcast_in_dim3A_1181 = vector.broadcast %jit3A_1179 : i32 to vector<16xi32>
      %select_n3A_1182 = arith.select %lt3A_1177, %broadcast_in_dim3A_1180, %broadcast_in_dim3A_1181 : vector<16xi1>, vector<16xi32>
      %add3A_1183 = arith.addi %add3A_1169, %select_n3A_1182 : vector<16xi32>
      %add3A_1184 = arith.constant 6 : i32
      %add3A_1185 = vector.broadcast %add3A_1184 : i32 to vector<16xi32>
      %add3A_1186 = arith.addi %iota3A, %add3A_1185 : vector<16xi32>
      %and3A_1187 = arith.constant 15 : i32
      %and3A_1188 = vector.broadcast %and3A_1187 : i32 to vector<16xi32>
      %and3A_1189 = arith.andi %add3A_1186, %and3A_1188 : vector<16xi32>
      %gather3A_1190 = tpu.vector_load_idx %arg11[%and3A_1189] : memref<32xi32, #tpu.memory_space<vmem>>[vector<16xi32>], vector<16xi32>,
      %lt3A_1191 = arith.cmpi slt, %gather3A_1190, %get3A_1109 : vector<16xi32>
      %jit3A_1192 = arith.constant 1 : i32
      %jit3A_1193 = arith.constant 0 : i32
      %broadcast_in_dim3A_1194 = vector.broadcast %jit3A_1192 : i32 to vector<16xi32>
      %broadcast_in_dim3A_1195 = vector.broadcast %jit3A_1193 : i32 to vector<16xi32>
      %select_n3A_1196 = arith.select %lt3A_1191, %broadcast_in_dim3A_1194, %broadcast_in_dim3A_1195 : vector<16xi1>, vector<16xi32>
      %add3A_1197 = arith.addi %add3A_1183, %select_n3A_1196 : vector<16xi32>
      %add3A_1198 = arith.constant 7 : i32
      %add3A_1199 = vector.broadcast %add3A_1198 : i32 to vector<16xi32>
      %add3A_1200 = arith.addi %iota3A, %add3A_1199 : vector<16xi32>
      %and3A_1201 = arith.constant 15 : i32
      %and3A_1202 = vector.broadcast %and3A_1201 : i32 to vector<16xi32>
      %and3A_1203 = arith.andi %add3A_1200, %and3A_1202 : vector<16xi32>
      %gather3A_1204 = tpu.vector_load_idx %arg11[%and3A_1203] : memref<32xi32, #tpu.memory_space<vmem>>[vector<16xi32>], vector<16xi32>,
      %lt3A_1205 = arith.cmpi slt, %gather3A_1204, %get3A_1109 : vector<16xi32>
      %jit3A_1206 = arith.constant 1 : i32
      %jit3A_1207 = arith.constant 0 : i32
      %broadcast_in_dim3A_1208 = vector.broadcast %jit3A_1206 : i32 to vector<16xi32>
      %broadcast_in_dim3A_1209 = vector.broadcast %jit3A_1207 : i32 to vector<16xi32>
      %select_n3A_1210 = arith.select %lt3A_1205, %broadcast_in_dim3A_1208, %broadcast_in_dim3A_1209 : vector<16xi1>, vector<16xi32>
      %add3A_1211 = arith.addi %add3A_1197, %select_n3A_1210 : vector<16xi32>
      %add3A_1212 = arith.constant 8 : i32
      %add3A_1213 = vector.broadcast %add3A_1212 : i32 to vector<16xi32>
      %add3A_1214 = arith.addi %iota3A, %add3A_1213 : vector<16xi32>
      %and3A_1215 = arith.constant 15 : i32
      %and3A_1216 = vector.broadcast %and3A_1215 : i32 to vector<16xi32>
      %and3A_1217 = arith.andi %add3A_1214, %and3A_1216 : vector<16xi32>
      %gather3A_1218 = tpu.vector_load_idx %arg11[%and3A_1217] : memref<32xi32, #tpu.memory_space<vmem>>[vector<16xi32>], vector<16xi32>,
      %lt3A_1219 = arith.cmpi slt, %gather3A_1218, %get3A_1109 : vector<16xi32>
      %jit3A_1220 = arith.constant 1 : i32
      %jit3A_1221 = arith.constant 0 : i32
      %broadcast_in_dim3A_1222 = vector.broadcast %jit3A_1220 : i32 to vector<16xi32>
      %broadcast_in_dim3A_1223 = vector.broadcast %jit3A_1221 : i32 to vector<16xi32>
      %select_n3A_1224 = arith.select %lt3A_1219, %broadcast_in_dim3A_1222, %broadcast_in_dim3A_1223 : vector<16xi1>, vector<16xi32>
      %add3A_1225 = arith.addi %add3A_1211, %select_n3A_1224 : vector<16xi32>
      %add3A_1226 = arith.constant 9 : i32
      %add3A_1227 = vector.broadcast %add3A_1226 : i32 to vector<16xi32>
      %add3A_1228 = arith.addi %iota3A, %add3A_1227 : vector<16xi32>
      %and3A_1229 = arith.constant 15 : i32
      %and3A_1230 = vector.broadcast %and3A_1229 : i32 to vector<16xi32>
      %and3A_1231 = arith.andi %add3A_1228, %and3A_1230 : vector<16xi32>
      %gather3A_1232 = tpu.vector_load_idx %arg11[%and3A_1231] : memref<32xi32, #tpu.memory_space<vmem>>[vector<16xi32>], vector<16xi32>,
      %lt3A_1233 = arith.cmpi slt, %gather3A_1232, %get3A_1109 : vector<16xi32>
      %jit3A_1234 = arith.constant 1 : i32
      %jit3A_1235 = arith.constant 0 : i32
      %broadcast_in_dim3A_1236 = vector.broadcast %jit3A_1234 : i32 to vector<16xi32>
      %broadcast_in_dim3A_1237 = vector.broadcast %jit3A_1235 : i32 to vector<16xi32>
      %select_n3A_1238 = arith.select %lt3A_1233, %broadcast_in_dim3A_1236, %broadcast_in_dim3A_1237 : vector<16xi1>, vector<16xi32>
      %add3A_1239 = arith.addi %add3A_1225, %select_n3A_1238 : vector<16xi32>
      %add3A_1240 = arith.constant 10 : i32
      %add3A_1241 = vector.broadcast %add3A_1240 : i32 to vector<16xi32>
      %add3A_1242 = arith.addi %iota3A, %add3A_1241 : vector<16xi32>
      %and3A_1243 = arith.constant 15 : i32
      %and3A_1244 = vector.broadcast %and3A_1243 : i32 to vector<16xi32>
      %and3A_1245 = arith.andi %add3A_1242, %and3A_1244 : vector<16xi32>
      %gather3A_1246 = tpu.vector_load_idx %arg11[%and3A_1245] : memref<32xi32, #tpu.memory_space<vmem>>[vector<16xi32>], vector<16xi32>,
      %lt3A_1247 = arith.cmpi slt, %gather3A_1246, %get3A_1109 : vector<16xi32>
      %jit3A_1248 = arith.constant 1 : i32
      %jit3A_1249 = arith.constant 0 : i32
      %broadcast_in_dim3A_1250 = vector.broadcast %jit3A_1248 : i32 to vector<16xi32>
      %broadcast_in_dim3A_1251 = vector.broadcast %jit3A_1249 : i32 to vector<16xi32>
      %select_n3A_1252 = arith.select %lt3A_1247, %broadcast_in_dim3A_1250, %broadcast_in_dim3A_1251 : vector<16xi1>, vector<16xi32>
      %add3A_1253 = arith.addi %add3A_1239, %select_n3A_1252 : vector<16xi32>
      %add3A_1254 = arith.constant 11 : i32
      %add3A_1255 = vector.broadcast %add3A_1254 : i32 to vector<16xi32>
      %add3A_1256 = arith.addi %iota3A, %add3A_1255 : vector<16xi32>
      %and3A_1257 = arith.constant 15 : i32
      %and3A_1258 = vector.broadcast %and3A_1257 : i32 to vector<16xi32>
      %and3A_1259 = arith.andi %add3A_1256, %and3A_1258 : vector<16xi32>
      %gather3A_1260 = tpu.vector_load_idx %arg11[%and3A_1259] : memref<32xi32, #tpu.memory_space<vmem>>[vector<16xi32>], vector<16xi32>,
      %lt3A_1261 = arith.cmpi slt, %gather3A_1260, %get3A_1109 : vector<16xi32>
      %jit3A_1262 = arith.constant 1 : i32
      %jit3A_1263 = arith.constant 0 : i32
      %broadcast_in_dim3A_1264 = vector.broadcast %jit3A_1262 : i32 to vector<16xi32>
      %broadcast_in_dim3A_1265 = vector.broadcast %jit3A_1263 : i32 to vector<16xi32>
      %select_n3A_1266 = arith.select %lt3A_1261, %broadcast_in_dim3A_1264, %broadcast_in_dim3A_1265 : vector<16xi1>, vector<16xi32>
      %add3A_1267 = arith.addi %add3A_1253, %select_n3A_1266 : vector<16xi32>
      %add3A_1268 = arith.constant 12 : i32
      %add3A_1269 = vector.broadcast %add3A_1268 : i32 to vector<16xi32>
      %add3A_1270 = arith.addi %iota3A, %add3A_1269 : vector<16xi32>
      %and3A_1271 = arith.constant 15 : i32
      %and3A_1272 = vector.broadcast %and3A_1271 : i32 to vector<16xi32>
      %and3A_1273 = arith.andi %add3A_1270, %and3A_1272 : vector<16xi32>
      %gather3A_1274 = tpu.vector_load_idx %arg11[%and3A_1273] : memref<32xi32, #tpu.memory_space<vmem>>[vector<16xi32>], vector<16xi32>,
      %lt3A_1275 = arith.cmpi slt, %gather3A_1274, %get3A_1109 : vector<16xi32>
      %jit3A_1276 = arith.constant 1 : i32
      %jit3A_1277 = arith.constant 0 : i32
      %broadcast_in_dim3A_1278 = vector.broadcast %jit3A_1276 : i32 to vector<16xi32>
      %broadcast_in_dim3A_1279 = vector.broadcast %jit3A_1277 : i32 to vector<16xi32>
      %select_n3A_1280 = arith.select %lt3A_1275, %broadcast_in_dim3A_1278, %broadcast_in_dim3A_1279 : vector<16xi1>, vector<16xi32>
      %add3A_1281 = arith.addi %add3A_1267, %select_n3A_1280 : vector<16xi32>
      %add3A_1282 = arith.constant 13 : i32
      %add3A_1283 = vector.broadcast %add3A_1282 : i32 to vector<16xi32>
      %add3A_1284 = arith.addi %iota3A, %add3A_1283 : vector<16xi32>
      %and3A_1285 = arith.constant 15 : i32
      %and3A_1286 = vector.broadcast %and3A_1285 : i32 to vector<16xi32>
      %and3A_1287 = arith.andi %add3A_1284, %and3A_1286 : vector<16xi32>
      %gather3A_1288 = tpu.vector_load_idx %arg11[%and3A_1287] : memref<32xi32, #tpu.memory_space<vmem>>[vector<16xi32>], vector<16xi32>,
      %lt3A_1289 = arith.cmpi slt, %gather3A_1288, %get3A_1109 : vector<16xi32>
      %jit3A_1290 = arith.constant 1 : i32
      %jit3A_1291 = arith.constant 0 : i32
      %broadcast_in_dim3A_1292 = vector.broadcast %jit3A_1290 : i32 to vector<16xi32>
      %broadcast_in_dim3A_1293 = vector.broadcast %jit3A_1291 : i32 to vector<16xi32>
      %select_n3A_1294 = arith.select %lt3A_1289, %broadcast_in_dim3A_1292, %broadcast_in_dim3A_1293 : vector<16xi1>, vector<16xi32>
      %add3A_1295 = arith.addi %add3A_1281, %select_n3A_1294 : vector<16xi32>
      %add3A_1296 = arith.constant 14 : i32
      %add3A_1297 = vector.broadcast %add3A_1296 : i32 to vector<16xi32>
      %add3A_1298 = arith.addi %iota3A, %add3A_1297 : vector<16xi32>
      %and3A_1299 = arith.constant 15 : i32
      %and3A_1300 = vector.broadcast %and3A_1299 : i32 to vector<16xi32>
      %and3A_1301 = arith.andi %add3A_1298, %and3A_1300 : vector<16xi32>
      %gather3A_1302 = tpu.vector_load_idx %arg11[%and3A_1301] : memref<32xi32, #tpu.memory_space<vmem>>[vector<16xi32>], vector<16xi32>,
      %lt3A_1303 = arith.cmpi slt, %gather3A_1302, %get3A_1109 : vector<16xi32>
      %jit3A_1304 = arith.constant 1 : i32
      %jit3A_1305 = arith.constant 0 : i32
      %broadcast_in_dim3A_1306 = vector.broadcast %jit3A_1304 : i32 to vector<16xi32>
      %broadcast_in_dim3A_1307 = vector.broadcast %jit3A_1305 : i32 to vector<16xi32>
      %select_n3A_1308 = arith.select %lt3A_1303, %broadcast_in_dim3A_1306, %broadcast_in_dim3A_1307 : vector<16xi1>, vector<16xi32>
      %add3A_1309 = arith.addi %add3A_1295, %select_n3A_1308 : vector<16xi32>
      %add3A_1310 = arith.constant 15 : i32
      %add3A_1311 = vector.broadcast %add3A_1310 : i32 to vector<16xi32>
      %add3A_1312 = arith.addi %iota3A, %add3A_1311 : vector<16xi32>
      %and3A_1313 = arith.constant 15 : i32
      %and3A_1314 = vector.broadcast %and3A_1313 : i32 to vector<16xi32>
      %and3A_1315 = arith.andi %add3A_1312, %and3A_1314 : vector<16xi32>
      %gather3A_1316 = tpu.vector_load_idx %arg11[%and3A_1315] : memref<32xi32, #tpu.memory_space<vmem>>[vector<16xi32>], vector<16xi32>,
      %lt3A_1317 = arith.cmpi slt, %gather3A_1316, %get3A_1109 : vector<16xi32>
      %jit3A_1318 = arith.constant 1 : i32
      %jit3A_1319 = arith.constant 0 : i32
      %broadcast_in_dim3A_1320 = vector.broadcast %jit3A_1318 : i32 to vector<16xi32>
      %broadcast_in_dim3A_1321 = vector.broadcast %jit3A_1319 : i32 to vector<16xi32>
      %select_n3A_1322 = arith.select %lt3A_1317, %broadcast_in_dim3A_1320, %broadcast_in_dim3A_1321 : vector<16xi1>, vector<16xi32>
      %add3A_1323 = arith.addi %add3A_1309, %select_n3A_1322 : vector<16xi32>
      %mul3A_1324 = arith.constant 8 : i32
      %mul3A_1325 = arith.muli %add3A_1034, %mul3A_1324 : i32
      %add3A_1326 = vector.broadcast %mul3A_1325 : i32 to vector<16xi32>
      %add3A_1327 = arith.addi %add3A_1326, %add3A_1323 : vector<16xi32>
      %lt3A_1328 = arith.constant 8 : i32
      %lt3A_1329 = vector.broadcast %lt3A_1328 : i32 to vector<16xi32>
      %lt3A_1330 = arith.cmpi slt, %iota3A, %lt3A_1329 : vector<16xi32>
      tpu.vector_store_idx %arg12[%add3A_1327], %get3A_1111 masked %lt3A_1330 : memref<2064xf32, #tpu.memory_space<vmem>>[vector<16xi32>], vector<16xf32>, vector<16xi1>
      %add3A_1331 = arith.constant 4 : i32
      %add3A_1332 = arith.addi %add3A_1034, %add3A_1331 : i32
      %lt3A_1333 = arith.constant 256 : i32
      %lt3A_1334 = arith.cmpi slt, %add3A_1332, %lt3A_1333 : i32
      %add3A_1335 = arith.addi %mul3A_34, %add3A_1034 : i32
      %add3A_1336 = arith.constant 4 : i32
      %add3A_1337 = arith.addi %add3A_1335, %add3A_1336 : i32
      %select_n3A_1338 = arith.select %lt3A_1334, %add3A_1337, %mul3A_34 : i32
      %dma_start3A_1339 = arith.constant 0 : i32
      %dma_start3A_1340 = tpu.memref_slice %arg2[%select_n3A, %select_n3A_1338, %dma_start3A_1339] : memref<8x1024x8192xf32, #tpu.memory_space<hbm>> -> memref<1x1x8192xf32, #tpu.memory_space<hbm>>
      %dma_start3A_1341 = tpu.memref_squeeze %dma_start3A_1340 : memref<1x1x8192xf32, #tpu.memory_space<hbm>> -> memref<8192xf32, #tpu.memory_space<hbm>>
      %dma_start3A_1342 = arith.constant 0 : i32
      %dma_start3A_1343 = tpu.memref_slice %arg2[%select_n3A, %select_n3A_1338, %dma_start3A_1342] : memref<8x1024x8192xf32, #tpu.memory_space<hbm>> -> memref<1x1x8192xf32, #tpu.memory_space<hbm>>
      %dma_start3A_1344 = tpu.memref_squeeze %dma_start3A_1343 : memref<1x1x8192xf32, #tpu.memory_space<hbm>> -> memref<8192xf32, #tpu.memory_space<hbm>>
      tpu.enqueue_dma source(%dma_start3A_1344 : memref<8192xf32, #tpu.memory_space<hbm>>) target(%arg7 : memref<8192xf32, #tpu.memory_space<vmem>>) target_semaphore(%arg16 : memref<!tpu.dma_semaphore, #tpu.memory_space<semaphore_mem>>)
    }
    %scan3A_70 = arith.constant 64 : i32
    %dma_wait3A = arith.constant 0 : i32
    %dma_wait3A_71 = tpu.memref_slice %arg2[%select_n3A, %mul3A_34, %dma_wait3A] : memref<8x1024x8192xf32, #tpu.memory_space<hbm>> -> memref<1x1x8192xf32, #tpu.memory_space<hbm>>
    %dma_wait3A_72 = tpu.memref_squeeze %dma_wait3A_71 : memref<1x1x8192xf32, #tpu.memory_space<hbm>> -> memref<8192xf32, #tpu.memory_space<hbm>>
    %dma_wait3A_73 = arith.constant 0 : i32
    %dma_wait3A_74 = tpu.memref_slice %arg2[%select_n3A, %mul3A_34, %dma_wait3A_73] : memref<8x1024x8192xf32, #tpu.memory_space<hbm>> -> memref<1x1x8192xf32, #tpu.memory_space<hbm>>
    %dma_wait3A_75 = tpu.memref_squeeze %dma_wait3A_74 : memref<1x1x8192xf32, #tpu.memory_space<hbm>> -> memref<8192xf32, #tpu.memory_space<hbm>>
    tpu.wait_dma2 semaphore(%arg13 : memref<!tpu.dma_semaphore, #tpu.memory_space<semaphore_mem>>) src(%dma_wait3A_75 : memref<8192xf32, #tpu.memory_space<hbm>>) dst(%arg4 : memref<8192xf32, #tpu.memory_space<vmem>>)
    %dma_wait3A_76 = arith.constant 0 : i32
    %dma_wait3A_77 = tpu.memref_slice %arg2[%select_n3A, %mul3A_34, %dma_wait3A_76] : memref<8x1024x8192xf32, #tpu.memory_space<hbm>> -> memref<1x1x8192xf32, #tpu.memory_space<hbm>>
    %dma_wait3A_78 = tpu.memref_squeeze %dma_wait3A_77 : memref<1x1x8192xf32, #tpu.memory_space<hbm>> -> memref<8192xf32, #tpu.memory_space<hbm>>
    %dma_wait3A_79 = arith.constant 0 : i32
    %dma_wait3A_80 = tpu.memref_slice %arg2[%select_n3A, %mul3A_34, %dma_wait3A_79] : memref<8x1024x8192xf32, #tpu.memory_space<hbm>> -> memref<1x1x8192xf32, #tpu.memory_space<hbm>>
    %dma_wait3A_81 = tpu.memref_squeeze %dma_wait3A_80 : memref<1x1x8192xf32, #tpu.memory_space<hbm>> -> memref<8192xf32, #tpu.memory_space<hbm>>
    tpu.wait_dma2 semaphore(%arg14 : memref<!tpu.dma_semaphore, #tpu.memory_space<semaphore_mem>>) src(%dma_wait3A_81 : memref<8192xf32, #tpu.memory_space<hbm>>) dst(%arg5 : memref<8192xf32, #tpu.memory_space<vmem>>)
    %dma_wait3A_82 = arith.constant 0 : i32
    %dma_wait3A_83 = tpu.memref_slice %arg2[%select_n3A, %mul3A_34, %dma_wait3A_82] : memref<8x1024x8192xf32, #tpu.memory_space<hbm>> -> memref<1x1x8192xf32, #tpu.memory_space<hbm>>
    %dma_wait3A_84 = tpu.memref_squeeze %dma_wait3A_83 : memref<1x1x8192xf32, #tpu.memory_space<hbm>> -> memref<8192xf32, #tpu.memory_space<hbm>>
    %dma_wait3A_85 = arith.constant 0 : i32
    %dma_wait3A_86 = tpu.memref_slice %arg2[%select_n3A, %mul3A_34, %dma_wait3A_85] : memref<8x1024x8192xf32, #tpu.memory_space<hbm>> -> memref<1x1x8192xf32, #tpu.memory_space<hbm>>
    %dma_wait3A_87 = tpu.memref_squeeze %dma_wait3A_86 : memref<1x1x8192xf32, #tpu.memory_space<hbm>> -> memref<8192xf32, #tpu.memory_space<hbm>>
    tpu.wait_dma2 semaphore(%arg15 : memref<!tpu.dma_semaphore, #tpu.memory_space<semaphore_mem>>) src(%dma_wait3A_87 : memref<8192xf32, #tpu.memory_space<hbm>>) dst(%arg6 : memref<8192xf32, #tpu.memory_space<vmem>>)
    %dma_wait3A_88 = arith.constant 0 : i32
    %dma_wait3A_89 = tpu.memref_slice %arg2[%select_n3A, %mul3A_34, %dma_wait3A_88] : memref<8x1024x8192xf32, #tpu.memory_space<hbm>> -> memref<1x1x8192xf32, #tpu.memory_space<hbm>>
    %dma_wait3A_90 = tpu.memref_squeeze %dma_wait3A_89 : memref<1x1x8192xf32, #tpu.memory_space<hbm>> -> memref<8192xf32, #tpu.memory_space<hbm>>
    %dma_wait3A_91 = arith.constant 0 : i32
    %dma_wait3A_92 = tpu.memref_slice %arg2[%select_n3A, %mul3A_34, %dma_wait3A_91] : memref<8x1024x8192xf32, #tpu.memory_space<hbm>> -> memref<1x1x8192xf32, #tpu.memory_space<hbm>>
    %dma_wait3A_93 = tpu.memref_squeeze %dma_wait3A_92 : memref<1x1x8192xf32, #tpu.memory_space<hbm>> -> memref<8192xf32, #tpu.memory_space<hbm>>
    tpu.wait_dma2 semaphore(%arg16 : memref<!tpu.dma_semaphore, #tpu.memory_space<semaphore_mem>>) src(%dma_wait3A_93 : memref<8192xf32, #tpu.memory_space<hbm>>) dst(%arg7 : memref<8192xf32, #tpu.memory_space<vmem>>)
    %mul3A_94 = arith.constant 8 : i32
    %mul3A_95 = arith.muli %mul3A_2, %mul3A_94 : i32
    "tpu.region"() ({
      %run_scoped3A = tpu.sem_alloc : memref<!tpu.dma_semaphore, #tpu.memory_space<semaphore_mem>>
      %dma_start3A_96 = arith.constant 0 : i32
      %dma_start3A_97 = tpu.memref_slice %arg12[%dma_start3A_96] : memref<2064xf32, #tpu.memory_space<vmem>> -> memref<2048xf32, #tpu.memory_space<vmem>>
      %dma_start3A_98 = tpu.memref_slice %arg3[%mul3A_95] : memref<65536xf32, #tpu.memory_space<hbm>> -> memref<2048xf32, #tpu.memory_space<hbm>>
      %dma_start3A_99 = tpu.memref_slice %arg3[%mul3A_95] : memref<65536xf32, #tpu.memory_space<hbm>> -> memref<2048xf32, #tpu.memory_space<hbm>>
      %dma_start3A_100 = arith.constant 0 : i32
      %dma_start3A_101 = tpu.memref_slice %arg12[%dma_start3A_100] : memref<2064xf32, #tpu.memory_space<vmem>> -> memref<2048xf32, #tpu.memory_space<vmem>>
      tpu.enqueue_dma source(%dma_start3A_101 : memref<2048xf32, #tpu.memory_space<vmem>>) target(%dma_start3A_99 : memref<2048xf32, #tpu.memory_space<hbm>>) target_semaphore(%run_scoped3A : memref<!tpu.dma_semaphore, #tpu.memory_space<semaphore_mem>>)
      %dma_wait3A_102 = arith.constant 0 : i32
      %dma_wait3A_103 = tpu.memref_slice %arg12[%dma_wait3A_102] : memref<2064xf32, #tpu.memory_space<vmem>> -> memref<2048xf32, #tpu.memory_space<vmem>>
      %dma_wait3A_104 = tpu.memref_slice %arg3[%mul3A_95] : memref<65536xf32, #tpu.memory_space<hbm>> -> memref<2048xf32, #tpu.memory_space<hbm>>
      %dma_wait3A_105 = tpu.memref_slice %arg3[%mul3A_95] : memref<65536xf32, #tpu.memory_space<hbm>> -> memref<2048xf32, #tpu.memory_space<hbm>>
      %dma_wait3A_106 = arith.constant 0 : i32
      %dma_wait3A_107 = tpu.memref_slice %arg12[%dma_wait3A_106] : memref<2064xf32, #tpu.memory_space<vmem>> -> memref<2048xf32, #tpu.memory_space<vmem>>
      tpu.wait_dma2 semaphore(%run_scoped3A : memref<!tpu.dma_semaphore, #tpu.memory_space<semaphore_mem>>) src(%dma_wait3A_107 : memref<2048xf32, #tpu.memory_space<vmem>>) dst(%dma_wait3A_105 : memref<2048xf32, #tpu.memory_space<hbm>>)
      tpu.yield
    }) : () -> ()
    return
  }
}

</mosaic_0001>

<sc_bundles>
// kernel: kernel.3.cloned.1.call-start
scs
__scs_entry_jumppad:
0x0: {  	(pc) =	sbr.rel $0x88, $3  }
0x1: {  	(tag) =	ssettag $0x0;
	lr =	simm.s32 $0x1  }
0x2: {  	[smem:$0x3FA0] =	sst lr;
	_ =	strace $0xD0000000  }
0x3: {  	_ = 	snop  }
0x4: {  	_ = 	snop  }
0x5: {  	_ = 	snop  }
0x6: {  	_ = 	snop  }
0x7: {  	_ = 	snop  }
__scs_overlays_trampoline_lowered:
0x8: {  	[smem:$0x3FAF] =	sst s0  }
0x9: {  	[smem:$0x3FB0] =	sst s1  }
0xa: {  	[smem:$0x3FB1] =	sst s2  }
0xb: {  	[smem:$0x3FB2] =	sst s3  }
0xc: {  	[smem:$0x3FB3] =	sst s4  }
0xd: {  	[smem:$0x3FB4] =	sst s5  }
0xe: {  	[smem:$0x3FB5] =	sst s6  }
0xf: {  	[smem:$0x3FB6] =	sst s7  }
0x10: {  	[smem:$0x3FB7] =	sst s8  }
0x11: {  	[smem:$0x3FB8] =	sst s9;
	s0 =	simm.s32 @!p0 $0x0  }
0x12: {  	s1 =	sld [smem:$0x3F9E];
	s0 =	simm.s32 @p0 $0x1  }
0x13: {  	[smem:$0x3FB9] =	sst s0;
	s0 =	simm.s32 @!p1 $0x0  }
0x14: {  	s2 =	sld [smem:$0x3F9D];
	s0 =	simm.s32 @p1 $0x1  }
0x15: {  	[smem:$0x3FBA] =	sst s0;
	s0 =	simm.s32 @!p2 $0x0  }
0x16: {  	s3 =	sld [smem:$0x3FDB];
	s0 =	simm.s32 @p2 $0x1  }
0x17: {  	s4 =	simm.s32 $0x1BF5;
	[smem:$0x3FBC] =	sst s0  }
0x18: {  	s0 =	sld [smem:$0x3F9F];
	_ =	swait.ge [sflag:s4], $0x0  }
0x19: {  	s7 =	sld [smem:$0x3FA0]  }
0x1a: {  	s8 =	sadd.s32 $0xFFFFE003, lr  }
0x1b: {  	s9 =	sadd.s32 $0xFFFFFEF7, lr;
	s5 =	simm.s32 $0xFFFFFFFF;
	p2 =	slt.u32 s8, $0xFFFFF086  }
0x1c: {  	p1 =	slt.u32 s9, $0xF7A;
	s5 =	simm.s32 @!p2 $0x0  }
0x1d: {  	s5 =	simm.s32 @p1 $0x1;
	p0 =	seq.s32 s7, s2  }
0x1e: {  	s7 =	smul.u32 @!p0 $0xF7A, s2;
	p2 =	seq.s32 @!p0 s5, $0x0  }
0x1f: {  	s9 =	smul.u32 $0xF7A, s1;
	s8 =	simm.s32 @!p0 $0x1BF5;
	p2 =	por !p2, p0  }
0x20: {  	[sflag:s8] =	ssyncset.s32 @!p0 $0xFFFFF086;
	s6 =	sadd.s32 @!p0 s3, s7;
	s7 =	simm.s32 @!p0 $0x108  }
0x21: {  	s3 =	sadd.s32 s3, s9;
	s6 =	sadd.s32 @!p0 $0x88, s6;
	s7 =	simm.s32 @p2 $0x1082  }
0x22: {  	[simem:s7], [sflag:s8] =	dma.local @!p0 [hbm:s6], $0xF7A  }
0x23: {  	s9 =	sor.u32 $0xD0000000, s2;
	s6 =	simm.s32 $0x108;
	_ =	swait.ge @!p0 [sflag:s8], $0x0  }
0x24: {  	s3 =	sadd.s32 $0x88, s3;
	s6 =	simm.s32 @!p1 $0x1082;
	[sflag:s4] =	ssyncset.s32 $0xFFFFF086  }
0x25: {  	[simem:s6], [sflag:s4] =	dma.local [hbm:s3], $0xF7A  }
0x26: {  	[smem:$0x3FA0] =	sst s1;
	(tag) =	ssettag s2;
	_ =	strace s9  }
0x27: {  	s1 =	sld [smem:$0x3FB0]  }
0x28: {  	s2 =	sld [smem:$0x3FB1]  }
0x29: {  	s4 =	sld [smem:$0x3FB3]  }
0x2a: {  	p0 =	seq.s32 s5, $0x0;
	s5 =	sld [smem:$0x3FB4]  }
0x2b: {  	s6 =	sld [smem:$0x3FB5]  }
0x2c: {  	s7 =	sld [smem:$0x3FB6]  }
0x2d: {  	s3 =	simm.s32 $0x108;
	s8 =	sld [smem:$0x3FB7]  }
0x2e: {  	s3 =	simm.s32 @!p0 $0x1082;
	s9 =	sld [smem:$0x3FB8]  }
0x2f: {  	lr =	sadd.s32 s0, s3;
	s0 =	sld [smem:$0x3FAF]  }
0x30: {  	s3 =	sld [smem:$0x3FB2]  }
0x31: {  	[smem:$0x3FBB] =	sst s10  }
0x32: {  	s10 =	sld [smem:$0x3FB9];
	_ =	sdelay $0x3  }
0x33: {  	p0 =	seq.s32 s10, $0x1;
	s10 =	sld [smem:$0x3FBB];
	_ =	sdelay $0x3  }
0x34: {  	[smem:$0x3FBB] =	sst s10  }
0x35: {  	s10 =	sld [smem:$0x3FBA];
	_ =	sdelay $0x3  }
0x36: {  	p1 =	seq.s32 s10, $0x1;
	s10 =	sld [smem:$0x3FBB];
	_ =	sdelay $0x3  }
0x37: {  	[smem:$0x3FBB] =	sst s10  }
0x38: {  	s10 =	sld [smem:$0x3FBC]  }
0x39: {  	_ = 	snop;
	(pc) =	sbr.ind lr, $3  }
0x3a: {  	_ = 	snop  }
0x3b: {  	_ = 	snop  }
0x3c: {  	p2 =	seq.s32 s10, $0x1;
	s10 =	sld [smem:$0x3FBB]  }
0x3d: {  	_ =	shalt  }
0x3e: {  	_ =	shalt  }
0x3f: {  	_ =	shalt  }
0x40: {  	_ =	shalt  }
0x41: {  	_ =	shalt  }
0x42: {  	_ =	shalt  }
0x43: {  	_ =	shalt  }
0x44: {  	_ =	shalt  }
0x45: {  	_ =	shalt  }
0x46: {  	_ =	shalt  }
0x47: {  	_ =	shalt  }
0x48: {  	_ =	shalt  }
0x49: {  	_ =	shalt  }
0x4a: {  	_ =	shalt  }
0x4b: {  	_ =	shalt  }
0x4c: {  	_ =	shalt  }
0x4d: {  	_ =	shalt  }
0x4e: {  	_ =	shalt  }
0x4f: {  	_ =	shalt  }
0x50: {  	_ =	shalt  }
0x51: {  	_ =	shalt  }
0x52: {  	_ =	shalt  }
0x53: {  	_ =	shalt  }
0x54: {  	_ =	shalt  }
0x55: {  	_ =	shalt  }
0x56: {  	_ =	shalt  }
0x57: {  	_ =	shalt  }
0x58: {  	_ =	shalt  }
0x59: {  	_ =	shalt  }
0x5a: {  	_ =	shalt  }
0x5b: {  	_ =	shalt  }
0x5c: {  	_ =	shalt  }
0x5d: {  	_ =	shalt  }
0x5e: {  	_ =	shalt  }
0x5f: {  	_ =	shalt  }
0x60: {  	_ =	shalt  }
0x61: {  	_ =	shalt  }
0x62: {  	_ =	shalt  }
0x63: {  	_ =	shalt  }
0x64: {  	_ =	shalt  }
0x65: {  	_ =	shalt  }
0x66: {  	_ =	shalt  }
0x67: {  	_ =	shalt  }
0x68: {  	_ =	shalt  }
0x69: {  	_ =	shalt  }
0x6a: {  	_ =	shalt  }
0x6b: {  	_ =	shalt  }
0x6c: {  	_ =	shalt  }
0x6d: {  	_ =	shalt  }
0x6e: {  	_ =	shalt  }
0x6f: {  	_ =	shalt  }
0x70: {  	_ =	shalt  }
0x71: {  	_ =	shalt  }
0x72: {  	_ =	shalt  }
0x73: {  	_ =	shalt  }
0x74: {  	_ =	shalt  }
0x75: {  	_ =	shalt  }
0x76: {  	_ =	shalt  }
0x77: {  	_ =	shalt  }
0x78: {  	_ =	shalt  }
0x79: {  	_ =	shalt  }
0x7a: {  	_ =	shalt  }
0x7b: {  	_ =	shalt  }
0x7c: {  	_ =	shalt  }
0x7d: {  	_ =	shalt  }
0x7e: {  	_ =	shalt  }
0x7f: {  	_ =	shalt  }
0x80: {  	_ =	shalt  }
0x81: {  	_ =	shalt  }
0x82: {  	_ =	shalt  }
0x83: {  	_ =	shalt  }
0x84: {  	_ =	shalt  }
0x85: {  	_ =	shalt  }
0x86: {  	_ =	shalt  }
0x87: {  	_ =	shalt  }
.Lfunc_end0:
.L_simem_size_0:
called_computation_lowered:
.L_overlay_start_0:
0x88: {  	s2 =	sld [smem:$0x3FD9]  }
0x89: {  	s3 =	sld [smem:$0x3FFE];
	_ =	sdelay $0x1  }
0x8a: {  	s1 =	srdreg.scid  }
0x8b: {  	s0 =	sand.u32 $0x1, s1  }
0x8c: {  	s18 =	sshll.u32 s0, $0xA;
	s2 =	sadd.s32 s3, s2  }
0x8d: {  	s2 =	sadd.s32 s2, s18  }
0x8e: {  	[smem:$0x3FC7] =	sst s2  }
0x8f: {  	_ = 	snop  }
0x90: {  	s2 =	sld [smem:$0x3FC9]  }
0x91: {  	s19 =	sld [smem:$0x3FD0];
	(tm) =	ssettm $0x1  }
0x92: {  	s4 =	sld [smem:$0x3FFB];
	_ =	sdelay $0x3  }
0x93: {  	_ =	strace s4  }
0x94: {  	s4 =	sld [smem:$0x3FFC];
	_ =	sdelay $0x3  }
0x95: {  	_ =	strace s4  }
0x96: {  	s4 =	sld [smem:$0x3FFD];
	_ =	sdelay $0x3  }
0x97: {  	_ =	strace s4  }
0x98: {  	_ =	strace $0x8FFFFFFF  }
0x99: {  	s20 =	sld [smem:$0x3FDB];
	_ =	sdelay $0x1  }
0x9a: {  	s5 =	simm.s32 $_scs_section_size  }
0x9b: {  	s6 =	simm.s32 $_size__tile_overlayer_lowered;
	s7 =	simm.s32 $_tile_overlayer_lowered  }
0x9c: {  	s23 =	simm.s32 $0x1BFF;
	s22 =	sshll.u32 s7, $0x1;
	s4 =	sadd.s32 s5, s20  }
0x9d: {  	s8 =	simm.s32 $0x0;
	s21 =	sshll.u32 s6, $0x1;
	s6 =	sadd.s32 s22, s4  }
0x9e: {  	[timem:s8], [sflag:s23] =	dma.local [hbm:s6], s21  }
0x9f: {  	_ =	swait.ge [sflag:s23], s21  }
0xa0: {  	s5 =	ssub.s32 $0x0, s21;
	[sflag:s23] =	ssyncset.done $0x0  }
0xa1: {  	[sflag:s23] =	ssyncadd.s32 s5;
	_ =	sdelay $0x1  }
0xa2: {  	s24 =	simm.s32 $0x1B8B  }
0xa3: {  	_ =	swait.ge [sflag:s24], $0x1  }
0xa4: {  	[sflag:s24] =	ssyncset.done $0x0  }
0xa5: {  	s25 =	simm.s32 $0x1B8E;
	[sflag:s24] =	ssyncadd.s32 $0xFFFFFFFF  }
0xa6: {  	s26 =	simm.s32 $execute0_lowered;
	[smem:$0x3FD2] =	sst s25  }
0xa7: {  	s5 =	sshll.u32 s26, $0x1;
	_ =	strace $0x80000046;
	[dreg:$0x1] =	wrdreg $0xFFFFFFFF  }
0xa8: {  	s28 =	simm.s32 $_size_execute0_lowered;
	s4 =	sadd.s32 s4, s5;
	[dreg:$0x0] =	wrdreg $0x0  }
0xa9: {  	s5 =	sshll.u32 s28, $0x1;
	[dreg:$0x2] =	wrdreg s4  }
0xaa: {  	[dreg:$0x3] =	wrdreg s5  }
0xab: {  	[dreg:$0x4] =	wrdreg $0xC0  }
0xac: {  	_ =	task [dreg:s8], $0x5FFFF  }
0xad: {  	[dreg:$0x1] =	wrdreg $0xFFFFFFFF  }
0xae: {  	[dreg:$0x0] =	wrdreg $0x60  }
0xaf: {  	[dreg:$0x2] =	wrdreg s2  }
0xb0: {  	[dreg:$0x3] =	wrdreg s19  }
0xb1: {  	[dreg:$0x4] =	wrdreg $0x9  }
0xb2: {  	_ =	task.clear_ibuf [dreg:s8], $0x5FFFF;
	_ =	strace $0x90000046  }
0xb3: {  	s29 =	simm.s32 $0x9;
	_ =	strace $0x80000048  }
0xb4: {  	_ =	swait.ge [sflag:s29], $0x1  }
0xb5: {  	[sflag:s29] =	ssyncadd.s32 $0xFFFFFFFF  }
0xb6: {  	_ =	strace $0x90000048  }
0xb7: {  	_ =	sfence  }
0xb8: {  	s30 =	sld [smem:$0x0];
	_ =	sdelay $0x2  }
0xb9: {  	s31 =	sshll.u32 s1, $0xD;
	s1 =	sshrl.u32 s1, $0x2  }
0xba: {  	s3 =	sand.u32 $0x4000, s31;
	s1 =	sadd.s32 s1, s30  }
0xbb: {  	s0 =	sor.u32 s3, s0;
	s1 =	sshll.u32 s1, $0x11  }
0xbc: {  	s0 =	sor.u32 s1, s0  }
0xbd: {  	s0 =	sadd.s32 $0x8F2B, s0  }
0xbe: {  	[sflag:s0] =	ssyncadd.remote.s32 $0x1  }
0xbf: {  	_ =	sfence.sel $0xFFFF  }
0xc0: {  	[dreg:$0x0] =	wrdreg $0xFFFFFFFF;
	(pc) =	sbr.abs _section_cstart, $3  }
0xc1: {  	[dreg:$0x1] =	wrdreg $0xFFFFFFFF  }
0xc2: {  	_ =	task.clear_ibuf [dreg:s8], $0x2FFFF;
	_ =	strace $0x9FFFFFFF  }
0xc3: {  	(tm) =	ssettm $0x7FFFFFFF  }
tec
execute0_lowered:
.L_overlay_start_1:
0x0: {  	(tag) =	ssettag $0x1  }
0x1: {  	v0 =	vlaneseq.u32  }
0x2: {  	v1 =	vimm.s32 $0x0;
	v2 =	vimm.f32 $-Inf;
	v5 =	vimm.s32 $0xFEDCBA9  }
0x3: {  	vm1 =	vcmask $0x3F20;
	v7 =	vimm.s32 $0x87654321;
	v8 =	vimm.s32 $0x98765432  }
0x4: {  	v9 =	vimm.s32 $0x210FEDCB;
	v10 =	vimm.s32 $0xA9876543;
	v20 =	vimm.s32 $0xCBA98765  }
0x5: {  	v22 =	vimm.s32 $0x6543210F;
	v23 =	vimm.s32 $0xEDCBA987;
	v24 =	vimm.s32 $0xFEDCBA98  }
0x6: {  	v25 =	vimm.s32 $0x76543210;
	v3 =	vor.u32 $0x8000, v0;
	v4 =	vand.u32 $0x7, v0  }
0x7: {  	v6 =	vunpack.c.l.s4.s8 v5;
	v5 =	vor.u32 $0x4000, v0;
	v8 =	vunpack.c.l.s4.s8 v8  }
0x8: {  	v9 =	vunpack.c.l.s4.s8 v9;
	v22 =	vunpack.c.l.s4.s8 v22;
	v23 =	vunpack.c.l.s4.s8 v23  }
0x9: {  	v24 =	vunpack.c.l.s4.s8 v24;
	v12 =	vunpack.c.0.s8.s32 v6;
	v6 =	vunpack.c.l.s4.s8 v7  }
0xa: {  	v7 =	vimm.s32 $0x10FEDCBA;
	v15 =	vunpack.c.0.s8.s32 v8;
	v16 =	vunpack.c.0.s8.s32 v9  }
0xb: {  	v22 =	vunpack.c.0.s8.s32 v22;
	v23 =	vunpack.c.0.s8.s32 v23;
	v7 =	vunpack.c.l.s4.s8 v7  }
0xc: {  	s0 =	srdreg.scid;
	v24 =	vunpack.c.0.s8.s32 v24;
	v13 =	vunpack.c.0.s8.s32 v6;
	v6 =	vunpack.c.l.s4.s8 v10  }
0xd: {  	s3 =	stileid.u32;
	s7 =	rddreg [dreg:$0x1];
	s4 =	simm.s32 $0x0;
	v28 =	vcombine.low v23, v22;
	v14 =	vunpack.c.0.s8.s32 v7;
	v7 =	vimm.s32 $0x3210FEDC  }
0xe: {  	s13 =	simm.s32 $0x80;
	s14 =	simm.s32 $0x400;
	s15 =	simm.s32 $0x2000;
	v24 =	vand.u32 $0xF, v24;
	v17 =	vunpack.c.0.s8.s32 v6;
	v6 =	vunpack.c.l.s4.s8 v7  }
0xf: {  	s16 =	simm.s32 $0x4000;
	s17 =	simm.s32 $0x6000;
	s18 =	simm.s32 $0x1;
	v7 =	vimm.s32 $0xBA987654;
	v8 =	vcombine.low v13, v12;
	v63 =	vcombine.low v12, v13  }
0x10: {  	s19 =	simm.s32 $0x8000;
	s20 =	simm.s32 $0xA000;
	s21 =	simm.s32 $0xA088;
	v13 =	vand.u32 $0xF, v28;
	v9 =	vcombine.low v15, v14;
	v7 =	vunpack.c.l.s4.s8 v7  }
0x11: {  	s22 =	simm.s32 $0xA108;
	s23 =	simm.s32 $0xA080;
	s28 =	simm.s32 $0x3;
	v15 =	vcombine.low v14, v15;
	v10 =	vcombine.low v17, v16;
	v18 =	vunpack.c.0.s8.s32 v6  }
0x12: {  	s29 =	simm.s32 $0x4;
	s0 =	sand.u32 $0x1, s0;
	s1 =	sshll.u32 s3, $0x1;
	v6 =	vimm.s32 $0x43210FED;
	v16 =	vcombine.low v16, v17;
	v19 =	vunpack.c.0.s8.s32 v7  }
0x13: {  	s3 =	sshll.u32 s3, $0x16;
	[smem:$0x7FF] =	sst s4;
	s2 =	sor.u32 s0, s1;
	v11 =	vunpack.c.l.s4.s8 v6;
	v7 =	vand.u32 $0xF, v9;
	v9 =	vunpack.c.l.s4.s8 v20  }
0x14: {  	s1 =	rddreg [dreg:$0x0];
	s3 =	sand.u32 $0x3800000, s3;
	s6 =	sand.u32 $0x3, s2;
	v14 =	vand.u32 $0xF, v63;
	v6 =	vand.u32 $0xF, v8;
	v15 =	vand.u32 $0xF, v15  }
0x15: {  	s0 =	ssub.s32 $0x2, s0;
	_ =	strace $0x80000047;
	s5 =	sshll.u32 s6, $0x15;
	v8 =	vand.u32 $0xF, v10;
	v20 =	vunpack.c.0.s8.s32 v11;
	v21 =	vunpack.c.0.s8.s32 v9  }
0x16: {  	s8 =	sshrl.u32 s0, $0x1;
	s2 =	sshll.u32 s2, $0x8;
	s5 =	sor.u32 s3, s5;
	v9 =	vimm.s32 $0x543210FE;
	v11 =	vimm.s32 $0xDCBA9876;
	v17 =	vcombine.low v18, v19  }
0x17: {  	s0 =	ssub.s32 s0, s8;
	s2 =	sadd.s32 s7, s2;
	s5 =	sshrl.u32 s5, $0x3;
	v16 =	vand.u32 $0xF, v16;
	v9 =	vunpack.c.l.s4.s8 v9;
	v11 =	vunpack.c.l.s4.s8 v11  }
0x18: {  	[dreg:$0x6] =	wrdreg s2;
	s0 =	smax.u32 s0, $0x1;
	s5 =	sadd.s32 s1, s5;
	v10 =	vcombine.low v19, v18;
	v18 =	vcombine.low v20, v21;
	v17 =	vand.u32 $0xF, v17  }
.Ltmp0:
0x19: {  	[dreg:$0x7] =	wrdreg s0;
	s24 =	sadd.s32 $0x10, s5;
	v26 =	vunpack.c.0.s8.s32 v9;
	v27 =	vunpack.c.0.s8.s32 v11;
	v11 =	vunpack.c.l.s4.s8 v25;
	(pc) =	sbr.rel .LBB2_1-.Ltmp0, $4  }
0x1a: {  	s30 =	simm.s32 $0x5;
	s25 =	sadd.s32 $0x20, s5;
	[dreg:$0x3] =	wrdreg s24;
	v9 =	vand.u32 $0xF, v10;
	v10 =	vcombine.low v21, v20;
	v20 =	vcombine.low v22, v23  }
0x1b: {  	s6 =	sshll.u32 s6, $0x8;
	s26 =	sadd.s32 $0x30, s5;
	[dreg:$0x4] =	wrdreg s25;
	v11 =	vunpack.c.0.s8.s32 v11;
	v62 =	vcombine.low v27, v26;
	v19 =	vcombine.low v26, v27  }
0x1c: {  	s31 =	simm.s32 $0x0;
	s10 =	sor.u32 $0x4, s6;
	[dreg:$0x5] =	wrdreg s26;
	v18 =	vand.u32 $0xF, v18;
	v10 =	vand.u32 $0xF, v10;
	v20 =	vand.u32 $0xF, v20  }
0x1d: {  	s24 =	simm.s32 $0xA100;
	s25 =	simm.s32 $0xA180;
	s26 =	simm.s32 $0x2;
	v11 =	vcombine.low v24, v11;
	v12 =	vand.u32 $0xF, v62;
	v19 =	vand.u32 $0xF, v19  }
.LBB2_27:
0x1e: {  	_ =	swait.ge [sflag:s18], $0x2000  }
0x1f: {  	[sflag:s18] =	ssyncset.done $0x0  }
0x20: {  	[sflag:s18] =	ssyncadd.s32 $0xFFFFE000  }
0x21: {  	_ =	swait.ge [sflag:s26], $0x2000  }
0x22: {  	[sflag:s26] =	ssyncset.done $0x0  }
0x23: {  	[sflag:s26] =	ssyncadd.s32 $0xFFFFE000  }
0x24: {  	_ =	swait.ge [sflag:s28], $0x2000  }
0x25: {  	[sflag:s28] =	ssyncset.done $0x0  }
0x26: {  	[sflag:s28] =	ssyncadd.s32 $0xFFFFE000  }
0x27: {  	_ =	swait.ge [sflag:s29], $0x2000  }
0x28: {  	[sflag:s29] =	ssyncset.done $0x0  }
0x29: {  	s0 =	rddreg [dreg:$0x6];
	[sflag:s29] =	ssyncadd.s32 $0xFFFFE000  }
0x2a: {  	[hbm4b:s0+s4] =	stream.linear.scatter [tilespmem:s25], [sflag:$0x5], $0x800, $0x38;
	[tilespmem:$0xAA00] =	vst v63  }
0x2b: {  	_ =	swait.ge [sflag:s30], $0x800  }
0x2c: {  	s31 =	sadd.s32 $0x1, s31;
	s12 =	rddreg [dreg:$0x7]  }
0x2d: {  	p0 =	sne.s32 s31, s12  }
.Ltmp1:
0x2e: {  	_ = 	snop;
	(pc) =	sbr.rel @!p0 .LBB2_28-.Ltmp1, $3  }
0x2f: {  	_ =	sdelay $0x1  }
0x30: {  	[sflag:s30] =	ssyncset.done $0x0  }
0x31: {  	[sflag:s30] =	ssyncadd.s32 $0xFFFFF800  }
.LBB2_1:
0x32: {  	[tilespmem:s4], [sflag:$0x1] =	stream.strided.gather [hbm4b:s5+s13], $0x2000, s14, s13, $0x38;
	[tilespmem:$0xAA00] =	vst v63  }
0x33: {  	s0 =	rddreg [dreg:$0x3]  }
0x34: {  	[tilespmem:s15], [sflag:$0x2] =	stream.strided.gather [hbm4b:s0+s13], $0x2000, s14, s13, $0x38;
	[tilespmem:$0xAA00] =	vst v63  }
.Ltmp2:
0x35: {  	_ = 	snop;
	(pc) =	sbr.rel .LBB2_2-.Ltmp2, $4  }
0x36: {  	s11 =	rddreg [dreg:$0x4]  }
0x37: {  	[tilespmem:s16], [sflag:$0x3] =	stream.strided.gather [hbm4b:s11+s13], $0x2000, s14, s13, $0x38;
	[tilespmem:$0xAA00] =	vst v63  }
0x38: {  	s12 =	rddreg [dreg:$0x5];
	s2 =	simm.s32 $0x0  }
0x39: {  	[tilespmem:s17], [sflag:$0x4] =	stream.strided.gather [hbm4b:s12+s13], $0x2000, s14, s13, $0x38;
	[tilespmem:$0xAA00] =	vst v63  }
.LBB2_26:
0x3a: {  	_ =	sdelay $0x1  }
0x3b: {  	[tilespmem:$0xA108] =	vst v3  }
0x3c: {  	[tilespmem:$0xA088] =	vst v2;
	v21 =	vld [tilespmem:$0xA100]  }
0x3d: {  	v22 =	vld.idx.msk [tilespmem:v6+s24+$0x0], $0xffff  }
0x3e: {  	v23 =	vld.idx.msk [tilespmem:v7+s24+$0x0], $0xffff  }
0x3f: {  	v24 =	vld.idx.msk [tilespmem:v8+s24+$0x0], $0xffff  }
0x40: {  	v25 =	vld.idx.msk [tilespmem:v9+s24+$0x0], $0xffff  }
0x41: {  	v26 =	vld.idx.msk [tilespmem:v10+s24+$0x0], $0xffff  }
0x42: {  	s0 =	sor.u32 $0x3, s0;
	vm0 =	vlt.s32 v22, v21;
	v22 =	vld.idx.msk [tilespmem:v12+s24+$0x0], $0xffff  }
0x43: {  	s7 =	sshll.u32 s0, $0x3;
	v27 =	vsel vm0, $0x1, v1;
	vm0 =	vlt.s32 v23, v21;
	v23 =	vld.idx.msk [tilespmem:v13+s24+$0x0], $0xffff  }
0x44: {  	v50 =	vld.idx.msk [tilespmem:v11+s24+$0x0], $0xffff;
	v28 =	vsel vm0, $0x1, v1;
	vm0 =	vlt.s32 v24, v21;
	v27 =	vor.u32 s7, v27  }
0x45: {  	v51 =	vld.idx.msk [tilespmem:v14+s24+$0x0], $0xffff;
	v29 =	vsel vm0, $0x1, v1;
	vm0 =	vlt.s32 v25, v21;
	v27 =	vadd.s32 v28, v27  }
0x46: {  	v53 =	vld.idx.msk [tilespmem:v15+s24+$0x0], $0xffff;
	v52 =	vsel vm0, $0x1, v1;
	vm0 =	vlt.s32 v26, v21;
	v27 =	vadd.s32 v29, v27  }
0x47: {  	v54 =	vsel vm0, $0x1, v1;
	vm0 =	vlt.s32 v22, v21;
	v22 =	vld.idx.msk [tilespmem:v16+s24+$0x0], $0xffff;
	v27 =	vadd.s32 v52, v27  }
0x48: {  	v55 =	vsel vm0, $0x1, v1;
	vm0 =	vlt.s32 v23, v21;
	v23 =	vld.idx.msk [tilespmem:v17+s24+$0x0], $0xffff;
	v27 =	vadd.s32 v54, v27  }
0x49: {  	v57 =	vld.idx.msk [tilespmem:v18+s24+$0x0], $0xffff;
	v56 =	vsel vm0, $0x1, v1;
	vm0 =	vlt.s32 v50, v21;
	v27 =	vadd.s32 v55, v27  }
0x4a: {  	v59 =	vld.idx.msk [tilespmem:v19+s24+$0x0], $0xffff;
	v58 =	vsel vm0, $0x1, v1;
	vm0 =	vlt.s32 v51, v21;
	v27 =	vadd.s32 v56, v27  }
0x4b: {  	v61 =	vld.idx.msk [tilespmem:v20+s24+$0x0], $0xffff;
	v60 =	vsel vm0, $0x1, v1;
	vm0 =	vlt.s32 v53, v21;
	v27 =	vadd.s32 v58, v27  }
0x4c: {  	v62 =	vsel vm0, $0x1, v1;
	vm0 =	vlt.s32 v22, v21;
	v22 =	vadd.s32 v60, v27  }
0x4d: {  	v63 =	vsel vm0, $0x1, v1;
	vm0 =	vlt.s32 v23, v21;
	v22 =	vadd.s32 v62, v22  }
0x4e: {  	v23 =	vsel vm0, $0x1, v1;
	vm0 =	vlt.s32 v57, v21;
	v22 =	vadd.s32 v63, v22  }
0x4f: {  	v24 =	vsel vm0, $0x1, v1;
	vm0 =	vlt.s32 v59, v21;
	v22 =	vadd.s32 v23, v22  }
0x50: {  	s0 =	sadd.s32 s0, s10;
	v23 =	vsel vm0, $0x1, v1;
	vm0 =	vlt.s32 v61, v21;
	v21 =	vadd.s32 v24, v22  }
0x51: {  	s0 =	smov.u32 @p0 s6;
	v22 =	vsel vm0, $0x1, v1;
	v21 =	vadd.s32 v23, v21  }
0x52: {  	s2 =	sadd.s32 $0x1, s2;
	s12 =	sshll.u32 s0, $0xD;
	v23 =	vld [tilespmem:$0xA080];
	v21 =	vadd.s32 v22, v21  }
0x53: {  	p0 =	sne.s32 s2, $0x40;
	s0 =	sshll.u32 s0, $0x7;
	s7 =	sand.u32 $0x7FFF0000, s12  }
.Ltmp3:
0x54: {  	s0 =	sand.u32 $0x380, s0;
	s7 =	sadd.s32 s3, s7;
	(pc) =	sbr.rel @!p0 .LBB2_27-.Ltmp3, $4  }
0x55: {  	s0 =	sor.u32 s0, s7  }
0x56: {  	s0 =	sshrl.u32 s0, $0x3  }
0x57: {  	s0 =	sadd.s32 s1, s0;
	[tilespmem:v21+s25+$0x0] =	vst.idx.msk $0xff, v23  }
0x58: {  	[tilespmem:s17], [sflag:$0x4] =	stream.strided.gather [hbm4b:s0+s13], $0x2000, s14, s13, $0x38;
	[tilespmem:$0xAA00] =	vst v63  }
.LBB2_2:
0x59: {  	_ =	swait.ge [sflag:s18], $0x2000  }
0x5a: {  	[sflag:s18] =	ssyncset.done $0x0  }
0x5b: {  	s7 =	simm.s32 $0x80;
	[sflag:s18] =	ssyncadd.s32 $0xFFFFE000  }
0x5c: {  	v21 =	vld [tilespmem:s7+$0xFFFFFF80]  }
0x5d: {  	v22 =	vld [tilespmem:s7+$0xFFFFFF90]  }
0x5e: {  	v23 =	vld [tilespmem:s7+$0xFFFFFFA0]  }
0x5f: {  	v24 =	vld [tilespmem:s7+$0xFFFFFFB0]  }
0x60: {  	v25 =	vimm.f32 $-Inf;
	v26 =	vld [tilespmem:s7+$0xFFFFFFC0]  }
0x61: {  	v21 =	vmax.f32 v25, v21;
	v25 =	vld [tilespmem:s7+$0xFFFFFFD0]  }
0x62: {  	v21 =	vmax.f32 v21, v22;
	v22 =	vld [tilespmem:s7+$0xFFFFFFE0]  }
0x63: {  	v21 =	vmax.f32 v21, v23;
	v23 =	vld [tilespmem:s7+$0xFFFFFFF0]  }
0x64: {  	v21 =	vmax.f32 v21, v24;
	v24 =	vld [tilespmem:s7+$0x0]  }
0x65: {  	v21 =	vmax.f32 v21, v26;
	v26 =	vld [tilespmem:s7+$0x10]  }
0x66: {  	v21 =	vmax.f32 v21, v25;
	v25 =	vld [tilespmem:s7+$0x20]  }
0x67: {  	v22 =	vmax.f32 v21, v22;
	v21 =	vld [tilespmem:s7+$0x30]  }
0x68: {  	v23 =	vmax.f32 v22, v23;
	v22 =	vld [tilespmem:s7+$0x40]  }
0x69: {  	v24 =	vmax.f32 v23, v24;
	v23 =	vld [tilespmem:s7+$0x50]  }
0x6a: {  	v26 =	vmax.f32 v24, v26;
	v24 =	vld [tilespmem:s7+$0x60]  }
0x6b: {  	s0 =	simm.s32 $0x0;
	v26 =	vmax.f32 v26, v25;
	v25 =	vld [tilespmem:s7+$0x70];
	s7 =	simm.s32 $0x180  }
.LBB2_3:
0x6c: {  	v27 =	vld [tilespmem:s7+$0xFFFFFF80];
	s0 =	sadd.s32 $0x10, s0;
	v21 =	vmax.f32 v26, v21  }
0x6d: {  	v26 =	vld [tilespmem:s7+$0xFFFFFF90];
	p0 =	slt.u32 s0, $0x1F0;
	v21 =	vmax.f32 v21, v22  }
0x6e: {  	v22 =	vld [tilespmem:s7+$0xFFFFFFA0];
	v21 =	vmax.f32 v21, v23  }
0x6f: {  	v23 =	vld [tilespmem:s7+$0xFFFFFFB0];
	v21 =	vmax.f32 v21, v24  }
0x70: {  	v24 =	vld [tilespmem:s7+$0xFFFFFFC0];
	v21 =	vmax.f32 v21, v25  }
0x71: {  	v21 =	vmax.f32 v21, v27;
	v25 =	vld [tilespmem:s7+$0xFFFFFFD0]  }
0x72: {  	v21 =	vmax.f32 v21, v26;
	v26 =	vld [tilespmem:s7+$0xFFFFFFE0]  }
0x73: {  	v21 =	vmax.f32 v21, v22;
	v22 =	vld [tilespmem:s7+$0xFFFFFFF0]  }
0x74: {  	v21 =	vmax.f32 v21, v23;
	v23 =	vld [tilespmem:s7+$0x0]  }
0x75: {  	v21 =	vmax.f32 v21, v24;
	v24 =	vld [tilespmem:s7+$0x10]  }
0x76: {  	v21 =	vmax.f32 v21, v25;
	v25 =	vld [tilespmem:s7+$0x20]  }
.Ltmp4:
0x77: {  	v26 =	vmax.f32 v21, v26;
	v21 =	vld [tilespmem:s7+$0x30];
	(pc) =	sbr.rel @p0 .LBB2_3-.Ltmp4, $4  }
0x78: {  	v26 =	vmax.f32 v26, v22;
	v22 =	vld [tilespmem:s7+$0x40]  }
0x79: {  	v26 =	vmax.f32 v26, v23;
	v23 =	vld [tilespmem:s7+$0x50]  }
0x7a: {  	v26 =	vmax.f32 v26, v24;
	v24 =	vld [tilespmem:s7+$0x60]  }
0x7b: {  	v26 =	vmax.f32 v26, v25;
	v25 =	vld [tilespmem:s7+$0x70];
	s7 =	sadd.s32 $0x100, s7  }
0x7c: {  	v21 =	vmax.f32 v26, v21  }
0x7d: {  	v21 =	vmax.f32 v21, v22  }
0x7e: {  	v21 =	vmax.f32 v21, v23  }
0x7f: {  	v21 =	vmax.f32 v21, v24  }
0x80: {  	v21 =	vmax.f32 v21, v25  }
0x81: {  	(xrf1) =	vsort.ascd.msk.f32 $0xffff, v21, v21;
	_ =	sdelay $0xb  }
0x82: {  	s7 =	simm.s32 $0x80  }
0x83: {  	v27 =	vld [tilespmem:s7+$0x50]  }
0x84: {  	vm0 =	vcmask $0x1B20;
	v28 =	vld [tilespmem:s7+$0x40];
	v21, _, _ =	vpop (xrf1)  }
0x85: {  	v26 =	vld [tilespmem:s7+$0x60];
	v21 =	vsel vm0, $0xFF800000, v21  }
0x86: {  	v29 =	vld [tilespmem:s7+$0x10];
	(xrf0) =	vmax.scan.msk.f32 $0xffff, v21  }
0x87: {  	v30 =	vld [tilespmem:s7+$0xFFFFFFB0]  }
0x88: {  	v31 =	vld [tilespmem:s7+$0x20]  }
0x89: {  	v33 =	vld [tilespmem:s7+$0x30]  }
0x8a: {  	v35 =	vld [tilespmem:s7+$0x0]  }
0x8b: {  	v24 =	vld [tilespmem:s7+$0xFFFFFF90]  }
0x8c: {  	v32 =	vimm.s32 $0x0;
	v38 =	vld [tilespmem:s7+$0xFFFFFFF0];
	v21, _, _ =	vpop (xrf0)  }
0x8d: {  	v39 =	vld [tilespmem:s7+$0xFFFFFF80];
	v40 =	vshll.u32 v32, $0x4;
	v23 =	vbroadcast v21, $0xF;
	v21 =	vlaneseq.u32  }
0x8e: {  	v42 =	vld [tilespmem:s7+$0xFFFFFFC0];
	v40 =	vor.u32 v0, v40;
	v22 =	vadd.s32 $0x80, v21  }
0x8f: {  	v43 =	vld [tilespmem:s7+$0xFFFFFFA0];
	v34 =	vadd.s32 $0x40, v21;
	v25 =	vadd.s32 $0xA0, v21;
	v37 =	vadd.s32 $0x50, v21  }
0x90: {  	v51 =	vld [tilespmem:s7+$0xFFFFFFE0];
	v41 =	vadd.s32 $0x70, v21;
	v44 =	vadd.s32 $0x60, v21;
	vm2 =	vge.f32 v24, v23  }
0x91: {  	v24 =	vadd.s32 $0x100, v21;
	vm7 =	vge.f32 v26, v23;
	vm9 =	vge.f32 v31, v23  }
0x92: {  	vm4 =	vge.f32 v28, v23;
	vm10 =	vge.f32 v35, v23;
	vm8 =	vge.f32 v33, v23  }
0x93: {  	vm11 =	vge.f32 v27, v23;
	vm12 =	vge.f32 v38, v23;
	vm5 =	vge.f32 v29, v23  }
0x94: {  	vm13 =	vge.f32 v39, v23;
	vm3 =	vge.f32 v30, v23;
	vm14 =	vge.f32 v42, v23  }
0x95: {  	vm6 =	vge.f32 v43, v23;
	vm0 =	vge.f32 v51, v23;
	v36 =	vsel vm2, $0x1, v1  }
0x96: {  	v31 =	vld [tilespmem:s7+$0xFFFFFFD0];
	v26 =	vsel vm7, $0x1, v1;
	v49 =	vsel vm10, $0x1, v1;
	v30 =	vsel vm12, $0x1, v1  }
0x97: {  	v27 =	vsel vm13, $0x1, v1;
	v50 =	vsel vm3, $0x1, v1;
	v52 =	vsel vm14, $0x1, v1  }
0x98: {  	v29 =	vsel vm6, $0x1, v1;
	v53 =	vsel vm9, $0x1, v1;
	v28 =	vadd.s32 v27, v32  }
0x99: {  	v58 =	vsel vm5, $0x1, v1;
	v59 =	vsel vm0, $0x1, v1;
	v27 =	vadd.s32 v36, v28  }
0x9a: {  	v45 =	vsel vm11, $0x1, v1;
	v61 =	vsel vm4, $0x1, v1;
	v36 =	vadd.s32 v29, v27  }
0x9b: {  	vm15 =	vge.f32 v31, v23;
	v31 =	vsel vm8, $0x1, v1;
	v35 =	vadd.s32 v50, v36  }
0x9c: {  	v54 =	vsel vm15, $0x1, v1;
	v55 =	vshll.u32 v35, $0x4;
	v32 =	vadd.s32 v52, v35  }
0x9d: {  	v56 =	vor.u32 v0, v55;
	v57 =	vshll.u32 v32, $0x4;
	v32 =	vadd.s32 v54, v32  }
0x9e: {  	v38 =	vor.u32 v0, v57;
	v60 =	vshll.u32 v32, $0x4;
	v32 =	vadd.s32 v59, v32  }
0x9f: {  	v43 =	vor.u32 v0, v60;
	v30 =	vadd.s32 v30, v32;
	v32 =	vshll.u32 v32, $0x4  }
0xa0: {  	v29 =	vshll.u32 v36, $0x4;
	v32 =	vor.u32 v0, v32;
	v33 =	vadd.s32 v49, v30  }
0xa1: {  	[tilespmem:v40+s19+$0x0] =	vst.idx.msk vm13, v21;
	v30 =	vshll.u32 v30, $0x4;
	v36 =	vshll.u32 v33, $0x4;
	v33 =	vadd.s32 v58, v33  }
0xa2: {  	v35 =	vor.u32 v0, v30;
	[tilespmem:v56+s19+$0x0] =	vst.idx.msk vm14, v34;
	v30 =	vshll.u32 v33, $0x4;
	v62 =	vadd.s32 v53, v33  }
0xa3: {  	[tilespmem:v38+s19+$0x0] =	vst.idx.msk vm15, v37;
	v33 =	vor.u32 v0, v30;
	v30 =	vshll.u32 v62, $0x4;
	v31 =	vadd.s32 v31, v62  }
0xa4: {  	[tilespmem:v43+s19+$0x0] =	vst.idx.msk vm0, v44;
	v34 =	vor.u32 v0, v30;
	v30 =	vshll.u32 v31, $0x4;
	v63 =	vadd.s32 v61, v31  }
0xa5: {  	s0 =	simm.s32 $0x0;
	v37 =	vld [tilespmem:s7+$0x70];
	s7 =	simm.s32 $0x180;
	[tilespmem:v32+s19+$0x0] =	vst.idx.msk vm12, v41;
	v32 =	vor.u32 v0, v30;
	v31 =	vshll.u32 v63, $0x4;
	v30 =	vadd.s32 v45, v63  }
.LBB2_5:
0xa6: {  	v28 =	vshll.u32 v28, $0x4;
	v29 =	vor.u32 v0, v29;
	v36 =	vor.u32 v0, v36  }
0xa7: {  	v38 =	vld [tilespmem:s7+$0xFFFFFF90];
	s0 =	sadd.s32 $0x10, s0;
	vm14 =	vmmov vm2;
	vm12 =	vmmov vm7;
	vm13 =	vmmov vm11  }
0xa8: {  	v27 =	vshll.u32 v27, $0x4;
	v39 =	vld [tilespmem:s7+$0x50];
	p0 =	slt.u32 s0, $0x1F0;
	v28 =	vor.u32 v0, v28;
	[tilespmem:v35+s19+$0x0] =	vst.idx.msk vm10, v22;
	v22 =	vadd.s32 $0x80, v24  }
0xa9: {  	v27 =	vor.u32 v0, v27;
	v35 =	vld [tilespmem:s7+$0x40];
	[tilespmem:v33+s19+$0x0] =	vst.idx.msk vm9, v25;
	v25 =	vadd.s32 $0xB0, v21;
	v33 =	vadd.s32 $0xF0, v21  }
0xaa: {  	v41 =	vadd.s32 $0xE0, v21;
	v40 =	vld [tilespmem:s7+$0x60];
	[tilespmem:v34+s19+$0x0] =	vst.idx.msk vm8, v25;
	v25 =	vadd.s32 $0xC0, v21;
	v34 =	vadd.s32 $0xD0, v21  }
0xab: {  	v43 =	vadd.s32 $0x20, v21;
	v44 =	vadd.s32 $0x30, v21;
	v45 =	vadd.s32 $0x90, v21;
	v42 =	vld [tilespmem:s7+$0x10];
	[tilespmem:v32+s19+$0x0] =	vst.idx.msk vm4, v25  }
0xac: {  	v46 =	vadd.s32 $0x10, v21;
	v21 =	vmovc v24;
	vm2 =	vge.f32 v38, v23;
	v32 =	vld [tilespmem:s7+$0xFFFFFFB0];
	v38 =	vadd.s32 $0x40, v24;
	[tilespmem:v36+s19+$0x0] =	vst.idx.msk vm5, v45  }
0xad: {  	v25 =	vadd.s32 $0xA0, v24;
	vm15 =	vge.f32 v37, v23;
	v36 =	vsel vm2, $0x1, v1;
	v45 =	vld [tilespmem:s7+$0x20];
	[tilespmem:v28+s19+$0x0] =	vst.idx.msk vm14, v46  }
0xae: {  	v37 =	vadd.s32 $0x50, v21;
	v24 =	vadd.s32 $0x100, v24;
	v46 =	vsel vm15, $0x1, v1;
	v28 =	vld [tilespmem:s7+$0x30]  }
0xaf: {  	v26 =	vadd.s32 v26, v30;
	v47 =	vadd.s32 $0x70, v21;
	v48 =	vld [tilespmem:s7+$0x0];
	[tilespmem:v27+s19+$0x0] =	vst.idx.msk vm6, v43;
	v27 =	vor.u32 v0, v31  }
0xb0: {  	v43 =	vadd.s32 v46, v26;
	v31 =	vld [tilespmem:s7+$0xFFFFFFF0];
	[tilespmem:v29+s19+$0x0] =	vst.idx.msk vm3, v44;
	v29 =	vshll.u32 v30, $0x4;
	v30 =	vshll.u32 v26, $0x4  }
0xb1: {  	vm7 =	vge.f32 v40, v23;
	v26 =	vshll.u32 v43, $0x4;
	v44 =	vld [tilespmem:s7+$0xFFFFFF80];
	v30 =	vor.u32 v0, v30  }
0xb2: {  	v40 =	vor.u32 v0, v26;
	v26 =	vsel vm7, $0x1, v1;
	v29 =	vor.u32 v0, v29;
	v46 =	vld [tilespmem:s7+$0xFFFFFFC0]  }
0xb3: {  	v50 =	vadd.s32 $0x60, v21;
	vm4 =	vge.f32 v35, v23;
	vm9 =	vge.f32 v45, v23;
	v49 =	vld [tilespmem:s7+$0xFFFFFFA0]  }
0xb4: {  	vm11 =	vge.f32 v39, v23;
	vm8 =	vge.f32 v28, v23;
	vm10 =	vge.f32 v48, v23  }
0xb5: {  	vm5 =	vge.f32 v42, v23;
	v35 =	vld [tilespmem:s7+$0xFFFFFFD0];
	vm14 =	vge.f32 v31, v23;
	v31 =	vsel vm10, $0x1, v1;
	[tilespmem:v27+s19+$0x0] =	vst.idx.msk vm13, v34  }
0xb6: {  	vm3 =	vge.f32 v32, v23;
	vm0 =	vge.f32 v44, v23;
	v32 =	vsel vm14, $0x1, v1;
	[tilespmem:v30+s19+$0x0] =	vst.idx.msk vm15, v33  }
0xb7: {  	v30 =	vsel vm3, $0x1, v1;
	v27 =	vsel vm0, $0x1, v1;
	vm13 =	vge.f32 v46, v23;
	v33 =	vld [tilespmem:s7+$0xFFFFFFE0];
	[tilespmem:v29+s19+$0x0] =	vst.idx.msk vm12, v41  }
0xb8: {  	v28 =	vadd.s32 v27, v43;
	vm6 =	vge.f32 v49, v23;
	v34 =	vsel vm13, $0x1, v1  }
0xb9: {  	v39 =	vsel vm9, $0x1, v1;
	v27 =	vadd.s32 v36, v28;
	v29 =	vsel vm6, $0x1, v1  }
0xba: {  	v41 =	vsel vm8, $0x1, v1;
	v36 =	vadd.s32 v29, v27;
	vm12 =	vge.f32 v35, v23  }
0xbb: {  	v29 =	vshll.u32 v36, $0x4;
	v30 =	vadd.s32 v30, v36;
	v35 =	vsel vm12, $0x1, v1  }
0xbc: {  	[tilespmem:v40+s19+$0x0] =	vst.idx.msk vm0, v21;
	v36 =	vshll.u32 v30, $0x4;
	v30 =	vadd.s32 v34, v30;
	vm15 =	vge.f32 v33, v23  }
0xbd: {  	v40 =	vsel vm5, $0x1, v1;
	v33 =	vor.u32 v0, v36;
	v34 =	vshll.u32 v30, $0x4  }
0xbe: {  	v30 =	vadd.s32 v35, v30;
	v35 =	vsel vm15, $0x1, v1;
	v34 =	vor.u32 v0, v34  }
0xbf: {  	v42 =	vsel vm11, $0x1, v1;
	v36 =	vshll.u32 v30, $0x4;
	v30 =	vadd.s32 v35, v30  }
0xc0: {  	v43 =	vor.u32 v0, v36;
	v35 =	vshll.u32 v30, $0x4;
	v30 =	vadd.s32 v32, v30  }
0xc1: {  	v32 =	vor.u32 v0, v35;
	v35 =	vshll.u32 v30, $0x4;
	v30 =	vadd.s32 v31, v30  }
.Ltmp5:
0xc2: {  	v31 =	vsel vm4, $0x1, v1;
	v36 =	vshll.u32 v30, $0x4;
	v30 =	vadd.s32 v40, v30;
	[tilespmem:v33+s19+$0x0] =	vst.idx.msk vm13, v38;
	(pc) =	sbr.rel @p0 .LBB2_5-.Ltmp5, $4  }
0xc3: {  	v35 =	vor.u32 v0, v35;
	v33 =	vshll.u32 v30, $0x4;
	v30 =	vadd.s32 v39, v30;
	[tilespmem:v34+s19+$0x0] =	vst.idx.msk vm12, v37  }
0xc4: {  	v33 =	vor.u32 v0, v33;
	v34 =	vshll.u32 v30, $0x4;
	v30 =	vadd.s32 v41, v30  }
0xc5: {  	v34 =	vor.u32 v0, v34;
	v37 =	vshll.u32 v30, $0x4;
	v30 =	vadd.s32 v31, v30;
	[tilespmem:v43+s19+$0x0] =	vst.idx.msk vm15, v50  }
0xc6: {  	v31 =	vshll.u32 v30, $0x4;
	v30 =	vadd.s32 v42, v30;
	[tilespmem:v32+s19+$0x0] =	vst.idx.msk vm14, v47;
	v32 =	vor.u32 v0, v37;
	v37 =	vld [tilespmem:s7+$0x70];
	s7 =	sadd.s32 $0x100, s7  }
0xc7: {  	_ =	sdelay $0x3  }
0xc8: {  	vm12 =	vge.f32 v37, v23  }
0xc9: {  	v24 =	vadd.s32 v26, v30;
	v23 =	vsel vm12, $0x1, v1  }
0xca: {  	v23 =	vadd.s32 v23, v24  }
0xcb: {  	v49 =	vxor.u32 $0x80000000, v23  }
0xcc: {  	(xrf0) =	vmax.scan.msk.u32 $0xffff, v49;
	_ =	sdelay $0x5  }
0xcd: {  	v26, _, _ =	vpop (xrf0)  }
0xce: {  	(v2sf) =	vpush v26, $0xF;
	_ =	sdelay $0x5  }
0xcf: {  	v50 =	vshll.u32 v28, $0x4;
	vm0 =	vmmov vm2  }
0xd0: {  	[tilespmem:v35+s19+$0x0] =	vst.idx.msk vm10, v22;
	v22 =	vor.u32 v0, v50;
	_ =	sdelay $0x1  }
0xd1: {  	v51 =	vor.u32 v0, v36  }
0xd2: {  	v53 =	vor.u32 v0, v29;
	[tilespmem:v33+s19+$0x0] =	vst.idx.msk vm9, v25;
	v54 =	vadd.s32 $0xB0, v21;
	vm2 =	vmmov vm7  }
0xd3: {  	v57 =	vor.u32 v0, v31;
	v58 =	vadd.s32 $0x10, v21;
	v59 =	vshll.u32 v30, $0x4;
	[tilespmem:v34+s19+$0x0] =	vst.idx.msk vm8, v54  }
0xd4: {  	v55 =	vadd.s32 $0xC0, v21;
	v24 =	vshll.u32 v24, $0x4;
	[tilespmem:v22+s19+$0x0] =	vst.idx.msk vm0, v58;
	v22 =	vor.u32 v0, v59  }
0xd5: {  	v52 =	vshll.u32 v27, $0x4;
	v56 =	vadd.s32 $0x90, v21;
	[tilespmem:v32+s19+$0x0] =	vst.idx.msk vm4, v55;
	v24 =	vor.u32 v0, v24  }
0xd6: {  	v61 =	vadd.s32 $0x30, v21;
	[tilespmem:v51+s19+$0x0] =	vst.idx.msk vm5, v56;
	v26 =	vor.u32 v0, v52  }
0xd7: {  	v62 =	vadd.s32 $0xD0, v21;
	[tilespmem:v53+s19+$0x0] =	vst.idx.msk vm3, v61;
	s0 =	spop (v2sf)  }
0xd8: {  	v60 =	vadd.s32 $0x20, v21;
	v63 =	vadd.s32 $0xF0, v21;
	v21 =	vadd.s32 $0xE0, v21;
	[tilespmem:v57+s19+$0x0] =	vst.idx.msk vm11, v62;
	s0 =	sshll.u32 s0, $0x1  }
0xd9: {  	[tilespmem:v22+s19+$0x0] =	vst.idx.msk vm2, v21;
	p0 =	slt.s32 s0, $0x1  }
.Ltmp6:
0xda: {  	[tilespmem:v24+s19+$0x0] =	vst.idx.msk vm12, v63;
	(pc) =	sbr.rel @p0 .LBB2_8-.Ltmp6, $4  }
0xdb: {  	[tilespmem:v26+s19+$0x0] =	vst.idx.msk vm6, v60  }
0xdc: {  	[tilespmem:$0xA000] =	vst v23  }
0xdd: {  	[tilespmem:$0xA080] =	vst v2  }
0xde: {  	vm15 =	vmmov vm11;
	s7 =	simm.s32 $0x0;
	s8 =	simm.s32 $0x0;
	[tilespmem:$0xA100] =	vst v3  }
.LBB2_7:
0xdf: {  	s9 =	sand.u32 $0x8, s7  }
0xe0: {  	s11 =	sshrl.u32 s8, $0x1;
	v21 =	vor.u32 s9, v4  }
0xe1: {  	s12 =	sshll.u32 s11, $0x4  }
0xe2: {  	v22 =	vor.u32 s12, v21;
	_ =	sdelay $0x2  }
0xe3: {  	v21 =	vld.idx.msk [tilespmem:v21+s20+$0x0], $0xffff;
	_ =	sdelay $0x1  }
0xe4: {  	v22 =	vld.idx.msk [tilespmem:v22+s19+$0x0], $0xffff;
	_ =	sdelay $0x1  }
0xe5: {  	v23 =	vmov s11  }
0xe6: {  	vm0 =	vlt.s32 v23, v21  }
0xe7: {  	vm0 =	vmand vm0, vm1  }
0xe8: {  	v21 =	vnsel vm0, $0x0, v22;
	_ =	sdelay $0x4  }
0xe9: {  	v22 =	vld.idx.msk [tilespmem:v21+s4+$0x0], $0xffff;
	_ =	sdelay $0x2  }
0xea: {  	[tilespmem:$0xA088] =	vst v2  }
0xeb: {  	[tilespmem:$0xA108] =	vst v5  }
0xec: {  	[tilespmem:s21+$0x0] =	vst.msk vm0, v22  }
0xed: {  	[tilespmem:s22+$0x0] =	vst.msk vm0, v21  }
0xee: {  	v22 =	vld [tilespmem:$0xA080]  }
0xef: {  	v21 =	vld [tilespmem:$0xA100]  }
0xf0: {  	v23 =	vld.idx.msk [tilespmem:v6+s23+$0x0], $0xffff  }
0xf1: {  	v24 =	vld.idx.msk [tilespmem:v6+s24+$0x0], $0xffff  }
0xf2: {  	v25 =	vld.idx.msk [tilespmem:v7+s23+$0x0], $0xffff  }
0xf3: {  	v26 =	vld.idx.msk [tilespmem:v7+s24+$0x0], $0xffff  }
0xf4: {  	v61 =	vld.idx.msk [tilespmem:v9+s24+$0x0], $0xffff  }
0xf5: {  	v33 =	vld.idx.msk [tilespmem:v12+s24+$0x0], $0xffff  }
0xf6: {  	v39 =	vld.idx.msk [tilespmem:v11+s24+$0x0], $0xffff  }
0xf7: {  	v45 =	vld.idx.msk [tilespmem:v15+s24+$0x0], $0xffff  }
0xf8: {  	v50 =	vld.idx.msk [tilespmem:v17+s23+$0x0], $0xffff  }
0xf9: {  	v52 =	vld.idx.msk [tilespmem:v18+s23+$0x0], $0xffff  }
0xfa: {  	v54 =	vld.idx.msk [tilespmem:v18+s24+$0x0], $0xffff  }
0xfb: {  	v31 =	vld.idx.msk [tilespmem:v19+s23+$0x0], $0xffff  }
0xfc: {  	vm0 =	vgt.f32 v23, v22;
	vm2 =	veq.f32 v23, v22  }
0xfd: {  	v28 =	vld.idx.msk [tilespmem:v8+s24+$0x0], $0xffff;
	vm3 =	vlt.s32 v24, v21;
	vm4 =	veq.f32 v25, v22;
	vm5 =	vlt.s32 v26, v21  }
0xfe: {  	v27 =	vld.idx.msk [tilespmem:v8+s23+$0x0], $0xffff;
	vm14 =	vlt.s32 v61, v21;
	vm15 =	vlt.s32 v33, v21;
	vm8 =	vlt.s32 v39, v21  }
0xff: {  	v23 =	vld.idx.msk [tilespmem:v9+s23+$0x0], $0xffff;
	vm9 =	vlt.s32 v45, v21;
	vm10 =	veq.f32 v50, v22;
	vm11 =	vlt.s32 v54, v21  }
0x100: {  	vm12 =	veq.f32 v52, v22;
	vm13 =	vgt.f32 v31, v22;
	vm2 =	vmand vm2, vm3  }
0x101: {  	v62 =	vld.idx.msk [tilespmem:v10+s23+$0x0], $0xffff;
	vm3 =	vgt.f32 v25, v22;
	vm4 =	vmand vm4, vm5;
	vm0 =	vmor vm0, vm2  }
0x102: {  	v30 =	vld.idx.msk [tilespmem:v10+s24+$0x0], $0xffff;
	vm2 =	vmor vm3, vm4;
	vm3 =	vlt.s32 v28, v21;
	vm4 =	vmand vm12, vm11  }
0x103: {  	v63 =	vsel vm0, $0x1, v1;
	v29 =	vsel vm2, $0x1, v1;
	vm2 =	veq.f32 v27, v22  }
0x104: {  	v32 =	vld.idx.msk [tilespmem:v12+s23+$0x0], $0xffff;
	vm0 =	vgt.f32 v27, v22;
	vm2 =	vmand vm2, vm3;
	vm3 =	veq.f32 v23, v22  }
0x105: {  	v35 =	vld.idx.msk [tilespmem:v13+s23+$0x0], $0xffff;
	vm0 =	vmor vm0, vm2;
	vm2 =	vgt.f32 v23, v22;
	v23 =	vadd.s32 v63, v29  }
0x106: {  	v57 =	vld.idx.msk [tilespmem:v20+s23+$0x0], $0xffff;
	vm3 =	vmand vm3, vm14;
	v34 =	vsel vm0, $0x1, v1;
	vm14 =	veq.f32 v31, v22  }
0x107: {  	v37 =	vld.idx.msk [tilespmem:v13+s24+$0x0], $0xffff;
	vm0 =	vmor vm2, vm3;
	vm2 =	veq.f32 v62, v22;
	vm3 =	vlt.s32 v30, v21  }
0x108: {  	v36 =	vsel vm0, $0x1, v1;
	vm0 =	vgt.f32 v62, v22;
	vm2 =	vmand vm2, vm3  }
0x109: {  	v38 =	vld.idx.msk [tilespmem:v11+s23+$0x0], $0xffff;
	v23 =	vadd.s32 v34, v23;
	vm3 =	veq.f32 v32, v22;
	vm0 =	vmor vm0, vm2  }
0x10a: {  	v41 =	vld.idx.msk [tilespmem:v14+s23+$0x0], $0xffff;
	vm2 =	vgt.f32 v32, v22;
	vm3 =	vmand vm3, vm15;
	v23 =	vadd.s32 v36, v23  }
0x10b: {  	v43 =	vld.idx.msk [tilespmem:v14+s24+$0x0], $0xffff;
	vm15 =	veq.f32 v57, v22;
	v40 =	vsel vm0, $0x1, v1;
	vm0 =	vmor vm2, vm3  }
0x10c: {  	vm2 =	veq.f32 v35, v22;
	vm3 =	vlt.s32 v37, v21;
	v23 =	vadd.s32 v40, v23  }
0x10d: {  	v44 =	vld.idx.msk [tilespmem:v15+s23+$0x0], $0xffff;
	v42 =	vsel vm0, $0x1, v1;
	vm0 =	vgt.f32 v35, v22;
	vm2 =	vmand vm2, vm3  }
0x10e: {  	vm3 =	veq.f32 v38, v22;
	vm0 =	vmor vm0, vm2;
	vm2 =	vgt.f32 v38, v22  }
0x10f: {  	v49 =	vld.idx.msk [tilespmem:v16+s24+$0x0], $0xffff;
	vm3 =	vmand vm3, vm8;
	v23 =	vadd.s32 v42, v23;
	v46 =	vsel vm0, $0x1, v1  }
0x110: {  	v47 =	vld.idx.msk [tilespmem:v16+s23+$0x0], $0xffff;
	vm0 =	vmor vm2, vm3;
	vm2 =	veq.f32 v41, v22;
	vm3 =	vlt.s32 v43, v21  }
0x111: {  	v48 =	vsel vm0, $0x1, v1;
	vm0 =	vgt.f32 v41, v22;
	vm2 =	vmand vm2, vm3  }
0x112: {  	v51 =	vld.idx.msk [tilespmem:v17+s24+$0x0], $0xffff;
	v23 =	vadd.s32 v46, v23;
	vm3 =	veq.f32 v44, v22;
	vm0 =	vmor vm0, vm2  }
0x113: {  	v56 =	vld.idx.msk [tilespmem:v19+s24+$0x0], $0xffff;
	vm2 =	vgt.f32 v44, v22;
	vm3 =	vmand vm3, vm9;
	v23 =	vadd.s32 v48, v23  }
0x114: {  	v53 =	vsel vm0, $0x1, v1;
	vm0 =	vmor vm2, vm3;
	vm2 =	vlt.s32 v49, v21  }
0x115: {  	v58 =	vld.idx.msk [tilespmem:v20+s24+$0x0], $0xffff;
	v23 =	vadd.s32 v53, v23;
	v55 =	vsel vm0, $0x1, v1;
	vm0 =	veq.f32 v47, v22  }
0x116: {  	vm3 =	vgt.f32 v47, v22;
	v23 =	vadd.s32 v55, v23;
	vm0 =	vmand vm0, vm2  }
0x117: {  	vm2 =	vgt.f32 v50, v22;
	vm0 =	vmor vm3, vm0;
	vm3 =	vlt.s32 v51, v21  }
0x118: {  	vm3 =	vmand vm10, vm3;
	v59 =	vsel vm0, $0x1, v1;
	vm0 =	vlt.s32 v56, v21  }
0x119: {  	vm2 =	vmor vm2, vm3;
	vm3 =	vgt.f32 v52, v22;
	vm0 =	vmand vm14, vm0  }
0x11a: {  	v23 =	vadd.s32 v59, v23;
	v60 =	vsel vm2, $0x1, v1;
	vm2 =	vlt.s32 v58, v21  }
0x11b: {  	vm3 =	vmor vm3, vm4;
	vm0 =	vmor vm13, vm0;
	vm2 =	vmand vm15, vm2  }
0x11c: {  	s8 =	sadd.s32 $0x1, s8;
	v23 =	vadd.s32 v60, v23;
	v61 =	vsel vm3, $0x1, v1;
	vm3 =	vgt.f32 v57, v22  }
0x11d: {  	p0 =	sne.s32 s0, s8;
	v62 =	vsel vm0, $0x1, v1;
	v23 =	vadd.s32 v61, v23;
	vm0 =	vmor vm3, vm2  }
.Ltmp7:
0x11e: {  	v23 =	vadd.s32 v62, v23;
	v63 =	vsel vm0, $0x1, v1;
	(pc) =	sbr.rel @p0 .LBB2_7-.Ltmp7, $4  }
0x11f: {  	v23 =	vadd.s32 v63, v23  }
0x120: {  	vm0 =	vlt.u32 v23, $0x8  }
0x121: {  	[tilespmem:s23+$0x0] =	vst.msk vm0, v22  }
0x122: {  	s7 =	sadd.s32 $0x8, s7;
	[tilespmem:s24+$0x0] =	vst.msk vm0, v21  }
.LBB2_8:
0x123: {  	_ =	sdelay $0x1  }
0x124: {  	v21 =	vimm.f32 $-Inf;
	[tilespmem:$0xA108] =	vst v3  }
0x125: {  	[tilespmem:$0xA088] =	vst v21;
	v22 =	vld [tilespmem:$0xA100]  }
0x126: {  	v23 =	vld.idx.msk [tilespmem:v6+s24+$0x0], $0xffff  }
0x127: {  	v24 =	vld.idx.msk [tilespmem:v7+s24+$0x0], $0xffff  }
0x128: {  	v25 =	vld.idx.msk [tilespmem:v8+s24+$0x0], $0xffff  }
0x129: {  	v26 =	vld.idx.msk [tilespmem:v9+s24+$0x0], $0xffff  }
0x12a: {  	v27 =	vld.idx.msk [tilespmem:v10+s24+$0x0], $0xffff  }
0x12b: {  	vm0 =	vlt.s32 v23, v22;
	v23 =	vld.idx.msk [tilespmem:v12+s24+$0x0], $0xffff  }
0x12c: {  	s0 =	sshll.u32 s2, $0x5;
	v28 =	vsel vm0, $0x1, v1;
	vm0 =	vlt.s32 v24, v22;
	v24 =	vld.idx.msk [tilespmem:v13+s24+$0x0], $0xffff  }
0x12d: {  	v29 =	vsel vm0, $0x1, v1;
	vm0 =	vlt.s32 v25, v22;
	v25 =	vld.idx.msk [tilespmem:v11+s24+$0x0], $0xffff;
	v28 =	vor.u32 s0, v28  }
0x12e: {  	v30 =	vsel vm0, $0x1, v1;
	vm0 =	vlt.s32 v26, v22;
	v26 =	vld.idx.msk [tilespmem:v14+s24+$0x0], $0xffff;
	v28 =	vadd.s32 v29, v28  }
0x12f: {  	v56 =	vsel vm0, $0x1, v1;
	vm0 =	vlt.s32 v27, v22;
	v27 =	vld.idx.msk [tilespmem:v15+s24+$0x0], $0xffff;
	v28 =	vadd.s32 v30, v28  }
0x130: {  	v57 =	vsel vm0, $0x1, v1;
	vm0 =	vlt.s32 v23, v22;
	v23 =	vld.idx.msk [tilespmem:v16+s24+$0x0], $0xffff;
	v28 =	vadd.s32 v56, v28  }
0x131: {  	v58 =	vsel vm0, $0x1, v1;
	vm0 =	vlt.s32 v24, v22;
	v24 =	vld.idx.msk [tilespmem:v17+s24+$0x0], $0xffff;
	v28 =	vadd.s32 v57, v28  }
0x132: {  	v59 =	vsel vm0, $0x1, v1;
	vm0 =	vlt.s32 v25, v22;
	v25 =	vld.idx.msk [tilespmem:v18+s24+$0x0], $0xffff;
	v28 =	vadd.s32 v58, v28  }
0x133: {  	v60 =	vsel vm0, $0x1, v1;
	vm0 =	vlt.s32 v26, v22;
	v26 =	vld.idx.msk [tilespmem:v19+s24+$0x0], $0xffff;
	v28 =	vadd.s32 v59, v28  }
0x134: {  	v61 =	vsel vm0, $0x1, v1;
	vm0 =	vlt.s32 v27, v22;
	v27 =	vld.idx.msk [tilespmem:v20+s24+$0x0], $0xffff;
	v28 =	vadd.s32 v60, v28  }
0x135: {  	v62 =	vsel vm0, $0x1, v1;
	vm0 =	vlt.s32 v23, v22;
	v23 =	vadd.s32 v61, v28  }
0x136: {  	v63 =	vsel vm0, $0x1, v1;
	vm0 =	vlt.s32 v24, v22;
	v23 =	vadd.s32 v62, v23  }
0x137: {  	v24 =	vsel vm0, $0x1, v1;
	vm0 =	vlt.s32 v25, v22;
	v23 =	vadd.s32 v63, v23  }
0x138: {  	s0 =	sshll.u32 s2, $0x2;
	v25 =	vsel vm0, $0x1, v1;
	vm0 =	vlt.s32 v26, v22;
	v23 =	vadd.s32 v24, v23  }
0x139: {  	p0 =	seq.s32 s2, $0x3F;
	s7 =	sadd.s32 s0, s10;
	v24 =	vsel vm0, $0x1, v1;
	vm0 =	vlt.s32 v27, v22;
	v22 =	vadd.s32 v25, v23  }
0x13a: {  	s7 =	smov.u32 @p0 s6;
	v23 =	vsel vm0, $0x1, v1;
	v22 =	vadd.s32 v24, v22  }
0x13b: {  	s8 =	sshll.u32 s7, $0xD;
	v24 =	vld [tilespmem:$0xA080];
	v22 =	vadd.s32 v23, v22  }
0x13c: {  	s7 =	sshll.u32 s7, $0x7;
	s8 =	sand.u32 $0x7FFF0000, s8  }
0x13d: {  	s7 =	sand.u32 $0x200, s7;
	s8 =	sadd.s32 s3, s8  }
0x13e: {  	s7 =	sor.u32 s7, s8  }
0x13f: {  	s7 =	sshrl.u32 s7, $0x3  }
0x140: {  	s7 =	sadd.s32 s1, s7;
	[tilespmem:v22+s25+$0x0] =	vst.idx.msk $0xff, v24  }
0x141: {  	[tilespmem:s4], [sflag:$0x1] =	stream.strided.gather [hbm4b:s7+s13], $0x2000, s14, s13, $0x38;
	[tilespmem:$0xAA00] =	vst v63  }
0x142: {  	_ =	swait.ge [sflag:s26], $0x2000  }
0x143: {  	[sflag:s26] =	ssyncset.done $0x0  }
0x144: {  	s12 =	simm.s32 $0x2080;
	[sflag:s26] =	ssyncadd.s32 $0xFFFFE000  }
0x145: {  	v22 =	vld [tilespmem:s12+$0xFFFFFF80]  }
0x146: {  	v23 =	vld [tilespmem:s12+$0xFFFFFF90]  }
0x147: {  	v24 =	vld [tilespmem:s12+$0xFFFFFFA0]  }
0x148: {  	v25 =	vld [tilespmem:s12+$0xFFFFFFB0]  }
0x149: {  	v26 =	vld [tilespmem:s12+$0xFFFFFFC0]  }
0x14a: {  	v21 =	vmax.f32 v21, v22;
	v22 =	vld [tilespmem:s12+$0xFFFFFFD0]  }
0x14b: {  	v21 =	vmax.f32 v21, v23;
	v23 =	vld [tilespmem:s12+$0xFFFFFFE0]  }
0x14c: {  	v21 =	vmax.f32 v21, v24;
	v24 =	vld [tilespmem:s12+$0xFFFFFFF0]  }
0x14d: {  	v21 =	vmax.f32 v21, v25;
	v25 =	vld [tilespmem:s12+$0x0]  }
0x14e: {  	v21 =	vmax.f32 v21, v26;
	v26 =	vld [tilespmem:s12+$0x10]  }
0x14f: {  	v27 =	vld [tilespmem:s12+$0x20];
	v21 =	vmax.f32 v21, v22  }
0x150: {  	v22 =	vmax.f32 v21, v23;
	v21 =	vld [tilespmem:s12+$0x30]  }
0x151: {  	v23 =	vmax.f32 v22, v24;
	v22 =	vld [tilespmem:s12+$0x40]  }
0x152: {  	v24 =	vmax.f32 v23, v25;
	v23 =	vld [tilespmem:s12+$0x50]  }
0x153: {  	v25 =	vmax.f32 v24, v26;
	v24 =	vld [tilespmem:s12+$0x60]  }
0x154: {  	s8 =	simm.s32 $0x2180;
	s7 =	simm.s32 $0x0;
	v26 =	vmax.f32 v25, v27;
	v25 =	vld [tilespmem:s12+$0x70]  }
.LBB2_9:
0x155: {  	v27 =	vld [tilespmem:s8+$0xFFFFFF80];
	s7 =	sadd.s32 $0x10, s7;
	v21 =	vmax.f32 v26, v21  }
0x156: {  	v26 =	vld [tilespmem:s8+$0xFFFFFF90];
	p1 =	slt.u32 s7, $0x1F0;
	v21 =	vmax.f32 v21, v22  }
0x157: {  	v22 =	vld [tilespmem:s8+$0xFFFFFFA0];
	v21 =	vmax.f32 v21, v23  }
0x158: {  	v23 =	vld [tilespmem:s8+$0xFFFFFFB0];
	v21 =	vmax.f32 v21, v24  }
0x159: {  	v24 =	vld [tilespmem:s8+$0xFFFFFFC0];
	v21 =	vmax.f32 v21, v25  }
0x15a: {  	v21 =	vmax.f32 v21, v27;
	v25 =	vld [tilespmem:s8+$0xFFFFFFD0]  }
0x15b: {  	v21 =	vmax.f32 v21, v26;
	v26 =	vld [tilespmem:s8+$0xFFFFFFE0]  }
0x15c: {  	v21 =	vmax.f32 v21, v22;
	v22 =	vld [tilespmem:s8+$0xFFFFFFF0]  }
0x15d: {  	v21 =	vmax.f32 v21, v23;
	v23 =	vld [tilespmem:s8+$0x0]  }
0x15e: {  	v21 =	vmax.f32 v21, v24;
	v24 =	vld [tilespmem:s8+$0x10]  }
0x15f: {  	v21 =	vmax.f32 v21, v25;
	v25 =	vld [tilespmem:s8+$0x20]  }
.Ltmp8:
0x160: {  	v26 =	vmax.f32 v21, v26;
	v21 =	vld [tilespmem:s8+$0x30];
	(pc) =	sbr.rel @p1 .LBB2_9-.Ltmp8, $4  }
0x161: {  	v26 =	vmax.f32 v26, v22;
	v22 =	vld [tilespmem:s8+$0x40]  }
0x162: {  	v26 =	vmax.f32 v26, v23;
	v23 =	vld [tilespmem:s8+$0x50]  }
0x163: {  	v26 =	vmax.f32 v26, v24;
	v24 =	vld [tilespmem:s8+$0x60]  }
0x164: {  	v26 =	vmax.f32 v26, v25;
	v25 =	vld [tilespmem:s8+$0x70];
	s8 =	sadd.s32 $0x100, s8  }
0x165: {  	v21 =	vmax.f32 v26, v21  }
0x166: {  	v21 =	vmax.f32 v21, v22  }
0x167: {  	v21 =	vmax.f32 v21, v23  }
0x168: {  	v21 =	vmax.f32 v21, v24  }
0x169: {  	v21 =	vmax.f32 v21, v25  }
0x16a: {  	(xrf1) =	vsort.ascd.msk.f32 $0xffff, v21, v21;
	_ =	sdelay $0xb  }
0x16b: {  	s8 =	simm.s32 $0x2080  }
0x16c: {  	v27 =	vld [tilespmem:s8+$0x50]  }
0x16d: {  	vm0 =	vcmask $0x1B20;
	v28 =	vld [tilespmem:s8+$0x40];
	v21, _, _ =	vpop (xrf1)  }
0x16e: {  	v26 =	vld [tilespmem:s8+$0x60];
	v21 =	vsel vm0, $0xFF800000, v21  }
0x16f: {  	v29 =	vld [tilespmem:s8+$0x10];
	(xrf0) =	vmax.scan.msk.f32 $0xffff, v21  }
0x170: {  	v30 =	vld [tilespmem:s8+$0xFFFFFFB0]  }
0x171: {  	v31 =	vld [tilespmem:s8+$0x20]  }
0x172: {  	v33 =	vld [tilespmem:s8+$0x30]  }
0x173: {  	v35 =	vld [tilespmem:s8+$0x0]  }
0x174: {  	v24 =	vld [tilespmem:s8+$0xFFFFFF90]  }
0x175: {  	v32 =	vimm.s32 $0x0;
	v38 =	vld [tilespmem:s8+$0xFFFFFFF0];
	v21, _, _ =	vpop (xrf0)  }
0x176: {  	v39 =	vld [tilespmem:s8+$0xFFFFFF80];
	v40 =	vshll.u32 v32, $0x4;
	v23 =	vbroadcast v21, $0xF;
	v21 =	vlaneseq.u32  }
0x177: {  	v42 =	vld [tilespmem:s8+$0xFFFFFFC0];
	v40 =	vor.u32 v0, v40;
	v22 =	vadd.s32 $0x80, v21  }
0x178: {  	v43 =	vld [tilespmem:s8+$0xFFFFFFA0];
	v34 =	vadd.s32 $0x40, v21;
	v25 =	vadd.s32 $0xA0, v21;
	v37 =	vadd.s32 $0x50, v21  }
0x179: {  	v51 =	vld [tilespmem:s8+$0xFFFFFFE0];
	v41 =	vadd.s32 $0x70, v21;
	v44 =	vadd.s32 $0x60, v21;
	vm2 =	vge.f32 v24, v23  }
0x17a: {  	v24 =	vadd.s32 $0x100, v21;
	vm7 =	vge.f32 v26, v23;
	vm9 =	vge.f32 v31, v23  }
0x17b: {  	vm4 =	vge.f32 v28, v23;
	vm10 =	vge.f32 v35, v23;
	vm8 =	vge.f32 v33, v23  }
0x17c: {  	vm11 =	vge.f32 v27, v23;
	vm12 =	vge.f32 v38, v23;
	vm5 =	vge.f32 v29, v23  }
0x17d: {  	vm13 =	vge.f32 v39, v23;
	vm3 =	vge.f32 v30, v23;
	vm14 =	vge.f32 v42, v23  }
0x17e: {  	vm6 =	vge.f32 v43, v23;
	vm15 =	vge.f32 v51, v23;
	v36 =	vsel vm2, $0x1, v1  }
0x17f: {  	v31 =	vld [tilespmem:s8+$0xFFFFFFD0];
	v26 =	vsel vm7, $0x1, v1;
	v49 =	vsel vm10, $0x1, v1;
	v30 =	vsel vm12, $0x1, v1  }
0x180: {  	v27 =	vsel vm13, $0x1, v1;
	v50 =	vsel vm3, $0x1, v1;
	v52 =	vsel vm14, $0x1, v1  }
0x181: {  	v29 =	vsel vm6, $0x1, v1;
	v53 =	vsel vm9, $0x1, v1;
	v28 =	vadd.s32 v27, v32  }
0x182: {  	v58 =	vsel vm5, $0x1, v1;
	v59 =	vsel vm15, $0x1, v1;
	v27 =	vadd.s32 v36, v28  }
0x183: {  	v45 =	vsel vm11, $0x1, v1;
	v61 =	vsel vm4, $0x1, v1;
	v36 =	vadd.s32 v29, v27  }
0x184: {  	vm0 =	vge.f32 v31, v23;
	v31 =	vsel vm8, $0x1, v1;
	v35 =	vadd.s32 v50, v36  }
0x185: {  	v54 =	vsel vm0, $0x1, v1;
	v55 =	vshll.u32 v35, $0x4;
	v32 =	vadd.s32 v52, v35  }
0x186: {  	v56 =	vor.u32 v0, v55;
	v57 =	vshll.u32 v32, $0x4;
	v32 =	vadd.s32 v54, v32  }
0x187: {  	v38 =	vor.u32 v0, v57;
	v60 =	vshll.u32 v32, $0x4;
	v32 =	vadd.s32 v59, v32  }
0x188: {  	v43 =	vor.u32 v0, v60;
	v30 =	vadd.s32 v30, v32;
	v32 =	vshll.u32 v32, $0x4  }
0x189: {  	v29 =	vshll.u32 v36, $0x4;
	v32 =	vor.u32 v0, v32;
	v33 =	vadd.s32 v49, v30  }
0x18a: {  	[tilespmem:v40+s19+$0x0] =	vst.idx.msk vm13, v21;
	v30 =	vshll.u32 v30, $0x4;
	v36 =	vshll.u32 v33, $0x4;
	v33 =	vadd.s32 v58, v33  }
0x18b: {  	v35 =	vor.u32 v0, v30;
	[tilespmem:v56+s19+$0x0] =	vst.idx.msk vm14, v34;
	v30 =	vshll.u32 v33, $0x4;
	v62 =	vadd.s32 v53, v33  }
0x18c: {  	[tilespmem:v38+s19+$0x0] =	vst.idx.msk vm0, v37;
	v33 =	vor.u32 v0, v30;
	v30 =	vshll.u32 v62, $0x4;
	v31 =	vadd.s32 v31, v62  }
0x18d: {  	[tilespmem:v43+s19+$0x0] =	vst.idx.msk vm15, v44;
	v34 =	vor.u32 v0, v30;
	v30 =	vshll.u32 v31, $0x4;
	v63 =	vadd.s32 v61, v31  }
0x18e: {  	s7 =	simm.s32 $0x0;
	v37 =	vld [tilespmem:s8+$0x70];
	s8 =	simm.s32 $0x2180;
	[tilespmem:v32+s19+$0x0] =	vst.idx.msk vm12, v41;
	v32 =	vor.u32 v0, v30;
	v31 =	vshll.u32 v63, $0x4;
	v30 =	vadd.s32 v45, v63  }
.LBB2_11:
0x18f: {  	v28 =	vshll.u32 v28, $0x4;
	v29 =	vor.u32 v0, v29;
	v36 =	vor.u32 v0, v36  }
0x190: {  	v38 =	vld [tilespmem:s8+$0xFFFFFF90];
	s7 =	sadd.s32 $0x10, s7;
	vm14 =	vmmov vm2;
	vm12 =	vmmov vm7;
	vm13 =	vmmov vm11  }
0x191: {  	v27 =	vshll.u32 v27, $0x4;
	v39 =	vld [tilespmem:s8+$0x50];
	p1 =	slt.u32 s7, $0x1F0;
	v28 =	vor.u32 v0, v28;
	[tilespmem:v35+s19+$0x0] =	vst.idx.msk vm10, v22;
	v22 =	vadd.s32 $0x80, v24  }
0x192: {  	v27 =	vor.u32 v0, v27;
	v35 =	vld [tilespmem:s8+$0x40];
	[tilespmem:v33+s19+$0x0] =	vst.idx.msk vm9, v25;
	v25 =	vadd.s32 $0xB0, v21;
	v33 =	vadd.s32 $0xF0, v21  }
0x193: {  	v41 =	vadd.s32 $0xE0, v21;
	v40 =	vld [tilespmem:s8+$0x60];
	[tilespmem:v34+s19+$0x0] =	vst.idx.msk vm8, v25;
	v25 =	vadd.s32 $0xC0, v21;
	v34 =	vadd.s32 $0xD0, v21  }
0x194: {  	v43 =	vadd.s32 $0x20, v21;
	v44 =	vadd.s32 $0x30, v21;
	v45 =	vadd.s32 $0x90, v21;
	v42 =	vld [tilespmem:s8+$0x10];
	[tilespmem:v32+s19+$0x0] =	vst.idx.msk vm4, v25  }
0x195: {  	v46 =	vadd.s32 $0x10, v21;
	v21 =	vmovc v24;
	vm2 =	vge.f32 v38, v23;
	v32 =	vld [tilespmem:s8+$0xFFFFFFB0];
	v38 =	vadd.s32 $0x40, v24;
	[tilespmem:v36+s19+$0x0] =	vst.idx.msk vm5, v45  }
0x196: {  	v25 =	vadd.s32 $0xA0, v24;
	vm15 =	vge.f32 v37, v23;
	v36 =	vsel vm2, $0x1, v1;
	v45 =	vld [tilespmem:s8+$0x20];
	[tilespmem:v28+s19+$0x0] =	vst.idx.msk vm14, v46  }
0x197: {  	v37 =	vadd.s32 $0x50, v21;
	v24 =	vadd.s32 $0x100, v24;
	v46 =	vsel vm15, $0x1, v1;
	v28 =	vld [tilespmem:s8+$0x30]  }
0x198: {  	v26 =	vadd.s32 v26, v30;
	v47 =	vadd.s32 $0x70, v21;
	v48 =	vld [tilespmem:s8+$0x0];
	[tilespmem:v27+s19+$0x0] =	vst.idx.msk vm6, v43;
	v27 =	vor.u32 v0, v31  }
0x199: {  	v43 =	vadd.s32 v46, v26;
	v31 =	vld [tilespmem:s8+$0xFFFFFFF0];
	[tilespmem:v29+s19+$0x0] =	vst.idx.msk vm3, v44;
	v29 =	vshll.u32 v30, $0x4;
	v30 =	vshll.u32 v26, $0x4  }
0x19a: {  	vm7 =	vge.f32 v40, v23;
	v26 =	vshll.u32 v43, $0x4;
	v44 =	vld [tilespmem:s8+$0xFFFFFF80];
	v30 =	vor.u32 v0, v30  }
0x19b: {  	v40 =	vor.u32 v0, v26;
	v26 =	vsel vm7, $0x1, v1;
	v29 =	vor.u32 v0, v29;
	v46 =	vld [tilespmem:s8+$0xFFFFFFC0]  }
0x19c: {  	v50 =	vadd.s32 $0x60, v21;
	vm4 =	vge.f32 v35, v23;
	vm9 =	vge.f32 v45, v23;
	v49 =	vld [tilespmem:s8+$0xFFFFFFA0]  }
0x19d: {  	vm11 =	vge.f32 v39, v23;
	vm8 =	vge.f32 v28, v23;
	vm10 =	vge.f32 v48, v23  }
0x19e: {  	vm5 =	vge.f32 v42, v23;
	v35 =	vld [tilespmem:s8+$0xFFFFFFD0];
	vm14 =	vge.f32 v31, v23;
	v31 =	vsel vm10, $0x1, v1;
	[tilespmem:v27+s19+$0x0] =	vst.idx.msk vm13, v34  }
0x19f: {  	vm3 =	vge.f32 v32, v23;
	vm0 =	vge.f32 v44, v23;
	v32 =	vsel vm14, $0x1, v1;
	[tilespmem:v30+s19+$0x0] =	vst.idx.msk vm15, v33  }
0x1a0: {  	v30 =	vsel vm3, $0x1, v1;
	v27 =	vsel vm0, $0x1, v1;
	vm13 =	vge.f32 v46, v23;
	v33 =	vld [tilespmem:s8+$0xFFFFFFE0];
	[tilespmem:v29+s19+$0x0] =	vst.idx.msk vm12, v41  }
0x1a1: {  	v28 =	vadd.s32 v27, v43;
	vm6 =	vge.f32 v49, v23;
	v34 =	vsel vm13, $0x1, v1  }
0x1a2: {  	v39 =	vsel vm9, $0x1, v1;
	v27 =	vadd.s32 v36, v28;
	v29 =	vsel vm6, $0x1, v1  }
0x1a3: {  	v41 =	vsel vm8, $0x1, v1;
	v36 =	vadd.s32 v29, v27;
	vm12 =	vge.f32 v35, v23  }
0x1a4: {  	v29 =	vshll.u32 v36, $0x4;
	v30 =	vadd.s32 v30, v36;
	v35 =	vsel vm12, $0x1, v1  }
0x1a5: {  	[tilespmem:v40+s19+$0x0] =	vst.idx.msk vm0, v21;
	v36 =	vshll.u32 v30, $0x4;
	v30 =	vadd.s32 v34, v30;
	vm15 =	vge.f32 v33, v23  }
0x1a6: {  	v40 =	vsel vm5, $0x1, v1;
	v33 =	vor.u32 v0, v36;
	v34 =	vshll.u32 v30, $0x4  }
0x1a7: {  	v30 =	vadd.s32 v35, v30;
	v35 =	vsel vm15, $0x1, v1;
	v34 =	vor.u32 v0, v34  }
0x1a8: {  	v42 =	vsel vm11, $0x1, v1;
	v36 =	vshll.u32 v30, $0x4;
	v30 =	vadd.s32 v35, v30  }
0x1a9: {  	v43 =	vor.u32 v0, v36;
	v35 =	vshll.u32 v30, $0x4;
	v30 =	vadd.s32 v32, v30  }
0x1aa: {  	v32 =	vor.u32 v0, v35;
	v35 =	vshll.u32 v30, $0x4;
	v30 =	vadd.s32 v31, v30  }
.Ltmp9:
0x1ab: {  	v31 =	vsel vm4, $0x1, v1;
	v36 =	vshll.u32 v30, $0x4;
	v30 =	vadd.s32 v40, v30;
	[tilespmem:v33+s19+$0x0] =	vst.idx.msk vm13, v38;
	(pc) =	sbr.rel @p1 .LBB2_11-.Ltmp9, $4  }
0x1ac: {  	v35 =	vor.u32 v0, v35;
	v33 =	vshll.u32 v30, $0x4;
	v30 =	vadd.s32 v39, v30;
	[tilespmem:v34+s19+$0x0] =	vst.idx.msk vm12, v37  }
0x1ad: {  	v33 =	vor.u32 v0, v33;
	v34 =	vshll.u32 v30, $0x4;
	v30 =	vadd.s32 v41, v30  }
0x1ae: {  	v34 =	vor.u32 v0, v34;
	v37 =	vshll.u32 v30, $0x4;
	v30 =	vadd.s32 v31, v30;
	[tilespmem:v43+s19+$0x0] =	vst.idx.msk vm15, v50  }
0x1af: {  	v31 =	vshll.u32 v30, $0x4;
	v30 =	vadd.s32 v42, v30;
	[tilespmem:v32+s19+$0x0] =	vst.idx.msk vm14, v47;
	v32 =	vor.u32 v0, v37;
	v37 =	vld [tilespmem:s8+$0x70];
	s8 =	sadd.s32 $0x100, s8  }
0x1b0: {  	_ =	sdelay $0x3  }
0x1b1: {  	vm12 =	vge.f32 v37, v23  }
0x1b2: {  	v24 =	vadd.s32 v26, v30;
	v23 =	vsel vm12, $0x1, v1  }
0x1b3: {  	v23 =	vadd.s32 v23, v24  }
0x1b4: {  	v49 =	vxor.u32 $0x80000000, v23  }
0x1b5: {  	(xrf0) =	vmax.scan.msk.u32 $0xffff, v49;
	_ =	sdelay $0x5  }
0x1b6: {  	v26, _, _ =	vpop (xrf0)  }
0x1b7: {  	(v2sf) =	vpush v26, $0xF;
	_ =	sdelay $0x5  }
0x1b8: {  	v50 =	vshll.u32 v28, $0x4;
	vm0 =	vmmov vm2  }
0x1b9: {  	[tilespmem:v35+s19+$0x0] =	vst.idx.msk vm10, v22;
	v22 =	vor.u32 v0, v50;
	_ =	sdelay $0x1  }
0x1ba: {  	v51 =	vor.u32 v0, v36  }
0x1bb: {  	v53 =	vor.u32 v0, v29;
	[tilespmem:v33+s19+$0x0] =	vst.idx.msk vm9, v25;
	v54 =	vadd.s32 $0xB0, v21;
	vm2 =	vmmov vm7  }
0x1bc: {  	v57 =	vor.u32 v0, v31;
	v58 =	vadd.s32 $0x10, v21;
	v59 =	vshll.u32 v30, $0x4;
	[tilespmem:v34+s19+$0x0] =	vst.idx.msk vm8, v54  }
0x1bd: {  	v55 =	vadd.s32 $0xC0, v21;
	v24 =	vshll.u32 v24, $0x4;
	[tilespmem:v22+s19+$0x0] =	vst.idx.msk vm0, v58;
	v22 =	vor.u32 v0, v59  }
0x1be: {  	v52 =	vshll.u32 v27, $0x4;
	v56 =	vadd.s32 $0x90, v21;
	[tilespmem:v32+s19+$0x0] =	vst.idx.msk vm4, v55;
	v24 =	vor.u32 v0, v24  }
0x1bf: {  	v61 =	vadd.s32 $0x30, v21;
	[tilespmem:v51+s19+$0x0] =	vst.idx.msk vm5, v56;
	v26 =	vor.u32 v0, v52  }
0x1c0: {  	v62 =	vadd.s32 $0xD0, v21;
	[tilespmem:v53+s19+$0x0] =	vst.idx.msk vm3, v61;
	s7 =	spop (v2sf)  }
0x1c1: {  	v60 =	vadd.s32 $0x20, v21;
	v63 =	vadd.s32 $0xF0, v21;
	v21 =	vadd.s32 $0xE0, v21;
	[tilespmem:v57+s19+$0x0] =	vst.idx.msk vm11, v62;
	s7 =	sshll.u32 s7, $0x1  }
0x1c2: {  	[tilespmem:v22+s19+$0x0] =	vst.idx.msk vm2, v21;
	p1 =	slt.s32 s7, $0x1  }
.Ltmp10:
0x1c3: {  	[tilespmem:v24+s19+$0x0] =	vst.idx.msk vm12, v63;
	(pc) =	sbr.rel @p1 .LBB2_14-.Ltmp10, $4  }
0x1c4: {  	[tilespmem:v26+s19+$0x0] =	vst.idx.msk vm6, v60  }
0x1c5: {  	[tilespmem:$0xA000] =	vst v23  }
0x1c6: {  	[tilespmem:$0xA080] =	vst v2  }
0x1c7: {  	vm15 =	vmmov vm11;
	s8 =	simm.s32 $0x0;
	s9 =	simm.s32 $0x0;
	[tilespmem:$0xA100] =	vst v3  }
.LBB2_13:
0x1c8: {  	s11 =	sand.u32 $0x8, s8  }
0x1c9: {  	s12 =	sshrl.u32 s9, $0x1;
	v21 =	vor.u32 s11, v4  }
0x1ca: {  	s11 =	sshll.u32 s12, $0x4  }
0x1cb: {  	v22 =	vor.u32 s11, v21;
	_ =	sdelay $0x2  }
0x1cc: {  	v21 =	vld.idx.msk [tilespmem:v21+s20+$0x0], $0xffff;
	_ =	sdelay $0x1  }
0x1cd: {  	v22 =	vld.idx.msk [tilespmem:v22+s19+$0x0], $0xffff;
	_ =	sdelay $0x1  }
0x1ce: {  	v23 =	vmov s12  }
0x1cf: {  	vm0 =	vlt.s32 v23, v21  }
0x1d0: {  	vm0 =	vmand vm0, vm1  }
0x1d1: {  	v21 =	vnsel vm0, $0x0, v22;
	_ =	sdelay $0x4  }
0x1d2: {  	v22 =	vld.idx.msk [tilespmem:v21+s15+$0x0], $0xffff;
	_ =	sdelay $0x2  }
0x1d3: {  	[tilespmem:$0xA088] =	vst v2  }
0x1d4: {  	[tilespmem:$0xA108] =	vst v5  }
0x1d5: {  	[tilespmem:s21+$0x0] =	vst.msk vm0, v22  }
0x1d6: {  	[tilespmem:s22+$0x0] =	vst.msk vm0, v21  }
0x1d7: {  	v22 =	vld [tilespmem:$0xA080]  }
0x1d8: {  	v21 =	vld [tilespmem:$0xA100]  }
0x1d9: {  	v23 =	vld.idx.msk [tilespmem:v6+s23+$0x0], $0xffff  }
0x1da: {  	v24 =	vld.idx.msk [tilespmem:v6+s24+$0x0], $0xffff  }
0x1db: {  	v25 =	vld.idx.msk [tilespmem:v7+s23+$0x0], $0xffff  }
0x1dc: {  	v26 =	vld.idx.msk [tilespmem:v7+s24+$0x0], $0xffff  }
0x1dd: {  	v61 =	vld.idx.msk [tilespmem:v9+s24+$0x0], $0xffff  }
0x1de: {  	v33 =	vld.idx.msk [tilespmem:v12+s24+$0x0], $0xffff  }
0x1df: {  	v39 =	vld.idx.msk [tilespmem:v11+s24+$0x0], $0xffff  }
0x1e0: {  	v45 =	vld.idx.msk [tilespmem:v15+s24+$0x0], $0xffff  }
0x1e1: {  	v50 =	vld.idx.msk [tilespmem:v17+s23+$0x0], $0xffff  }
0x1e2: {  	v52 =	vld.idx.msk [tilespmem:v18+s23+$0x0], $0xffff  }
0x1e3: {  	v54 =	vld.idx.msk [tilespmem:v18+s24+$0x0], $0xffff  }
0x1e4: {  	v31 =	vld.idx.msk [tilespmem:v19+s23+$0x0], $0xffff  }
0x1e5: {  	vm0 =	vgt.f32 v23, v22;
	vm2 =	veq.f32 v23, v22  }
0x1e6: {  	v28 =	vld.idx.msk [tilespmem:v8+s24+$0x0], $0xffff;
	vm3 =	vlt.s32 v24, v21;
	vm4 =	veq.f32 v25, v22;
	vm5 =	vlt.s32 v26, v21  }
0x1e7: {  	v27 =	vld.idx.msk [tilespmem:v8+s23+$0x0], $0xffff;
	vm14 =	vlt.s32 v61, v21;
	vm15 =	vlt.s32 v33, v21;
	vm8 =	vlt.s32 v39, v21  }
0x1e8: {  	v23 =	vld.idx.msk [tilespmem:v9+s23+$0x0], $0xffff;
	vm9 =	vlt.s32 v45, v21;
	vm10 =	veq.f32 v50, v22;
	vm11 =	vlt.s32 v54, v21  }
0x1e9: {  	vm12 =	veq.f32 v52, v22;
	vm13 =	vgt.f32 v31, v22;
	vm2 =	vmand vm2, vm3  }
0x1ea: {  	v62 =	vld.idx.msk [tilespmem:v10+s23+$0x0], $0xffff;
	vm3 =	vgt.f32 v25, v22;
	vm4 =	vmand vm4, vm5;
	vm0 =	vmor vm0, vm2  }
0x1eb: {  	v30 =	vld.idx.msk [tilespmem:v10+s24+$0x0], $0xffff;
	vm2 =	vmor vm3, vm4;
	vm3 =	vlt.s32 v28, v21;
	vm4 =	vmand vm12, vm11  }
0x1ec: {  	v63 =	vsel vm0, $0x1, v1;
	v29 =	vsel vm2, $0x1, v1;
	vm2 =	veq.f32 v27, v22  }
0x1ed: {  	v32 =	vld.idx.msk [tilespmem:v12+s23+$0x0], $0xffff;
	vm0 =	vgt.f32 v27, v22;
	vm2 =	vmand vm2, vm3;
	vm3 =	veq.f32 v23, v22  }
0x1ee: {  	v35 =	vld.idx.msk [tilespmem:v13+s23+$0x0], $0xffff;
	vm0 =	vmor vm0, vm2;
	vm2 =	vgt.f32 v23, v22;
	v23 =	vadd.s32 v63, v29  }
0x1ef: {  	v57 =	vld.idx.msk [tilespmem:v20+s23+$0x0], $0xffff;
	vm3 =	vmand vm3, vm14;
	v34 =	vsel vm0, $0x1, v1;
	vm14 =	veq.f32 v31, v22  }
0x1f0: {  	v37 =	vld.idx.msk [tilespmem:v13+s24+$0x0], $0xffff;
	vm0 =	vmor vm2, vm3;
	vm2 =	veq.f32 v62, v22;
	vm3 =	vlt.s32 v30, v21  }
0x1f1: {  	v36 =	vsel vm0, $0x1, v1;
	vm0 =	vgt.f32 v62, v22;
	vm2 =	vmand vm2, vm3  }
0x1f2: {  	v38 =	vld.idx.msk [tilespmem:v11+s23+$0x0], $0xffff;
	v23 =	vadd.s32 v34, v23;
	vm3 =	veq.f32 v32, v22;
	vm0 =	vmor vm0, vm2  }
0x1f3: {  	v41 =	vld.idx.msk [tilespmem:v14+s23+$0x0], $0xffff;
	vm2 =	vgt.f32 v32, v22;
	vm3 =	vmand vm3, vm15;
	v23 =	vadd.s32 v36, v23  }
0x1f4: {  	v43 =	vld.idx.msk [tilespmem:v14+s24+$0x0], $0xffff;
	vm15 =	veq.f32 v57, v22;
	v40 =	vsel vm0, $0x1, v1;
	vm0 =	vmor vm2, vm3  }
0x1f5: {  	vm2 =	veq.f32 v35, v22;
	vm3 =	vlt.s32 v37, v21;
	v23 =	vadd.s32 v40, v23  }
0x1f6: {  	v44 =	vld.idx.msk [tilespmem:v15+s23+$0x0], $0xffff;
	v42 =	vsel vm0, $0x1, v1;
	vm0 =	vgt.f32 v35, v22;
	vm2 =	vmand vm2, vm3  }
0x1f7: {  	vm3 =	veq.f32 v38, v22;
	vm0 =	vmor vm0, vm2;
	vm2 =	vgt.f32 v38, v22  }
0x1f8: {  	v49 =	vld.idx.msk [tilespmem:v16+s24+$0x0], $0xffff;
	vm3 =	vmand vm3, vm8;
	v23 =	vadd.s32 v42, v23;
	v46 =	vsel vm0, $0x1, v1  }
0x1f9: {  	v47 =	vld.idx.msk [tilespmem:v16+s23+$0x0], $0xffff;
	vm0 =	vmor vm2, vm3;
	vm2 =	veq.f32 v41, v22;
	vm3 =	vlt.s32 v43, v21  }
0x1fa: {  	v48 =	vsel vm0, $0x1, v1;
	vm0 =	vgt.f32 v41, v22;
	vm2 =	vmand vm2, vm3  }
0x1fb: {  	v51 =	vld.idx.msk [tilespmem:v17+s24+$0x0], $0xffff;
	v23 =	vadd.s32 v46, v23;
	vm3 =	veq.f32 v44, v22;
	vm0 =	vmor vm0, vm2  }
0x1fc: {  	v56 =	vld.idx.msk [tilespmem:v19+s24+$0x0], $0xffff;
	vm2 =	vgt.f32 v44, v22;
	vm3 =	vmand vm3, vm9;
	v23 =	vadd.s32 v48, v23  }
0x1fd: {  	v53 =	vsel vm0, $0x1, v1;
	vm0 =	vmor vm2, vm3;
	vm2 =	vlt.s32 v49, v21  }
0x1fe: {  	v58 =	vld.idx.msk [tilespmem:v20+s24+$0x0], $0xffff;
	v23 =	vadd.s32 v53, v23;
	v55 =	vsel vm0, $0x1, v1;
	vm0 =	veq.f32 v47, v22  }
0x1ff: {  	vm3 =	vgt.f32 v47, v22;
	v23 =	vadd.s32 v55, v23;
	vm0 =	vmand vm0, vm2  }
0x200: {  	vm2 =	vgt.f32 v50, v22;
	vm0 =	vmor vm3, vm0;
	vm3 =	vlt.s32 v51, v21  }
0x201: {  	vm3 =	vmand vm10, vm3;
	v59 =	vsel vm0, $0x1, v1;
	vm0 =	vlt.s32 v56, v21  }
0x202: {  	vm2 =	vmor vm2, vm3;
	vm3 =	vgt.f32 v52, v22;
	vm0 =	vmand vm14, vm0  }
0x203: {  	v23 =	vadd.s32 v59, v23;
	v60 =	vsel vm2, $0x1, v1;
	vm2 =	vlt.s32 v58, v21  }
0x204: {  	vm3 =	vmor vm3, vm4;
	vm0 =	vmor vm13, vm0;
	vm2 =	vmand vm15, vm2  }
0x205: {  	s9 =	sadd.s32 $0x1, s9;
	v23 =	vadd.s32 v60, v23;
	v61 =	vsel vm3, $0x1, v1;
	vm3 =	vgt.f32 v57, v22  }
0x206: {  	p1 =	sne.s32 s7, s9;
	v62 =	vsel vm0, $0x1, v1;
	v23 =	vadd.s32 v61, v23;
	vm0 =	vmor vm3, vm2  }
.Ltmp11:
0x207: {  	v23 =	vadd.s32 v62, v23;
	v63 =	vsel vm0, $0x1, v1;
	(pc) =	sbr.rel @p1 .LBB2_13-.Ltmp11, $4  }
0x208: {  	v23 =	vadd.s32 v63, v23  }
0x209: {  	vm0 =	vlt.u32 v23, $0x8  }
0x20a: {  	[tilespmem:s23+$0x0] =	vst.msk vm0, v22  }
0x20b: {  	s8 =	sadd.s32 $0x8, s8;
	[tilespmem:s24+$0x0] =	vst.msk vm0, v21  }
.LBB2_14:
0x20c: {  	_ =	sdelay $0x1  }
0x20d: {  	v21 =	vimm.f32 $-Inf;
	[tilespmem:$0xA108] =	vst v3  }
0x20e: {  	[tilespmem:$0xA088] =	vst v21;
	v22 =	vld [tilespmem:$0xA100]  }
0x20f: {  	v23 =	vld.idx.msk [tilespmem:v6+s24+$0x0], $0xffff  }
0x210: {  	v24 =	vld.idx.msk [tilespmem:v7+s24+$0x0], $0xffff  }
0x211: {  	v25 =	vld.idx.msk [tilespmem:v8+s24+$0x0], $0xffff  }
0x212: {  	v26 =	vld.idx.msk [tilespmem:v9+s24+$0x0], $0xffff  }
0x213: {  	v27 =	vld.idx.msk [tilespmem:v10+s24+$0x0], $0xffff  }
0x214: {  	s7 =	sor.u32 $0x1, s0;
	vm0 =	vlt.s32 v23, v22;
	v23 =	vld.idx.msk [tilespmem:v12+s24+$0x0], $0xffff  }
0x215: {  	s8 =	sshll.u32 s7, $0x3;
	v28 =	vsel vm0, $0x1, v1;
	vm0 =	vlt.s32 v24, v22;
	v24 =	vld.idx.msk [tilespmem:v13+s24+$0x0], $0xffff  }
0x216: {  	v29 =	vsel vm0, $0x1, v1;
	vm0 =	vlt.s32 v25, v22;
	v25 =	vld.idx.msk [tilespmem:v11+s24+$0x0], $0xffff;
	v28 =	vor.u32 s8, v28  }
0x217: {  	v30 =	vsel vm0, $0x1, v1;
	vm0 =	vlt.s32 v26, v22;
	v26 =	vld.idx.msk [tilespmem:v14+s24+$0x0], $0xffff;
	v28 =	vadd.s32 v29, v28  }
0x218: {  	v56 =	vsel vm0, $0x1, v1;
	vm0 =	vlt.s32 v27, v22;
	v27 =	vld.idx.msk [tilespmem:v15+s24+$0x0], $0xffff;
	v28 =	vadd.s32 v30, v28  }
0x219: {  	v57 =	vsel vm0, $0x1, v1;
	vm0 =	vlt.s32 v23, v22;
	v23 =	vld.idx.msk [tilespmem:v16+s24+$0x0], $0xffff;
	v28 =	vadd.s32 v56, v28  }
0x21a: {  	v58 =	vsel vm0, $0x1, v1;
	vm0 =	vlt.s32 v24, v22;
	v24 =	vld.idx.msk [tilespmem:v17+s24+$0x0], $0xffff;
	v28 =	vadd.s32 v57, v28  }
0x21b: {  	v59 =	vsel vm0, $0x1, v1;
	vm0 =	vlt.s32 v25, v22;
	v25 =	vld.idx.msk [tilespmem:v18+s24+$0x0], $0xffff;
	v28 =	vadd.s32 v58, v28  }
0x21c: {  	v60 =	vsel vm0, $0x1, v1;
	vm0 =	vlt.s32 v26, v22;
	v26 =	vld.idx.msk [tilespmem:v19+s24+$0x0], $0xffff;
	v28 =	vadd.s32 v59, v28  }
0x21d: {  	v61 =	vsel vm0, $0x1, v1;
	vm0 =	vlt.s32 v27, v22;
	v27 =	vld.idx.msk [tilespmem:v20+s24+$0x0], $0xffff;
	v28 =	vadd.s32 v60, v28  }
0x21e: {  	v62 =	vsel vm0, $0x1, v1;
	vm0 =	vlt.s32 v23, v22;
	v23 =	vadd.s32 v61, v28  }
0x21f: {  	v63 =	vsel vm0, $0x1, v1;
	vm0 =	vlt.s32 v24, v22;
	v23 =	vadd.s32 v62, v23  }
0x220: {  	v24 =	vsel vm0, $0x1, v1;
	vm0 =	vlt.s32 v25, v22;
	v23 =	vadd.s32 v63, v23  }
0x221: {  	v25 =	vsel vm0, $0x1, v1;
	vm0 =	vlt.s32 v26, v22;
	v23 =	vadd.s32 v24, v23  }
0x222: {  	s7 =	sadd.s32 s7, s10;
	v24 =	vsel vm0, $0x1, v1;
	vm0 =	vlt.s32 v27, v22;
	v22 =	vadd.s32 v25, v23  }
0x223: {  	s7 =	smov.u32 @p0 s6;
	v23 =	vsel vm0, $0x1, v1;
	v22 =	vadd.s32 v24, v22  }
0x224: {  	s11 =	sshll.u32 s7, $0xD;
	v24 =	vld [tilespmem:$0xA080];
	v22 =	vadd.s32 v23, v22  }
0x225: {  	s7 =	sshll.u32 s7, $0x7;
	s8 =	sand.u32 $0x7FFF0000, s11  }
0x226: {  	s7 =	sand.u32 $0x280, s7;
	s8 =	sadd.s32 s3, s8  }
0x227: {  	s7 =	sor.u32 s7, s8  }
0x228: {  	s7 =	sshrl.u32 s7, $0x3  }
0x229: {  	s7 =	sadd.s32 s1, s7;
	[tilespmem:v22+s25+$0x0] =	vst.idx.msk $0xff, v24  }
0x22a: {  	[tilespmem:s15], [sflag:$0x2] =	stream.strided.gather [hbm4b:s7+s13], $0x2000, s14, s13, $0x38;
	[tilespmem:$0xAA00] =	vst v63  }
0x22b: {  	_ =	swait.ge [sflag:s28], $0x2000  }
0x22c: {  	[sflag:s28] =	ssyncset.done $0x0  }
0x22d: {  	s12 =	simm.s32 $0x4080;
	[sflag:s28] =	ssyncadd.s32 $0xFFFFE000  }
0x22e: {  	v22 =	vld [tilespmem:s12+$0xFFFFFF80]  }
0x22f: {  	v23 =	vld [tilespmem:s12+$0xFFFFFF90]  }
0x230: {  	v24 =	vld [tilespmem:s12+$0xFFFFFFA0]  }
0x231: {  	v25 =	vld [tilespmem:s12+$0xFFFFFFB0]  }
0x232: {  	v26 =	vld [tilespmem:s12+$0xFFFFFFC0]  }
0x233: {  	v21 =	vmax.f32 v21, v22;
	v22 =	vld [tilespmem:s12+$0xFFFFFFD0]  }
0x234: {  	v21 =	vmax.f32 v21, v23;
	v23 =	vld [tilespmem:s12+$0xFFFFFFE0]  }
0x235: {  	v21 =	vmax.f32 v21, v24;
	v24 =	vld [tilespmem:s12+$0xFFFFFFF0]  }
0x236: {  	v21 =	vmax.f32 v21, v25;
	v25 =	vld [tilespmem:s12+$0x0]  }
0x237: {  	v21 =	vmax.f32 v21, v26;
	v26 =	vld [tilespmem:s12+$0x10]  }
0x238: {  	v27 =	vld [tilespmem:s12+$0x20];
	v21 =	vmax.f32 v21, v22  }
0x239: {  	v22 =	vmax.f32 v21, v23;
	v21 =	vld [tilespmem:s12+$0x30]  }
0x23a: {  	v23 =	vmax.f32 v22, v24;
	v22 =	vld [tilespmem:s12+$0x40]  }
0x23b: {  	v24 =	vmax.f32 v23, v25;
	v23 =	vld [tilespmem:s12+$0x50]  }
0x23c: {  	v25 =	vmax.f32 v24, v26;
	v24 =	vld [tilespmem:s12+$0x60]  }
0x23d: {  	s8 =	simm.s32 $0x4180;
	s7 =	simm.s32 $0x0;
	v26 =	vmax.f32 v25, v27;
	v25 =	vld [tilespmem:s12+$0x70]  }
.LBB2_15:
0x23e: {  	v27 =	vld [tilespmem:s8+$0xFFFFFF80];
	s7 =	sadd.s32 $0x10, s7;
	v21 =	vmax.f32 v26, v21  }
0x23f: {  	v26 =	vld [tilespmem:s8+$0xFFFFFF90];
	p1 =	slt.u32 s7, $0x1F0;
	v21 =	vmax.f32 v21, v22  }
0x240: {  	v22 =	vld [tilespmem:s8+$0xFFFFFFA0];
	v21 =	vmax.f32 v21, v23  }
0x241: {  	v23 =	vld [tilespmem:s8+$0xFFFFFFB0];
	v21 =	vmax.f32 v21, v24  }
0x242: {  	v24 =	vld [tilespmem:s8+$0xFFFFFFC0];
	v21 =	vmax.f32 v21, v25  }
0x243: {  	v21 =	vmax.f32 v21, v27;
	v25 =	vld [tilespmem:s8+$0xFFFFFFD0]  }
0x244: {  	v21 =	vmax.f32 v21, v26;
	v26 =	vld [tilespmem:s8+$0xFFFFFFE0]  }
0x245: {  	v21 =	vmax.f32 v21, v22;
	v22 =	vld [tilespmem:s8+$0xFFFFFFF0]  }
0x246: {  	v21 =	vmax.f32 v21, v23;
	v23 =	vld [tilespmem:s8+$0x0]  }
0x247: {  	v21 =	vmax.f32 v21, v24;
	v24 =	vld [tilespmem:s8+$0x10]  }
0x248: {  	v21 =	vmax.f32 v21, v25;
	v25 =	vld [tilespmem:s8+$0x20]  }
.Ltmp12:
0x249: {  	v26 =	vmax.f32 v21, v26;
	v21 =	vld [tilespmem:s8+$0x30];
	(pc) =	sbr.rel @p1 .LBB2_15-.Ltmp12, $4  }
0x24a: {  	v26 =	vmax.f32 v26, v22;
	v22 =	vld [tilespmem:s8+$0x40]  }
0x24b: {  	v26 =	vmax.f32 v26, v23;
	v23 =	vld [tilespmem:s8+$0x50]  }
0x24c: {  	v26 =	vmax.f32 v26, v24;
	v24 =	vld [tilespmem:s8+$0x60]  }
0x24d: {  	v26 =	vmax.f32 v26, v25;
	v25 =	vld [tilespmem:s8+$0x70];
	s8 =	sadd.s32 $0x100, s8  }
0x24e: {  	v21 =	vmax.f32 v26, v21  }
0x24f: {  	v21 =	vmax.f32 v21, v22  }
0x250: {  	v21 =	vmax.f32 v21, v23  }
0x251: {  	v21 =	vmax.f32 v21, v24  }
0x252: {  	v21 =	vmax.f32 v21, v25  }
0x253: {  	(xrf1) =	vsort.ascd.msk.f32 $0xffff, v21, v21;
	_ =	sdelay $0xb  }
0x254: {  	s8 =	simm.s32 $0x4080  }
0x255: {  	v27 =	vld [tilespmem:s8+$0x50]  }
0x256: {  	vm0 =	vcmask $0x1B20;
	v28 =	vld [tilespmem:s8+$0x40];
	v21, _, _ =	vpop (xrf1)  }
0x257: {  	v26 =	vld [tilespmem:s8+$0x60];
	v21 =	vsel vm0, $0xFF800000, v21  }
0x258: {  	v29 =	vld [tilespmem:s8+$0x10];
	(xrf0) =	vmax.scan.msk.f32 $0xffff, v21  }
0x259: {  	v30 =	vld [tilespmem:s8+$0xFFFFFFB0]  }
0x25a: {  	v31 =	vld [tilespmem:s8+$0x20]  }
0x25b: {  	v33 =	vld [tilespmem:s8+$0x30]  }
0x25c: {  	v35 =	vld [tilespmem:s8+$0x0]  }
0x25d: {  	v24 =	vld [tilespmem:s8+$0xFFFFFF90]  }
0x25e: {  	v32 =	vimm.s32 $0x0;
	v38 =	vld [tilespmem:s8+$0xFFFFFFF0];
	v21, _, _ =	vpop (xrf0)  }
0x25f: {  	v39 =	vld [tilespmem:s8+$0xFFFFFF80];
	v40 =	vshll.u32 v32, $0x4;
	v23 =	vbroadcast v21, $0xF;
	v21 =	vlaneseq.u32  }
0x260: {  	v42 =	vld [tilespmem:s8+$0xFFFFFFC0];
	v40 =	vor.u32 v0, v40;
	v22 =	vadd.s32 $0x80, v21  }
0x261: {  	v43 =	vld [tilespmem:s8+$0xFFFFFFA0];
	v34 =	vadd.s32 $0x40, v21;
	v25 =	vadd.s32 $0xA0, v21;
	v37 =	vadd.s32 $0x50, v21  }
0x262: {  	v51 =	vld [tilespmem:s8+$0xFFFFFFE0];
	v41 =	vadd.s32 $0x70, v21;
	v44 =	vadd.s32 $0x60, v21;
	vm2 =	vge.f32 v24, v23  }
0x263: {  	v24 =	vadd.s32 $0x100, v21;
	vm7 =	vge.f32 v26, v23;
	vm9 =	vge.f32 v31, v23  }
0x264: {  	vm4 =	vge.f32 v28, v23;
	vm10 =	vge.f32 v35, v23;
	vm8 =	vge.f32 v33, v23  }
0x265: {  	vm11 =	vge.f32 v27, v23;
	vm12 =	vge.f32 v38, v23;
	vm5 =	vge.f32 v29, v23  }
0x266: {  	vm13 =	vge.f32 v39, v23;
	vm3 =	vge.f32 v30, v23;
	vm14 =	vge.f32 v42, v23  }
0x267: {  	vm6 =	vge.f32 v43, v23;
	vm15 =	vge.f32 v51, v23;
	v36 =	vsel vm2, $0x1, v1  }
0x268: {  	v31 =	vld [tilespmem:s8+$0xFFFFFFD0];
	v26 =	vsel vm7, $0x1, v1;
	v49 =	vsel vm10, $0x1, v1;
	v30 =	vsel vm12, $0x1, v1  }
0x269: {  	v27 =	vsel vm13, $0x1, v1;
	v50 =	vsel vm3, $0x1, v1;
	v52 =	vsel vm14, $0x1, v1  }
0x26a: {  	v29 =	vsel vm6, $0x1, v1;
	v53 =	vsel vm9, $0x1, v1;
	v28 =	vadd.s32 v27, v32  }
0x26b: {  	v58 =	vsel vm5, $0x1, v1;
	v59 =	vsel vm15, $0x1, v1;
	v27 =	vadd.s32 v36, v28  }
0x26c: {  	v45 =	vsel vm11, $0x1, v1;
	v61 =	vsel vm4, $0x1, v1;
	v36 =	vadd.s32 v29, v27  }
0x26d: {  	vm0 =	vge.f32 v31, v23;
	v31 =	vsel vm8, $0x1, v1;
	v35 =	vadd.s32 v50, v36  }
0x26e: {  	v54 =	vsel vm0, $0x1, v1;
	v55 =	vshll.u32 v35, $0x4;
	v32 =	vadd.s32 v52, v35  }
0x26f: {  	v56 =	vor.u32 v0, v55;
	v57 =	vshll.u32 v32, $0x4;
	v32 =	vadd.s32 v54, v32  }
0x270: {  	v38 =	vor.u32 v0, v57;
	v60 =	vshll.u32 v32, $0x4;
	v32 =	vadd.s32 v59, v32  }
0x271: {  	v43 =	vor.u32 v0, v60;
	v30 =	vadd.s32 v30, v32;
	v32 =	vshll.u32 v32, $0x4  }
0x272: {  	v29 =	vshll.u32 v36, $0x4;
	v32 =	vor.u32 v0, v32;
	v33 =	vadd.s32 v49, v30  }
0x273: {  	[tilespmem:v40+s19+$0x0] =	vst.idx.msk vm13, v21;
	v30 =	vshll.u32 v30, $0x4;
	v36 =	vshll.u32 v33, $0x4;
	v33 =	vadd.s32 v58, v33  }
0x274: {  	v35 =	vor.u32 v0, v30;
	[tilespmem:v56+s19+$0x0] =	vst.idx.msk vm14, v34;
	v30 =	vshll.u32 v33, $0x4;
	v62 =	vadd.s32 v53, v33  }
0x275: {  	[tilespmem:v38+s19+$0x0] =	vst.idx.msk vm0, v37;
	v33 =	vor.u32 v0, v30;
	v30 =	vshll.u32 v62, $0x4;
	v31 =	vadd.s32 v31, v62  }
0x276: {  	[tilespmem:v43+s19+$0x0] =	vst.idx.msk vm15, v44;
	v34 =	vor.u32 v0, v30;
	v30 =	vshll.u32 v31, $0x4;
	v63 =	vadd.s32 v61, v31  }
0x277: {  	s7 =	simm.s32 $0x0;
	v37 =	vld [tilespmem:s8+$0x70];
	s8 =	simm.s32 $0x4180;
	[tilespmem:v32+s19+$0x0] =	vst.idx.msk vm12, v41;
	v32 =	vor.u32 v0, v30;
	v31 =	vshll.u32 v63, $0x4;
	v30 =	vadd.s32 v45, v63  }
.LBB2_17:
0x278: {  	v28 =	vshll.u32 v28, $0x4;
	v29 =	vor.u32 v0, v29;
	v36 =	vor.u32 v0, v36  }
0x279: {  	v38 =	vld [tilespmem:s8+$0xFFFFFF90];
	s7 =	sadd.s32 $0x10, s7;
	vm14 =	vmmov vm2;
	vm12 =	vmmov vm7;
	vm13 =	vmmov vm11  }
0x27a: {  	v27 =	vshll.u32 v27, $0x4;
	v39 =	vld [tilespmem:s8+$0x50];
	p1 =	slt.u32 s7, $0x1F0;
	v28 =	vor.u32 v0, v28;
	[tilespmem:v35+s19+$0x0] =	vst.idx.msk vm10, v22;
	v22 =	vadd.s32 $0x80, v24  }
0x27b: {  	v27 =	vor.u32 v0, v27;
	v35 =	vld [tilespmem:s8+$0x40];
	[tilespmem:v33+s19+$0x0] =	vst.idx.msk vm9, v25;
	v25 =	vadd.s32 $0xB0, v21;
	v33 =	vadd.s32 $0xF0, v21  }
0x27c: {  	v41 =	vadd.s32 $0xE0, v21;
	v40 =	vld [tilespmem:s8+$0x60];
	[tilespmem:v34+s19+$0x0] =	vst.idx.msk vm8, v25;
	v25 =	vadd.s32 $0xC0, v21;
	v34 =	vadd.s32 $0xD0, v21  }
0x27d: {  	v43 =	vadd.s32 $0x20, v21;
	v44 =	vadd.s32 $0x30, v21;
	v45 =	vadd.s32 $0x90, v21;
	v42 =	vld [tilespmem:s8+$0x10];
	[tilespmem:v32+s19+$0x0] =	vst.idx.msk vm4, v25  }
0x27e: {  	v46 =	vadd.s32 $0x10, v21;
	v21 =	vmovc v24;
	vm2 =	vge.f32 v38, v23;
	v32 =	vld [tilespmem:s8+$0xFFFFFFB0];
	v38 =	vadd.s32 $0x40, v24;
	[tilespmem:v36+s19+$0x0] =	vst.idx.msk vm5, v45  }
0x27f: {  	v25 =	vadd.s32 $0xA0, v24;
	vm15 =	vge.f32 v37, v23;
	v36 =	vsel vm2, $0x1, v1;
	v45 =	vld [tilespmem:s8+$0x20];
	[tilespmem:v28+s19+$0x0] =	vst.idx.msk vm14, v46  }
0x280: {  	v37 =	vadd.s32 $0x50, v21;
	v24 =	vadd.s32 $0x100, v24;
	v46 =	vsel vm15, $0x1, v1;
	v28 =	vld [tilespmem:s8+$0x30]  }
0x281: {  	v26 =	vadd.s32 v26, v30;
	v47 =	vadd.s32 $0x70, v21;
	v48 =	vld [tilespmem:s8+$0x0];
	[tilespmem:v27+s19+$0x0] =	vst.idx.msk vm6, v43;
	v27 =	vor.u32 v0, v31  }
0x282: {  	v43 =	vadd.s32 v46, v26;
	v31 =	vld [tilespmem:s8+$0xFFFFFFF0];
	[tilespmem:v29+s19+$0x0] =	vst.idx.msk vm3, v44;
	v29 =	vshll.u32 v30, $0x4;
	v30 =	vshll.u32 v26, $0x4  }
0x283: {  	vm7 =	vge.f32 v40, v23;
	v26 =	vshll.u32 v43, $0x4;
	v44 =	vld [tilespmem:s8+$0xFFFFFF80];
	v30 =	vor.u32 v0, v30  }
0x284: {  	v40 =	vor.u32 v0, v26;
	v26 =	vsel vm7, $0x1, v1;
	v29 =	vor.u32 v0, v29;
	v46 =	vld [tilespmem:s8+$0xFFFFFFC0]  }
0x285: {  	v50 =	vadd.s32 $0x60, v21;
	vm4 =	vge.f32 v35, v23;
	vm9 =	vge.f32 v45, v23;
	v49 =	vld [tilespmem:s8+$0xFFFFFFA0]  }
0x286: {  	vm11 =	vge.f32 v39, v23;
	vm8 =	vge.f32 v28, v23;
	vm10 =	vge.f32 v48, v23  }
0x287: {  	vm5 =	vge.f32 v42, v23;
	v35 =	vld [tilespmem:s8+$0xFFFFFFD0];
	vm14 =	vge.f32 v31, v23;
	v31 =	vsel vm10, $0x1, v1;
	[tilespmem:v27+s19+$0x0] =	vst.idx.msk vm13, v34  }
0x288: {  	vm3 =	vge.f32 v32, v23;
	vm0 =	vge.f32 v44, v23;
	v32 =	vsel vm14, $0x1, v1;
	[tilespmem:v30+s19+$0x0] =	vst.idx.msk vm15, v33  }
0x289: {  	v30 =	vsel vm3, $0x1, v1;
	v27 =	vsel vm0, $0x1, v1;
	vm13 =	vge.f32 v46, v23;
	v33 =	vld [tilespmem:s8+$0xFFFFFFE0];
	[tilespmem:v29+s19+$0x0] =	vst.idx.msk vm12, v41  }
0x28a: {  	v28 =	vadd.s32 v27, v43;
	vm6 =	vge.f32 v49, v23;
	v34 =	vsel vm13, $0x1, v1  }
0x28b: {  	v39 =	vsel vm9, $0x1, v1;
	v27 =	vadd.s32 v36, v28;
	v29 =	vsel vm6, $0x1, v1  }
0x28c: {  	v41 =	vsel vm8, $0x1, v1;
	v36 =	vadd.s32 v29, v27;
	vm12 =	vge.f32 v35, v23  }
0x28d: {  	v29 =	vshll.u32 v36, $0x4;
	v30 =	vadd.s32 v30, v36;
	v35 =	vsel vm12, $0x1, v1  }
0x28e: {  	[tilespmem:v40+s19+$0x0] =	vst.idx.msk vm0, v21;
	v36 =	vshll.u32 v30, $0x4;
	v30 =	vadd.s32 v34, v30;
	vm15 =	vge.f32 v33, v23  }
0x28f: {  	v40 =	vsel vm5, $0x1, v1;
	v33 =	vor.u32 v0, v36;
	v34 =	vshll.u32 v30, $0x4  }
0x290: {  	v30 =	vadd.s32 v35, v30;
	v35 =	vsel vm15, $0x1, v1;
	v34 =	vor.u32 v0, v34  }
0x291: {  	v42 =	vsel vm11, $0x1, v1;
	v36 =	vshll.u32 v30, $0x4;
	v30 =	vadd.s32 v35, v30  }
0x292: {  	v43 =	vor.u32 v0, v36;
	v35 =	vshll.u32 v30, $0x4;
	v30 =	vadd.s32 v32, v30  }
0x293: {  	v32 =	vor.u32 v0, v35;
	v35 =	vshll.u32 v30, $0x4;
	v30 =	vadd.s32 v31, v30  }
.Ltmp13:
0x294: {  	v31 =	vsel vm4, $0x1, v1;
	v36 =	vshll.u32 v30, $0x4;
	v30 =	vadd.s32 v40, v30;
	[tilespmem:v33+s19+$0x0] =	vst.idx.msk vm13, v38;
	(pc) =	sbr.rel @p1 .LBB2_17-.Ltmp13, $4  }
0x295: {  	v35 =	vor.u32 v0, v35;
	v33 =	vshll.u32 v30, $0x4;
	v30 =	vadd.s32 v39, v30;
	[tilespmem:v34+s19+$0x0] =	vst.idx.msk vm12, v37  }
0x296: {  	v33 =	vor.u32 v0, v33;
	v34 =	vshll.u32 v30, $0x4;
	v30 =	vadd.s32 v41, v30  }
0x297: {  	v34 =	vor.u32 v0, v34;
	v37 =	vshll.u32 v30, $0x4;
	v30 =	vadd.s32 v31, v30;
	[tilespmem:v43+s19+$0x0] =	vst.idx.msk vm15, v50  }
0x298: {  	v31 =	vshll.u32 v30, $0x4;
	v30 =	vadd.s32 v42, v30;
	[tilespmem:v32+s19+$0x0] =	vst.idx.msk vm14, v47;
	v32 =	vor.u32 v0, v37;
	v37 =	vld [tilespmem:s8+$0x70];
	s8 =	sadd.s32 $0x100, s8  }
0x299: {  	_ =	sdelay $0x3  }
0x29a: {  	vm12 =	vge.f32 v37, v23  }
0x29b: {  	v24 =	vadd.s32 v26, v30;
	v23 =	vsel vm12, $0x1, v1  }
0x29c: {  	v23 =	vadd.s32 v23, v24  }
0x29d: {  	v49 =	vxor.u32 $0x80000000, v23  }
0x29e: {  	(xrf0) =	vmax.scan.msk.u32 $0xffff, v49;
	_ =	sdelay $0x5  }
0x29f: {  	v26, _, _ =	vpop (xrf0)  }
0x2a0: {  	(v2sf) =	vpush v26, $0xF;
	_ =	sdelay $0x5  }
0x2a1: {  	v50 =	vshll.u32 v28, $0x4;
	vm0 =	vmmov vm2  }
0x2a2: {  	[tilespmem:v35+s19+$0x0] =	vst.idx.msk vm10, v22;
	v22 =	vor.u32 v0, v50;
	_ =	sdelay $0x1  }
0x2a3: {  	v51 =	vor.u32 v0, v36  }
0x2a4: {  	v53 =	vor.u32 v0, v29;
	[tilespmem:v33+s19+$0x0] =	vst.idx.msk vm9, v25;
	v54 =	vadd.s32 $0xB0, v21;
	vm2 =	vmmov vm7  }
0x2a5: {  	v57 =	vor.u32 v0, v31;
	v58 =	vadd.s32 $0x10, v21;
	v59 =	vshll.u32 v30, $0x4;
	[tilespmem:v34+s19+$0x0] =	vst.idx.msk vm8, v54  }
0x2a6: {  	v55 =	vadd.s32 $0xC0, v21;
	v24 =	vshll.u32 v24, $0x4;
	[tilespmem:v22+s19+$0x0] =	vst.idx.msk vm0, v58;
	v22 =	vor.u32 v0, v59  }
0x2a7: {  	v52 =	vshll.u32 v27, $0x4;
	v56 =	vadd.s32 $0x90, v21;
	[tilespmem:v32+s19+$0x0] =	vst.idx.msk vm4, v55;
	v24 =	vor.u32 v0, v24  }
0x2a8: {  	v61 =	vadd.s32 $0x30, v21;
	[tilespmem:v51+s19+$0x0] =	vst.idx.msk vm5, v56;
	v26 =	vor.u32 v0, v52  }
0x2a9: {  	v62 =	vadd.s32 $0xD0, v21;
	[tilespmem:v53+s19+$0x0] =	vst.idx.msk vm3, v61;
	s7 =	spop (v2sf)  }
0x2aa: {  	v60 =	vadd.s32 $0x20, v21;
	v63 =	vadd.s32 $0xF0, v21;
	v21 =	vadd.s32 $0xE0, v21;
	[tilespmem:v57+s19+$0x0] =	vst.idx.msk vm11, v62;
	s7 =	sshll.u32 s7, $0x1  }
0x2ab: {  	[tilespmem:v22+s19+$0x0] =	vst.idx.msk vm2, v21;
	p1 =	slt.s32 s7, $0x1  }
.Ltmp14:
0x2ac: {  	[tilespmem:v24+s19+$0x0] =	vst.idx.msk vm12, v63;
	(pc) =	sbr.rel @p1 .LBB2_20-.Ltmp14, $4  }
0x2ad: {  	[tilespmem:v26+s19+$0x0] =	vst.idx.msk vm6, v60  }
0x2ae: {  	[tilespmem:$0xA000] =	vst v23  }
0x2af: {  	[tilespmem:$0xA080] =	vst v2  }
0x2b0: {  	vm15 =	vmmov vm11;
	s8 =	simm.s32 $0x0;
	s9 =	simm.s32 $0x0;
	[tilespmem:$0xA100] =	vst v3  }
.LBB2_19:
0x2b1: {  	s11 =	sand.u32 $0x8, s8  }
0x2b2: {  	s12 =	sshrl.u32 s9, $0x1;
	v21 =	vor.u32 s11, v4  }
0x2b3: {  	s11 =	sshll.u32 s12, $0x4  }
0x2b4: {  	v22 =	vor.u32 s11, v21;
	_ =	sdelay $0x2  }
0x2b5: {  	v21 =	vld.idx.msk [tilespmem:v21+s20+$0x0], $0xffff;
	_ =	sdelay $0x1  }
0x2b6: {  	v22 =	vld.idx.msk [tilespmem:v22+s19+$0x0], $0xffff;
	_ =	sdelay $0x1  }
0x2b7: {  	v23 =	vmov s12  }
0x2b8: {  	vm0 =	vlt.s32 v23, v21  }
0x2b9: {  	vm0 =	vmand vm0, vm1  }
0x2ba: {  	v21 =	vnsel vm0, $0x0, v22;
	_ =	sdelay $0x4  }
0x2bb: {  	v22 =	vld.idx.msk [tilespmem:v21+s16+$0x0], $0xffff;
	_ =	sdelay $0x2  }
0x2bc: {  	[tilespmem:$0xA088] =	vst v2  }
0x2bd: {  	[tilespmem:$0xA108] =	vst v5  }
0x2be: {  	[tilespmem:s21+$0x0] =	vst.msk vm0, v22  }
0x2bf: {  	[tilespmem:s22+$0x0] =	vst.msk vm0, v21  }
0x2c0: {  	v22 =	vld [tilespmem:$0xA080]  }
0x2c1: {  	v21 =	vld [tilespmem:$0xA100]  }
0x2c2: {  	v23 =	vld.idx.msk [tilespmem:v6+s23+$0x0], $0xffff  }
0x2c3: {  	v24 =	vld.idx.msk [tilespmem:v6+s24+$0x0], $0xffff  }
0x2c4: {  	v25 =	vld.idx.msk [tilespmem:v7+s23+$0x0], $0xffff  }
0x2c5: {  	v26 =	vld.idx.msk [tilespmem:v7+s24+$0x0], $0xffff  }
0x2c6: {  	v61 =	vld.idx.msk [tilespmem:v9+s24+$0x0], $0xffff  }
0x2c7: {  	v33 =	vld.idx.msk [tilespmem:v12+s24+$0x0], $0xffff  }
0x2c8: {  	v39 =	vld.idx.msk [tilespmem:v11+s24+$0x0], $0xffff  }
0x2c9: {  	v45 =	vld.idx.msk [tilespmem:v15+s24+$0x0], $0xffff  }
0x2ca: {  	v50 =	vld.idx.msk [tilespmem:v17+s23+$0x0], $0xffff  }
0x2cb: {  	v52 =	vld.idx.msk [tilespmem:v18+s23+$0x0], $0xffff  }
0x2cc: {  	v54 =	vld.idx.msk [tilespmem:v18+s24+$0x0], $0xffff  }
0x2cd: {  	v31 =	vld.idx.msk [tilespmem:v19+s23+$0x0], $0xffff  }
0x2ce: {  	vm0 =	vgt.f32 v23, v22;
	vm2 =	veq.f32 v23, v22  }
0x2cf: {  	v28 =	vld.idx.msk [tilespmem:v8+s24+$0x0], $0xffff;
	vm3 =	vlt.s32 v24, v21;
	vm4 =	veq.f32 v25, v22;
	vm5 =	vlt.s32 v26, v21  }
0x2d0: {  	v27 =	vld.idx.msk [tilespmem:v8+s23+$0x0], $0xffff;
	vm14 =	vlt.s32 v61, v21;
	vm15 =	vlt.s32 v33, v21;
	vm8 =	vlt.s32 v39, v21  }
0x2d1: {  	v23 =	vld.idx.msk [tilespmem:v9+s23+$0x0], $0xffff;
	vm9 =	vlt.s32 v45, v21;
	vm10 =	veq.f32 v50, v22;
	vm11 =	vlt.s32 v54, v21  }
0x2d2: {  	vm12 =	veq.f32 v52, v22;
	vm13 =	vgt.f32 v31, v22;
	vm2 =	vmand vm2, vm3  }
0x2d3: {  	v62 =	vld.idx.msk [tilespmem:v10+s23+$0x0], $0xffff;
	vm3 =	vgt.f32 v25, v22;
	vm4 =	vmand vm4, vm5;
	vm0 =	vmor vm0, vm2  }
0x2d4: {  	v30 =	vld.idx.msk [tilespmem:v10+s24+$0x0], $0xffff;
	vm2 =	vmor vm3, vm4;
	vm3 =	vlt.s32 v28, v21;
	vm4 =	vmand vm12, vm11  }
0x2d5: {  	v63 =	vsel vm0, $0x1, v1;
	v29 =	vsel vm2, $0x1, v1;
	vm2 =	veq.f32 v27, v22  }
0x2d6: {  	v32 =	vld.idx.msk [tilespmem:v12+s23+$0x0], $0xffff;
	vm0 =	vgt.f32 v27, v22;
	vm2 =	vmand vm2, vm3;
	vm3 =	veq.f32 v23, v22  }
0x2d7: {  	v35 =	vld.idx.msk [tilespmem:v13+s23+$0x0], $0xffff;
	vm0 =	vmor vm0, vm2;
	vm2 =	vgt.f32 v23, v22;
	v23 =	vadd.s32 v63, v29  }
0x2d8: {  	v57 =	vld.idx.msk [tilespmem:v20+s23+$0x0], $0xffff;
	vm3 =	vmand vm3, vm14;
	v34 =	vsel vm0, $0x1, v1;
	vm14 =	veq.f32 v31, v22  }
0x2d9: {  	v37 =	vld.idx.msk [tilespmem:v13+s24+$0x0], $0xffff;
	vm0 =	vmor vm2, vm3;
	vm2 =	veq.f32 v62, v22;
	vm3 =	vlt.s32 v30, v21  }
0x2da: {  	v36 =	vsel vm0, $0x1, v1;
	vm0 =	vgt.f32 v62, v22;
	vm2 =	vmand vm2, vm3  }
0x2db: {  	v38 =	vld.idx.msk [tilespmem:v11+s23+$0x0], $0xffff;
	v23 =	vadd.s32 v34, v23;
	vm3 =	veq.f32 v32, v22;
	vm0 =	vmor vm0, vm2  }
0x2dc: {  	v41 =	vld.idx.msk [tilespmem:v14+s23+$0x0], $0xffff;
	vm2 =	vgt.f32 v32, v22;
	vm3 =	vmand vm3, vm15;
	v23 =	vadd.s32 v36, v23  }
0x2dd: {  	v43 =	vld.idx.msk [tilespmem:v14+s24+$0x0], $0xffff;
	vm15 =	veq.f32 v57, v22;
	v40 =	vsel vm0, $0x1, v1;
	vm0 =	vmor vm2, vm3  }
0x2de: {  	vm2 =	veq.f32 v35, v22;
	vm3 =	vlt.s32 v37, v21;
	v23 =	vadd.s32 v40, v23  }
0x2df: {  	v44 =	vld.idx.msk [tilespmem:v15+s23+$0x0], $0xffff;
	v42 =	vsel vm0, $0x1, v1;
	vm0 =	vgt.f32 v35, v22;
	vm2 =	vmand vm2, vm3  }
0x2e0: {  	vm3 =	veq.f32 v38, v22;
	vm0 =	vmor vm0, vm2;
	vm2 =	vgt.f32 v38, v22  }
0x2e1: {  	v49 =	vld.idx.msk [tilespmem:v16+s24+$0x0], $0xffff;
	vm3 =	vmand vm3, vm8;
	v23 =	vadd.s32 v42, v23;
	v46 =	vsel vm0, $0x1, v1  }
0x2e2: {  	v47 =	vld.idx.msk [tilespmem:v16+s23+$0x0], $0xffff;
	vm0 =	vmor vm2, vm3;
	vm2 =	veq.f32 v41, v22;
	vm3 =	vlt.s32 v43, v21  }
0x2e3: {  	v48 =	vsel vm0, $0x1, v1;
	vm0 =	vgt.f32 v41, v22;
	vm2 =	vmand vm2, vm3  }
0x2e4: {  	v51 =	vld.idx.msk [tilespmem:v17+s24+$0x0], $0xffff;
	v23 =	vadd.s32 v46, v23;
	vm3 =	veq.f32 v44, v22;
	vm0 =	vmor vm0, vm2  }
0x2e5: {  	v56 =	vld.idx.msk [tilespmem:v19+s24+$0x0], $0xffff;
	vm2 =	vgt.f32 v44, v22;
	vm3 =	vmand vm3, vm9;
	v23 =	vadd.s32 v48, v23  }
0x2e6: {  	v53 =	vsel vm0, $0x1, v1;
	vm0 =	vmor vm2, vm3;
	vm2 =	vlt.s32 v49, v21  }
0x2e7: {  	v58 =	vld.idx.msk [tilespmem:v20+s24+$0x0], $0xffff;
	v23 =	vadd.s32 v53, v23;
	v55 =	vsel vm0, $0x1, v1;
	vm0 =	veq.f32 v47, v22  }
0x2e8: {  	vm3 =	vgt.f32 v47, v22;
	v23 =	vadd.s32 v55, v23;
	vm0 =	vmand vm0, vm2  }
0x2e9: {  	vm2 =	vgt.f32 v50, v22;
	vm0 =	vmor vm3, vm0;
	vm3 =	vlt.s32 v51, v21  }
0x2ea: {  	vm3 =	vmand vm10, vm3;
	v59 =	vsel vm0, $0x1, v1;
	vm0 =	vlt.s32 v56, v21  }
0x2eb: {  	vm2 =	vmor vm2, vm3;
	vm3 =	vgt.f32 v52, v22;
	vm0 =	vmand vm14, vm0  }
0x2ec: {  	v23 =	vadd.s32 v59, v23;
	v60 =	vsel vm2, $0x1, v1;
	vm2 =	vlt.s32 v58, v21  }
0x2ed: {  	vm3 =	vmor vm3, vm4;
	vm0 =	vmor vm13, vm0;
	vm2 =	vmand vm15, vm2  }
0x2ee: {  	s9 =	sadd.s32 $0x1, s9;
	v23 =	vadd.s32 v60, v23;
	v61 =	vsel vm3, $0x1, v1;
	vm3 =	vgt.f32 v57, v22  }
0x2ef: {  	p1 =	sne.s32 s7, s9;
	v62 =	vsel vm0, $0x1, v1;
	v23 =	vadd.s32 v61, v23;
	vm0 =	vmor vm3, vm2  }
.Ltmp15:
0x2f0: {  	v23 =	vadd.s32 v62, v23;
	v63 =	vsel vm0, $0x1, v1;
	(pc) =	sbr.rel @p1 .LBB2_19-.Ltmp15, $4  }
0x2f1: {  	v23 =	vadd.s32 v63, v23  }
0x2f2: {  	vm0 =	vlt.u32 v23, $0x8  }
0x2f3: {  	[tilespmem:s23+$0x0] =	vst.msk vm0, v22  }
0x2f4: {  	s8 =	sadd.s32 $0x8, s8;
	[tilespmem:s24+$0x0] =	vst.msk vm0, v21  }
.LBB2_20:
0x2f5: {  	_ =	sdelay $0x1  }
0x2f6: {  	v21 =	vimm.f32 $-Inf;
	[tilespmem:$0xA108] =	vst v3  }
0x2f7: {  	[tilespmem:$0xA088] =	vst v21;
	v22 =	vld [tilespmem:$0xA100]  }
0x2f8: {  	v23 =	vld.idx.msk [tilespmem:v6+s24+$0x0], $0xffff  }
0x2f9: {  	v24 =	vld.idx.msk [tilespmem:v7+s24+$0x0], $0xffff  }
0x2fa: {  	v25 =	vld.idx.msk [tilespmem:v8+s24+$0x0], $0xffff  }
0x2fb: {  	v26 =	vld.idx.msk [tilespmem:v9+s24+$0x0], $0xffff  }
0x2fc: {  	v27 =	vld.idx.msk [tilespmem:v10+s24+$0x0], $0xffff  }
0x2fd: {  	s7 =	sor.u32 $0x2, s0;
	vm0 =	vlt.s32 v23, v22;
	v23 =	vld.idx.msk [tilespmem:v12+s24+$0x0], $0xffff  }
0x2fe: {  	s8 =	sshll.u32 s7, $0x3;
	v28 =	vsel vm0, $0x1, v1;
	vm0 =	vlt.s32 v24, v22;
	v24 =	vld.idx.msk [tilespmem:v13+s24+$0x0], $0xffff  }
0x2ff: {  	v29 =	vsel vm0, $0x1, v1;
	vm0 =	vlt.s32 v25, v22;
	v25 =	vld.idx.msk [tilespmem:v11+s24+$0x0], $0xffff;
	v28 =	vor.u32 s8, v28  }
0x300: {  	v30 =	vsel vm0, $0x1, v1;
	vm0 =	vlt.s32 v26, v22;
	v26 =	vld.idx.msk [tilespmem:v14+s24+$0x0], $0xffff;
	v28 =	vadd.s32 v29, v28  }
0x301: {  	v56 =	vsel vm0, $0x1, v1;
	vm0 =	vlt.s32 v27, v22;
	v27 =	vld.idx.msk [tilespmem:v15+s24+$0x0], $0xffff;
	v28 =	vadd.s32 v30, v28  }
0x302: {  	v57 =	vsel vm0, $0x1, v1;
	vm0 =	vlt.s32 v23, v22;
	v23 =	vld.idx.msk [tilespmem:v16+s24+$0x0], $0xffff;
	v28 =	vadd.s32 v56, v28  }
0x303: {  	v58 =	vsel vm0, $0x1, v1;
	vm0 =	vlt.s32 v24, v22;
	v24 =	vld.idx.msk [tilespmem:v17+s24+$0x0], $0xffff;
	v28 =	vadd.s32 v57, v28  }
0x304: {  	v59 =	vsel vm0, $0x1, v1;
	vm0 =	vlt.s32 v25, v22;
	v25 =	vld.idx.msk [tilespmem:v18+s24+$0x0], $0xffff;
	v28 =	vadd.s32 v58, v28  }
0x305: {  	v60 =	vsel vm0, $0x1, v1;
	vm0 =	vlt.s32 v26, v22;
	v26 =	vld.idx.msk [tilespmem:v19+s24+$0x0], $0xffff;
	v28 =	vadd.s32 v59, v28  }
0x306: {  	v61 =	vsel vm0, $0x1, v1;
	vm0 =	vlt.s32 v27, v22;
	v27 =	vld.idx.msk [tilespmem:v20+s24+$0x0], $0xffff;
	v28 =	vadd.s32 v60, v28  }
0x307: {  	v62 =	vsel vm0, $0x1, v1;
	vm0 =	vlt.s32 v23, v22;
	v23 =	vadd.s32 v61, v28  }
0x308: {  	v63 =	vsel vm0, $0x1, v1;
	vm0 =	vlt.s32 v24, v22;
	v23 =	vadd.s32 v62, v23  }
0x309: {  	v24 =	vsel vm0, $0x1, v1;
	vm0 =	vlt.s32 v25, v22;
	v23 =	vadd.s32 v63, v23  }
0x30a: {  	v25 =	vsel vm0, $0x1, v1;
	vm0 =	vlt.s32 v26, v22;
	v23 =	vadd.s32 v24, v23  }
0x30b: {  	s7 =	sadd.s32 s7, s10;
	v24 =	vsel vm0, $0x1, v1;
	vm0 =	vlt.s32 v27, v22;
	v22 =	vadd.s32 v25, v23  }
0x30c: {  	s7 =	smov.u32 @p0 s6;
	v23 =	vsel vm0, $0x1, v1;
	v22 =	vadd.s32 v24, v22  }
0x30d: {  	s11 =	sshll.u32 s7, $0xD;
	v24 =	vld [tilespmem:$0xA080];
	v22 =	vadd.s32 v23, v22  }
0x30e: {  	s7 =	sshll.u32 s7, $0x7;
	s8 =	sand.u32 $0x7FFF0000, s11  }
0x30f: {  	s7 =	sand.u32 $0x300, s7;
	s8 =	sadd.s32 s3, s8  }
0x310: {  	s7 =	sor.u32 s7, s8  }
0x311: {  	s7 =	sshrl.u32 s7, $0x3  }
0x312: {  	s7 =	sadd.s32 s1, s7;
	[tilespmem:v22+s25+$0x0] =	vst.idx.msk $0xff, v24  }
0x313: {  	[tilespmem:s16], [sflag:$0x3] =	stream.strided.gather [hbm4b:s7+s13], $0x2000, s14, s13, $0x38;
	[tilespmem:$0xAA00] =	vst v63  }
0x314: {  	_ =	swait.ge [sflag:s29], $0x2000  }
0x315: {  	[sflag:s29] =	ssyncset.done $0x0  }
0x316: {  	s12 =	simm.s32 $0x6080;
	[sflag:s29] =	ssyncadd.s32 $0xFFFFE000  }
0x317: {  	v22 =	vld [tilespmem:s12+$0xFFFFFF80]  }
0x318: {  	v23 =	vld [tilespmem:s12+$0xFFFFFF90]  }
0x319: {  	v24 =	vld [tilespmem:s12+$0xFFFFFFA0]  }
0x31a: {  	v25 =	vld [tilespmem:s12+$0xFFFFFFB0]  }
0x31b: {  	v26 =	vld [tilespmem:s12+$0xFFFFFFC0]  }
0x31c: {  	v21 =	vmax.f32 v21, v22;
	v22 =	vld [tilespmem:s12+$0xFFFFFFD0]  }
0x31d: {  	v21 =	vmax.f32 v21, v23;
	v23 =	vld [tilespmem:s12+$0xFFFFFFE0]  }
0x31e: {  	v21 =	vmax.f32 v21, v24;
	v24 =	vld [tilespmem:s12+$0xFFFFFFF0]  }
0x31f: {  	v21 =	vmax.f32 v21, v25;
	v25 =	vld [tilespmem:s12+$0x0]  }
0x320: {  	v21 =	vmax.f32 v21, v26;
	v26 =	vld [tilespmem:s12+$0x10]  }
0x321: {  	v27 =	vld [tilespmem:s12+$0x20];
	v21 =	vmax.f32 v21, v22  }
0x322: {  	v22 =	vmax.f32 v21, v23;
	v21 =	vld [tilespmem:s12+$0x30]  }
0x323: {  	v23 =	vmax.f32 v22, v24;
	v22 =	vld [tilespmem:s12+$0x40]  }
0x324: {  	v24 =	vmax.f32 v23, v25;
	v23 =	vld [tilespmem:s12+$0x50]  }
0x325: {  	v25 =	vmax.f32 v24, v26;
	v24 =	vld [tilespmem:s12+$0x60]  }
0x326: {  	s8 =	simm.s32 $0x6180;
	s7 =	simm.s32 $0x0;
	v26 =	vmax.f32 v25, v27;
	v25 =	vld [tilespmem:s12+$0x70]  }
.LBB2_21:
0x327: {  	v27 =	vld [tilespmem:s8+$0xFFFFFF80];
	s7 =	sadd.s32 $0x10, s7;
	v21 =	vmax.f32 v26, v21  }
0x328: {  	v26 =	vld [tilespmem:s8+$0xFFFFFF90];
	p1 =	slt.u32 s7, $0x1F0;
	v21 =	vmax.f32 v21, v22  }
0x329: {  	v22 =	vld [tilespmem:s8+$0xFFFFFFA0];
	v21 =	vmax.f32 v21, v23  }
0x32a: {  	v23 =	vld [tilespmem:s8+$0xFFFFFFB0];
	v21 =	vmax.f32 v21, v24  }
0x32b: {  	v24 =	vld [tilespmem:s8+$0xFFFFFFC0];
	v21 =	vmax.f32 v21, v25  }
0x32c: {  	v21 =	vmax.f32 v21, v27;
	v25 =	vld [tilespmem:s8+$0xFFFFFFD0]  }
0x32d: {  	v21 =	vmax.f32 v21, v26;
	v26 =	vld [tilespmem:s8+$0xFFFFFFE0]  }
0x32e: {  	v21 =	vmax.f32 v21, v22;
	v22 =	vld [tilespmem:s8+$0xFFFFFFF0]  }
0x32f: {  	v21 =	vmax.f32 v21, v23;
	v23 =	vld [tilespmem:s8+$0x0]  }
0x330: {  	v21 =	vmax.f32 v21, v24;
	v24 =	vld [tilespmem:s8+$0x10]  }
0x331: {  	v21 =	vmax.f32 v21, v25;
	v25 =	vld [tilespmem:s8+$0x20]  }
.Ltmp16:
0x332: {  	v26 =	vmax.f32 v21, v26;
	v21 =	vld [tilespmem:s8+$0x30];
	(pc) =	sbr.rel @p1 .LBB2_21-.Ltmp16, $4  }
0x333: {  	v26 =	vmax.f32 v26, v22;
	v22 =	vld [tilespmem:s8+$0x40]  }
0x334: {  	v26 =	vmax.f32 v26, v23;
	v23 =	vld [tilespmem:s8+$0x50]  }
0x335: {  	v26 =	vmax.f32 v26, v24;
	v24 =	vld [tilespmem:s8+$0x60]  }
0x336: {  	v26 =	vmax.f32 v26, v25;
	v25 =	vld [tilespmem:s8+$0x70];
	s8 =	sadd.s32 $0x100, s8  }
0x337: {  	v21 =	vmax.f32 v26, v21  }
0x338: {  	v21 =	vmax.f32 v21, v22  }
0x339: {  	v21 =	vmax.f32 v21, v23  }
0x33a: {  	v21 =	vmax.f32 v21, v24  }
0x33b: {  	v21 =	vmax.f32 v21, v25  }
0x33c: {  	(xrf1) =	vsort.ascd.msk.f32 $0xffff, v21, v21;
	_ =	sdelay $0xb  }
0x33d: {  	s8 =	simm.s32 $0x6080  }
0x33e: {  	v27 =	vld [tilespmem:s8+$0x50]  }
0x33f: {  	vm0 =	vcmask $0x1B20;
	v28 =	vld [tilespmem:s8+$0x40];
	v21, _, _ =	vpop (xrf1)  }
0x340: {  	v26 =	vld [tilespmem:s8+$0x60];
	v21 =	vsel vm0, $0xFF800000, v21  }
0x341: {  	v29 =	vld [tilespmem:s8+$0x10];
	(xrf0) =	vmax.scan.msk.f32 $0xffff, v21  }
0x342: {  	v30 =	vld [tilespmem:s8+$0xFFFFFFB0]  }
0x343: {  	v31 =	vld [tilespmem:s8+$0x20]  }
0x344: {  	v33 =	vld [tilespmem:s8+$0x30]  }
0x345: {  	v35 =	vld [tilespmem:s8+$0x0]  }
0x346: {  	v24 =	vld [tilespmem:s8+$0xFFFFFF90]  }
0x347: {  	v32 =	vimm.s32 $0x0;
	v38 =	vld [tilespmem:s8+$0xFFFFFFF0];
	v21, _, _ =	vpop (xrf0)  }
0x348: {  	v39 =	vld [tilespmem:s8+$0xFFFFFF80];
	v40 =	vshll.u32 v32, $0x4;
	v23 =	vbroadcast v21, $0xF;
	v21 =	vlaneseq.u32  }
0x349: {  	v42 =	vld [tilespmem:s8+$0xFFFFFFC0];
	v40 =	vor.u32 v0, v40;
	v22 =	vadd.s32 $0x80, v21  }
0x34a: {  	v43 =	vld [tilespmem:s8+$0xFFFFFFA0];
	v34 =	vadd.s32 $0x40, v21;
	v25 =	vadd.s32 $0xA0, v21;
	v37 =	vadd.s32 $0x50, v21  }
0x34b: {  	v51 =	vld [tilespmem:s8+$0xFFFFFFE0];
	v41 =	vadd.s32 $0x70, v21;
	v44 =	vadd.s32 $0x60, v21;
	vm2 =	vge.f32 v24, v23  }
0x34c: {  	v24 =	vadd.s32 $0x100, v21;
	vm7 =	vge.f32 v26, v23;
	vm9 =	vge.f32 v31, v23  }
0x34d: {  	vm4 =	vge.f32 v28, v23;
	vm10 =	vge.f32 v35, v23;
	vm8 =	vge.f32 v33, v23  }
0x34e: {  	vm11 =	vge.f32 v27, v23;
	vm12 =	vge.f32 v38, v23;
	vm5 =	vge.f32 v29, v23  }
0x34f: {  	vm13 =	vge.f32 v39, v23;
	vm3 =	vge.f32 v30, v23;
	vm14 =	vge.f32 v42, v23  }
0x350: {  	vm6 =	vge.f32 v43, v23;
	vm15 =	vge.f32 v51, v23;
	v36 =	vsel vm2, $0x1, v1  }
0x351: {  	v31 =	vld [tilespmem:s8+$0xFFFFFFD0];
	v26 =	vsel vm7, $0x1, v1;
	v49 =	vsel vm10, $0x1, v1;
	v30 =	vsel vm12, $0x1, v1  }
0x352: {  	v27 =	vsel vm13, $0x1, v1;
	v50 =	vsel vm3, $0x1, v1;
	v52 =	vsel vm14, $0x1, v1  }
0x353: {  	v29 =	vsel vm6, $0x1, v1;
	v53 =	vsel vm9, $0x1, v1;
	v28 =	vadd.s32 v27, v32  }
0x354: {  	v58 =	vsel vm5, $0x1, v1;
	v59 =	vsel vm15, $0x1, v1;
	v27 =	vadd.s32 v36, v28  }
0x355: {  	v45 =	vsel vm11, $0x1, v1;
	v61 =	vsel vm4, $0x1, v1;
	v36 =	vadd.s32 v29, v27  }
0x356: {  	vm0 =	vge.f32 v31, v23;
	v31 =	vsel vm8, $0x1, v1;
	v35 =	vadd.s32 v50, v36  }
0x357: {  	v54 =	vsel vm0, $0x1, v1;
	v55 =	vshll.u32 v35, $0x4;
	v32 =	vadd.s32 v52, v35  }
0x358: {  	v56 =	vor.u32 v0, v55;
	v57 =	vshll.u32 v32, $0x4;
	v32 =	vadd.s32 v54, v32  }
0x359: {  	v38 =	vor.u32 v0, v57;
	v60 =	vshll.u32 v32, $0x4;
	v32 =	vadd.s32 v59, v32  }
0x35a: {  	v43 =	vor.u32 v0, v60;
	v30 =	vadd.s32 v30, v32;
	v32 =	vshll.u32 v32, $0x4  }
0x35b: {  	v29 =	vshll.u32 v36, $0x4;
	v32 =	vor.u32 v0, v32;
	v33 =	vadd.s32 v49, v30  }
0x35c: {  	[tilespmem:v40+s19+$0x0] =	vst.idx.msk vm13, v21;
	v30 =	vshll.u32 v30, $0x4;
	v36 =	vshll.u32 v33, $0x4;
	v33 =	vadd.s32 v58, v33  }
0x35d: {  	v35 =	vor.u32 v0, v30;
	[tilespmem:v56+s19+$0x0] =	vst.idx.msk vm14, v34;
	v30 =	vshll.u32 v33, $0x4;
	v62 =	vadd.s32 v53, v33  }
0x35e: {  	[tilespmem:v38+s19+$0x0] =	vst.idx.msk vm0, v37;
	v33 =	vor.u32 v0, v30;
	v30 =	vshll.u32 v62, $0x4;
	v31 =	vadd.s32 v31, v62  }
0x35f: {  	[tilespmem:v43+s19+$0x0] =	vst.idx.msk vm15, v44;
	v34 =	vor.u32 v0, v30;
	v30 =	vshll.u32 v31, $0x4;
	v63 =	vadd.s32 v61, v31  }
0x360: {  	s7 =	simm.s32 $0x0;
	v37 =	vld [tilespmem:s8+$0x70];
	s8 =	simm.s32 $0x6180;
	[tilespmem:v32+s19+$0x0] =	vst.idx.msk vm12, v41;
	v32 =	vor.u32 v0, v30;
	v31 =	vshll.u32 v63, $0x4;
	v30 =	vadd.s32 v45, v63  }
.LBB2_23:
0x361: {  	v28 =	vshll.u32 v28, $0x4;
	v29 =	vor.u32 v0, v29;
	v36 =	vor.u32 v0, v36  }
0x362: {  	v38 =	vld [tilespmem:s8+$0xFFFFFF90];
	s7 =	sadd.s32 $0x10, s7;
	vm14 =	vmmov vm2;
	vm12 =	vmmov vm7;
	vm13 =	vmmov vm11  }
0x363: {  	v27 =	vshll.u32 v27, $0x4;
	v39 =	vld [tilespmem:s8+$0x50];
	p1 =	slt.u32 s7, $0x1F0;
	v28 =	vor.u32 v0, v28;
	[tilespmem:v35+s19+$0x0] =	vst.idx.msk vm10, v22;
	v22 =	vadd.s32 $0x80, v24  }
0x364: {  	v27 =	vor.u32 v0, v27;
	v35 =	vld [tilespmem:s8+$0x40];
	[tilespmem:v33+s19+$0x0] =	vst.idx.msk vm9, v25;
	v25 =	vadd.s32 $0xB0, v21;
	v33 =	vadd.s32 $0xF0, v21  }
0x365: {  	v41 =	vadd.s32 $0xE0, v21;
	v40 =	vld [tilespmem:s8+$0x60];
	[tilespmem:v34+s19+$0x0] =	vst.idx.msk vm8, v25;
	v25 =	vadd.s32 $0xC0, v21;
	v34 =	vadd.s32 $0xD0, v21  }
0x366: {  	v43 =	vadd.s32 $0x20, v21;
	v44 =	vadd.s32 $0x30, v21;
	v45 =	vadd.s32 $0x90, v21;
	v42 =	vld [tilespmem:s8+$0x10];
	[tilespmem:v32+s19+$0x0] =	vst.idx.msk vm4, v25  }
0x367: {  	v46 =	vadd.s32 $0x10, v21;
	v21 =	vmovc v24;
	vm2 =	vge.f32 v38, v23;
	v32 =	vld [tilespmem:s8+$0xFFFFFFB0];
	v38 =	vadd.s32 $0x40, v24;
	[tilespmem:v36+s19+$0x0] =	vst.idx.msk vm5, v45  }
0x368: {  	v25 =	vadd.s32 $0xA0, v24;
	vm15 =	vge.f32 v37, v23;
	v36 =	vsel vm2, $0x1, v1;
	v45 =	vld [tilespmem:s8+$0x20];
	[tilespmem:v28+s19+$0x0] =	vst.idx.msk vm14, v46  }
0x369: {  	v37 =	vadd.s32 $0x50, v21;
	v24 =	vadd.s32 $0x100, v24;
	v46 =	vsel vm15, $0x1, v1;
	v28 =	vld [tilespmem:s8+$0x30]  }
0x36a: {  	v26 =	vadd.s32 v26, v30;
	v47 =	vadd.s32 $0x70, v21;
	v48 =	vld [tilespmem:s8+$0x0];
	[tilespmem:v27+s19+$0x0] =	vst.idx.msk vm6, v43;
	v27 =	vor.u32 v0, v31  }
0x36b: {  	v43 =	vadd.s32 v46, v26;
	v31 =	vld [tilespmem:s8+$0xFFFFFFF0];
	[tilespmem:v29+s19+$0x0] =	vst.idx.msk vm3, v44;
	v29 =	vshll.u32 v30, $0x4;
	v30 =	vshll.u32 v26, $0x4  }
0x36c: {  	vm7 =	vge.f32 v40, v23;
	v26 =	vshll.u32 v43, $0x4;
	v44 =	vld [tilespmem:s8+$0xFFFFFF80];
	v30 =	vor.u32 v0, v30  }
0x36d: {  	v40 =	vor.u32 v0, v26;
	v26 =	vsel vm7, $0x1, v1;
	v29 =	vor.u32 v0, v29;
	v46 =	vld [tilespmem:s8+$0xFFFFFFC0]  }
0x36e: {  	v50 =	vadd.s32 $0x60, v21;
	vm4 =	vge.f32 v35, v23;
	vm9 =	vge.f32 v45, v23;
	v49 =	vld [tilespmem:s8+$0xFFFFFFA0]  }
0x36f: {  	vm11 =	vge.f32 v39, v23;
	vm8 =	vge.f32 v28, v23;
	vm10 =	vge.f32 v48, v23  }
0x370: {  	vm5 =	vge.f32 v42, v23;
	v35 =	vld [tilespmem:s8+$0xFFFFFFD0];
	vm14 =	vge.f32 v31, v23;
	v31 =	vsel vm10, $0x1, v1;
	[tilespmem:v27+s19+$0x0] =	vst.idx.msk vm13, v34  }
0x371: {  	vm3 =	vge.f32 v32, v23;
	vm0 =	vge.f32 v44, v23;
	v32 =	vsel vm14, $0x1, v1;
	[tilespmem:v30+s19+$0x0] =	vst.idx.msk vm15, v33  }
0x372: {  	v30 =	vsel vm3, $0x1, v1;
	v27 =	vsel vm0, $0x1, v1;
	vm13 =	vge.f32 v46, v23;
	v33 =	vld [tilespmem:s8+$0xFFFFFFE0];
	[tilespmem:v29+s19+$0x0] =	vst.idx.msk vm12, v41  }
0x373: {  	v28 =	vadd.s32 v27, v43;
	vm6 =	vge.f32 v49, v23;
	v34 =	vsel vm13, $0x1, v1  }
0x374: {  	v39 =	vsel vm9, $0x1, v1;
	v27 =	vadd.s32 v36, v28;
	v29 =	vsel vm6, $0x1, v1  }
0x375: {  	v41 =	vsel vm8, $0x1, v1;
	v36 =	vadd.s32 v29, v27;
	vm12 =	vge.f32 v35, v23  }
0x376: {  	v29 =	vshll.u32 v36, $0x4;
	v30 =	vadd.s32 v30, v36;
	v35 =	vsel vm12, $0x1, v1  }
0x377: {  	[tilespmem:v40+s19+$0x0] =	vst.idx.msk vm0, v21;
	v36 =	vshll.u32 v30, $0x4;
	v30 =	vadd.s32 v34, v30;
	vm15 =	vge.f32 v33, v23  }
0x378: {  	v40 =	vsel vm5, $0x1, v1;
	v33 =	vor.u32 v0, v36;
	v34 =	vshll.u32 v30, $0x4  }
0x379: {  	v30 =	vadd.s32 v35, v30;
	v35 =	vsel vm15, $0x1, v1;
	v34 =	vor.u32 v0, v34  }
0x37a: {  	v42 =	vsel vm11, $0x1, v1;
	v36 =	vshll.u32 v30, $0x4;
	v30 =	vadd.s32 v35, v30  }
0x37b: {  	v43 =	vor.u32 v0, v36;
	v35 =	vshll.u32 v30, $0x4;
	v30 =	vadd.s32 v32, v30  }
0x37c: {  	v32 =	vor.u32 v0, v35;
	v35 =	vshll.u32 v30, $0x4;
	v30 =	vadd.s32 v31, v30  }
.Ltmp17:
0x37d: {  	v31 =	vsel vm4, $0x1, v1;
	v36 =	vshll.u32 v30, $0x4;
	v30 =	vadd.s32 v40, v30;
	[tilespmem:v33+s19+$0x0] =	vst.idx.msk vm13, v38;
	(pc) =	sbr.rel @p1 .LBB2_23-.Ltmp17, $4  }
0x37e: {  	v35 =	vor.u32 v0, v35;
	v33 =	vshll.u32 v30, $0x4;
	v30 =	vadd.s32 v39, v30;
	[tilespmem:v34+s19+$0x0] =	vst.idx.msk vm12, v37  }
0x37f: {  	v33 =	vor.u32 v0, v33;
	v34 =	vshll.u32 v30, $0x4;
	v30 =	vadd.s32 v41, v30  }
0x380: {  	v34 =	vor.u32 v0, v34;
	v37 =	vshll.u32 v30, $0x4;
	v30 =	vadd.s32 v31, v30;
	[tilespmem:v43+s19+$0x0] =	vst.idx.msk vm15, v50  }
0x381: {  	v31 =	vshll.u32 v30, $0x4;
	v30 =	vadd.s32 v42, v30;
	[tilespmem:v32+s19+$0x0] =	vst.idx.msk vm14, v47;
	v32 =	vor.u32 v0, v37;
	v37 =	vld [tilespmem:s8+$0x70];
	s8 =	sadd.s32 $0x100, s8  }
0x382: {  	_ =	sdelay $0x3  }
0x383: {  	vm12 =	vge.f32 v37, v23  }
0x384: {  	v24 =	vadd.s32 v26, v30;
	v23 =	vsel vm12, $0x1, v1  }
0x385: {  	v23 =	vadd.s32 v23, v24  }
0x386: {  	v49 =	vxor.u32 $0x80000000, v23  }
0x387: {  	(xrf0) =	vmax.scan.msk.u32 $0xffff, v49;
	_ =	sdelay $0x5  }
0x388: {  	v26, _, _ =	vpop (xrf0)  }
0x389: {  	(v2sf) =	vpush v26, $0xF;
	_ =	sdelay $0x5  }
0x38a: {  	v50 =	vshll.u32 v28, $0x4;
	vm0 =	vmmov vm2  }
0x38b: {  	[tilespmem:v35+s19+$0x0] =	vst.idx.msk vm10, v22;
	v22 =	vor.u32 v0, v50;
	_ =	sdelay $0x1  }
0x38c: {  	v51 =	vor.u32 v0, v36  }
0x38d: {  	v53 =	vor.u32 v0, v29;
	[tilespmem:v33+s19+$0x0] =	vst.idx.msk vm9, v25;
	v54 =	vadd.s32 $0xB0, v21;
	vm2 =	vmmov vm7  }
0x38e: {  	v57 =	vor.u32 v0, v31;
	v58 =	vadd.s32 $0x10, v21;
	v59 =	vshll.u32 v30, $0x4;
	[tilespmem:v34+s19+$0x0] =	vst.idx.msk vm8, v54  }
0x38f: {  	v55 =	vadd.s32 $0xC0, v21;
	v24 =	vshll.u32 v24, $0x4;
	[tilespmem:v22+s19+$0x0] =	vst.idx.msk vm0, v58;
	v22 =	vor.u32 v0, v59  }
0x390: {  	v52 =	vshll.u32 v27, $0x4;
	v56 =	vadd.s32 $0x90, v21;
	[tilespmem:v32+s19+$0x0] =	vst.idx.msk vm4, v55;
	v24 =	vor.u32 v0, v24  }
0x391: {  	v61 =	vadd.s32 $0x30, v21;
	[tilespmem:v51+s19+$0x0] =	vst.idx.msk vm5, v56;
	v26 =	vor.u32 v0, v52  }
0x392: {  	v62 =	vadd.s32 $0xD0, v21;
	[tilespmem:v53+s19+$0x0] =	vst.idx.msk vm3, v61;
	s7 =	spop (v2sf)  }
0x393: {  	v60 =	vadd.s32 $0x20, v21;
	v63 =	vadd.s32 $0xF0, v21;
	v21 =	vadd.s32 $0xE0, v21;
	[tilespmem:v57+s19+$0x0] =	vst.idx.msk vm11, v62;
	s7 =	sshll.u32 s7, $0x1  }
0x394: {  	[tilespmem:v22+s19+$0x0] =	vst.idx.msk vm2, v21;
	p1 =	slt.s32 s7, $0x1  }
.Ltmp18:
0x395: {  	[tilespmem:v24+s19+$0x0] =	vst.idx.msk vm12, v63;
	(pc) =	sbr.rel @p1 .LBB2_26-.Ltmp18, $4  }
0x396: {  	[tilespmem:v26+s19+$0x0] =	vst.idx.msk vm6, v60  }
0x397: {  	[tilespmem:$0xA000] =	vst v23  }
0x398: {  	[tilespmem:$0xA080] =	vst v2  }
0x399: {  	vm15 =	vmmov vm11;
	s8 =	simm.s32 $0x0;
	s9 =	simm.s32 $0x0;
	[tilespmem:$0xA100] =	vst v3  }
.LBB2_25:
0x39a: {  	s11 =	sand.u32 $0x8, s8  }
0x39b: {  	s12 =	sshrl.u32 s9, $0x1;
	v21 =	vor.u32 s11, v4  }
0x39c: {  	s11 =	sshll.u32 s12, $0x4  }
0x39d: {  	v22 =	vor.u32 s11, v21;
	_ =	sdelay $0x2  }
0x39e: {  	v21 =	vld.idx.msk [tilespmem:v21+s20+$0x0], $0xffff;
	_ =	sdelay $0x1  }
0x39f: {  	v22 =	vld.idx.msk [tilespmem:v22+s19+$0x0], $0xffff;
	_ =	sdelay $0x1  }
0x3a0: {  	v23 =	vmov s12  }
0x3a1: {  	vm0 =	vlt.s32 v23, v21  }
0x3a2: {  	vm0 =	vmand vm0, vm1  }
0x3a3: {  	v21 =	vnsel vm0, $0x0, v22;
	_ =	sdelay $0x4  }
0x3a4: {  	v22 =	vld.idx.msk [tilespmem:v21+s17+$0x0], $0xffff;
	_ =	sdelay $0x2  }
0x3a5: {  	[tilespmem:$0xA088] =	vst v2  }
0x3a6: {  	[tilespmem:$0xA108] =	vst v5  }
0x3a7: {  	[tilespmem:s21+$0x0] =	vst.msk vm0, v22  }
0x3a8: {  	[tilespmem:s22+$0x0] =	vst.msk vm0, v21  }
0x3a9: {  	v22 =	vld [tilespmem:$0xA080]  }
0x3aa: {  	v21 =	vld [tilespmem:$0xA100]  }
0x3ab: {  	v23 =	vld.idx.msk [tilespmem:v6+s23+$0x0], $0xffff  }
0x3ac: {  	v24 =	vld.idx.msk [tilespmem:v6+s24+$0x0], $0xffff  }
0x3ad: {  	v25 =	vld.idx.msk [tilespmem:v7+s23+$0x0], $0xffff  }
0x3ae: {  	v26 =	vld.idx.msk [tilespmem:v7+s24+$0x0], $0xffff  }
0x3af: {  	v61 =	vld.idx.msk [tilespmem:v9+s24+$0x0], $0xffff  }
0x3b0: {  	v33 =	vld.idx.msk [tilespmem:v12+s24+$0x0], $0xffff  }
0x3b1: {  	v39 =	vld.idx.msk [tilespmem:v11+s24+$0x0], $0xffff  }
0x3b2: {  	v45 =	vld.idx.msk [tilespmem:v15+s24+$0x0], $0xffff  }
0x3b3: {  	v50 =	vld.idx.msk [tilespmem:v17+s23+$0x0], $0xffff  }
0x3b4: {  	v52 =	vld.idx.msk [tilespmem:v18+s23+$0x0], $0xffff  }
0x3b5: {  	v54 =	vld.idx.msk [tilespmem:v18+s24+$0x0], $0xffff  }
0x3b6: {  	v31 =	vld.idx.msk [tilespmem:v19+s23+$0x0], $0xffff  }
0x3b7: {  	vm0 =	vgt.f32 v23, v22;
	vm2 =	veq.f32 v23, v22  }
0x3b8: {  	v28 =	vld.idx.msk [tilespmem:v8+s24+$0x0], $0xffff;
	vm3 =	vlt.s32 v24, v21;
	vm4 =	veq.f32 v25, v22;
	vm5 =	vlt.s32 v26, v21  }
0x3b9: {  	v27 =	vld.idx.msk [tilespmem:v8+s23+$0x0], $0xffff;
	vm14 =	vlt.s32 v61, v21;
	vm15 =	vlt.s32 v33, v21;
	vm8 =	vlt.s32 v39, v21  }
0x3ba: {  	v23 =	vld.idx.msk [tilespmem:v9+s23+$0x0], $0xffff;
	vm9 =	vlt.s32 v45, v21;
	vm10 =	veq.f32 v50, v22;
	vm11 =	vlt.s32 v54, v21  }
0x3bb: {  	vm12 =	veq.f32 v52, v22;
	vm13 =	vgt.f32 v31, v22;
	vm2 =	vmand vm2, vm3  }
0x3bc: {  	v62 =	vld.idx.msk [tilespmem:v10+s23+$0x0], $0xffff;
	vm3 =	vgt.f32 v25, v22;
	vm4 =	vmand vm4, vm5;
	vm0 =	vmor vm0, vm2  }
0x3bd: {  	v30 =	vld.idx.msk [tilespmem:v10+s24+$0x0], $0xffff;
	vm2 =	vmor vm3, vm4;
	vm3 =	vlt.s32 v28, v21;
	vm4 =	vmand vm12, vm11  }
0x3be: {  	v63 =	vsel vm0, $0x1, v1;
	v29 =	vsel vm2, $0x1, v1;
	vm2 =	veq.f32 v27, v22  }
0x3bf: {  	v32 =	vld.idx.msk [tilespmem:v12+s23+$0x0], $0xffff;
	vm0 =	vgt.f32 v27, v22;
	vm2 =	vmand vm2, vm3;
	vm3 =	veq.f32 v23, v22  }
0x3c0: {  	v35 =	vld.idx.msk [tilespmem:v13+s23+$0x0], $0xffff;
	vm0 =	vmor vm0, vm2;
	vm2 =	vgt.f32 v23, v22;
	v23 =	vadd.s32 v63, v29  }
0x3c1: {  	v57 =	vld.idx.msk [tilespmem:v20+s23+$0x0], $0xffff;
	vm3 =	vmand vm3, vm14;
	v34 =	vsel vm0, $0x1, v1;
	vm14 =	veq.f32 v31, v22  }
0x3c2: {  	v37 =	vld.idx.msk [tilespmem:v13+s24+$0x0], $0xffff;
	vm0 =	vmor vm2, vm3;
	vm2 =	veq.f32 v62, v22;
	vm3 =	vlt.s32 v30, v21  }
0x3c3: {  	v36 =	vsel vm0, $0x1, v1;
	vm0 =	vgt.f32 v62, v22;
	vm2 =	vmand vm2, vm3  }
0x3c4: {  	v38 =	vld.idx.msk [tilespmem:v11+s23+$0x0], $0xffff;
	v23 =	vadd.s32 v34, v23;
	vm3 =	veq.f32 v32, v22;
	vm0 =	vmor vm0, vm2  }
0x3c5: {  	v41 =	vld.idx.msk [tilespmem:v14+s23+$0x0], $0xffff;
	vm2 =	vgt.f32 v32, v22;
	vm3 =	vmand vm3, vm15;
	v23 =	vadd.s32 v36, v23  }
0x3c6: {  	v43 =	vld.idx.msk [tilespmem:v14+s24+$0x0], $0xffff;
	vm15 =	veq.f32 v57, v22;
	v40 =	vsel vm0, $0x1, v1;
	vm0 =	vmor vm2, vm3  }
0x3c7: {  	vm2 =	veq.f32 v35, v22;
	vm3 =	vlt.s32 v37, v21;
	v23 =	vadd.s32 v40, v23  }
0x3c8: {  	v44 =	vld.idx.msk [tilespmem:v15+s23+$0x0], $0xffff;
	v42 =	vsel vm0, $0x1, v1;
	vm0 =	vgt.f32 v35, v22;
	vm2 =	vmand vm2, vm3  }
0x3c9: {  	vm3 =	veq.f32 v38, v22;
	vm0 =	vmor vm0, vm2;
	vm2 =	vgt.f32 v38, v22  }
0x3ca: {  	v49 =	vld.idx.msk [tilespmem:v16+s24+$0x0], $0xffff;
	vm3 =	vmand vm3, vm8;
	v23 =	vadd.s32 v42, v23;
	v46 =	vsel vm0, $0x1, v1  }
0x3cb: {  	v47 =	vld.idx.msk [tilespmem:v16+s23+$0x0], $0xffff;
	vm0 =	vmor vm2, vm3;
	vm2 =	veq.f32 v41, v22;
	vm3 =	vlt.s32 v43, v21  }
0x3cc: {  	v48 =	vsel vm0, $0x1, v1;
	vm0 =	vgt.f32 v41, v22;
	vm2 =	vmand vm2, vm3  }
0x3cd: {  	v51 =	vld.idx.msk [tilespmem:v17+s24+$0x0], $0xffff;
	v23 =	vadd.s32 v46, v23;
	vm3 =	veq.f32 v44, v22;
	vm0 =	vmor vm0, vm2  }
0x3ce: {  	v56 =	vld.idx.msk [tilespmem:v19+s24+$0x0], $0xffff;
	vm2 =	vgt.f32 v44, v22;
	vm3 =	vmand vm3, vm9;
	v23 =	vadd.s32 v48, v23  }
0x3cf: {  	v53 =	vsel vm0, $0x1, v1;
	vm0 =	vmor vm2, vm3;
	vm2 =	vlt.s32 v49, v21  }
0x3d0: {  	v58 =	vld.idx.msk [tilespmem:v20+s24+$0x0], $0xffff;
	v23 =	vadd.s32 v53, v23;
	v55 =	vsel vm0, $0x1, v1;
	vm0 =	veq.f32 v47, v22  }
0x3d1: {  	vm3 =	vgt.f32 v47, v22;
	v23 =	vadd.s32 v55, v23;
	vm0 =	vmand vm0, vm2  }
0x3d2: {  	vm2 =	vgt.f32 v50, v22;
	vm0 =	vmor vm3, vm0;
	vm3 =	vlt.s32 v51, v21  }
0x3d3: {  	vm3 =	vmand vm10, vm3;
	v59 =	vsel vm0, $0x1, v1;
	vm0 =	vlt.s32 v56, v21  }
0x3d4: {  	vm2 =	vmor vm2, vm3;
	vm3 =	vgt.f32 v52, v22;
	vm0 =	vmand vm14, vm0  }
0x3d5: {  	v23 =	vadd.s32 v59, v23;
	v60 =	vsel vm2, $0x1, v1;
	vm2 =	vlt.s32 v58, v21  }
0x3d6: {  	vm3 =	vmor vm3, vm4;
	vm0 =	vmor vm13, vm0;
	vm2 =	vmand vm15, vm2  }
0x3d7: {  	s9 =	sadd.s32 $0x1, s9;
	v23 =	vadd.s32 v60, v23;
	v61 =	vsel vm3, $0x1, v1;
	vm3 =	vgt.f32 v57, v22  }
0x3d8: {  	p1 =	sne.s32 s7, s9;
	v62 =	vsel vm0, $0x1, v1;
	v23 =	vadd.s32 v61, v23;
	vm0 =	vmor vm3, vm2  }
.Ltmp19:
0x3d9: {  	v23 =	vadd.s32 v62, v23;
	v63 =	vsel vm0, $0x1, v1;
	(pc) =	sbr.rel @p1 .LBB2_25-.Ltmp19, $4  }
0x3da: {  	v23 =	vadd.s32 v63, v23  }
0x3db: {  	vm0 =	vlt.u32 v23, $0x8  }
0x3dc: {  	[tilespmem:s23+$0x0] =	vst.msk vm0, v22  }
0x3dd: {  	s8 =	sadd.s32 $0x8, s8;
	[tilespmem:s24+$0x0] =	vst.msk vm0, v21  }
.Ltmp20:
0x3de: {  	_ = 	snop;
	(pc) =	sbr.rel .LBB2_26-.Ltmp20, $1  }
0x3df: {  	_ =	sdelay $0x3  }
.LBB2_28:
0x3e0: {  	_ =	sfence.sel $0x180000  }
0x3e1: {  	[bflag:$0x0] =	sbarrier.arrive $0xFFFF  }
0x3e2: {  	_ =	strace $0x90000047  }
0x3e3: {  	s0 =	stileid.u32;
	[bflag:$0x2] =	sbarrier.arrive $0xFFFF  }
0x3e4: {  	p0 =	sne.s32 s0, $0x0;
	s0 =	rddreg [dreg:$0x2]  }
0x3e5: {  	s0 =	sadd.s32 @!p0 $0x100000, s0  }
0x3e6: {  	[sflag:s0] =	ssyncadd.tile.s32 @!p0 $0x1;
	_ =	shalt  }
.Lfunc_end2:
_tile_overlayer_lowered:
.L_overlay_start_2:
0x3e7: {  	(tag) =	ssettag $0x2  }
0x3e8: {  	s0 =	rddreg [dreg:$0x0];
	s2 =	stileid.u32  }
0x3e9: {  	s1 =	rddreg [dreg:$0x1];
	p0 =	sne.s32 s2, $0x0  }
0x3ea: {  	s3 =	rddreg [dreg:$0x2];
	[bflag:$0x3] =	sbarrier.arrive $0xFFFF;
	s2 =	simm.s32 @!p0 $0x1C05  }
0x3eb: {  	[timem:s3], [sflag:s2] =	dma.local @!p0 [hbm:s0], s1  }
0x3ec: {  	s0 =	simm.s32 @!p0 $0x5  }
0x3ed: {  	_ =	swait.ge @!p0 [sflag:s0], s1  }
0x3ee: {  	s1 =	ssub.s32 @!p0 $0x0, s1;
	[sflag:s0] =	ssyncset.done @!p0 $0x0  }
0x3ef: {  	[sflag:s0] =	ssyncadd.s32 @!p0 s1  }
0x3f0: {  	[bflag:$0x3] =	sbarrier.arrive $0xFFFF  }
0x3f1: {  	_ =	shalt  }

</sc_bundles>
